<compile_context>
chip_gen: v7x
topology: tpu7x:2x2x1
jax: 0.10.2.dev20260603
libtpu: 0.0.44.dev20260713+nightly
codegen_flags: <defaults>
</compile_context>

<pallas_src>
import functools

import jax
import jax.numpy as jnp
from jax import lax
from jax.experimental import pallas as pl
from jax.experimental.pallas import tpu as pltpu
from jax.experimental.pallas import tpu_sc as plsc

N = 10000
E = 320000
F = 128
G = 64
PAD = 10240
RPS = PAD // 16
E_ROWS = 2560
NC, NS = 2, 16

_mesh = plsc.VectorSubcoreMesh(
    core_axis_name="c", subcore_axis_name="s", num_cores=NC, num_subcores=NS)


DEG_RPW = E_ROWS // (NC * NS)


@functools.partial(
    pl.kernel,
    out_type=jax.ShapeDtypeStruct((NC, PAD), jnp.float32),
    mesh=_mesh,
    scratch_types=[
        pltpu.VMEM_SHARED((PAD,), jnp.float32),
        pltpu.VMEM((DEG_RPW, 128), jnp.int32),
        pltpu.VMEM((RPS,), jnp.float32),
        pltpu.VMEM((128,), jnp.float32),
    ],
)
def _sc_degree(dst_h, deg_h, acc_sh, dst_t, zbuf, ones_t):
    c = lax.axis_index("c")
    s = lax.axis_index("s")
    w = c * NS + s

    def fill(i, _):
        zbuf[pl.ds(i * 16, 16)] = jnp.zeros((16,), jnp.float32)
        ones_t[pl.ds((i % 8) * 16, 16)] = jnp.ones((16,), jnp.float32)
        return 0
    lax.fori_loop(0, RPS // 16, fill, 0)
    pltpu.sync_copy(zbuf, acc_sh.at[pl.ds(s * RPS, RPS)])
    pltpu.sync_copy(dst_h.at[pl.ds(w * DEG_RPW, DEG_RPW)], dst_t)

    plsc.subcore_barrier()

    def body(j, _):
        pltpu.sync_copy(ones_t, acc_sh.at[dst_t.at[j]], add=True)
        return 0
    lax.fori_loop(0, DEG_RPW, body, 0)

    plsc.subcore_barrier()
    pltpu.sync_copy(acc_sh.at[pl.ds(s * RPS, RPS)], deg_h.at[c, pl.ds(s * RPS, RPS)])


E_ROWS64 = E_ROWS * 2
AGG_RPW = E_ROWS64 // (NC * NS)
IDXC = 16
NCHUNK = AGG_RPW // IDXC
NBUF = 4


@functools.partial(
    pl.kernel,
    out_type=jax.ShapeDtypeStruct((NC, PAD, F), jnp.float32),
    mesh=_mesh,
    scratch_types=[
        pltpu.VMEM_SHARED((PAD, F), jnp.float32),
        [pltpu.VMEM((IDXC, 64), jnp.int32)] * 2,
        [pltpu.VMEM((IDXC, 64), jnp.int32)] * 2,
        [pltpu.VMEM((64, F), jnp.float32)] * NBUF,
        [pltpu.SemaphoreType.DMA] * 2,
        [pltpu.SemaphoreType.DMA] * NBUF,
        [pltpu.SemaphoreType.DMA] * NBUF,
        pltpu.SemaphoreType.DMA,
    ],
)
def _sc_aggregate(g_h, src_h, dst_h, out_h,
                  acc_sh, src_t, dst_t, rows, lsem, gsem, ssem, isem):
    c = lax.axis_index("c")
    s = lax.axis_index("s")
    base = (c * NS + s) * AGG_RPW

    def load_idx(blk, b):
        off = pl.multiple_of(base + blk * IDXC, 8)
        pltpu.async_copy(src_h.at[pl.ds(off, IDXC)], src_t[b], lsem[b])
        pltpu.async_copy(dst_h.at[pl.ds(off, IDXC)], dst_t[b], lsem[b])

    def wait_idx(b):
        pltpu.make_async_copy(src_h.at[pl.ds(0, IDXC)], src_t[b], lsem[b]).wait()
        pltpu.make_async_copy(dst_h.at[pl.ds(0, IDXC)], dst_t[b], lsem[b]).wait()

    def drain(k, b):
        pltpu.make_async_copy(rows[k], acc_sh.at[dst_t[b].at[0]], ssem[k]).wait()

    init = pltpu.async_copy(g_h.at[pl.ds(s * RPS, RPS)],
                            acc_sh.at[pl.ds(s * RPS, RPS)], isem)
    load_idx(0, 0)
    init.wait()
    plsc.subcore_barrier()

    def run_chunk(blk, b):
        wait_idx(b)
        @pl.when(blk > 0)
        def _():
            for k in range(NBUF):
                drain(k, 1 - b)

        @pl.when(blk < NCHUNK - 1)
        def _():
            load_idx(blk + 1, 1 - b)

        def quad(qj, _):
            j0 = qj * NBUF
            gds = []
            for k in range(NBUF):
                @pl.when(qj > 0)
                def _(k=k):
                    drain(k, b)
                gds.append(pltpu.async_copy(
                    g_h.at[src_t[b].at[j0 + k]], rows[k], gsem[k]))
            for k in range(NBUF):
                gds[k].wait()
                pltpu.async_copy(rows[k], acc_sh.at[dst_t[b].at[j0 + k]],
                                 ssem[k], add=True)
            return 0
        lax.fori_loop(0, IDXC // NBUF, quad, 0)

    def pair(bb, _):
        run_chunk(bb * 2, 0)
        run_chunk(bb * 2 + 1, 1)
        return 0
    lax.fori_loop(0, NCHUNK // 2, pair, 0)

    for k in range(NBUF):
        drain(k, 1)

    plsc.subcore_barrier()
    pltpu.sync_copy(acc_sh.at[pl.ds(s * RPS, RPS)],
                    out_h.at[c, pl.ds(s * RPS, RPS)])


BLK = PAD // 8


def _prep_body(deg_ref, x_ref, w_ref, g_ref, dinv_ref):
    tot = deg_ref[0] + deg_ref[1] + 1.0
    di = lax.rsqrt(tot)
    h = jnp.dot(x_ref[...], w_ref[...], preferred_element_type=jnp.float32)
    g_ref[...] = h * di[:, None]
    dinv_ref[0, 0] = di


def _tc_prep(deg, x_pad, W1):
    return pl.pallas_call(
        _prep_body,
        grid=(8,),
        in_specs=[
            pl.BlockSpec((NC, BLK), lambda i: (0, i)),
            pl.BlockSpec((BLK, F), lambda i: (i, 0)),
            pl.BlockSpec((F, F), lambda i: (0, 0)),
        ],
        out_specs=[
            pl.BlockSpec((BLK, F), lambda i: (i, 0)),
            pl.BlockSpec((1, 1, BLK), lambda i: (i, 0, 0)),
        ],
        out_shape=[
            jax.ShapeDtypeStruct((PAD, F), jnp.float32),
            jax.ShapeDtypeStruct((8, 1, BLK), jnp.float32),
        ],
    )(deg, x_pad, W1)


def _mid_body(s_ref, g_ref, dinv_ref, b_ref, w_ref, gn_ref):
    tot = s_ref[0] + s_ref[1] - g_ref[...]
    di = dinv_ref[0, 0]
    act = jnp.maximum(tot * di[:, None] + b_ref[0][None, :], 0.0)
    h = jnp.dot(act, w_ref[...], preferred_element_type=jnp.float32)
    gn_ref[...] = h * di[:, None]


def _tc_mid(s_agg, g, dinv, b_prev, W_next):
    return pl.pallas_call(
        _mid_body,
        grid=(8,),
        in_specs=[
            pl.BlockSpec((NC, BLK, F), lambda i: (0, i, 0)),
            pl.BlockSpec((BLK, F), lambda i: (i, 0)),
            pl.BlockSpec((1, 1, BLK), lambda i: (i, 0, 0)),
            pl.BlockSpec((1, F), lambda i: (0, 0)),
            pl.BlockSpec((F, F), lambda i: (0, 0)),
        ],
        out_specs=pl.BlockSpec((BLK, F), lambda i: (i, 0)),
        out_shape=jax.ShapeDtypeStruct((PAD, F), jnp.float32),
    )(s_agg, g, dinv, b_prev.reshape(1, F), W_next)


def _tail_body(s_ref, g_ref, dinv_ref, b_ref, batch_ref, fw1_ref, fb1_ref,
               fw2_ref, fb2_ref, out_ref, sums_sc, cnts_sc):
    i = pl.program_id(0)
    tot = s_ref[0] + s_ref[1] - g_ref[...]
    di = dinv_ref[0, 0]
    act = jnp.maximum(tot * di[:, None] + b_ref[0][None, :], 0.0)
    bids = batch_ref[0, 0]
    onehot = (bids[:, None] ==
              lax.broadcasted_iota(jnp.int32, (BLK, G), 1)).astype(jnp.float32)
    part = lax.dot_general(onehot, act, (((0,), (0,)), ((), ())),
                           preferred_element_type=jnp.float32)
    cnt = jnp.sum(onehot, axis=0)

    @pl.when(i == 0)
    def _():
        sums_sc[...] = jnp.zeros_like(sums_sc)
        cnts_sc[...] = jnp.zeros_like(cnts_sc)
    sums_sc[...] += part
    cnts_sc[0] += cnt

    @pl.when(i == 7)
    def _():
        pooled = sums_sc[...] / jnp.maximum(cnts_sc[0], 1.0)[:, None]
        o1 = jnp.maximum(
            jnp.dot(pooled, fw1_ref[...], preferred_element_type=jnp.float32)
            + fb1_ref[0][None, :], 0.0)
        o2 = (jnp.dot(o1, fw2_ref[...], preferred_element_type=jnp.float32)
              + fb2_ref[0][None, :])
        out_ref[...] = o2


def _tc_tail(s_agg, g, dinv, b3, batch_pad, fcW1, fcb1, fcW2, fcb2):
    return pl.pallas_call(
        _tail_body,
        grid=(8,),
        in_specs=[
            pl.BlockSpec((NC, BLK, F), lambda i: (0, i, 0)),
            pl.BlockSpec((BLK, F), lambda i: (i, 0)),
            pl.BlockSpec((1, 1, BLK), lambda i: (i, 0, 0)),
            pl.BlockSpec((1, F), lambda i: (0, 0)),
            pl.BlockSpec((1, 1, BLK), lambda i: (i, 0, 0)),
            pl.BlockSpec((F, 32), lambda i: (0, 0)),
            pl.BlockSpec((1, 32), lambda i: (0, 0)),
            pl.BlockSpec((32, 1), lambda i: (0, 0)),
            pl.BlockSpec((1, 1), lambda i: (0, 0)),
        ],
        out_specs=pl.BlockSpec((G, 1), lambda i: (0, 0)),
        out_shape=jax.ShapeDtypeStruct((G, 1), jnp.float32),
        scratch_shapes=[
            pltpu.VMEM((G, F), jnp.float32),
            pltpu.VMEM((1, G), jnp.float32),
        ],
    )(s_agg, g, dinv, b3.reshape(1, F), batch_pad, fcW1,
      fcb1.reshape(1, 32), fcW2, fcb2.reshape(1, 1))


def kernel(x, edge_index, edge_attr, batch,
           W1, b1, W2, b2, W3, b3, fcW1, fcb1, fcW2, fcb2):
    n_fill = E_ROWS * 128 - E
    fill = (N + jnp.arange(n_fill, dtype=jnp.int32) % (PAD - N))
    src = jnp.concatenate([edge_index[0], fill]).reshape(E_ROWS64, 64)
    dst = jnp.concatenate([edge_index[1], fill]).reshape(E_ROWS64, 64)

    deg = _sc_degree(dst.reshape(E_ROWS, 128))
    x_pad = jnp.zeros((PAD, F), jnp.float32).at[:N].set(x)
    g1, dinv = _tc_prep(deg, x_pad, W1)

    s1 = _sc_aggregate(g1, src, dst)
    g2 = _tc_mid(s1, g1, dinv, b1, W2)
    s2 = _sc_aggregate(g2, src, dst)
    g3 = _tc_mid(s2, g2, dinv, b2, W3)
    s3 = _sc_aggregate(g3, src, dst)

    batch_pad = jnp.full((PAD,), G, jnp.int32).at[:N].set(batch).reshape(8, 1, BLK)
    return _tc_tail(s3, g3, dinv, b3, batch_pad, fcW1, fcb1, fcW2, fcb2)

# --- scband reference (transcript-rebuilt; emitter-appended) ---
"""Pipeline reference for scband-route-gnn-25357486916017 (READ-ONLY COPY).

The authoritative reference and input builder live on the scoring server;
editing this copy changes nothing except your own understanding.
"""

import jax, jax.numpy as jnp
import numpy as np

N_NODES = 10000
N_EDGES = 320000
F_IN = 128
HID = 128
NUM_GRAPHS = 64


def gcn_conv(x, src, dst, W, b, n):
    # PyG GCNConv: linear transform, then symmetric-normalized scatter-add aggregation
    h = x @ W
    ones = jnp.ones((src.shape[0],), x.dtype)
    deg = jnp.zeros((n,), x.dtype).at[dst].add(ones)
    dinv = jnp.where(deg > 0, 1.0 / jnp.sqrt(deg), 0.0)
    norm = dinv[src] * dinv[dst]
    msgs = h[src] * norm[:, None]
    out = jnp.zeros((n, h.shape[1]), h.dtype).at[dst].add(msgs)
    return out + b


def setup_inputs(seed: int = 0):
    key = jax.random.key(seed)
    ks = jax.random.split(key, 14)
    x = jax.random.normal(ks[0], (N_NODES, F_IN), jnp.float32)
    edge_index = jax.random.randint(ks[1], (2, N_EDGES), 0, N_NODES, jnp.int32)
    edge_attr = jax.random.normal(ks[2], (N_EDGES, 16), jnp.float32)
    batch = jnp.sort(jax.random.randint(ks[3], (N_NODES,), 0, NUM_GRAPHS, jnp.int32))
    s = lambda k, shp, fan: jax.random.normal(k, shp, jnp.float32) / np.sqrt(fan)
    return {
        "x": x,
        "edge_index": edge_index,
        "edge_attr": edge_attr,
        "batch": batch,
        "W1": s(ks[4], (F_IN, HID), F_IN), "b1": jnp.zeros((HID,), jnp.float32),
        "W2": s(ks[5], (HID, HID), HID), "b2": jnp.zeros((HID,), jnp.float32),
        "W3": s(ks[6], (HID, HID), HID), "b3": jnp.zeros((HID,), jnp.float32),
        "fcW1": s(ks[7], (HID, 32), HID), "fcb1": jnp.zeros((32,), jnp.float32),
        "fcW2": s(ks[8], (32, 1), 32), "fcb2": jnp.zeros((1,), jnp.float32),
    }


def reference(x, edge_index, edge_attr, batch, W1, b1, W2, b2, W3, b3, fcW1, fcb1, fcW2, fcb2):
    n = x.shape[0]
    # add self-loops (GCNConv default)
    loop = jnp.arange(n, dtype=edge_index.dtype)
    src = jnp.concatenate([edge_index[0], loop])
    dst = jnp.concatenate([edge_index[1], loop])

    h = gcn_conv(x, src, dst, W1, b1, n)
    h = jax.nn.relu(h)
    # dropout is identity in eval mode
    h = gcn_conv(h, src, dst, W2, b2, n)
    h = jax.nn.relu(h)
    h = gcn_conv(h, src, dst, W3, b3, n)
    h = jax.nn.relu(h)

    # global mean pool over batch segment ids
    sums = jnp.zeros((NUM_GRAPHS, h.shape[1]), h.dtype).at[batch].add(h)
    counts = jnp.zeros((NUM_GRAPHS,), h.dtype).at[batch].add(1.0)
    pooled = sums / jnp.maximum(counts, 1.0)[:, None]

    out = jax.nn.relu(pooled @ fcW1 + fcb1)
    out = out @ fcW2 + fcb2
    return out

if __name__ == "__main__":
    import jax
    _d = setup_inputs()
    print(jax.jit(kernel)(*tuple(_d.values())))

</pallas_src>

<mosaic_0001>
#map = affine_map<(d0, d1) -> (0, 0)>
#map1 = affine_map<(d0, d1) -> (0, 0, 0)>
module attributes {stable_mosaic.version = 14 : i64} {
  func.func @_sc_aggregate(%arg0: i32, %arg1: i32, %arg2: memref<10240x128xf32, #tpu.memory_space<hbm>>, %arg3: memref<5120x64xi32, #tpu.memory_space<hbm>>, %arg4: memref<5120x64xi32, #tpu.memory_space<hbm>>, %arg5: memref<2x10240x128xf32, #tpu.memory_space<hbm>>, %arg6: memref<10240x128xf32, #tpu.memory_space<vmem_shared>>, %arg7: memref<16x64xi32, #tpu.memory_space<vmem>>, %arg8: memref<16x64xi32, #tpu.memory_space<vmem>>, %arg9: memref<16x64xi32, #tpu.memory_space<vmem>>, %arg10: memref<16x64xi32, #tpu.memory_space<vmem>>, %arg11: memref<64x128xf32, #tpu.memory_space<vmem>>, %arg12: memref<64x128xf32, #tpu.memory_space<vmem>>, %arg13: memref<64x128xf32, #tpu.memory_space<vmem>>, %arg14: memref<64x128xf32, #tpu.memory_space<vmem>>, %arg15: memref<!tpu.dma_semaphore, #tpu.memory_space<semaphore_mem>>, %arg16: memref<!tpu.dma_semaphore, #tpu.memory_space<semaphore_mem>>, %arg17: memref<!tpu.dma_semaphore, #tpu.memory_space<semaphore_mem>>, %arg18: memref<!tpu.dma_semaphore, #tpu.memory_space<semaphore_mem>>, %arg19: memref<!tpu.dma_semaphore, #tpu.memory_space<semaphore_mem>>, %arg20: memref<!tpu.dma_semaphore, #tpu.memory_space<semaphore_mem>>, %arg21: memref<!tpu.dma_semaphore, #tpu.memory_space<semaphore_mem>>, %arg22: memref<!tpu.dma_semaphore, #tpu.memory_space<semaphore_mem>>, %arg23: memref<!tpu.dma_semaphore, #tpu.memory_space<semaphore_mem>>, %arg24: memref<!tpu.dma_semaphore, #tpu.memory_space<semaphore_mem>>, %arg25: memref<!tpu.dma_semaphore, #tpu.memory_space<semaphore_mem>>) attributes {dimension_semantics = [#tpu.dimension_semantics<core_parallel>, #tpu.dimension_semantics<subcore_parallel>], iteration_bounds = array<i64: 2, 16>, scalar_prefetch = 0 : i64, scratch_operands = 20 : i64, tpu.core_type = #tpu.core_type<sc_vector_subcore>, window_params = [{transform_indices = #map}, {transform_indices = #map}, {transform_indices = #map}, {transform_indices = #map1}]} {
    %mul3A = arith.constant 16 : i32
    %mul3A_0 = arith.muli %arg0, %mul3A : i32
    %add3A = arith.addi %mul3A_0, %arg1 : i32
    %mul3A_1 = arith.constant 160 : i32
    %mul3A_2 = arith.muli %add3A, %mul3A_1 : i32
    %mul3A_3 = arith.constant 640 : i32
    %mul3A_4 = arith.muli %arg1, %mul3A_3 : i32
    %mul3A_5 = arith.constant 640 : i32
    %mul3A_6 = arith.muli %arg1, %mul3A_5 : i32
    %dma_start3A = arith.constant 0 : i32
    %dma_start3A_7 = tpu.memref_slice %arg6[%mul3A_6, %dma_start3A] : memref<10240x128xf32, #tpu.memory_space<vmem_shared>> -> memref<640x128xf32, #tpu.memory_space<vmem_shared>>
    %dma_start3A_8 = arith.constant 0 : i32
    %dma_start3A_9 = tpu.memref_slice %arg2[%mul3A_4, %dma_start3A_8] : memref<10240x128xf32, #tpu.memory_space<hbm>> -> memref<640x128xf32, #tpu.memory_space<hbm>>
    tpu.enqueue_dma source(%dma_start3A_9 : memref<640x128xf32, #tpu.memory_space<hbm>>) target(%dma_start3A_7 : memref<640x128xf32, #tpu.memory_space<vmem_shared>>) target_semaphore(%arg25 : memref<!tpu.dma_semaphore, #tpu.memory_space<semaphore_mem>>)
    %add3A_10 = arith.constant 0 : i32
    %add3A_11 = arith.addi %mul3A_2, %add3A_10 : i32
    %multiple_of3A = tpu.assume_multiple %add3A_11, 8 : i32
    %dma_start3A_12 = arith.constant 0 : i32
    %dma_start3A_13 = tpu.memref_slice %arg3[%multiple_of3A, %dma_start3A_12] : memref<5120x64xi32, #tpu.memory_space<hbm>> -> memref<16x64xi32, #tpu.memory_space<hbm>>
    %dma_start3A_14 = arith.constant 0 : i32
    %dma_start3A_15 = tpu.memref_slice %arg3[%multiple_of3A, %dma_start3A_14] : memref<5120x64xi32, #tpu.memory_space<hbm>> -> memref<16x64xi32, #tpu.memory_space<hbm>>
    tpu.enqueue_dma source(%dma_start3A_15 : memref<16x64xi32, #tpu.memory_space<hbm>>) target(%arg7 : memref<16x64xi32, #tpu.memory_space<vmem>>) target_semaphore(%arg15 : memref<!tpu.dma_semaphore, #tpu.memory_space<semaphore_mem>>)
    %dma_start3A_16 = arith.constant 0 : i32
    %dma_start3A_17 = tpu.memref_slice %arg4[%multiple_of3A, %dma_start3A_16] : memref<5120x64xi32, #tpu.memory_space<hbm>> -> memref<16x64xi32, #tpu.memory_space<hbm>>
    %dma_start3A_18 = arith.constant 0 : i32
    %dma_start3A_19 = tpu.memref_slice %arg4[%multiple_of3A, %dma_start3A_18] : memref<5120x64xi32, #tpu.memory_space<hbm>> -> memref<16x64xi32, #tpu.memory_space<hbm>>
    tpu.enqueue_dma source(%dma_start3A_19 : memref<16x64xi32, #tpu.memory_space<hbm>>) target(%arg9 : memref<16x64xi32, #tpu.memory_space<vmem>>) target_semaphore(%arg15 : memref<!tpu.dma_semaphore, #tpu.memory_space<semaphore_mem>>)
    %dma_wait3A = arith.constant 0 : i32
    %dma_wait3A_20 = tpu.memref_slice %arg6[%mul3A_6, %dma_wait3A] : memref<10240x128xf32, #tpu.memory_space<vmem_shared>> -> memref<640x128xf32, #tpu.memory_space<vmem_shared>>
    %dma_wait3A_21 = arith.constant 0 : i32
    %dma_wait3A_22 = tpu.memref_slice %arg2[%mul3A_4, %dma_wait3A_21] : memref<10240x128xf32, #tpu.memory_space<hbm>> -> memref<640x128xf32, #tpu.memory_space<hbm>>
    tpu.wait_dma2 semaphore(%arg25 : memref<!tpu.dma_semaphore, #tpu.memory_space<semaphore_mem>>) src(%dma_wait3A_22 : memref<640x128xf32, #tpu.memory_space<hbm>>) dst(%dma_wait3A_20 : memref<640x128xf32, #tpu.memory_space<vmem_shared>>)
    %barrier3A = arith.constant 0 : index
    tpu.barrier barrier_id(%barrier3A)
    %scan3A = arith.constant 0 : i32
    %scan3A_23 = arith.constant 0 : i32
    %scan3A_24 = arith.constant 5 : i32
    %scan3A_25 = arith.addi %scan3A_23, %scan3A_24 : i32
    %scan3A_26 = arith.constant 1 : i32
    %scan3A_27 = scf.for %scan3A_62 = %scan3A_23 to %scan3A_25 step %scan3A_26 iter_args(%scan3A_63 = %scan3A) -> (i32)  : i32 {
      %mul3A_64 = arith.constant 2 : i32
      %mul3A_65 = arith.muli %scan3A_62, %mul3A_64 : i32
      %dma_wait3A_66 = arith.constant 0 : i32
      %dma_wait3A_67 = arith.constant 0 : i32
      %dma_wait3A_68 = tpu.memref_slice %arg3[%dma_wait3A_66, %dma_wait3A_67] : memref<5120x64xi32, #tpu.memory_space<hbm>> -> memref<16x64xi32, #tpu.memory_space<hbm>>
      %dma_wait3A_69 = arith.constant 0 : i32
      %dma_wait3A_70 = arith.constant 0 : i32
      %dma_wait3A_71 = tpu.memref_slice %arg3[%dma_wait3A_69, %dma_wait3A_70] : memref<5120x64xi32, #tpu.memory_space<hbm>> -> memref<16x64xi32, #tpu.memory_space<hbm>>
      tpu.wait_dma2 semaphore(%arg15 : memref<!tpu.dma_semaphore, #tpu.memory_space<semaphore_mem>>) src(%dma_wait3A_71 : memref<16x64xi32, #tpu.memory_space<hbm>>) dst(%arg7 : memref<16x64xi32, #tpu.memory_space<vmem>>)
      %dma_wait3A_72 = arith.constant 0 : i32
      %dma_wait3A_73 = arith.constant 0 : i32
      %dma_wait3A_74 = tpu.memref_slice %arg4[%dma_wait3A_72, %dma_wait3A_73] : memref<5120x64xi32, #tpu.memory_space<hbm>> -> memref<16x64xi32, #tpu.memory_space<hbm>>
      %dma_wait3A_75 = arith.constant 0 : i32
      %dma_wait3A_76 = arith.constant 0 : i32
      %dma_wait3A_77 = tpu.memref_slice %arg4[%dma_wait3A_75, %dma_wait3A_76] : memref<5120x64xi32, #tpu.memory_space<hbm>> -> memref<16x64xi32, #tpu.memory_space<hbm>>
      tpu.wait_dma2 semaphore(%arg15 : memref<!tpu.dma_semaphore, #tpu.memory_space<semaphore_mem>>) src(%dma_wait3A_77 : memref<16x64xi32, #tpu.memory_space<hbm>>) dst(%arg9 : memref<16x64xi32, #tpu.memory_space<vmem>>)
      %gt3A = arith.constant 0 : i32
      %gt3A_78 = arith.cmpi sgt, %mul3A_65, %gt3A : i32
      %convert_element_type3A = arith.extui %gt3A_78 : i1 to i32
      %cond3A = arith.constant 0 : i32
      %cond3A_79 = arith.cmpi ne, %convert_element_type3A, %cond3A : i32
      scf.if %cond3A_79 {
        %dma_wait3A_125 = arith.constant 0 : i32
        %dma_wait3A_126 = arith.constant 0 : i32
        %dma_wait3A_127 = tpu.memref_slice %arg10[%dma_wait3A_125, %dma_wait3A_126] : memref<16x64xi32, #tpu.memory_space<vmem>> -> memref<1x64xi32, #tpu.memory_space<vmem>>
        %dma_wait3A_128 = tpu.memref_squeeze %dma_wait3A_127 : memref<1x64xi32, #tpu.memory_space<vmem>> -> memref<64xi32, #tpu.memory_space<vmem>>
        %dma_wait3A_129 = arith.constant 0 : i32
        %dma_wait3A_130 = arith.constant 0 : i32
        %dma_wait3A_131 = tpu.memref_slice %arg6[%dma_wait3A_129, %dma_wait3A_130] : memref<10240x128xf32, #tpu.memory_space<vmem_shared>> -> memref<10240x128xf32, #tpu.memory_space<vmem_shared>>
        tpu.wait_indirect_dma semaphore(%arg21 : memref<!tpu.dma_semaphore, #tpu.memory_space<semaphore_mem>>) src(%arg11 : memref<64x128xf32, #tpu.memory_space<vmem>>) dst(%dma_wait3A_131 : memref<10240x128xf32, #tpu.memory_space<vmem_shared>>)
        %dma_wait3A_132 = arith.constant 0 : i32
        %dma_wait3A_133 = arith.constant 0 : i32
        %dma_wait3A_134 = tpu.memref_slice %arg10[%dma_wait3A_132, %dma_wait3A_133] : memref<16x64xi32, #tpu.memory_space<vmem>> -> memref<1x64xi32, #tpu.memory_space<vmem>>
        %dma_wait3A_135 = tpu.memref_squeeze %dma_wait3A_134 : memref<1x64xi32, #tpu.memory_space<vmem>> -> memref<64xi32, #tpu.memory_space<vmem>>
        %dma_wait3A_136 = arith.constant 0 : i32
        %dma_wait3A_137 = arith.constant 0 : i32
        %dma_wait3A_138 = tpu.memref_slice %arg6[%dma_wait3A_136, %dma_wait3A_137] : memref<10240x128xf32, #tpu.memory_space<vmem_shared>> -> memref<10240x128xf32, #tpu.memory_space<vmem_shared>>
        tpu.wait_indirect_dma semaphore(%arg22 : memref<!tpu.dma_semaphore, #tpu.memory_space<semaphore_mem>>) src(%arg12 : memref<64x128xf32, #tpu.memory_space<vmem>>) dst(%dma_wait3A_138 : memref<10240x128xf32, #tpu.memory_space<vmem_shared>>)
        %dma_wait3A_139 = arith.constant 0 : i32
        %dma_wait3A_140 = arith.constant 0 : i32
        %dma_wait3A_141 = tpu.memref_slice %arg10[%dma_wait3A_139, %dma_wait3A_140] : memref<16x64xi32, #tpu.memory_space<vmem>> -> memref<1x64xi32, #tpu.memory_space<vmem>>
        %dma_wait3A_142 = tpu.memref_squeeze %dma_wait3A_141 : memref<1x64xi32, #tpu.memory_space<vmem>> -> memref<64xi32, #tpu.memory_space<vmem>>
        %dma_wait3A_143 = arith.constant 0 : i32
        %dma_wait3A_144 = arith.constant 0 : i32
        %dma_wait3A_145 = tpu.memref_slice %arg6[%dma_wait3A_143, %dma_wait3A_144] : memref<10240x128xf32, #tpu.memory_space<vmem_shared>> -> memref<10240x128xf32, #tpu.memory_space<vmem_shared>>
        tpu.wait_indirect_dma semaphore(%arg23 : memref<!tpu.dma_semaphore, #tpu.memory_space<semaphore_mem>>) src(%arg13 : memref<64x128xf32, #tpu.memory_space<vmem>>) dst(%dma_wait3A_145 : memref<10240x128xf32, #tpu.memory_space<vmem_shared>>)
        %dma_wait3A_146 = arith.constant 0 : i32
        %dma_wait3A_147 = arith.constant 0 : i32
        %dma_wait3A_148 = tpu.memref_slice %arg10[%dma_wait3A_146, %dma_wait3A_147] : memref<16x64xi32, #tpu.memory_space<vmem>> -> memref<1x64xi32, #tpu.memory_space<vmem>>
        %dma_wait3A_149 = tpu.memref_squeeze %dma_wait3A_148 : memref<1x64xi32, #tpu.memory_space<vmem>> -> memref<64xi32, #tpu.memory_space<vmem>>
        %dma_wait3A_150 = arith.constant 0 : i32
        %dma_wait3A_151 = arith.constant 0 : i32
        %dma_wait3A_152 = tpu.memref_slice %arg6[%dma_wait3A_150, %dma_wait3A_151] : memref<10240x128xf32, #tpu.memory_space<vmem_shared>> -> memref<10240x128xf32, #tpu.memory_space<vmem_shared>>
        tpu.wait_indirect_dma semaphore(%arg24 : memref<!tpu.dma_semaphore, #tpu.memory_space<semaphore_mem>>) src(%arg14 : memref<64x128xf32, #tpu.memory_space<vmem>>) dst(%dma_wait3A_152 : memref<10240x128xf32, #tpu.memory_space<vmem_shared>>)
      } else {
      }
      %lt3A = arith.constant 9 : i32
      %lt3A_80 = arith.cmpi slt, %mul3A_65, %lt3A : i32
      %convert_element_type3A_81 = arith.extui %lt3A_80 : i1 to i32
      %cond3A_82 = arith.constant 0 : i32
      %cond3A_83 = arith.cmpi ne, %convert_element_type3A_81, %cond3A_82 : i32
      scf.if %cond3A_83 {
        %add3A_125 = arith.constant 1 : i32
        %add3A_126 = arith.addi %mul3A_65, %add3A_125 : i32
        %mul3A_127 = arith.constant 16 : i32
        %mul3A_128 = arith.muli %add3A_126, %mul3A_127 : i32
        %add3A_129 = arith.addi %mul3A_2, %mul3A_128 : i32
        %multiple_of3A_130 = tpu.assume_multiple %add3A_129, 8 : i32
        %dma_start3A_131 = arith.constant 0 : i32
        %dma_start3A_132 = tpu.memref_slice %arg3[%multiple_of3A_130, %dma_start3A_131] : memref<5120x64xi32, #tpu.memory_space<hbm>> -> memref<16x64xi32, #tpu.memory_space<hbm>>
        %dma_start3A_133 = arith.constant 0 : i32
        %dma_start3A_134 = tpu.memref_slice %arg3[%multiple_of3A_130, %dma_start3A_133] : memref<5120x64xi32, #tpu.memory_space<hbm>> -> memref<16x64xi32, #tpu.memory_space<hbm>>
        tpu.enqueue_dma source(%dma_start3A_134 : memref<16x64xi32, #tpu.memory_space<hbm>>) target(%arg8 : memref<16x64xi32, #tpu.memory_space<vmem>>) target_semaphore(%arg16 : memref<!tpu.dma_semaphore, #tpu.memory_space<semaphore_mem>>)
        %dma_start3A_135 = arith.constant 0 : i32
        %dma_start3A_136 = tpu.memref_slice %arg4[%multiple_of3A_130, %dma_start3A_135] : memref<5120x64xi32, #tpu.memory_space<hbm>> -> memref<16x64xi32, #tpu.memory_space<hbm>>
        %dma_start3A_137 = arith.constant 0 : i32
        %dma_start3A_138 = tpu.memref_slice %arg4[%multiple_of3A_130, %dma_start3A_137] : memref<5120x64xi32, #tpu.memory_space<hbm>> -> memref<16x64xi32, #tpu.memory_space<hbm>>
        tpu.enqueue_dma source(%dma_start3A_138 : memref<16x64xi32, #tpu.memory_space<hbm>>) target(%arg10 : memref<16x64xi32, #tpu.memory_space<vmem>>) target_semaphore(%arg16 : memref<!tpu.dma_semaphore, #tpu.memory_space<semaphore_mem>>)
      } else {
      }
      %scan3A_84 = arith.constant 0 : i32
      %scan3A_85 = arith.constant 0 : i32
      %scan3A_86 = arith.constant 4 : i32
      %scan3A_87 = arith.addi %scan3A_85, %scan3A_86 : i32
      %scan3A_88 = arith.constant 1 : i32
      %scan3A_89 = scf.for %scan3A_125 = %scan3A_85 to %scan3A_87 step %scan3A_88 iter_args(%scan3A_126 = %scan3A_84) -> (i32)  : i32 {
        %mul3A_127 = arith.constant 4 : i32
        %mul3A_128 = arith.muli %scan3A_125, %mul3A_127 : i32
        %gt3A_129 = arith.constant 0 : i32
        %gt3A_130 = arith.cmpi sgt, %scan3A_125, %gt3A_129 : i32
        %convert_element_type3A_131 = arith.extui %gt3A_130 : i1 to i32
        %cond3A_132 = arith.constant 0 : i32
        %cond3A_133 = arith.cmpi ne, %convert_element_type3A_131, %cond3A_132 : i32
        scf.if %cond3A_133 {
          %dma_wait3A_238 = arith.constant 0 : i32
          %dma_wait3A_239 = arith.constant 0 : i32
          %dma_wait3A_240 = tpu.memref_slice %arg9[%dma_wait3A_238, %dma_wait3A_239] : memref<16x64xi32, #tpu.memory_space<vmem>> -> memref<1x64xi32, #tpu.memory_space<vmem>>
          %dma_wait3A_241 = tpu.memref_squeeze %dma_wait3A_240 : memref<1x64xi32, #tpu.memory_space<vmem>> -> memref<64xi32, #tpu.memory_space<vmem>>
          %dma_wait3A_242 = arith.constant 0 : i32
          %dma_wait3A_243 = arith.constant 0 : i32
          %dma_wait3A_244 = tpu.memref_slice %arg6[%dma_wait3A_242, %dma_wait3A_243] : memref<10240x128xf32, #tpu.memory_space<vmem_shared>> -> memref<10240x128xf32, #tpu.memory_space<vmem_shared>>
          tpu.wait_indirect_dma semaphore(%arg21 : memref<!tpu.dma_semaphore, #tpu.memory_space<semaphore_mem>>) src(%arg11 : memref<64x128xf32, #tpu.memory_space<vmem>>) dst(%dma_wait3A_244 : memref<10240x128xf32, #tpu.memory_space<vmem_shared>>)
        } else {
        }
        %add3A_134 = arith.constant 0 : i32
        %add3A_135 = arith.addi %mul3A_128, %add3A_134 : i32
        %dma_start3A_136 = arith.constant 0 : i32
        %dma_start3A_137 = tpu.memref_slice %arg7[%add3A_135, %dma_start3A_136] : memref<16x64xi32, #tpu.memory_space<vmem>> -> memref<1x64xi32, #tpu.memory_space<vmem>>
        %dma_start3A_138 = tpu.memref_squeeze %dma_start3A_137 : memref<1x64xi32, #tpu.memory_space<vmem>> -> memref<64xi32, #tpu.memory_space<vmem>>
        %dma_start3A_139 = arith.constant 0 : i32
        %dma_start3A_140 = arith.constant 0 : i32
        %dma_start3A_141 = tpu.memref_slice %arg2[%dma_start3A_139, %dma_start3A_140] : memref<10240x128xf32, #tpu.memory_space<hbm>> -> memref<10240x128xf32, #tpu.memory_space<hbm>>
        tpu.enqueue_indirect_dma source(%dma_start3A_141 : memref<10240x128xf32, #tpu.memory_space<hbm>>) target(%arg11 : memref<64x128xf32, #tpu.memory_space<vmem>>) offsets(%dma_start3A_138 : memref<64xi32, #tpu.memory_space<vmem>>) semaphore(%arg17 : memref<!tpu.dma_semaphore, #tpu.memory_space<semaphore_mem>>)
        %gt3A_142 = arith.constant 0 : i32
        %gt3A_143 = arith.cmpi sgt, %scan3A_125, %gt3A_142 : i32
        %convert_element_type3A_144 = arith.extui %gt3A_143 : i1 to i32
        %cond3A_145 = arith.constant 0 : i32
        %cond3A_146 = arith.cmpi ne, %convert_element_type3A_144, %cond3A_145 : i32
        scf.if %cond3A_146 {
          %dma_wait3A_238 = arith.constant 0 : i32
          %dma_wait3A_239 = arith.constant 0 : i32
          %dma_wait3A_240 = tpu.memref_slice %arg9[%dma_wait3A_238, %dma_wait3A_239] : memref<16x64xi32, #tpu.memory_space<vmem>> -> memref<1x64xi32, #tpu.memory_space<vmem>>
          %dma_wait3A_241 = tpu.memref_squeeze %dma_wait3A_240 : memref<1x64xi32, #tpu.memory_space<vmem>> -> memref<64xi32, #tpu.memory_space<vmem>>
          %dma_wait3A_242 = arith.constant 0 : i32
          %dma_wait3A_243 = arith.constant 0 : i32
          %dma_wait3A_244 = tpu.memref_slice %arg6[%dma_wait3A_242, %dma_wait3A_243] : memref<10240x128xf32, #tpu.memory_space<vmem_shared>> -> memref<10240x128xf32, #tpu.memory_space<vmem_shared>>
          tpu.wait_indirect_dma semaphore(%arg22 : memref<!tpu.dma_semaphore, #tpu.memory_space<semaphore_mem>>) src(%arg12 : memref<64x128xf32, #tpu.memory_space<vmem>>) dst(%dma_wait3A_244 : memref<10240x128xf32, #tpu.memory_space<vmem_shared>>)
        } else {
        }
        %add3A_147 = arith.constant 1 : i32
        %add3A_148 = arith.addi %mul3A_128, %add3A_147 : i32
        %dma_start3A_149 = arith.constant 0 : i32
        %dma_start3A_150 = tpu.memref_slice %arg7[%add3A_148, %dma_start3A_149] : memref<16x64xi32, #tpu.memory_space<vmem>> -> memref<1x64xi32, #tpu.memory_space<vmem>>
        %dma_start3A_151 = tpu.memref_squeeze %dma_start3A_150 : memref<1x64xi32, #tpu.memory_space<vmem>> -> memref<64xi32, #tpu.memory_space<vmem>>
        %dma_start3A_152 = arith.constant 0 : i32
        %dma_start3A_153 = arith.constant 0 : i32
        %dma_start3A_154 = tpu.memref_slice %arg2[%dma_start3A_152, %dma_start3A_153] : memref<10240x128xf32, #tpu.memory_space<hbm>> -> memref<10240x128xf32, #tpu.memory_space<hbm>>
        tpu.enqueue_indirect_dma source(%dma_start3A_154 : memref<10240x128xf32, #tpu.memory_space<hbm>>) target(%arg12 : memref<64x128xf32, #tpu.memory_space<vmem>>) offsets(%dma_start3A_151 : memref<64xi32, #tpu.memory_space<vmem>>) semaphore(%arg18 : memref<!tpu.dma_semaphore, #tpu.memory_space<semaphore_mem>>)
        %gt3A_155 = arith.constant 0 : i32
        %gt3A_156 = arith.cmpi sgt, %scan3A_125, %gt3A_155 : i32
        %convert_element_type3A_157 = arith.extui %gt3A_156 : i1 to i32
        %cond3A_158 = arith.constant 0 : i32
        %cond3A_159 = arith.cmpi ne, %convert_element_type3A_157, %cond3A_158 : i32
        scf.if %cond3A_159 {
          %dma_wait3A_238 = arith.constant 0 : i32
          %dma_wait3A_239 = arith.constant 0 : i32
          %dma_wait3A_240 = tpu.memref_slice %arg9[%dma_wait3A_238, %dma_wait3A_239] : memref<16x64xi32, #tpu.memory_space<vmem>> -> memref<1x64xi32, #tpu.memory_space<vmem>>
          %dma_wait3A_241 = tpu.memref_squeeze %dma_wait3A_240 : memref<1x64xi32, #tpu.memory_space<vmem>> -> memref<64xi32, #tpu.memory_space<vmem>>
          %dma_wait3A_242 = arith.constant 0 : i32
          %dma_wait3A_243 = arith.constant 0 : i32
          %dma_wait3A_244 = tpu.memref_slice %arg6[%dma_wait3A_242, %dma_wait3A_243] : memref<10240x128xf32, #tpu.memory_space<vmem_shared>> -> memref<10240x128xf32, #tpu.memory_space<vmem_shared>>
          tpu.wait_indirect_dma semaphore(%arg23 : memref<!tpu.dma_semaphore, #tpu.memory_space<semaphore_mem>>) src(%arg13 : memref<64x128xf32, #tpu.memory_space<vmem>>) dst(%dma_wait3A_244 : memref<10240x128xf32, #tpu.memory_space<vmem_shared>>)
        } else {
        }
        %add3A_160 = arith.constant 2 : i32
        %add3A_161 = arith.addi %mul3A_128, %add3A_160 : i32
        %dma_start3A_162 = arith.constant 0 : i32
        %dma_start3A_163 = tpu.memref_slice %arg7[%add3A_161, %dma_start3A_162] : memref<16x64xi32, #tpu.memory_space<vmem>> -> memref<1x64xi32, #tpu.memory_space<vmem>>
        %dma_start3A_164 = tpu.memref_squeeze %dma_start3A_163 : memref<1x64xi32, #tpu.memory_space<vmem>> -> memref<64xi32, #tpu.memory_space<vmem>>
        %dma_start3A_165 = arith.constant 0 : i32
        %dma_start3A_166 = arith.constant 0 : i32
        %dma_start3A_167 = tpu.memref_slice %arg2[%dma_start3A_165, %dma_start3A_166] : memref<10240x128xf32, #tpu.memory_space<hbm>> -> memref<10240x128xf32, #tpu.memory_space<hbm>>
        tpu.enqueue_indirect_dma source(%dma_start3A_167 : memref<10240x128xf32, #tpu.memory_space<hbm>>) target(%arg13 : memref<64x128xf32, #tpu.memory_space<vmem>>) offsets(%dma_start3A_164 : memref<64xi32, #tpu.memory_space<vmem>>) semaphore(%arg19 : memref<!tpu.dma_semaphore, #tpu.memory_space<semaphore_mem>>)
        %gt3A_168 = arith.constant 0 : i32
        %gt3A_169 = arith.cmpi sgt, %scan3A_125, %gt3A_168 : i32
        %convert_element_type3A_170 = arith.extui %gt3A_169 : i1 to i32
        %cond3A_171 = arith.constant 0 : i32
        %cond3A_172 = arith.cmpi ne, %convert_element_type3A_170, %cond3A_171 : i32
        scf.if %cond3A_172 {
          %dma_wait3A_238 = arith.constant 0 : i32
          %dma_wait3A_239 = arith.constant 0 : i32
          %dma_wait3A_240 = tpu.memref_slice %arg9[%dma_wait3A_238, %dma_wait3A_239] : memref<16x64xi32, #tpu.memory_space<vmem>> -> memref<1x64xi32, #tpu.memory_space<vmem>>
          %dma_wait3A_241 = tpu.memref_squeeze %dma_wait3A_240 : memref<1x64xi32, #tpu.memory_space<vmem>> -> memref<64xi32, #tpu.memory_space<vmem>>
          %dma_wait3A_242 = arith.constant 0 : i32
          %dma_wait3A_243 = arith.constant 0 : i32
          %dma_wait3A_244 = tpu.memref_slice %arg6[%dma_wait3A_242, %dma_wait3A_243] : memref<10240x128xf32, #tpu.memory_space<vmem_shared>> -> memref<10240x128xf32, #tpu.memory_space<vmem_shared>>
          tpu.wait_indirect_dma semaphore(%arg24 : memref<!tpu.dma_semaphore, #tpu.memory_space<semaphore_mem>>) src(%arg14 : memref<64x128xf32, #tpu.memory_space<vmem>>) dst(%dma_wait3A_244 : memref<10240x128xf32, #tpu.memory_space<vmem_shared>>)
        } else {
        }
        %add3A_173 = arith.constant 3 : i32
        %add3A_174 = arith.addi %mul3A_128, %add3A_173 : i32
        %dma_start3A_175 = arith.constant 0 : i32
        %dma_start3A_176 = tpu.memref_slice %arg7[%add3A_174, %dma_start3A_175] : memref<16x64xi32, #tpu.memory_space<vmem>> -> memref<1x64xi32, #tpu.memory_space<vmem>>
        %dma_start3A_177 = tpu.memref_squeeze %dma_start3A_176 : memref<1x64xi32, #tpu.memory_space<vmem>> -> memref<64xi32, #tpu.memory_space<vmem>>
        %dma_start3A_178 = arith.constant 0 : i32
        %dma_start3A_179 = arith.constant 0 : i32
        %dma_start3A_180 = tpu.memref_slice %arg2[%dma_start3A_178, %dma_start3A_179] : memref<10240x128xf32, #tpu.memory_space<hbm>> -> memref<10240x128xf32, #tpu.memory_space<hbm>>
        tpu.enqueue_indirect_dma source(%dma_start3A_180 : memref<10240x128xf32, #tpu.memory_space<hbm>>) target(%arg14 : memref<64x128xf32, #tpu.memory_space<vmem>>) offsets(%dma_start3A_177 : memref<64xi32, #tpu.memory_space<vmem>>) semaphore(%arg20 : memref<!tpu.dma_semaphore, #tpu.memory_space<semaphore_mem>>)
        %dma_wait3A_181 = arith.constant 0 : i32
        %dma_wait3A_182 = tpu.memref_slice %arg7[%add3A_135, %dma_wait3A_181] : memref<16x64xi32, #tpu.memory_space<vmem>> -> memref<1x64xi32, #tpu.memory_space<vmem>>
        %dma_wait3A_183 = tpu.memref_squeeze %dma_wait3A_182 : memref<1x64xi32, #tpu.memory_space<vmem>> -> memref<64xi32, #tpu.memory_space<vmem>>
        %dma_wait3A_184 = arith.constant 0 : i32
        %dma_wait3A_185 = arith.constant 0 : i32
        %dma_wait3A_186 = tpu.memref_slice %arg2[%dma_wait3A_184, %dma_wait3A_185] : memref<10240x128xf32, #tpu.memory_space<hbm>> -> memref<10240x128xf32, #tpu.memory_space<hbm>>
        tpu.wait_indirect_dma semaphore(%arg17 : memref<!tpu.dma_semaphore, #tpu.memory_space<semaphore_mem>>) src(%dma_wait3A_186 : memref<10240x128xf32, #tpu.memory_space<hbm>>) dst(%arg11 : memref<64x128xf32, #tpu.memory_space<vmem>>)
        %add3A_187 = arith.constant 0 : i32
        %add3A_188 = arith.addi %mul3A_128, %add3A_187 : i32
        %dma_start3A_189 = arith.constant 0 : i32
        %dma_start3A_190 = tpu.memref_slice %arg9[%add3A_188, %dma_start3A_189] : memref<16x64xi32, #tpu.memory_space<vmem>> -> memref<1x64xi32, #tpu.memory_space<vmem>>
        %dma_start3A_191 = tpu.memref_squeeze %dma_start3A_190 : memref<1x64xi32, #tpu.memory_space<vmem>> -> memref<64xi32, #tpu.memory_space<vmem>>
        %dma_start3A_192 = arith.constant 0 : i32
        %dma_start3A_193 = arith.constant 0 : i32
        %dma_start3A_194 = tpu.memref_slice %arg6[%dma_start3A_192, %dma_start3A_193] : memref<10240x128xf32, #tpu.memory_space<vmem_shared>> -> memref<10240x128xf32, #tpu.memory_space<vmem_shared>>
        tpu.enqueue_indirect_dma source(%arg11 : memref<64x128xf32, #tpu.memory_space<vmem>>) target(%dma_start3A_194 : memref<10240x128xf32, #tpu.memory_space<vmem_shared>>) offsets(%dma_start3A_191 : memref<64xi32, #tpu.memory_space<vmem>>) semaphore(%arg21 : memref<!tpu.dma_semaphore, #tpu.memory_space<semaphore_mem>>) {add = true}
        %dma_wait3A_195 = arith.constant 0 : i32
        %dma_wait3A_196 = tpu.memref_slice %arg7[%add3A_148, %dma_wait3A_195] : memref<16x64xi32, #tpu.memory_space<vmem>> -> memref<1x64xi32, #tpu.memory_space<vmem>>
        %dma_wait3A_197 = tpu.memref_squeeze %dma_wait3A_196 : memref<1x64xi32, #tpu.memory_space<vmem>> -> memref<64xi32, #tpu.memory_space<vmem>>
        %dma_wait3A_198 = arith.constant 0 : i32
        %dma_wait3A_199 = arith.constant 0 : i32
        %dma_wait3A_200 = tpu.memref_slice %arg2[%dma_wait3A_198, %dma_wait3A_199] : memref<10240x128xf32, #tpu.memory_space<hbm>> -> memref<10240x128xf32, #tpu.memory_space<hbm>>
        tpu.wait_indirect_dma semaphore(%arg18 : memref<!tpu.dma_semaphore, #tpu.memory_space<semaphore_mem>>) src(%dma_wait3A_200 : memref<10240x128xf32, #tpu.memory_space<hbm>>) dst(%arg12 : memref<64x128xf32, #tpu.memory_space<vmem>>)
        %add3A_201 = arith.constant 1 : i32
        %add3A_202 = arith.addi %mul3A_128, %add3A_201 : i32
        %dma_start3A_203 = arith.constant 0 : i32
        %dma_start3A_204 = tpu.memref_slice %arg9[%add3A_202, %dma_start3A_203] : memref<16x64xi32, #tpu.memory_space<vmem>> -> memref<1x64xi32, #tpu.memory_space<vmem>>
        %dma_start3A_205 = tpu.memref_squeeze %dma_start3A_204 : memref<1x64xi32, #tpu.memory_space<vmem>> -> memref<64xi32, #tpu.memory_space<vmem>>
        %dma_start3A_206 = arith.constant 0 : i32
        %dma_start3A_207 = arith.constant 0 : i32
        %dma_start3A_208 = tpu.memref_slice %arg6[%dma_start3A_206, %dma_start3A_207] : memref<10240x128xf32, #tpu.memory_space<vmem_shared>> -> memref<10240x128xf32, #tpu.memory_space<vmem_shared>>
        tpu.enqueue_indirect_dma source(%arg12 : memref<64x128xf32, #tpu.memory_space<vmem>>) target(%dma_start3A_208 : memref<10240x128xf32, #tpu.memory_space<vmem_shared>>) offsets(%dma_start3A_205 : memref<64xi32, #tpu.memory_space<vmem>>) semaphore(%arg22 : memref<!tpu.dma_semaphore, #tpu.memory_space<semaphore_mem>>) {add = true}
        %dma_wait3A_209 = arith.constant 0 : i32
        %dma_wait3A_210 = tpu.memref_slice %arg7[%add3A_161, %dma_wait3A_209] : memref<16x64xi32, #tpu.memory_space<vmem>> -> memref<1x64xi32, #tpu.memory_space<vmem>>
        %dma_wait3A_211 = tpu.memref_squeeze %dma_wait3A_210 : memref<1x64xi32, #tpu.memory_space<vmem>> -> memref<64xi32, #tpu.memory_space<vmem>>
        %dma_wait3A_212 = arith.constant 0 : i32
        %dma_wait3A_213 = arith.constant 0 : i32
        %dma_wait3A_214 = tpu.memref_slice %arg2[%dma_wait3A_212, %dma_wait3A_213] : memref<10240x128xf32, #tpu.memory_space<hbm>> -> memref<10240x128xf32, #tpu.memory_space<hbm>>
        tpu.wait_indirect_dma semaphore(%arg19 : memref<!tpu.dma_semaphore, #tpu.memory_space<semaphore_mem>>) src(%dma_wait3A_214 : memref<10240x128xf32, #tpu.memory_space<hbm>>) dst(%arg13 : memref<64x128xf32, #tpu.memory_space<vmem>>)
        %add3A_215 = arith.constant 2 : i32
        %add3A_216 = arith.addi %mul3A_128, %add3A_215 : i32
        %dma_start3A_217 = arith.constant 0 : i32
        %dma_start3A_218 = tpu.memref_slice %arg9[%add3A_216, %dma_start3A_217] : memref<16x64xi32, #tpu.memory_space<vmem>> -> memref<1x64xi32, #tpu.memory_space<vmem>>
        %dma_start3A_219 = tpu.memref_squeeze %dma_start3A_218 : memref<1x64xi32, #tpu.memory_space<vmem>> -> memref<64xi32, #tpu.memory_space<vmem>>
        %dma_start3A_220 = arith.constant 0 : i32
        %dma_start3A_221 = arith.constant 0 : i32
        %dma_start3A_222 = tpu.memref_slice %arg6[%dma_start3A_220, %dma_start3A_221] : memref<10240x128xf32, #tpu.memory_space<vmem_shared>> -> memref<10240x128xf32, #tpu.memory_space<vmem_shared>>
        tpu.enqueue_indirect_dma source(%arg13 : memref<64x128xf32, #tpu.memory_space<vmem>>) target(%dma_start3A_222 : memref<10240x128xf32, #tpu.memory_space<vmem_shared>>) offsets(%dma_start3A_219 : memref<64xi32, #tpu.memory_space<vmem>>) semaphore(%arg23 : memref<!tpu.dma_semaphore, #tpu.memory_space<semaphore_mem>>) {add = true}
        %dma_wait3A_223 = arith.constant 0 : i32
        %dma_wait3A_224 = tpu.memref_slice %arg7[%add3A_174, %dma_wait3A_223] : memref<16x64xi32, #tpu.memory_space<vmem>> -> memref<1x64xi32, #tpu.memory_space<vmem>>
        %dma_wait3A_225 = tpu.memref_squeeze %dma_wait3A_224 : memref<1x64xi32, #tpu.memory_space<vmem>> -> memref<64xi32, #tpu.memory_space<vmem>>
        %dma_wait3A_226 = arith.constant 0 : i32
        %dma_wait3A_227 = arith.constant 0 : i32
        %dma_wait3A_228 = tpu.memref_slice %arg2[%dma_wait3A_226, %dma_wait3A_227] : memref<10240x128xf32, #tpu.memory_space<hbm>> -> memref<10240x128xf32, #tpu.memory_space<hbm>>
        tpu.wait_indirect_dma semaphore(%arg20 : memref<!tpu.dma_semaphore, #tpu.memory_space<semaphore_mem>>) src(%dma_wait3A_228 : memref<10240x128xf32, #tpu.memory_space<hbm>>) dst(%arg14 : memref<64x128xf32, #tpu.memory_space<vmem>>)
        %add3A_229 = arith.constant 3 : i32
        %add3A_230 = arith.addi %mul3A_128, %add3A_229 : i32
        %dma_start3A_231 = arith.constant 0 : i32
        %dma_start3A_232 = tpu.memref_slice %arg9[%add3A_230, %dma_start3A_231] : memref<16x64xi32, #tpu.memory_space<vmem>> -> memref<1x64xi32, #tpu.memory_space<vmem>>
        %dma_start3A_233 = tpu.memref_squeeze %dma_start3A_232 : memref<1x64xi32, #tpu.memory_space<vmem>> -> memref<64xi32, #tpu.memory_space<vmem>>
        %dma_start3A_234 = arith.constant 0 : i32
        %dma_start3A_235 = arith.constant 0 : i32
        %dma_start3A_236 = tpu.memref_slice %arg6[%dma_start3A_234, %dma_start3A_235] : memref<10240x128xf32, #tpu.memory_space<vmem_shared>> -> memref<10240x128xf32, #tpu.memory_space<vmem_shared>>
        tpu.enqueue_indirect_dma source(%arg14 : memref<64x128xf32, #tpu.memory_space<vmem>>) target(%dma_start3A_236 : memref<10240x128xf32, #tpu.memory_space<vmem_shared>>) offsets(%dma_start3A_233 : memref<64xi32, #tpu.memory_space<vmem>>) semaphore(%arg24 : memref<!tpu.dma_semaphore, #tpu.memory_space<semaphore_mem>>) {add = true}
        %scan3A_237 = arith.constant 0 : i32
        scf.yield %scan3A_237 : i32
      }
      %scan3A_90 = arith.constant 4 : i32
      %mul3A_91 = arith.constant 2 : i32
      %mul3A_92 = arith.muli %scan3A_62, %mul3A_91 : i32
      %add3A_93 = arith.constant 1 : i32
      %add3A_94 = arith.addi %mul3A_92, %add3A_93 : i32
      %dma_wait3A_95 = arith.constant 0 : i32
      %dma_wait3A_96 = arith.constant 0 : i32
      %dma_wait3A_97 = tpu.memref_slice %arg3[%dma_wait3A_95, %dma_wait3A_96] : memref<5120x64xi32, #tpu.memory_space<hbm>> -> memref<16x64xi32, #tpu.memory_space<hbm>>
      %dma_wait3A_98 = arith.constant 0 : i32
      %dma_wait3A_99 = arith.constant 0 : i32
      %dma_wait3A_100 = tpu.memref_slice %arg3[%dma_wait3A_98, %dma_wait3A_99] : memref<5120x64xi32, #tpu.memory_space<hbm>> -> memref<16x64xi32, #tpu.memory_space<hbm>>
      tpu.wait_dma2 semaphore(%arg16 : memref<!tpu.dma_semaphore, #tpu.memory_space<semaphore_mem>>) src(%dma_wait3A_100 : memref<16x64xi32, #tpu.memory_space<hbm>>) dst(%arg8 : memref<16x64xi32, #tpu.memory_space<vmem>>)
      %dma_wait3A_101 = arith.constant 0 : i32
      %dma_wait3A_102 = arith.constant 0 : i32
      %dma_wait3A_103 = tpu.memref_slice %arg4[%dma_wait3A_101, %dma_wait3A_102] : memref<5120x64xi32, #tpu.memory_space<hbm>> -> memref<16x64xi32, #tpu.memory_space<hbm>>
      %dma_wait3A_104 = arith.constant 0 : i32
      %dma_wait3A_105 = arith.constant 0 : i32
      %dma_wait3A_106 = tpu.memref_slice %arg4[%dma_wait3A_104, %dma_wait3A_105] : memref<5120x64xi32, #tpu.memory_space<hbm>> -> memref<16x64xi32, #tpu.memory_space<hbm>>
      tpu.wait_dma2 semaphore(%arg16 : memref<!tpu.dma_semaphore, #tpu.memory_space<semaphore_mem>>) src(%dma_wait3A_106 : memref<16x64xi32, #tpu.memory_space<hbm>>) dst(%arg10 : memref<16x64xi32, #tpu.memory_space<vmem>>)
      %gt3A_107 = arith.constant 0 : i32
      %gt3A_108 = arith.cmpi sgt, %add3A_94, %gt3A_107 : i32
      %convert_element_type3A_109 = arith.extui %gt3A_108 : i1 to i32
      %cond3A_110 = arith.constant 0 : i32
      %cond3A_111 = arith.cmpi ne, %convert_element_type3A_109, %cond3A_110 : i32
      scf.if %cond3A_111 {
        %dma_wait3A_125 = arith.constant 0 : i32
        %dma_wait3A_126 = arith.constant 0 : i32
        %dma_wait3A_127 = tpu.memref_slice %arg9[%dma_wait3A_125, %dma_wait3A_126] : memref<16x64xi32, #tpu.memory_space<vmem>> -> memref<1x64xi32, #tpu.memory_space<vmem>>
        %dma_wait3A_128 = tpu.memref_squeeze %dma_wait3A_127 : memref<1x64xi32, #tpu.memory_space<vmem>> -> memref<64xi32, #tpu.memory_space<vmem>>
        %dma_wait3A_129 = arith.constant 0 : i32
        %dma_wait3A_130 = arith.constant 0 : i32
        %dma_wait3A_131 = tpu.memref_slice %arg6[%dma_wait3A_129, %dma_wait3A_130] : memref<10240x128xf32, #tpu.memory_space<vmem_shared>> -> memref<10240x128xf32, #tpu.memory_space<vmem_shared>>
        tpu.wait_indirect_dma semaphore(%arg21 : memref<!tpu.dma_semaphore, #tpu.memory_space<semaphore_mem>>) src(%arg11 : memref<64x128xf32, #tpu.memory_space<vmem>>) dst(%dma_wait3A_131 : memref<10240x128xf32, #tpu.memory_space<vmem_shared>>)
        %dma_wait3A_132 = arith.constant 0 : i32
        %dma_wait3A_133 = arith.constant 0 : i32
        %dma_wait3A_134 = tpu.memref_slice %arg9[%dma_wait3A_132, %dma_wait3A_133] : memref<16x64xi32, #tpu.memory_space<vmem>> -> memref<1x64xi32, #tpu.memory_space<vmem>>
        %dma_wait3A_135 = tpu.memref_squeeze %dma_wait3A_134 : memref<1x64xi32, #tpu.memory_space<vmem>> -> memref<64xi32, #tpu.memory_space<vmem>>
        %dma_wait3A_136 = arith.constant 0 : i32
        %dma_wait3A_137 = arith.constant 0 : i32
        %dma_wait3A_138 = tpu.memref_slice %arg6[%dma_wait3A_136, %dma_wait3A_137] : memref<10240x128xf32, #tpu.memory_space<vmem_shared>> -> memref<10240x128xf32, #tpu.memory_space<vmem_shared>>
        tpu.wait_indirect_dma semaphore(%arg22 : memref<!tpu.dma_semaphore, #tpu.memory_space<semaphore_mem>>) src(%arg12 : memref<64x128xf32, #tpu.memory_space<vmem>>) dst(%dma_wait3A_138 : memref<10240x128xf32, #tpu.memory_space<vmem_shared>>)
        %dma_wait3A_139 = arith.constant 0 : i32
        %dma_wait3A_140 = arith.constant 0 : i32
        %dma_wait3A_141 = tpu.memref_slice %arg9[%dma_wait3A_139, %dma_wait3A_140] : memref<16x64xi32, #tpu.memory_space<vmem>> -> memref<1x64xi32, #tpu.memory_space<vmem>>
        %dma_wait3A_142 = tpu.memref_squeeze %dma_wait3A_141 : memref<1x64xi32, #tpu.memory_space<vmem>> -> memref<64xi32, #tpu.memory_space<vmem>>
        %dma_wait3A_143 = arith.constant 0 : i32
        %dma_wait3A_144 = arith.constant 0 : i32
        %dma_wait3A_145 = tpu.memref_slice %arg6[%dma_wait3A_143, %dma_wait3A_144] : memref<10240x128xf32, #tpu.memory_space<vmem_shared>> -> memref<10240x128xf32, #tpu.memory_space<vmem_shared>>
        tpu.wait_indirect_dma semaphore(%arg23 : memref<!tpu.dma_semaphore, #tpu.memory_space<semaphore_mem>>) src(%arg13 : memref<64x128xf32, #tpu.memory_space<vmem>>) dst(%dma_wait3A_145 : memref<10240x128xf32, #tpu.memory_space<vmem_shared>>)
        %dma_wait3A_146 = arith.constant 0 : i32
        %dma_wait3A_147 = arith.constant 0 : i32
        %dma_wait3A_148 = tpu.memref_slice %arg9[%dma_wait3A_146, %dma_wait3A_147] : memref<16x64xi32, #tpu.memory_space<vmem>> -> memref<1x64xi32, #tpu.memory_space<vmem>>
        %dma_wait3A_149 = tpu.memref_squeeze %dma_wait3A_148 : memref<1x64xi32, #tpu.memory_space<vmem>> -> memref<64xi32, #tpu.memory_space<vmem>>
        %dma_wait3A_150 = arith.constant 0 : i32
        %dma_wait3A_151 = arith.constant 0 : i32
        %dma_wait3A_152 = tpu.memref_slice %arg6[%dma_wait3A_150, %dma_wait3A_151] : memref<10240x128xf32, #tpu.memory_space<vmem_shared>> -> memref<10240x128xf32, #tpu.memory_space<vmem_shared>>
        tpu.wait_indirect_dma semaphore(%arg24 : memref<!tpu.dma_semaphore, #tpu.memory_space<semaphore_mem>>) src(%arg14 : memref<64x128xf32, #tpu.memory_space<vmem>>) dst(%dma_wait3A_152 : memref<10240x128xf32, #tpu.memory_space<vmem_shared>>)
      } else {
      }
      %lt3A_112 = arith.constant 9 : i32
      %lt3A_113 = arith.cmpi slt, %add3A_94, %lt3A_112 : i32
      %convert_element_type3A_114 = arith.extui %lt3A_113 : i1 to i32
      %cond3A_115 = arith.constant 0 : i32
      %cond3A_116 = arith.cmpi ne, %convert_element_type3A_114, %cond3A_115 : i32
      scf.if %cond3A_116 {
        %add3A_125 = arith.constant 1 : i32
        %add3A_126 = arith.addi %add3A_94, %add3A_125 : i32
        %mul3A_127 = arith.constant 16 : i32
        %mul3A_128 = arith.muli %add3A_126, %mul3A_127 : i32
        %add3A_129 = arith.addi %mul3A_2, %mul3A_128 : i32
        %multiple_of3A_130 = tpu.assume_multiple %add3A_129, 8 : i32
        %dma_start3A_131 = arith.constant 0 : i32
        %dma_start3A_132 = tpu.memref_slice %arg3[%multiple_of3A_130, %dma_start3A_131] : memref<5120x64xi32, #tpu.memory_space<hbm>> -> memref<16x64xi32, #tpu.memory_space<hbm>>
        %dma_start3A_133 = arith.constant 0 : i32
        %dma_start3A_134 = tpu.memref_slice %arg3[%multiple_of3A_130, %dma_start3A_133] : memref<5120x64xi32, #tpu.memory_space<hbm>> -> memref<16x64xi32, #tpu.memory_space<hbm>>
        tpu.enqueue_dma source(%dma_start3A_134 : memref<16x64xi32, #tpu.memory_space<hbm>>) target(%arg7 : memref<16x64xi32, #tpu.memory_space<vmem>>) target_semaphore(%arg15 : memref<!tpu.dma_semaphore, #tpu.memory_space<semaphore_mem>>)
        %dma_start3A_135 = arith.constant 0 : i32
        %dma_start3A_136 = tpu.memref_slice %arg4[%multiple_of3A_130, %dma_start3A_135] : memref<5120x64xi32, #tpu.memory_space<hbm>> -> memref<16x64xi32, #tpu.memory_space<hbm>>
        %dma_start3A_137 = arith.constant 0 : i32
        %dma_start3A_138 = tpu.memref_slice %arg4[%multiple_of3A_130, %dma_start3A_137] : memref<5120x64xi32, #tpu.memory_space<hbm>> -> memref<16x64xi32, #tpu.memory_space<hbm>>
        tpu.enqueue_dma source(%dma_start3A_138 : memref<16x64xi32, #tpu.memory_space<hbm>>) target(%arg9 : memref<16x64xi32, #tpu.memory_space<vmem>>) target_semaphore(%arg15 : memref<!tpu.dma_semaphore, #tpu.memory_space<semaphore_mem>>)
      } else {
      }
      %scan3A_117 = arith.constant 0 : i32
      %scan3A_118 = arith.constant 0 : i32
      %scan3A_119 = arith.constant 4 : i32
      %scan3A_120 = arith.addi %scan3A_118, %scan3A_119 : i32
      %scan3A_121 = arith.constant 1 : i32
      %scan3A_122 = scf.for %scan3A_125 = %scan3A_118 to %scan3A_120 step %scan3A_121 iter_args(%scan3A_126 = %scan3A_117) -> (i32)  : i32 {
        %mul3A_127 = arith.constant 4 : i32
        %mul3A_128 = arith.muli %scan3A_125, %mul3A_127 : i32
        %gt3A_129 = arith.constant 0 : i32
        %gt3A_130 = arith.cmpi sgt, %scan3A_125, %gt3A_129 : i32
        %convert_element_type3A_131 = arith.extui %gt3A_130 : i1 to i32
        %cond3A_132 = arith.constant 0 : i32
        %cond3A_133 = arith.cmpi ne, %convert_element_type3A_131, %cond3A_132 : i32
        scf.if %cond3A_133 {
          %dma_wait3A_238 = arith.constant 0 : i32
          %dma_wait3A_239 = arith.constant 0 : i32
          %dma_wait3A_240 = tpu.memref_slice %arg10[%dma_wait3A_238, %dma_wait3A_239] : memref<16x64xi32, #tpu.memory_space<vmem>> -> memref<1x64xi32, #tpu.memory_space<vmem>>
          %dma_wait3A_241 = tpu.memref_squeeze %dma_wait3A_240 : memref<1x64xi32, #tpu.memory_space<vmem>> -> memref<64xi32, #tpu.memory_space<vmem>>
          %dma_wait3A_242 = arith.constant 0 : i32
          %dma_wait3A_243 = arith.constant 0 : i32
          %dma_wait3A_244 = tpu.memref_slice %arg6[%dma_wait3A_242, %dma_wait3A_243] : memref<10240x128xf32, #tpu.memory_space<vmem_shared>> -> memref<10240x128xf32, #tpu.memory_space<vmem_shared>>
          tpu.wait_indirect_dma semaphore(%arg21 : memref<!tpu.dma_semaphore, #tpu.memory_space<semaphore_mem>>) src(%arg11 : memref<64x128xf32, #tpu.memory_space<vmem>>) dst(%dma_wait3A_244 : memref<10240x128xf32, #tpu.memory_space<vmem_shared>>)
        } else {
        }
        %add3A_134 = arith.constant 0 : i32
        %add3A_135 = arith.addi %mul3A_128, %add3A_134 : i32
        %dma_start3A_136 = arith.constant 0 : i32
        %dma_start3A_137 = tpu.memref_slice %arg8[%add3A_135, %dma_start3A_136] : memref<16x64xi32, #tpu.memory_space<vmem>> -> memref<1x64xi32, #tpu.memory_space<vmem>>
        %dma_start3A_138 = tpu.memref_squeeze %dma_start3A_137 : memref<1x64xi32, #tpu.memory_space<vmem>> -> memref<64xi32, #tpu.memory_space<vmem>>
        %dma_start3A_139 = arith.constant 0 : i32
        %dma_start3A_140 = arith.constant 0 : i32
        %dma_start3A_141 = tpu.memref_slice %arg2[%dma_start3A_139, %dma_start3A_140] : memref<10240x128xf32, #tpu.memory_space<hbm>> -> memref<10240x128xf32, #tpu.memory_space<hbm>>
        tpu.enqueue_indirect_dma source(%dma_start3A_141 : memref<10240x128xf32, #tpu.memory_space<hbm>>) target(%arg11 : memref<64x128xf32, #tpu.memory_space<vmem>>) offsets(%dma_start3A_138 : memref<64xi32, #tpu.memory_space<vmem>>) semaphore(%arg17 : memref<!tpu.dma_semaphore, #tpu.memory_space<semaphore_mem>>)
        %gt3A_142 = arith.constant 0 : i32
        %gt3A_143 = arith.cmpi sgt, %scan3A_125, %gt3A_142 : i32
        %convert_element_type3A_144 = arith.extui %gt3A_143 : i1 to i32
        %cond3A_145 = arith.constant 0 : i32
        %cond3A_146 = arith.cmpi ne, %convert_element_type3A_144, %cond3A_145 : i32
        scf.if %cond3A_146 {
          %dma_wait3A_238 = arith.constant 0 : i32
          %dma_wait3A_239 = arith.constant 0 : i32
          %dma_wait3A_240 = tpu.memref_slice %arg10[%dma_wait3A_238, %dma_wait3A_239] : memref<16x64xi32, #tpu.memory_space<vmem>> -> memref<1x64xi32, #tpu.memory_space<vmem>>
          %dma_wait3A_241 = tpu.memref_squeeze %dma_wait3A_240 : memref<1x64xi32, #tpu.memory_space<vmem>> -> memref<64xi32, #tpu.memory_space<vmem>>
          %dma_wait3A_242 = arith.constant 0 : i32
          %dma_wait3A_243 = arith.constant 0 : i32
          %dma_wait3A_244 = tpu.memref_slice %arg6[%dma_wait3A_242, %dma_wait3A_243] : memref<10240x128xf32, #tpu.memory_space<vmem_shared>> -> memref<10240x128xf32, #tpu.memory_space<vmem_shared>>
          tpu.wait_indirect_dma semaphore(%arg22 : memref<!tpu.dma_semaphore, #tpu.memory_space<semaphore_mem>>) src(%arg12 : memref<64x128xf32, #tpu.memory_space<vmem>>) dst(%dma_wait3A_244 : memref<10240x128xf32, #tpu.memory_space<vmem_shared>>)
        } else {
        }
        %add3A_147 = arith.constant 1 : i32
        %add3A_148 = arith.addi %mul3A_128, %add3A_147 : i32
        %dma_start3A_149 = arith.constant 0 : i32
        %dma_start3A_150 = tpu.memref_slice %arg8[%add3A_148, %dma_start3A_149] : memref<16x64xi32, #tpu.memory_space<vmem>> -> memref<1x64xi32, #tpu.memory_space<vmem>>
        %dma_start3A_151 = tpu.memref_squeeze %dma_start3A_150 : memref<1x64xi32, #tpu.memory_space<vmem>> -> memref<64xi32, #tpu.memory_space<vmem>>
        %dma_start3A_152 = arith.constant 0 : i32
        %dma_start3A_153 = arith.constant 0 : i32
        %dma_start3A_154 = tpu.memref_slice %arg2[%dma_start3A_152, %dma_start3A_153] : memref<10240x128xf32, #tpu.memory_space<hbm>> -> memref<10240x128xf32, #tpu.memory_space<hbm>>
        tpu.enqueue_indirect_dma source(%dma_start3A_154 : memref<10240x128xf32, #tpu.memory_space<hbm>>) target(%arg12 : memref<64x128xf32, #tpu.memory_space<vmem>>) offsets(%dma_start3A_151 : memref<64xi32, #tpu.memory_space<vmem>>) semaphore(%arg18 : memref<!tpu.dma_semaphore, #tpu.memory_space<semaphore_mem>>)
        %gt3A_155 = arith.constant 0 : i32
        %gt3A_156 = arith.cmpi sgt, %scan3A_125, %gt3A_155 : i32
        %convert_element_type3A_157 = arith.extui %gt3A_156 : i1 to i32
        %cond3A_158 = arith.constant 0 : i32
        %cond3A_159 = arith.cmpi ne, %convert_element_type3A_157, %cond3A_158 : i32
        scf.if %cond3A_159 {
          %dma_wait3A_238 = arith.constant 0 : i32
          %dma_wait3A_239 = arith.constant 0 : i32
          %dma_wait3A_240 = tpu.memref_slice %arg10[%dma_wait3A_238, %dma_wait3A_239] : memref<16x64xi32, #tpu.memory_space<vmem>> -> memref<1x64xi32, #tpu.memory_space<vmem>>
          %dma_wait3A_241 = tpu.memref_squeeze %dma_wait3A_240 : memref<1x64xi32, #tpu.memory_space<vmem>> -> memref<64xi32, #tpu.memory_space<vmem>>
          %dma_wait3A_242 = arith.constant 0 : i32
          %dma_wait3A_243 = arith.constant 0 : i32
          %dma_wait3A_244 = tpu.memref_slice %arg6[%dma_wait3A_242, %dma_wait3A_243] : memref<10240x128xf32, #tpu.memory_space<vmem_shared>> -> memref<10240x128xf32, #tpu.memory_space<vmem_shared>>
          tpu.wait_indirect_dma semaphore(%arg23 : memref<!tpu.dma_semaphore, #tpu.memory_space<semaphore_mem>>) src(%arg13 : memref<64x128xf32, #tpu.memory_space<vmem>>) dst(%dma_wait3A_244 : memref<10240x128xf32, #tpu.memory_space<vmem_shared>>)
        } else {
        }
        %add3A_160 = arith.constant 2 : i32
        %add3A_161 = arith.addi %mul3A_128, %add3A_160 : i32
        %dma_start3A_162 = arith.constant 0 : i32
        %dma_start3A_163 = tpu.memref_slice %arg8[%add3A_161, %dma_start3A_162] : memref<16x64xi32, #tpu.memory_space<vmem>> -> memref<1x64xi32, #tpu.memory_space<vmem>>
        %dma_start3A_164 = tpu.memref_squeeze %dma_start3A_163 : memref<1x64xi32, #tpu.memory_space<vmem>> -> memref<64xi32, #tpu.memory_space<vmem>>
        %dma_start3A_165 = arith.constant 0 : i32
        %dma_start3A_166 = arith.constant 0 : i32
        %dma_start3A_167 = tpu.memref_slice %arg2[%dma_start3A_165, %dma_start3A_166] : memref<10240x128xf32, #tpu.memory_space<hbm>> -> memref<10240x128xf32, #tpu.memory_space<hbm>>
        tpu.enqueue_indirect_dma source(%dma_start3A_167 : memref<10240x128xf32, #tpu.memory_space<hbm>>) target(%arg13 : memref<64x128xf32, #tpu.memory_space<vmem>>) offsets(%dma_start3A_164 : memref<64xi32, #tpu.memory_space<vmem>>) semaphore(%arg19 : memref<!tpu.dma_semaphore, #tpu.memory_space<semaphore_mem>>)
        %gt3A_168 = arith.constant 0 : i32
        %gt3A_169 = arith.cmpi sgt, %scan3A_125, %gt3A_168 : i32
        %convert_element_type3A_170 = arith.extui %gt3A_169 : i1 to i32
        %cond3A_171 = arith.constant 0 : i32
        %cond3A_172 = arith.cmpi ne, %convert_element_type3A_170, %cond3A_171 : i32
        scf.if %cond3A_172 {
          %dma_wait3A_238 = arith.constant 0 : i32
          %dma_wait3A_239 = arith.constant 0 : i32
          %dma_wait3A_240 = tpu.memref_slice %arg10[%dma_wait3A_238, %dma_wait3A_239] : memref<16x64xi32, #tpu.memory_space<vmem>> -> memref<1x64xi32, #tpu.memory_space<vmem>>
          %dma_wait3A_241 = tpu.memref_squeeze %dma_wait3A_240 : memref<1x64xi32, #tpu.memory_space<vmem>> -> memref<64xi32, #tpu.memory_space<vmem>>
          %dma_wait3A_242 = arith.constant 0 : i32
          %dma_wait3A_243 = arith.constant 0 : i32
          %dma_wait3A_244 = tpu.memref_slice %arg6[%dma_wait3A_242, %dma_wait3A_243] : memref<10240x128xf32, #tpu.memory_space<vmem_shared>> -> memref<10240x128xf32, #tpu.memory_space<vmem_shared>>
          tpu.wait_indirect_dma semaphore(%arg24 : memref<!tpu.dma_semaphore, #tpu.memory_space<semaphore_mem>>) src(%arg14 : memref<64x128xf32, #tpu.memory_space<vmem>>) dst(%dma_wait3A_244 : memref<10240x128xf32, #tpu.memory_space<vmem_shared>>)
        } else {
        }
        %add3A_173 = arith.constant 3 : i32
        %add3A_174 = arith.addi %mul3A_128, %add3A_173 : i32
        %dma_start3A_175 = arith.constant 0 : i32
        %dma_start3A_176 = tpu.memref_slice %arg8[%add3A_174, %dma_start3A_175] : memref<16x64xi32, #tpu.memory_space<vmem>> -> memref<1x64xi32, #tpu.memory_space<vmem>>
        %dma_start3A_177 = tpu.memref_squeeze %dma_start3A_176 : memref<1x64xi32, #tpu.memory_space<vmem>> -> memref<64xi32, #tpu.memory_space<vmem>>
        %dma_start3A_178 = arith.constant 0 : i32
        %dma_start3A_179 = arith.constant 0 : i32
        %dma_start3A_180 = tpu.memref_slice %arg2[%dma_start3A_178, %dma_start3A_179] : memref<10240x128xf32, #tpu.memory_space<hbm>> -> memref<10240x128xf32, #tpu.memory_space<hbm>>
        tpu.enqueue_indirect_dma source(%dma_start3A_180 : memref<10240x128xf32, #tpu.memory_space<hbm>>) target(%arg14 : memref<64x128xf32, #tpu.memory_space<vmem>>) offsets(%dma_start3A_177 : memref<64xi32, #tpu.memory_space<vmem>>) semaphore(%arg20 : memref<!tpu.dma_semaphore, #tpu.memory_space<semaphore_mem>>)
        %dma_wait3A_181 = arith.constant 0 : i32
        %dma_wait3A_182 = tpu.memref_slice %arg8[%add3A_135, %dma_wait3A_181] : memref<16x64xi32, #tpu.memory_space<vmem>> -> memref<1x64xi32, #tpu.memory_space<vmem>>
        %dma_wait3A_183 = tpu.memref_squeeze %dma_wait3A_182 : memref<1x64xi32, #tpu.memory_space<vmem>> -> memref<64xi32, #tpu.memory_space<vmem>>
        %dma_wait3A_184 = arith.constant 0 : i32
        %dma_wait3A_185 = arith.constant 0 : i32
        %dma_wait3A_186 = tpu.memref_slice %arg2[%dma_wait3A_184, %dma_wait3A_185] : memref<10240x128xf32, #tpu.memory_space<hbm>> -> memref<10240x128xf32, #tpu.memory_space<hbm>>
        tpu.wait_indirect_dma semaphore(%arg17 : memref<!tpu.dma_semaphore, #tpu.memory_space<semaphore_mem>>) src(%dma_wait3A_186 : memref<10240x128xf32, #tpu.memory_space<hbm>>) dst(%arg11 : memref<64x128xf32, #tpu.memory_space<vmem>>)
        %add3A_187 = arith.constant 0 : i32
        %add3A_188 = arith.addi %mul3A_128, %add3A_187 : i32
        %dma_start3A_189 = arith.constant 0 : i32
        %dma_start3A_190 = tpu.memref_slice %arg10[%add3A_188, %dma_start3A_189] : memref<16x64xi32, #tpu.memory_space<vmem>> -> memref<1x64xi32, #tpu.memory_space<vmem>>
        %dma_start3A_191 = tpu.memref_squeeze %dma_start3A_190 : memref<1x64xi32, #tpu.memory_space<vmem>> -> memref<64xi32, #tpu.memory_space<vmem>>
        %dma_start3A_192 = arith.constant 0 : i32
        %dma_start3A_193 = arith.constant 0 : i32
        %dma_start3A_194 = tpu.memref_slice %arg6[%dma_start3A_192, %dma_start3A_193] : memref<10240x128xf32, #tpu.memory_space<vmem_shared>> -> memref<10240x128xf32, #tpu.memory_space<vmem_shared>>
        tpu.enqueue_indirect_dma source(%arg11 : memref<64x128xf32, #tpu.memory_space<vmem>>) target(%dma_start3A_194 : memref<10240x128xf32, #tpu.memory_space<vmem_shared>>) offsets(%dma_start3A_191 : memref<64xi32, #tpu.memory_space<vmem>>) semaphore(%arg21 : memref<!tpu.dma_semaphore, #tpu.memory_space<semaphore_mem>>) {add = true}
        %dma_wait3A_195 = arith.constant 0 : i32
        %dma_wait3A_196 = tpu.memref_slice %arg8[%add3A_148, %dma_wait3A_195] : memref<16x64xi32, #tpu.memory_space<vmem>> -> memref<1x64xi32, #tpu.memory_space<vmem>>
        %dma_wait3A_197 = tpu.memref_squeeze %dma_wait3A_196 : memref<1x64xi32, #tpu.memory_space<vmem>> -> memref<64xi32, #tpu.memory_space<vmem>>
        %dma_wait3A_198 = arith.constant 0 : i32
        %dma_wait3A_199 = arith.constant 0 : i32
        %dma_wait3A_200 = tpu.memref_slice %arg2[%dma_wait3A_198, %dma_wait3A_199] : memref<10240x128xf32, #tpu.memory_space<hbm>> -> memref<10240x128xf32, #tpu.memory_space<hbm>>
        tpu.wait_indirect_dma semaphore(%arg18 : memref<!tpu.dma_semaphore, #tpu.memory_space<semaphore_mem>>) src(%dma_wait3A_200 : memref<10240x128xf32, #tpu.memory_space<hbm>>) dst(%arg12 : memref<64x128xf32, #tpu.memory_space<vmem>>)
        %add3A_201 = arith.constant 1 : i32
        %add3A_202 = arith.addi %mul3A_128, %add3A_201 : i32
        %dma_start3A_203 = arith.constant 0 : i32
        %dma_start3A_204 = tpu.memref_slice %arg10[%add3A_202, %dma_start3A_203] : memref<16x64xi32, #tpu.memory_space<vmem>> -> memref<1x64xi32, #tpu.memory_space<vmem>>
        %dma_start3A_205 = tpu.memref_squeeze %dma_start3A_204 : memref<1x64xi32, #tpu.memory_space<vmem>> -> memref<64xi32, #tpu.memory_space<vmem>>
        %dma_start3A_206 = arith.constant 0 : i32
        %dma_start3A_207 = arith.constant 0 : i32
        %dma_start3A_208 = tpu.memref_slice %arg6[%dma_start3A_206, %dma_start3A_207] : memref<10240x128xf32, #tpu.memory_space<vmem_shared>> -> memref<10240x128xf32, #tpu.memory_space<vmem_shared>>
        tpu.enqueue_indirect_dma source(%arg12 : memref<64x128xf32, #tpu.memory_space<vmem>>) target(%dma_start3A_208 : memref<10240x128xf32, #tpu.memory_space<vmem_shared>>) offsets(%dma_start3A_205 : memref<64xi32, #tpu.memory_space<vmem>>) semaphore(%arg22 : memref<!tpu.dma_semaphore, #tpu.memory_space<semaphore_mem>>) {add = true}
        %dma_wait3A_209 = arith.constant 0 : i32
        %dma_wait3A_210 = tpu.memref_slice %arg8[%add3A_161, %dma_wait3A_209] : memref<16x64xi32, #tpu.memory_space<vmem>> -> memref<1x64xi32, #tpu.memory_space<vmem>>
        %dma_wait3A_211 = tpu.memref_squeeze %dma_wait3A_210 : memref<1x64xi32, #tpu.memory_space<vmem>> -> memref<64xi32, #tpu.memory_space<vmem>>
        %dma_wait3A_212 = arith.constant 0 : i32
        %dma_wait3A_213 = arith.constant 0 : i32
        %dma_wait3A_214 = tpu.memref_slice %arg2[%dma_wait3A_212, %dma_wait3A_213] : memref<10240x128xf32, #tpu.memory_space<hbm>> -> memref<10240x128xf32, #tpu.memory_space<hbm>>
        tpu.wait_indirect_dma semaphore(%arg19 : memref<!tpu.dma_semaphore, #tpu.memory_space<semaphore_mem>>) src(%dma_wait3A_214 : memref<10240x128xf32, #tpu.memory_space<hbm>>) dst(%arg13 : memref<64x128xf32, #tpu.memory_space<vmem>>)
        %add3A_215 = arith.constant 2 : i32
        %add3A_216 = arith.addi %mul3A_128, %add3A_215 : i32
        %dma_start3A_217 = arith.constant 0 : i32
        %dma_start3A_218 = tpu.memref_slice %arg10[%add3A_216, %dma_start3A_217] : memref<16x64xi32, #tpu.memory_space<vmem>> -> memref<1x64xi32, #tpu.memory_space<vmem>>
        %dma_start3A_219 = tpu.memref_squeeze %dma_start3A_218 : memref<1x64xi32, #tpu.memory_space<vmem>> -> memref<64xi32, #tpu.memory_space<vmem>>
        %dma_start3A_220 = arith.constant 0 : i32
        %dma_start3A_221 = arith.constant 0 : i32
        %dma_start3A_222 = tpu.memref_slice %arg6[%dma_start3A_220, %dma_start3A_221] : memref<10240x128xf32, #tpu.memory_space<vmem_shared>> -> memref<10240x128xf32, #tpu.memory_space<vmem_shared>>
        tpu.enqueue_indirect_dma source(%arg13 : memref<64x128xf32, #tpu.memory_space<vmem>>) target(%dma_start3A_222 : memref<10240x128xf32, #tpu.memory_space<vmem_shared>>) offsets(%dma_start3A_219 : memref<64xi32, #tpu.memory_space<vmem>>) semaphore(%arg23 : memref<!tpu.dma_semaphore, #tpu.memory_space<semaphore_mem>>) {add = true}
        %dma_wait3A_223 = arith.constant 0 : i32
        %dma_wait3A_224 = tpu.memref_slice %arg8[%add3A_174, %dma_wait3A_223] : memref<16x64xi32, #tpu.memory_space<vmem>> -> memref<1x64xi32, #tpu.memory_space<vmem>>
        %dma_wait3A_225 = tpu.memref_squeeze %dma_wait3A_224 : memref<1x64xi32, #tpu.memory_space<vmem>> -> memref<64xi32, #tpu.memory_space<vmem>>
        %dma_wait3A_226 = arith.constant 0 : i32
        %dma_wait3A_227 = arith.constant 0 : i32
        %dma_wait3A_228 = tpu.memref_slice %arg2[%dma_wait3A_226, %dma_wait3A_227] : memref<10240x128xf32, #tpu.memory_space<hbm>> -> memref<10240x128xf32, #tpu.memory_space<hbm>>
        tpu.wait_indirect_dma semaphore(%arg20 : memref<!tpu.dma_semaphore, #tpu.memory_space<semaphore_mem>>) src(%dma_wait3A_228 : memref<10240x128xf32, #tpu.memory_space<hbm>>) dst(%arg14 : memref<64x128xf32, #tpu.memory_space<vmem>>)
        %add3A_229 = arith.constant 3 : i32
        %add3A_230 = arith.addi %mul3A_128, %add3A_229 : i32
        %dma_start3A_231 = arith.constant 0 : i32
        %dma_start3A_232 = tpu.memref_slice %arg10[%add3A_230, %dma_start3A_231] : memref<16x64xi32, #tpu.memory_space<vmem>> -> memref<1x64xi32, #tpu.memory_space<vmem>>
        %dma_start3A_233 = tpu.memref_squeeze %dma_start3A_232 : memref<1x64xi32, #tpu.memory_space<vmem>> -> memref<64xi32, #tpu.memory_space<vmem>>
        %dma_start3A_234 = arith.constant 0 : i32
        %dma_start3A_235 = arith.constant 0 : i32
        %dma_start3A_236 = tpu.memref_slice %arg6[%dma_start3A_234, %dma_start3A_235] : memref<10240x128xf32, #tpu.memory_space<vmem_shared>> -> memref<10240x128xf32, #tpu.memory_space<vmem_shared>>
        tpu.enqueue_indirect_dma source(%arg14 : memref<64x128xf32, #tpu.memory_space<vmem>>) target(%dma_start3A_236 : memref<10240x128xf32, #tpu.memory_space<vmem_shared>>) offsets(%dma_start3A_233 : memref<64xi32, #tpu.memory_space<vmem>>) semaphore(%arg24 : memref<!tpu.dma_semaphore, #tpu.memory_space<semaphore_mem>>) {add = true}
        %scan3A_237 = arith.constant 0 : i32
        scf.yield %scan3A_237 : i32
      }
      %scan3A_123 = arith.constant 4 : i32
      %scan3A_124 = arith.constant 0 : i32
      scf.yield %scan3A_124 : i32
    }
    %scan3A_28 = arith.constant 5 : i32
    %dma_wait3A_29 = arith.constant 0 : i32
    %dma_wait3A_30 = arith.constant 0 : i32
    %dma_wait3A_31 = tpu.memref_slice %arg10[%dma_wait3A_29, %dma_wait3A_30] : memref<16x64xi32, #tpu.memory_space<vmem>> -> memref<1x64xi32, #tpu.memory_space<vmem>>
    %dma_wait3A_32 = tpu.memref_squeeze %dma_wait3A_31 : memref<1x64xi32, #tpu.memory_space<vmem>> -> memref<64xi32, #tpu.memory_space<vmem>>
    %dma_wait3A_33 = arith.constant 0 : i32
    %dma_wait3A_34 = arith.constant 0 : i32
    %dma_wait3A_35 = tpu.memref_slice %arg6[%dma_wait3A_33, %dma_wait3A_34] : memref<10240x128xf32, #tpu.memory_space<vmem_shared>> -> memref<10240x128xf32, #tpu.memory_space<vmem_shared>>
    tpu.wait_indirect_dma semaphore(%arg21 : memref<!tpu.dma_semaphore, #tpu.memory_space<semaphore_mem>>) src(%arg11 : memref<64x128xf32, #tpu.memory_space<vmem>>) dst(%dma_wait3A_35 : memref<10240x128xf32, #tpu.memory_space<vmem_shared>>)
    %dma_wait3A_36 = arith.constant 0 : i32
    %dma_wait3A_37 = arith.constant 0 : i32
    %dma_wait3A_38 = tpu.memref_slice %arg10[%dma_wait3A_36, %dma_wait3A_37] : memref<16x64xi32, #tpu.memory_space<vmem>> -> memref<1x64xi32, #tpu.memory_space<vmem>>
    %dma_wait3A_39 = tpu.memref_squeeze %dma_wait3A_38 : memref<1x64xi32, #tpu.memory_space<vmem>> -> memref<64xi32, #tpu.memory_space<vmem>>
    %dma_wait3A_40 = arith.constant 0 : i32
    %dma_wait3A_41 = arith.constant 0 : i32
    %dma_wait3A_42 = tpu.memref_slice %arg6[%dma_wait3A_40, %dma_wait3A_41] : memref<10240x128xf32, #tpu.memory_space<vmem_shared>> -> memref<10240x128xf32, #tpu.memory_space<vmem_shared>>
    tpu.wait_indirect_dma semaphore(%arg22 : memref<!tpu.dma_semaphore, #tpu.memory_space<semaphore_mem>>) src(%arg12 : memref<64x128xf32, #tpu.memory_space<vmem>>) dst(%dma_wait3A_42 : memref<10240x128xf32, #tpu.memory_space<vmem_shared>>)
    %dma_wait3A_43 = arith.constant 0 : i32
    %dma_wait3A_44 = arith.constant 0 : i32
    %dma_wait3A_45 = tpu.memref_slice %arg10[%dma_wait3A_43, %dma_wait3A_44] : memref<16x64xi32, #tpu.memory_space<vmem>> -> memref<1x64xi32, #tpu.memory_space<vmem>>
    %dma_wait3A_46 = tpu.memref_squeeze %dma_wait3A_45 : memref<1x64xi32, #tpu.memory_space<vmem>> -> memref<64xi32, #tpu.memory_space<vmem>>
    %dma_wait3A_47 = arith.constant 0 : i32
    %dma_wait3A_48 = arith.constant 0 : i32
    %dma_wait3A_49 = tpu.memref_slice %arg6[%dma_wait3A_47, %dma_wait3A_48] : memref<10240x128xf32, #tpu.memory_space<vmem_shared>> -> memref<10240x128xf32, #tpu.memory_space<vmem_shared>>
    tpu.wait_indirect_dma semaphore(%arg23 : memref<!tpu.dma_semaphore, #tpu.memory_space<semaphore_mem>>) src(%arg13 : memref<64x128xf32, #tpu.memory_space<vmem>>) dst(%dma_wait3A_49 : memref<10240x128xf32, #tpu.memory_space<vmem_shared>>)
    %dma_wait3A_50 = arith.constant 0 : i32
    %dma_wait3A_51 = arith.constant 0 : i32
    %dma_wait3A_52 = tpu.memref_slice %arg10[%dma_wait3A_50, %dma_wait3A_51] : memref<16x64xi32, #tpu.memory_space<vmem>> -> memref<1x64xi32, #tpu.memory_space<vmem>>
    %dma_wait3A_53 = tpu.memref_squeeze %dma_wait3A_52 : memref<1x64xi32, #tpu.memory_space<vmem>> -> memref<64xi32, #tpu.memory_space<vmem>>
    %dma_wait3A_54 = arith.constant 0 : i32
    %dma_wait3A_55 = arith.constant 0 : i32
    %dma_wait3A_56 = tpu.memref_slice %arg6[%dma_wait3A_54, %dma_wait3A_55] : memref<10240x128xf32, #tpu.memory_space<vmem_shared>> -> memref<10240x128xf32, #tpu.memory_space<vmem_shared>>
    tpu.wait_indirect_dma semaphore(%arg24 : memref<!tpu.dma_semaphore, #tpu.memory_space<semaphore_mem>>) src(%arg14 : memref<64x128xf32, #tpu.memory_space<vmem>>) dst(%dma_wait3A_56 : memref<10240x128xf32, #tpu.memory_space<vmem_shared>>)
    %barrier3A_57 = arith.constant 0 : index
    tpu.barrier barrier_id(%barrier3A_57)
    %mul3A_58 = arith.constant 640 : i32
    %mul3A_59 = arith.muli %arg1, %mul3A_58 : i32
    %mul3A_60 = arith.constant 640 : i32
    %mul3A_61 = arith.muli %arg1, %mul3A_60 : i32
    "tpu.region"() ({
      %run_scoped3A = tpu.sem_alloc : memref<!tpu.dma_semaphore, #tpu.memory_space<semaphore_mem>>
      %dma_start3A_62 = arith.constant 0 : i32
      %dma_start3A_63 = tpu.memref_slice %arg5[%arg0, %mul3A_61, %dma_start3A_62] : memref<2x10240x128xf32, #tpu.memory_space<hbm>> -> memref<1x640x128xf32, #tpu.memory_space<hbm>>
      %dma_start3A_64 = tpu.memref_squeeze %dma_start3A_63 : memref<1x640x128xf32, #tpu.memory_space<hbm>> -> memref<640x128xf32, #tpu.memory_space<hbm>>
      %dma_start3A_65 = arith.constant 0 : i32
      %dma_start3A_66 = tpu.memref_slice %arg6[%mul3A_59, %dma_start3A_65] : memref<10240x128xf32, #tpu.memory_space<vmem_shared>> -> memref<640x128xf32, #tpu.memory_space<vmem_shared>>
      tpu.enqueue_dma source(%dma_start3A_66 : memref<640x128xf32, #tpu.memory_space<vmem_shared>>) target(%dma_start3A_64 : memref<640x128xf32, #tpu.memory_space<hbm>>) target_semaphore(%run_scoped3A : memref<!tpu.dma_semaphore, #tpu.memory_space<semaphore_mem>>)
      %dma_wait3A_67 = arith.constant 0 : i32
      %dma_wait3A_68 = tpu.memref_slice %arg5[%arg0, %mul3A_61, %dma_wait3A_67] : memref<2x10240x128xf32, #tpu.memory_space<hbm>> -> memref<1x640x128xf32, #tpu.memory_space<hbm>>
      %dma_wait3A_69 = tpu.memref_squeeze %dma_wait3A_68 : memref<1x640x128xf32, #tpu.memory_space<hbm>> -> memref<640x128xf32, #tpu.memory_space<hbm>>
      %dma_wait3A_70 = arith.constant 0 : i32
      %dma_wait3A_71 = tpu.memref_slice %arg6[%mul3A_59, %dma_wait3A_70] : memref<10240x128xf32, #tpu.memory_space<vmem_shared>> -> memref<640x128xf32, #tpu.memory_space<vmem_shared>>
      tpu.wait_dma2 semaphore(%run_scoped3A : memref<!tpu.dma_semaphore, #tpu.memory_space<semaphore_mem>>) src(%dma_wait3A_71 : memref<640x128xf32, #tpu.memory_space<vmem_shared>>) dst(%dma_wait3A_69 : memref<640x128xf32, #tpu.memory_space<hbm>>)
      tpu.yield
    }) : () -> ()
    return
  }
}

#map = affine_map<(d0, d1) -> (0, 0)>
module attributes {stable_mosaic.version = 14 : i64} {
  func.func @_sc_degree(%arg0: i32, %arg1: i32, %arg2: memref<2560x128xi32, #tpu.memory_space<hbm>>, %arg3: memref<2x10240xf32, #tpu.memory_space<hbm>>, %arg4: memref<10240xf32, #tpu.memory_space<vmem_shared>>, %arg5: memref<80x128xi32, #tpu.memory_space<vmem>>, %arg6: memref<640xf32, #tpu.memory_space<vmem>>, %arg7: memref<128xf32, #tpu.memory_space<vmem>>) attributes {dimension_semantics = [#tpu.dimension_semantics<core_parallel>, #tpu.dimension_semantics<subcore_parallel>], iteration_bounds = array<i64: 2, 16>, scalar_prefetch = 0 : i64, scratch_operands = 4 : i64, tpu.core_type = #tpu.core_type<sc_vector_subcore>, window_params = [{transform_indices = #map}, {transform_indices = #map}]} {
    %mul3A = arith.constant 16 : i32
    %mul3A_0 = arith.muli %arg0, %mul3A : i32
    %add3A = arith.addi %mul3A_0, %arg1 : i32
    %scan3A = arith.constant 0 : i32
    %scan3A_1 = arith.constant 0 : i32
    %scan3A_2 = arith.constant 40 : i32
    %scan3A_3 = arith.addi %scan3A_1, %scan3A_2 : i32
    %scan3A_4 = arith.constant 1 : i32
    %scan3A_5 = scf.for %scan3A_23 = %scan3A_1 to %scan3A_3 step %scan3A_4 iter_args(%scan3A_24 = %scan3A) -> (i32)  : i32 {
      %broadcast_in_dim3A = arith.constant 0.000000e+00 : f32
      %broadcast_in_dim3A_25 = vector.broadcast %broadcast_in_dim3A : f32 to vector<16xf32>
      %mul3A_26 = arith.constant 16 : i32
      %mul3A_27 = arith.muli %scan3A_23, %mul3A_26 : i32
      %swap3A = arith.index_cast %mul3A_27 : i32 to index
      %swap3A_28 = tpu.vector_load %arg6[%swap3A] {strides = array<i32>} : memref<640xf32, #tpu.memory_space<vmem>>, vector<16xf32>,
      %swap3A_29 = vector.shape_cast %swap3A_28 : vector<16xf32> to vector<16xf32>
      %swap3A_30 = vector.shape_cast %broadcast_in_dim3A_25 : vector<16xf32> to vector<16xf32>
      tpu.vector_store %arg6[%swap3A], %swap3A_30 {strides = array<i32>} : memref<640xf32, #tpu.memory_space<vmem>>, vector<16xf32>,
      %broadcast_in_dim3A_31 = arith.constant 1.000000e+00 : f32
      %broadcast_in_dim3A_32 = vector.broadcast %broadcast_in_dim3A_31 : f32 to vector<16xf32>
      %jit3A = arith.constant 8 : i32
      %eq3A = arith.constant 0 : i32
      %eq3A_33 = arith.cmpi eq, %jit3A, %eq3A : i32
      %jit3A_34 = arith.constant 1 : i32
      %select_n3A = arith.select %eq3A_33, %jit3A_34, %jit3A : i32
      %rem3A = arith.remsi %scan3A_23, %select_n3A : i32
      %ne3A = arith.constant 0 : i32
      %ne3A_35 = arith.cmpi ne, %rem3A, %ne3A : i32
      %lt3A = arith.constant 0 : i32
      %lt3A_36 = arith.cmpi slt, %rem3A, %lt3A : i32
      %lt3A_37 = arith.constant 0 : i32
      %lt3A_38 = arith.cmpi slt, %select_n3A, %lt3A_37 : i32
      %ne3A_39 = arith.xori %lt3A_36, %lt3A_38 : i1
      %and3A = arith.andi %ne3A_39, %ne3A_35 : i1
      %add3A_40 = arith.addi %rem3A, %select_n3A : i32
      %select_n3A_41 = arith.select %and3A, %add3A_40, %rem3A : i32
      %mul3A_42 = arith.constant 16 : i32
      %mul3A_43 = arith.muli %select_n3A_41, %mul3A_42 : i32
      %swap3A_44 = arith.index_cast %mul3A_43 : i32 to index
      %swap3A_45 = tpu.vector_load %arg7[%swap3A_44] {strides = array<i32>} : memref<128xf32, #tpu.memory_space<vmem>>, vector<16xf32>,
      %swap3A_46 = vector.shape_cast %swap3A_45 : vector<16xf32> to vector<16xf32>
      %swap3A_47 = vector.shape_cast %broadcast_in_dim3A_32 : vector<16xf32> to vector<16xf32>
      tpu.vector_store %arg7[%swap3A_44], %swap3A_47 {strides = array<i32>} : memref<128xf32, #tpu.memory_space<vmem>>, vector<16xf32>,
      %scan3A_48 = arith.constant 0 : i32
      scf.yield %scan3A_48 : i32
    }
    %scan3A_6 = arith.constant 40 : i32
    %mul3A_7 = arith.constant 640 : i32
    %mul3A_8 = arith.muli %arg1, %mul3A_7 : i32
    "tpu.region"() ({
      %run_scoped3A = tpu.sem_alloc : memref<!tpu.dma_semaphore, #tpu.memory_space<semaphore_mem>>
      %dma_start3A = tpu.memref_slice %arg4[%mul3A_8] : memref<10240xf32, #tpu.memory_space<vmem_shared>> -> memref<640xf32, #tpu.memory_space<vmem_shared>>
      %dma_start3A_23 = tpu.memref_slice %arg4[%mul3A_8] : memref<10240xf32, #tpu.memory_space<vmem_shared>> -> memref<640xf32, #tpu.memory_space<vmem_shared>>
      tpu.enqueue_dma source(%arg6 : memref<640xf32, #tpu.memory_space<vmem>>) target(%dma_start3A_23 : memref<640xf32, #tpu.memory_space<vmem_shared>>) target_semaphore(%run_scoped3A : memref<!tpu.dma_semaphore, #tpu.memory_space<semaphore_mem>>)
      %dma_wait3A = tpu.memref_slice %arg4[%mul3A_8] : memref<10240xf32, #tpu.memory_space<vmem_shared>> -> memref<640xf32, #tpu.memory_space<vmem_shared>>
      %dma_wait3A_24 = tpu.memref_slice %arg4[%mul3A_8] : memref<10240xf32, #tpu.memory_space<vmem_shared>> -> memref<640xf32, #tpu.memory_space<vmem_shared>>
      tpu.wait_dma2 semaphore(%run_scoped3A : memref<!tpu.dma_semaphore, #tpu.memory_space<semaphore_mem>>) src(%arg6 : memref<640xf32, #tpu.memory_space<vmem>>) dst(%dma_wait3A_24 : memref<640xf32, #tpu.memory_space<vmem_shared>>)
      tpu.yield
    }) : () -> ()
    %mul3A_9 = arith.constant 80 : i32
    %mul3A_10 = arith.muli %add3A, %mul3A_9 : i32
    "tpu.region"() ({
      %run_scoped3A = tpu.sem_alloc : memref<!tpu.dma_semaphore, #tpu.memory_space<semaphore_mem>>
      %dma_start3A = arith.constant 0 : i32
      %dma_start3A_23 = tpu.memref_slice %arg2[%mul3A_10, %dma_start3A] : memref<2560x128xi32, #tpu.memory_space<hbm>> -> memref<80x128xi32, #tpu.memory_space<hbm>>
      %dma_start3A_24 = arith.constant 0 : i32
      %dma_start3A_25 = tpu.memref_slice %arg2[%mul3A_10, %dma_start3A_24] : memref<2560x128xi32, #tpu.memory_space<hbm>> -> memref<80x128xi32, #tpu.memory_space<hbm>>
      tpu.enqueue_dma source(%dma_start3A_25 : memref<80x128xi32, #tpu.memory_space<hbm>>) target(%arg5 : memref<80x128xi32, #tpu.memory_space<vmem>>) target_semaphore(%run_scoped3A : memref<!tpu.dma_semaphore, #tpu.memory_space<semaphore_mem>>)
      %dma_wait3A = arith.constant 0 : i32
      %dma_wait3A_26 = tpu.memref_slice %arg2[%mul3A_10, %dma_wait3A] : memref<2560x128xi32, #tpu.memory_space<hbm>> -> memref<80x128xi32, #tpu.memory_space<hbm>>
      %dma_wait3A_27 = arith.constant 0 : i32
      %dma_wait3A_28 = tpu.memref_slice %arg2[%mul3A_10, %dma_wait3A_27] : memref<2560x128xi32, #tpu.memory_space<hbm>> -> memref<80x128xi32, #tpu.memory_space<hbm>>
      tpu.wait_dma2 semaphore(%run_scoped3A : memref<!tpu.dma_semaphore, #tpu.memory_space<semaphore_mem>>) src(%dma_wait3A_28 : memref<80x128xi32, #tpu.memory_space<hbm>>) dst(%arg5 : memref<80x128xi32, #tpu.memory_space<vmem>>)
      tpu.yield
    }) : () -> ()
    %barrier3A = arith.constant 0 : index
    tpu.barrier barrier_id(%barrier3A)
    %scan3A_11 = arith.constant 0 : i32
    %scan3A_12 = arith.constant 0 : i32
    %scan3A_13 = arith.constant 80 : i32
    %scan3A_14 = arith.addi %scan3A_12, %scan3A_13 : i32
    %scan3A_15 = arith.constant 1 : i32
    %scan3A_16 = scf.for %scan3A_23 = %scan3A_12 to %scan3A_14 step %scan3A_15 iter_args(%scan3A_24 = %scan3A_11) -> (i32)  : i32 {
      "tpu.region"() ({
        %run_scoped3A = tpu.sem_alloc : memref<!tpu.dma_semaphore, #tpu.memory_space<semaphore_mem>>
        %dma_start3A = arith.constant 0 : i32
        %dma_start3A_26 = tpu.memref_slice %arg5[%scan3A_23, %dma_start3A] : memref<80x128xi32, #tpu.memory_space<vmem>> -> memref<1x128xi32, #tpu.memory_space<vmem>>
        %dma_start3A_27 = tpu.memref_squeeze %dma_start3A_26 : memref<1x128xi32, #tpu.memory_space<vmem>> -> memref<128xi32, #tpu.memory_space<vmem>>
        %dma_start3A_28 = arith.constant 0 : i32
        %dma_start3A_29 = tpu.memref_slice %arg4[%dma_start3A_28] : memref<10240xf32, #tpu.memory_space<vmem_shared>> -> memref<10240xf32, #tpu.memory_space<vmem_shared>>
        tpu.enqueue_indirect_dma source(%arg7 : memref<128xf32, #tpu.memory_space<vmem>>) target(%dma_start3A_29 : memref<10240xf32, #tpu.memory_space<vmem_shared>>) offsets(%dma_start3A_27 : memref<128xi32, #tpu.memory_space<vmem>>) semaphore(%run_scoped3A : memref<!tpu.dma_semaphore, #tpu.memory_space<semaphore_mem>>) {add = true}
        %dma_wait3A = arith.constant 0 : i32
        %dma_wait3A_30 = tpu.memref_slice %arg5[%scan3A_23, %dma_wait3A] : memref<80x128xi32, #tpu.memory_space<vmem>> -> memref<1x128xi32, #tpu.memory_space<vmem>>
        %dma_wait3A_31 = tpu.memref_squeeze %dma_wait3A_30 : memref<1x128xi32, #tpu.memory_space<vmem>> -> memref<128xi32, #tpu.memory_space<vmem>>
        %dma_wait3A_32 = arith.constant 0 : i32
        %dma_wait3A_33 = tpu.memref_slice %arg4[%dma_wait3A_32] : memref<10240xf32, #tpu.memory_space<vmem_shared>> -> memref<10240xf32, #tpu.memory_space<vmem_shared>>
        tpu.wait_indirect_dma semaphore(%run_scoped3A : memref<!tpu.dma_semaphore, #tpu.memory_space<semaphore_mem>>) src(%arg7 : memref<128xf32, #tpu.memory_space<vmem>>) dst(%dma_wait3A_33 : memref<10240xf32, #tpu.memory_space<vmem_shared>>)
        tpu.yield
      }) : () -> ()
      %scan3A_25 = arith.constant 0 : i32
      scf.yield %scan3A_25 : i32
    }
    %scan3A_17 = arith.constant 80 : i32
    %barrier3A_18 = arith.constant 0 : index
    tpu.barrier barrier_id(%barrier3A_18)
    %mul3A_19 = arith.constant 640 : i32
    %mul3A_20 = arith.muli %arg1, %mul3A_19 : i32
    %mul3A_21 = arith.constant 640 : i32
    %mul3A_22 = arith.muli %arg1, %mul3A_21 : i32
    "tpu.region"() ({
      %run_scoped3A = tpu.sem_alloc : memref<!tpu.dma_semaphore, #tpu.memory_space<semaphore_mem>>
      %dma_start3A = tpu.memref_slice %arg3[%arg0, %mul3A_22] : memref<2x10240xf32, #tpu.memory_space<hbm>> -> memref<1x640xf32, #tpu.memory_space<hbm>>
      %dma_start3A_23 = tpu.memref_squeeze %dma_start3A : memref<1x640xf32, #tpu.memory_space<hbm>> -> memref<640xf32, #tpu.memory_space<hbm>>
      %dma_start3A_24 = tpu.memref_slice %arg4[%mul3A_20] : memref<10240xf32, #tpu.memory_space<vmem_shared>> -> memref<640xf32, #tpu.memory_space<vmem_shared>>
      tpu.enqueue_dma source(%dma_start3A_24 : memref<640xf32, #tpu.memory_space<vmem_shared>>) target(%dma_start3A_23 : memref<640xf32, #tpu.memory_space<hbm>>) target_semaphore(%run_scoped3A : memref<!tpu.dma_semaphore, #tpu.memory_space<semaphore_mem>>)
      %dma_wait3A = tpu.memref_slice %arg3[%arg0, %mul3A_22] : memref<2x10240xf32, #tpu.memory_space<hbm>> -> memref<1x640xf32, #tpu.memory_space<hbm>>
      %dma_wait3A_25 = tpu.memref_squeeze %dma_wait3A : memref<1x640xf32, #tpu.memory_space<hbm>> -> memref<640xf32, #tpu.memory_space<hbm>>
      %dma_wait3A_26 = tpu.memref_slice %arg4[%mul3A_20] : memref<10240xf32, #tpu.memory_space<vmem_shared>> -> memref<640xf32, #tpu.memory_space<vmem_shared>>
      tpu.wait_dma2 semaphore(%run_scoped3A : memref<!tpu.dma_semaphore, #tpu.memory_space<semaphore_mem>>) src(%dma_wait3A_26 : memref<640xf32, #tpu.memory_space<vmem_shared>>) dst(%dma_wait3A_25 : memref<640xf32, #tpu.memory_space<hbm>>)
      tpu.yield
    }) : () -> ()
    return
  }
}

#map = affine_map<(d0, d1) -> (0, 0)>
#map1 = affine_map<(d0, d1) -> (0, 0, 0)>
module attributes {stable_mosaic.version = 14 : i64} {
  func.func @_sc_aggregate(%arg0: i32, %arg1: i32, %arg2: memref<10240x128xf32, #tpu.memory_space<hbm>>, %arg3: memref<5120x64xi32, #tpu.memory_space<hbm>>, %arg4: memref<5120x64xi32, #tpu.memory_space<hbm>>, %arg5: memref<2x10240x128xf32, #tpu.memory_space<hbm>>, %arg6: memref<10240x128xf32, #tpu.memory_space<vmem_shared>>, %arg7: memref<16x64xi32, #tpu.memory_space<vmem>>, %arg8: memref<16x64xi32, #tpu.memory_space<vmem>>, %arg9: memref<16x64xi32, #tpu.memory_space<vmem>>, %arg10: memref<16x64xi32, #tpu.memory_space<vmem>>, %arg11: memref<64x128xf32, #tpu.memory_space<vmem>>, %arg12: memref<64x128xf32, #tpu.memory_space<vmem>>, %arg13: memref<64x128xf32, #tpu.memory_space<vmem>>, %arg14: memref<64x128xf32, #tpu.memory_space<vmem>>, %arg15: memref<!tpu.dma_semaphore, #tpu.memory_space<semaphore_mem>>, %arg16: memref<!tpu.dma_semaphore, #tpu.memory_space<semaphore_mem>>, %arg17: memref<!tpu.dma_semaphore, #tpu.memory_space<semaphore_mem>>, %arg18: memref<!tpu.dma_semaphore, #tpu.memory_space<semaphore_mem>>, %arg19: memref<!tpu.dma_semaphore, #tpu.memory_space<semaphore_mem>>, %arg20: memref<!tpu.dma_semaphore, #tpu.memory_space<semaphore_mem>>, %arg21: memref<!tpu.dma_semaphore, #tpu.memory_space<semaphore_mem>>, %arg22: memref<!tpu.dma_semaphore, #tpu.memory_space<semaphore_mem>>, %arg23: memref<!tpu.dma_semaphore, #tpu.memory_space<semaphore_mem>>, %arg24: memref<!tpu.dma_semaphore, #tpu.memory_space<semaphore_mem>>, %arg25: memref<!tpu.dma_semaphore, #tpu.memory_space<semaphore_mem>>) attributes {dimension_semantics = [#tpu.dimension_semantics<core_parallel>, #tpu.dimension_semantics<subcore_parallel>], iteration_bounds = array<i64: 2, 16>, scalar_prefetch = 0 : i64, scratch_operands = 20 : i64, tpu.core_type = #tpu.core_type<sc_vector_subcore>, window_params = [{transform_indices = #map}, {transform_indices = #map}, {transform_indices = #map}, {transform_indices = #map1}]} {
    %mul3A = arith.constant 16 : i32
    %mul3A_0 = arith.muli %arg0, %mul3A : i32
    %add3A = arith.addi %mul3A_0, %arg1 : i32
    %mul3A_1 = arith.constant 160 : i32
    %mul3A_2 = arith.muli %add3A, %mul3A_1 : i32
    %mul3A_3 = arith.constant 640 : i32
    %mul3A_4 = arith.muli %arg1, %mul3A_3 : i32
    %mul3A_5 = arith.constant 640 : i32
    %mul3A_6 = arith.muli %arg1, %mul3A_5 : i32
    %dma_start3A = arith.constant 0 : i32
    %dma_start3A_7 = tpu.memref_slice %arg6[%mul3A_6, %dma_start3A] : memref<10240x128xf32, #tpu.memory_space<vmem_shared>> -> memref<640x128xf32, #tpu.memory_space<vmem_shared>>
    %dma_start3A_8 = arith.constant 0 : i32
    %dma_start3A_9 = tpu.memref_slice %arg2[%mul3A_4, %dma_start3A_8] : memref<10240x128xf32, #tpu.memory_space<hbm>> -> memref<640x128xf32, #tpu.memory_space<hbm>>
    tpu.enqueue_dma source(%dma_start3A_9 : memref<640x128xf32, #tpu.memory_space<hbm>>) target(%dma_start3A_7 : memref<640x128xf32, #tpu.memory_space<vmem_shared>>) target_semaphore(%arg25 : memref<!tpu.dma_semaphore, #tpu.memory_space<semaphore_mem>>)
    %add3A_10 = arith.constant 0 : i32
    %add3A_11 = arith.addi %mul3A_2, %add3A_10 : i32
    %multiple_of3A = tpu.assume_multiple %add3A_11, 8 : i32
    %dma_start3A_12 = arith.constant 0 : i32
    %dma_start3A_13 = tpu.memref_slice %arg3[%multiple_of3A, %dma_start3A_12] : memref<5120x64xi32, #tpu.memory_space<hbm>> -> memref<16x64xi32, #tpu.memory_space<hbm>>
    %dma_start3A_14 = arith.constant 0 : i32
    %dma_start3A_15 = tpu.memref_slice %arg3[%multiple_of3A, %dma_start3A_14] : memref<5120x64xi32, #tpu.memory_space<hbm>> -> memref<16x64xi32, #tpu.memory_space<hbm>>
    tpu.enqueue_dma source(%dma_start3A_15 : memref<16x64xi32, #tpu.memory_space<hbm>>) target(%arg7 : memref<16x64xi32, #tpu.memory_space<vmem>>) target_semaphore(%arg15 : memref<!tpu.dma_semaphore, #tpu.memory_space<semaphore_mem>>)
    %dma_start3A_16 = arith.constant 0 : i32
    %dma_start3A_17 = tpu.memref_slice %arg4[%multiple_of3A, %dma_start3A_16] : memref<5120x64xi32, #tpu.memory_space<hbm>> -> memref<16x64xi32, #tpu.memory_space<hbm>>
    %dma_start3A_18 = arith.constant 0 : i32
    %dma_start3A_19 = tpu.memref_slice %arg4[%multiple_of3A, %dma_start3A_18] : memref<5120x64xi32, #tpu.memory_space<hbm>> -> memref<16x64xi32, #tpu.memory_space<hbm>>
    tpu.enqueue_dma source(%dma_start3A_19 : memref<16x64xi32, #tpu.memory_space<hbm>>) target(%arg9 : memref<16x64xi32, #tpu.memory_space<vmem>>) target_semaphore(%arg15 : memref<!tpu.dma_semaphore, #tpu.memory_space<semaphore_mem>>)
    %dma_wait3A = arith.constant 0 : i32
    %dma_wait3A_20 = tpu.memref_slice %arg6[%mul3A_6, %dma_wait3A] : memref<10240x128xf32, #tpu.memory_space<vmem_shared>> -> memref<640x128xf32, #tpu.memory_space<vmem_shared>>
    %dma_wait3A_21 = arith.constant 0 : i32
    %dma_wait3A_22 = tpu.memref_slice %arg2[%mul3A_4, %dma_wait3A_21] : memref<10240x128xf32, #tpu.memory_space<hbm>> -> memref<640x128xf32, #tpu.memory_space<hbm>>
    tpu.wait_dma2 semaphore(%arg25 : memref<!tpu.dma_semaphore, #tpu.memory_space<semaphore_mem>>) src(%dma_wait3A_22 : memref<640x128xf32, #tpu.memory_space<hbm>>) dst(%dma_wait3A_20 : memref<640x128xf32, #tpu.memory_space<vmem_shared>>)
    %barrier3A = arith.constant 0 : index
    tpu.barrier barrier_id(%barrier3A)
    %scan3A = arith.constant 0 : i32
    %scan3A_23 = arith.constant 0 : i32
    %scan3A_24 = arith.constant 5 : i32
    %scan3A_25 = arith.addi %scan3A_23, %scan3A_24 : i32
    %scan3A_26 = arith.constant 1 : i32
    %scan3A_27 = scf.for %scan3A_62 = %scan3A_23 to %scan3A_25 step %scan3A_26 iter_args(%scan3A_63 = %scan3A) -> (i32)  : i32 {
      %mul3A_64 = arith.constant 2 : i32
      %mul3A_65 = arith.muli %scan3A_62, %mul3A_64 : i32
      %dma_wait3A_66 = arith.constant 0 : i32
      %dma_wait3A_67 = arith.constant 0 : i32
      %dma_wait3A_68 = tpu.memref_slice %arg3[%dma_wait3A_66, %dma_wait3A_67] : memref<5120x64xi32, #tpu.memory_space<hbm>> -> memref<16x64xi32, #tpu.memory_space<hbm>>
      %dma_wait3A_69 = arith.constant 0 : i32
      %dma_wait3A_70 = arith.constant 0 : i32
      %dma_wait3A_71 = tpu.memref_slice %arg3[%dma_wait3A_69, %dma_wait3A_70] : memref<5120x64xi32, #tpu.memory_space<hbm>> -> memref<16x64xi32, #tpu.memory_space<hbm>>
      tpu.wait_dma2 semaphore(%arg15 : memref<!tpu.dma_semaphore, #tpu.memory_space<semaphore_mem>>) src(%dma_wait3A_71 : memref<16x64xi32, #tpu.memory_space<hbm>>) dst(%arg7 : memref<16x64xi32, #tpu.memory_space<vmem>>)
      %dma_wait3A_72 = arith.constant 0 : i32
      %dma_wait3A_73 = arith.constant 0 : i32
      %dma_wait3A_74 = tpu.memref_slice %arg4[%dma_wait3A_72, %dma_wait3A_73] : memref<5120x64xi32, #tpu.memory_space<hbm>> -> memref<16x64xi32, #tpu.memory_space<hbm>>
      %dma_wait3A_75 = arith.constant 0 : i32
      %dma_wait3A_76 = arith.constant 0 : i32
      %dma_wait3A_77 = tpu.memref_slice %arg4[%dma_wait3A_75, %dma_wait3A_76] : memref<5120x64xi32, #tpu.memory_space<hbm>> -> memref<16x64xi32, #tpu.memory_space<hbm>>
      tpu.wait_dma2 semaphore(%arg15 : memref<!tpu.dma_semaphore, #tpu.memory_space<semaphore_mem>>) src(%dma_wait3A_77 : memref<16x64xi32, #tpu.memory_space<hbm>>) dst(%arg9 : memref<16x64xi32, #tpu.memory_space<vmem>>)
      %gt3A = arith.constant 0 : i32
      %gt3A_78 = arith.cmpi sgt, %mul3A_65, %gt3A : i32
      %convert_element_type3A = arith.extui %gt3A_78 : i1 to i32
      %cond3A = arith.constant 0 : i32
      %cond3A_79 = arith.cmpi ne, %convert_element_type3A, %cond3A : i32
      scf.if %cond3A_79 {
        %dma_wait3A_125 = arith.constant 0 : i32
        %dma_wait3A_126 = arith.constant 0 : i32
        %dma_wait3A_127 = tpu.memref_slice %arg10[%dma_wait3A_125, %dma_wait3A_126] : memref<16x64xi32, #tpu.memory_space<vmem>> -> memref<1x64xi32, #tpu.memory_space<vmem>>
        %dma_wait3A_128 = tpu.memref_squeeze %dma_wait3A_127 : memref<1x64xi32, #tpu.memory_space<vmem>> -> memref<64xi32, #tpu.memory_space<vmem>>
        %dma_wait3A_129 = arith.constant 0 : i32
        %dma_wait3A_130 = arith.constant 0 : i32
        %dma_wait3A_131 = tpu.memref_slice %arg6[%dma_wait3A_129, %dma_wait3A_130] : memref<10240x128xf32, #tpu.memory_space<vmem_shared>> -> memref<10240x128xf32, #tpu.memory_space<vmem_shared>>
        tpu.wait_indirect_dma semaphore(%arg21 : memref<!tpu.dma_semaphore, #tpu.memory_space<semaphore_mem>>) src(%arg11 : memref<64x128xf32, #tpu.memory_space<vmem>>) dst(%dma_wait3A_131 : memref<10240x128xf32, #tpu.memory_space<vmem_shared>>)
        %dma_wait3A_132 = arith.constant 0 : i32
        %dma_wait3A_133 = arith.constant 0 : i32
        %dma_wait3A_134 = tpu.memref_slice %arg10[%dma_wait3A_132, %dma_wait3A_133] : memref<16x64xi32, #tpu.memory_space<vmem>> -> memref<1x64xi32, #tpu.memory_space<vmem>>
        %dma_wait3A_135 = tpu.memref_squeeze %dma_wait3A_134 : memref<1x64xi32, #tpu.memory_space<vmem>> -> memref<64xi32, #tpu.memory_space<vmem>>
        %dma_wait3A_136 = arith.constant 0 : i32
        %dma_wait3A_137 = arith.constant 0 : i32
        %dma_wait3A_138 = tpu.memref_slice %arg6[%dma_wait3A_136, %dma_wait3A_137] : memref<10240x128xf32, #tpu.memory_space<vmem_shared>> -> memref<10240x128xf32, #tpu.memory_space<vmem_shared>>
        tpu.wait_indirect_dma semaphore(%arg22 : memref<!tpu.dma_semaphore, #tpu.memory_space<semaphore_mem>>) src(%arg12 : memref<64x128xf32, #tpu.memory_space<vmem>>) dst(%dma_wait3A_138 : memref<10240x128xf32, #tpu.memory_space<vmem_shared>>)
        %dma_wait3A_139 = arith.constant 0 : i32
        %dma_wait3A_140 = arith.constant 0 : i32
        %dma_wait3A_141 = tpu.memref_slice %arg10[%dma_wait3A_139, %dma_wait3A_140] : memref<16x64xi32, #tpu.memory_space<vmem>> -> memref<1x64xi32, #tpu.memory_space<vmem>>
        %dma_wait3A_142 = tpu.memref_squeeze %dma_wait3A_141 : memref<1x64xi32, #tpu.memory_space<vmem>> -> memref<64xi32, #tpu.memory_space<vmem>>
        %dma_wait3A_143 = arith.constant 0 : i32
        %dma_wait3A_144 = arith.constant 0 : i32
        %dma_wait3A_145 = tpu.memref_slice %arg6[%dma_wait3A_143, %dma_wait3A_144] : memref<10240x128xf32, #tpu.memory_space<vmem_shared>> -> memref<10240x128xf32, #tpu.memory_space<vmem_shared>>
        tpu.wait_indirect_dma semaphore(%arg23 : memref<!tpu.dma_semaphore, #tpu.memory_space<semaphore_mem>>) src(%arg13 : memref<64x128xf32, #tpu.memory_space<vmem>>) dst(%dma_wait3A_145 : memref<10240x128xf32, #tpu.memory_space<vmem_shared>>)
        %dma_wait3A_146 = arith.constant 0 : i32
        %dma_wait3A_147 = arith.constant 0 : i32
        %dma_wait3A_148 = tpu.memref_slice %arg10[%dma_wait3A_146, %dma_wait3A_147] : memref<16x64xi32, #tpu.memory_space<vmem>> -> memref<1x64xi32, #tpu.memory_space<vmem>>
        %dma_wait3A_149 = tpu.memref_squeeze %dma_wait3A_148 : memref<1x64xi32, #tpu.memory_space<vmem>> -> memref<64xi32, #tpu.memory_space<vmem>>
        %dma_wait3A_150 = arith.constant 0 : i32
        %dma_wait3A_151 = arith.constant 0 : i32
        %dma_wait3A_152 = tpu.memref_slice %arg6[%dma_wait3A_150, %dma_wait3A_151] : memref<10240x128xf32, #tpu.memory_space<vmem_shared>> -> memref<10240x128xf32, #tpu.memory_space<vmem_shared>>
        tpu.wait_indirect_dma semaphore(%arg24 : memref<!tpu.dma_semaphore, #tpu.memory_space<semaphore_mem>>) src(%arg14 : memref<64x128xf32, #tpu.memory_space<vmem>>) dst(%dma_wait3A_152 : memref<10240x128xf32, #tpu.memory_space<vmem_shared>>)
      } else {
      }
      %lt3A = arith.constant 9 : i32
      %lt3A_80 = arith.cmpi slt, %mul3A_65, %lt3A : i32
      %convert_element_type3A_81 = arith.extui %lt3A_80 : i1 to i32
      %cond3A_82 = arith.constant 0 : i32
      %cond3A_83 = arith.cmpi ne, %convert_element_type3A_81, %cond3A_82 : i32
      scf.if %cond3A_83 {
        %add3A_125 = arith.constant 1 : i32
        %add3A_126 = arith.addi %mul3A_65, %add3A_125 : i32
        %mul3A_127 = arith.constant 16 : i32
        %mul3A_128 = arith.muli %add3A_126, %mul3A_127 : i32
        %add3A_129 = arith.addi %mul3A_2, %mul3A_128 : i32
        %multiple_of3A_130 = tpu.assume_multiple %add3A_129, 8 : i32
        %dma_start3A_131 = arith.constant 0 : i32
        %dma_start3A_132 = tpu.memref_slice %arg3[%multiple_of3A_130, %dma_start3A_131] : memref<5120x64xi32, #tpu.memory_space<hbm>> -> memref<16x64xi32, #tpu.memory_space<hbm>>
        %dma_start3A_133 = arith.constant 0 : i32
        %dma_start3A_134 = tpu.memref_slice %arg3[%multiple_of3A_130, %dma_start3A_133] : memref<5120x64xi32, #tpu.memory_space<hbm>> -> memref<16x64xi32, #tpu.memory_space<hbm>>
        tpu.enqueue_dma source(%dma_start3A_134 : memref<16x64xi32, #tpu.memory_space<hbm>>) target(%arg8 : memref<16x64xi32, #tpu.memory_space<vmem>>) target_semaphore(%arg16 : memref<!tpu.dma_semaphore, #tpu.memory_space<semaphore_mem>>)
        %dma_start3A_135 = arith.constant 0 : i32
        %dma_start3A_136 = tpu.memref_slice %arg4[%multiple_of3A_130, %dma_start3A_135] : memref<5120x64xi32, #tpu.memory_space<hbm>> -> memref<16x64xi32, #tpu.memory_space<hbm>>
        %dma_start3A_137 = arith.constant 0 : i32
        %dma_start3A_138 = tpu.memref_slice %arg4[%multiple_of3A_130, %dma_start3A_137] : memref<5120x64xi32, #tpu.memory_space<hbm>> -> memref<16x64xi32, #tpu.memory_space<hbm>>
        tpu.enqueue_dma source(%dma_start3A_138 : memref<16x64xi32, #tpu.memory_space<hbm>>) target(%arg10 : memref<16x64xi32, #tpu.memory_space<vmem>>) target_semaphore(%arg16 : memref<!tpu.dma_semaphore, #tpu.memory_space<semaphore_mem>>)
      } else {
      }
      %scan3A_84 = arith.constant 0 : i32
      %scan3A_85 = arith.constant 0 : i32
      %scan3A_86 = arith.constant 4 : i32
      %scan3A_87 = arith.addi %scan3A_85, %scan3A_86 : i32
      %scan3A_88 = arith.constant 1 : i32
      %scan3A_89 = scf.for %scan3A_125 = %scan3A_85 to %scan3A_87 step %scan3A_88 iter_args(%scan3A_126 = %scan3A_84) -> (i32)  : i32 {
        %mul3A_127 = arith.constant 4 : i32
        %mul3A_128 = arith.muli %scan3A_125, %mul3A_127 : i32
        %gt3A_129 = arith.constant 0 : i32
        %gt3A_130 = arith.cmpi sgt, %scan3A_125, %gt3A_129 : i32
        %convert_element_type3A_131 = arith.extui %gt3A_130 : i1 to i32
        %cond3A_132 = arith.constant 0 : i32
        %cond3A_133 = arith.cmpi ne, %convert_element_type3A_131, %cond3A_132 : i32
        scf.if %cond3A_133 {
          %dma_wait3A_238 = arith.constant 0 : i32
          %dma_wait3A_239 = arith.constant 0 : i32
          %dma_wait3A_240 = tpu.memref_slice %arg9[%dma_wait3A_238, %dma_wait3A_239] : memref<16x64xi32, #tpu.memory_space<vmem>> -> memref<1x64xi32, #tpu.memory_space<vmem>>
          %dma_wait3A_241 = tpu.memref_squeeze %dma_wait3A_240 : memref<1x64xi32, #tpu.memory_space<vmem>> -> memref<64xi32, #tpu.memory_space<vmem>>
          %dma_wait3A_242 = arith.constant 0 : i32
          %dma_wait3A_243 = arith.constant 0 : i32
          %dma_wait3A_244 = tpu.memref_slice %arg6[%dma_wait3A_242, %dma_wait3A_243] : memref<10240x128xf32, #tpu.memory_space<vmem_shared>> -> memref<10240x128xf32, #tpu.memory_space<vmem_shared>>
          tpu.wait_indirect_dma semaphore(%arg21 : memref<!tpu.dma_semaphore, #tpu.memory_space<semaphore_mem>>) src(%arg11 : memref<64x128xf32, #tpu.memory_space<vmem>>) dst(%dma_wait3A_244 : memref<10240x128xf32, #tpu.memory_space<vmem_shared>>)
        } else {
        }
        %add3A_134 = arith.constant 0 : i32
        %add3A_135 = arith.addi %mul3A_128, %add3A_134 : i32
        %dma_start3A_136 = arith.constant 0 : i32
        %dma_start3A_137 = tpu.memref_slice %arg7[%add3A_135, %dma_start3A_136] : memref<16x64xi32, #tpu.memory_space<vmem>> -> memref<1x64xi32, #tpu.memory_space<vmem>>
        %dma_start3A_138 = tpu.memref_squeeze %dma_start3A_137 : memref<1x64xi32, #tpu.memory_space<vmem>> -> memref<64xi32, #tpu.memory_space<vmem>>
        %dma_start3A_139 = arith.constant 0 : i32
        %dma_start3A_140 = arith.constant 0 : i32
        %dma_start3A_141 = tpu.memref_slice %arg2[%dma_start3A_139, %dma_start3A_140] : memref<10240x128xf32, #tpu.memory_space<hbm>> -> memref<10240x128xf32, #tpu.memory_space<hbm>>
        tpu.enqueue_indirect_dma source(%dma_start3A_141 : memref<10240x128xf32, #tpu.memory_space<hbm>>) target(%arg11 : memref<64x128xf32, #tpu.memory_space<vmem>>) offsets(%dma_start3A_138 : memref<64xi32, #tpu.memory_space<vmem>>) semaphore(%arg17 : memref<!tpu.dma_semaphore, #tpu.memory_space<semaphore_mem>>)
        %gt3A_142 = arith.constant 0 : i32
        %gt3A_143 = arith.cmpi sgt, %scan3A_125, %gt3A_142 : i32
        %convert_element_type3A_144 = arith.extui %gt3A_143 : i1 to i32
        %cond3A_145 = arith.constant 0 : i32
        %cond3A_146 = arith.cmpi ne, %convert_element_type3A_144, %cond3A_145 : i32
        scf.if %cond3A_146 {
          %dma_wait3A_238 = arith.constant 0 : i32
          %dma_wait3A_239 = arith.constant 0 : i32
          %dma_wait3A_240 = tpu.memref_slice %arg9[%dma_wait3A_238, %dma_wait3A_239] : memref<16x64xi32, #tpu.memory_space<vmem>> -> memref<1x64xi32, #tpu.memory_space<vmem>>
          %dma_wait3A_241 = tpu.memref_squeeze %dma_wait3A_240 : memref<1x64xi32, #tpu.memory_space<vmem>> -> memref<64xi32, #tpu.memory_space<vmem>>
          %dma_wait3A_242 = arith.constant 0 : i32
          %dma_wait3A_243 = arith.constant 0 : i32
          %dma_wait3A_244 = tpu.memref_slice %arg6[%dma_wait3A_242, %dma_wait3A_243] : memref<10240x128xf32, #tpu.memory_space<vmem_shared>> -> memref<10240x128xf32, #tpu.memory_space<vmem_shared>>
          tpu.wait_indirect_dma semaphore(%arg22 : memref<!tpu.dma_semaphore, #tpu.memory_space<semaphore_mem>>) src(%arg12 : memref<64x128xf32, #tpu.memory_space<vmem>>) dst(%dma_wait3A_244 : memref<10240x128xf32, #tpu.memory_space<vmem_shared>>)
        } else {
        }
        %add3A_147 = arith.constant 1 : i32
        %add3A_148 = arith.addi %mul3A_128, %add3A_147 : i32
        %dma_start3A_149 = arith.constant 0 : i32
        %dma_start3A_150 = tpu.memref_slice %arg7[%add3A_148, %dma_start3A_149] : memref<16x64xi32, #tpu.memory_space<vmem>> -> memref<1x64xi32, #tpu.memory_space<vmem>>
        %dma_start3A_151 = tpu.memref_squeeze %dma_start3A_150 : memref<1x64xi32, #tpu.memory_space<vmem>> -> memref<64xi32, #tpu.memory_space<vmem>>
        %dma_start3A_152 = arith.constant 0 : i32
        %dma_start3A_153 = arith.constant 0 : i32
        %dma_start3A_154 = tpu.memref_slice %arg2[%dma_start3A_152, %dma_start3A_153] : memref<10240x128xf32, #tpu.memory_space<hbm>> -> memref<10240x128xf32, #tpu.memory_space<hbm>>
        tpu.enqueue_indirect_dma source(%dma_start3A_154 : memref<10240x128xf32, #tpu.memory_space<hbm>>) target(%arg12 : memref<64x128xf32, #tpu.memory_space<vmem>>) offsets(%dma_start3A_151 : memref<64xi32, #tpu.memory_space<vmem>>) semaphore(%arg18 : memref<!tpu.dma_semaphore, #tpu.memory_space<semaphore_mem>>)
        %gt3A_155 = arith.constant 0 : i32
        %gt3A_156 = arith.cmpi sgt, %scan3A_125, %gt3A_155 : i32
        %convert_element_type3A_157 = arith.extui %gt3A_156 : i1 to i32
        %cond3A_158 = arith.constant 0 : i32
        %cond3A_159 = arith.cmpi ne, %convert_element_type3A_157, %cond3A_158 : i32
        scf.if %cond3A_159 {
          %dma_wait3A_238 = arith.constant 0 : i32
          %dma_wait3A_239 = arith.constant 0 : i32
          %dma_wait3A_240 = tpu.memref_slice %arg9[%dma_wait3A_238, %dma_wait3A_239] : memref<16x64xi32, #tpu.memory_space<vmem>> -> memref<1x64xi32, #tpu.memory_space<vmem>>
          %dma_wait3A_241 = tpu.memref_squeeze %dma_wait3A_240 : memref<1x64xi32, #tpu.memory_space<vmem>> -> memref<64xi32, #tpu.memory_space<vmem>>
          %dma_wait3A_242 = arith.constant 0 : i32
          %dma_wait3A_243 = arith.constant 0 : i32
          %dma_wait3A_244 = tpu.memref_slice %arg6[%dma_wait3A_242, %dma_wait3A_243] : memref<10240x128xf32, #tpu.memory_space<vmem_shared>> -> memref<10240x128xf32, #tpu.memory_space<vmem_shared>>
          tpu.wait_indirect_dma semaphore(%arg23 : memref<!tpu.dma_semaphore, #tpu.memory_space<semaphore_mem>>) src(%arg13 : memref<64x128xf32, #tpu.memory_space<vmem>>) dst(%dma_wait3A_244 : memref<10240x128xf32, #tpu.memory_space<vmem_shared>>)
        } else {
        }
        %add3A_160 = arith.constant 2 : i32
        %add3A_161 = arith.addi %mul3A_128, %add3A_160 : i32
        %dma_start3A_162 = arith.constant 0 : i32
        %dma_start3A_163 = tpu.memref_slice %arg7[%add3A_161, %dma_start3A_162] : memref<16x64xi32, #tpu.memory_space<vmem>> -> memref<1x64xi32, #tpu.memory_space<vmem>>
        %dma_start3A_164 = tpu.memref_squeeze %dma_start3A_163 : memref<1x64xi32, #tpu.memory_space<vmem>> -> memref<64xi32, #tpu.memory_space<vmem>>
        %dma_start3A_165 = arith.constant 0 : i32
        %dma_start3A_166 = arith.constant 0 : i32
        %dma_start3A_167 = tpu.memref_slice %arg2[%dma_start3A_165, %dma_start3A_166] : memref<10240x128xf32, #tpu.memory_space<hbm>> -> memref<10240x128xf32, #tpu.memory_space<hbm>>
        tpu.enqueue_indirect_dma source(%dma_start3A_167 : memref<10240x128xf32, #tpu.memory_space<hbm>>) target(%arg13 : memref<64x128xf32, #tpu.memory_space<vmem>>) offsets(%dma_start3A_164 : memref<64xi32, #tpu.memory_space<vmem>>) semaphore(%arg19 : memref<!tpu.dma_semaphore, #tpu.memory_space<semaphore_mem>>)
        %gt3A_168 = arith.constant 0 : i32
        %gt3A_169 = arith.cmpi sgt, %scan3A_125, %gt3A_168 : i32
        %convert_element_type3A_170 = arith.extui %gt3A_169 : i1 to i32
        %cond3A_171 = arith.constant 0 : i32
        %cond3A_172 = arith.cmpi ne, %convert_element_type3A_170, %cond3A_171 : i32
        scf.if %cond3A_172 {
          %dma_wait3A_238 = arith.constant 0 : i32
          %dma_wait3A_239 = arith.constant 0 : i32
          %dma_wait3A_240 = tpu.memref_slice %arg9[%dma_wait3A_238, %dma_wait3A_239] : memref<16x64xi32, #tpu.memory_space<vmem>> -> memref<1x64xi32, #tpu.memory_space<vmem>>
          %dma_wait3A_241 = tpu.memref_squeeze %dma_wait3A_240 : memref<1x64xi32, #tpu.memory_space<vmem>> -> memref<64xi32, #tpu.memory_space<vmem>>
          %dma_wait3A_242 = arith.constant 0 : i32
          %dma_wait3A_243 = arith.constant 0 : i32
          %dma_wait3A_244 = tpu.memref_slice %arg6[%dma_wait3A_242, %dma_wait3A_243] : memref<10240x128xf32, #tpu.memory_space<vmem_shared>> -> memref<10240x128xf32, #tpu.memory_space<vmem_shared>>
          tpu.wait_indirect_dma semaphore(%arg24 : memref<!tpu.dma_semaphore, #tpu.memory_space<semaphore_mem>>) src(%arg14 : memref<64x128xf32, #tpu.memory_space<vmem>>) dst(%dma_wait3A_244 : memref<10240x128xf32, #tpu.memory_space<vmem_shared>>)
        } else {
        }
        %add3A_173 = arith.constant 3 : i32
        %add3A_174 = arith.addi %mul3A_128, %add3A_173 : i32
        %dma_start3A_175 = arith.constant 0 : i32
        %dma_start3A_176 = tpu.memref_slice %arg7[%add3A_174, %dma_start3A_175] : memref<16x64xi32, #tpu.memory_space<vmem>> -> memref<1x64xi32, #tpu.memory_space<vmem>>
        %dma_start3A_177 = tpu.memref_squeeze %dma_start3A_176 : memref<1x64xi32, #tpu.memory_space<vmem>> -> memref<64xi32, #tpu.memory_space<vmem>>
        %dma_start3A_178 = arith.constant 0 : i32
        %dma_start3A_179 = arith.constant 0 : i32
        %dma_start3A_180 = tpu.memref_slice %arg2[%dma_start3A_178, %dma_start3A_179] : memref<10240x128xf32, #tpu.memory_space<hbm>> -> memref<10240x128xf32, #tpu.memory_space<hbm>>
        tpu.enqueue_indirect_dma source(%dma_start3A_180 : memref<10240x128xf32, #tpu.memory_space<hbm>>) target(%arg14 : memref<64x128xf32, #tpu.memory_space<vmem>>) offsets(%dma_start3A_177 : memref<64xi32, #tpu.memory_space<vmem>>) semaphore(%arg20 : memref<!tpu.dma_semaphore, #tpu.memory_space<semaphore_mem>>)
        %dma_wait3A_181 = arith.constant 0 : i32
        %dma_wait3A_182 = tpu.memref_slice %arg7[%add3A_135, %dma_wait3A_181] : memref<16x64xi32, #tpu.memory_space<vmem>> -> memref<1x64xi32, #tpu.memory_space<vmem>>
        %dma_wait3A_183 = tpu.memref_squeeze %dma_wait3A_182 : memref<1x64xi32, #tpu.memory_space<vmem>> -> memref<64xi32, #tpu.memory_space<vmem>>
        %dma_wait3A_184 = arith.constant 0 : i32
        %dma_wait3A_185 = arith.constant 0 : i32
        %dma_wait3A_186 = tpu.memref_slice %arg2[%dma_wait3A_184, %dma_wait3A_185] : memref<10240x128xf32, #tpu.memory_space<hbm>> -> memref<10240x128xf32, #tpu.memory_space<hbm>>
        tpu.wait_indirect_dma semaphore(%arg17 : memref<!tpu.dma_semaphore, #tpu.memory_space<semaphore_mem>>) src(%dma_wait3A_186 : memref<10240x128xf32, #tpu.memory_space<hbm>>) dst(%arg11 : memref<64x128xf32, #tpu.memory_space<vmem>>)
        %add3A_187 = arith.constant 0 : i32
        %add3A_188 = arith.addi %mul3A_128, %add3A_187 : i32
        %dma_start3A_189 = arith.constant 0 : i32
        %dma_start3A_190 = tpu.memref_slice %arg9[%add3A_188, %dma_start3A_189] : memref<16x64xi32, #tpu.memory_space<vmem>> -> memref<1x64xi32, #tpu.memory_space<vmem>>
        %dma_start3A_191 = tpu.memref_squeeze %dma_start3A_190 : memref<1x64xi32, #tpu.memory_space<vmem>> -> memref<64xi32, #tpu.memory_space<vmem>>
        %dma_start3A_192 = arith.constant 0 : i32
        %dma_start3A_193 = arith.constant 0 : i32
        %dma_start3A_194 = tpu.memref_slice %arg6[%dma_start3A_192, %dma_start3A_193] : memref<10240x128xf32, #tpu.memory_space<vmem_shared>> -> memref<10240x128xf32, #tpu.memory_space<vmem_shared>>
        tpu.enqueue_indirect_dma source(%arg11 : memref<64x128xf32, #tpu.memory_space<vmem>>) target(%dma_start3A_194 : memref<10240x128xf32, #tpu.memory_space<vmem_shared>>) offsets(%dma_start3A_191 : memref<64xi32, #tpu.memory_space<vmem>>) semaphore(%arg21 : memref<!tpu.dma_semaphore, #tpu.memory_space<semaphore_mem>>) {add = true}
        %dma_wait3A_195 = arith.constant 0 : i32
        %dma_wait3A_196 = tpu.memref_slice %arg7[%add3A_148, %dma_wait3A_195] : memref<16x64xi32, #tpu.memory_space<vmem>> -> memref<1x64xi32, #tpu.memory_space<vmem>>
        %dma_wait3A_197 = tpu.memref_squeeze %dma_wait3A_196 : memref<1x64xi32, #tpu.memory_space<vmem>> -> memref<64xi32, #tpu.memory_space<vmem>>
        %dma_wait3A_198 = arith.constant 0 : i32
        %dma_wait3A_199 = arith.constant 0 : i32
        %dma_wait3A_200 = tpu.memref_slice %arg2[%dma_wait3A_198, %dma_wait3A_199] : memref<10240x128xf32, #tpu.memory_space<hbm>> -> memref<10240x128xf32, #tpu.memory_space<hbm>>
        tpu.wait_indirect_dma semaphore(%arg18 : memref<!tpu.dma_semaphore, #tpu.memory_space<semaphore_mem>>) src(%dma_wait3A_200 : memref<10240x128xf32, #tpu.memory_space<hbm>>) dst(%arg12 : memref<64x128xf32, #tpu.memory_space<vmem>>)
        %add3A_201 = arith.constant 1 : i32
        %add3A_202 = arith.addi %mul3A_128, %add3A_201 : i32
        %dma_start3A_203 = arith.constant 0 : i32
        %dma_start3A_204 = tpu.memref_slice %arg9[%add3A_202, %dma_start3A_203] : memref<16x64xi32, #tpu.memory_space<vmem>> -> memref<1x64xi32, #tpu.memory_space<vmem>>
        %dma_start3A_205 = tpu.memref_squeeze %dma_start3A_204 : memref<1x64xi32, #tpu.memory_space<vmem>> -> memref<64xi32, #tpu.memory_space<vmem>>
        %dma_start3A_206 = arith.constant 0 : i32
        %dma_start3A_207 = arith.constant 0 : i32
        %dma_start3A_208 = tpu.memref_slice %arg6[%dma_start3A_206, %dma_start3A_207] : memref<10240x128xf32, #tpu.memory_space<vmem_shared>> -> memref<10240x128xf32, #tpu.memory_space<vmem_shared>>
        tpu.enqueue_indirect_dma source(%arg12 : memref<64x128xf32, #tpu.memory_space<vmem>>) target(%dma_start3A_208 : memref<10240x128xf32, #tpu.memory_space<vmem_shared>>) offsets(%dma_start3A_205 : memref<64xi32, #tpu.memory_space<vmem>>) semaphore(%arg22 : memref<!tpu.dma_semaphore, #tpu.memory_space<semaphore_mem>>) {add = true}
        %dma_wait3A_209 = arith.constant 0 : i32
        %dma_wait3A_210 = tpu.memref_slice %arg7[%add3A_161, %dma_wait3A_209] : memref<16x64xi32, #tpu.memory_space<vmem>> -> memref<1x64xi32, #tpu.memory_space<vmem>>
        %dma_wait3A_211 = tpu.memref_squeeze %dma_wait3A_210 : memref<1x64xi32, #tpu.memory_space<vmem>> -> memref<64xi32, #tpu.memory_space<vmem>>
        %dma_wait3A_212 = arith.constant 0 : i32
        %dma_wait3A_213 = arith.constant 0 : i32
        %dma_wait3A_214 = tpu.memref_slice %arg2[%dma_wait3A_212, %dma_wait3A_213] : memref<10240x128xf32, #tpu.memory_space<hbm>> -> memref<10240x128xf32, #tpu.memory_space<hbm>>
        tpu.wait_indirect_dma semaphore(%arg19 : memref<!tpu.dma_semaphore, #tpu.memory_space<semaphore_mem>>) src(%dma_wait3A_214 : memref<10240x128xf32, #tpu.memory_space<hbm>>) dst(%arg13 : memref<64x128xf32, #tpu.memory_space<vmem>>)
        %add3A_215 = arith.constant 2 : i32
        %add3A_216 = arith.addi %mul3A_128, %add3A_215 : i32
        %dma_start3A_217 = arith.constant 0 : i32
        %dma_start3A_218 = tpu.memref_slice %arg9[%add3A_216, %dma_start3A_217] : memref<16x64xi32, #tpu.memory_space<vmem>> -> memref<1x64xi32, #tpu.memory_space<vmem>>
        %dma_start3A_219 = tpu.memref_squeeze %dma_start3A_218 : memref<1x64xi32, #tpu.memory_space<vmem>> -> memref<64xi32, #tpu.memory_space<vmem>>
        %dma_start3A_220 = arith.constant 0 : i32
        %dma_start3A_221 = arith.constant 0 : i32
        %dma_start3A_222 = tpu.memref_slice %arg6[%dma_start3A_220, %dma_start3A_221] : memref<10240x128xf32, #tpu.memory_space<vmem_shared>> -> memref<10240x128xf32, #tpu.memory_space<vmem_shared>>
        tpu.enqueue_indirect_dma source(%arg13 : memref<64x128xf32, #tpu.memory_space<vmem>>) target(%dma_start3A_222 : memref<10240x128xf32, #tpu.memory_space<vmem_shared>>) offsets(%dma_start3A_219 : memref<64xi32, #tpu.memory_space<vmem>>) semaphore(%arg23 : memref<!tpu.dma_semaphore, #tpu.memory_space<semaphore_mem>>) {add = true}
        %dma_wait3A_223 = arith.constant 0 : i32
        %dma_wait3A_224 = tpu.memref_slice %arg7[%add3A_174, %dma_wait3A_223] : memref<16x64xi32, #tpu.memory_space<vmem>> -> memref<1x64xi32, #tpu.memory_space<vmem>>
        %dma_wait3A_225 = tpu.memref_squeeze %dma_wait3A_224 : memref<1x64xi32, #tpu.memory_space<vmem>> -> memref<64xi32, #tpu.memory_space<vmem>>
        %dma_wait3A_226 = arith.constant 0 : i32
        %dma_wait3A_227 = arith.constant 0 : i32
        %dma_wait3A_228 = tpu.memref_slice %arg2[%dma_wait3A_226, %dma_wait3A_227] : memref<10240x128xf32, #tpu.memory_space<hbm>> -> memref<10240x128xf32, #tpu.memory_space<hbm>>
        tpu.wait_indirect_dma semaphore(%arg20 : memref<!tpu.dma_semaphore, #tpu.memory_space<semaphore_mem>>) src(%dma_wait3A_228 : memref<10240x128xf32, #tpu.memory_space<hbm>>) dst(%arg14 : memref<64x128xf32, #tpu.memory_space<vmem>>)
        %add3A_229 = arith.constant 3 : i32
        %add3A_230 = arith.addi %mul3A_128, %add3A_229 : i32
        %dma_start3A_231 = arith.constant 0 : i32
        %dma_start3A_232 = tpu.memref_slice %arg9[%add3A_230, %dma_start3A_231] : memref<16x64xi32, #tpu.memory_space<vmem>> -> memref<1x64xi32, #tpu.memory_space<vmem>>
        %dma_start3A_233 = tpu.memref_squeeze %dma_start3A_232 : memref<1x64xi32, #tpu.memory_space<vmem>> -> memref<64xi32, #tpu.memory_space<vmem>>
        %dma_start3A_234 = arith.constant 0 : i32
        %dma_start3A_235 = arith.constant 0 : i32
        %dma_start3A_236 = tpu.memref_slice %arg6[%dma_start3A_234, %dma_start3A_235] : memref<10240x128xf32, #tpu.memory_space<vmem_shared>> -> memref<10240x128xf32, #tpu.memory_space<vmem_shared>>
        tpu.enqueue_indirect_dma source(%arg14 : memref<64x128xf32, #tpu.memory_space<vmem>>) target(%dma_start3A_236 : memref<10240x128xf32, #tpu.memory_space<vmem_shared>>) offsets(%dma_start3A_233 : memref<64xi32, #tpu.memory_space<vmem>>) semaphore(%arg24 : memref<!tpu.dma_semaphore, #tpu.memory_space<semaphore_mem>>) {add = true}
        %scan3A_237 = arith.constant 0 : i32
        scf.yield %scan3A_237 : i32
      }
      %scan3A_90 = arith.constant 4 : i32
      %mul3A_91 = arith.constant 2 : i32
      %mul3A_92 = arith.muli %scan3A_62, %mul3A_91 : i32
      %add3A_93 = arith.constant 1 : i32
      %add3A_94 = arith.addi %mul3A_92, %add3A_93 : i32
      %dma_wait3A_95 = arith.constant 0 : i32
      %dma_wait3A_96 = arith.constant 0 : i32
      %dma_wait3A_97 = tpu.memref_slice %arg3[%dma_wait3A_95, %dma_wait3A_96] : memref<5120x64xi32, #tpu.memory_space<hbm>> -> memref<16x64xi32, #tpu.memory_space<hbm>>
      %dma_wait3A_98 = arith.constant 0 : i32
      %dma_wait3A_99 = arith.constant 0 : i32
      %dma_wait3A_100 = tpu.memref_slice %arg3[%dma_wait3A_98, %dma_wait3A_99] : memref<5120x64xi32, #tpu.memory_space<hbm>> -> memref<16x64xi32, #tpu.memory_space<hbm>>
      tpu.wait_dma2 semaphore(%arg16 : memref<!tpu.dma_semaphore, #tpu.memory_space<semaphore_mem>>) src(%dma_wait3A_100 : memref<16x64xi32, #tpu.memory_space<hbm>>) dst(%arg8 : memref<16x64xi32, #tpu.memory_space<vmem>>)
      %dma_wait3A_101 = arith.constant 0 : i32
      %dma_wait3A_102 = arith.constant 0 : i32
      %dma_wait3A_103 = tpu.memref_slice %arg4[%dma_wait3A_101, %dma_wait3A_102] : memref<5120x64xi32, #tpu.memory_space<hbm>> -> memref<16x64xi32, #tpu.memory_space<hbm>>
      %dma_wait3A_104 = arith.constant 0 : i32
      %dma_wait3A_105 = arith.constant 0 : i32
      %dma_wait3A_106 = tpu.memref_slice %arg4[%dma_wait3A_104, %dma_wait3A_105] : memref<5120x64xi32, #tpu.memory_space<hbm>> -> memref<16x64xi32, #tpu.memory_space<hbm>>
      tpu.wait_dma2 semaphore(%arg16 : memref<!tpu.dma_semaphore, #tpu.memory_space<semaphore_mem>>) src(%dma_wait3A_106 : memref<16x64xi32, #tpu.memory_space<hbm>>) dst(%arg10 : memref<16x64xi32, #tpu.memory_space<vmem>>)
      %gt3A_107 = arith.constant 0 : i32
      %gt3A_108 = arith.cmpi sgt, %add3A_94, %gt3A_107 : i32
      %convert_element_type3A_109 = arith.extui %gt3A_108 : i1 to i32
      %cond3A_110 = arith.constant 0 : i32
      %cond3A_111 = arith.cmpi ne, %convert_element_type3A_109, %cond3A_110 : i32
      scf.if %cond3A_111 {
        %dma_wait3A_125 = arith.constant 0 : i32
        %dma_wait3A_126 = arith.constant 0 : i32
        %dma_wait3A_127 = tpu.memref_slice %arg9[%dma_wait3A_125, %dma_wait3A_126] : memref<16x64xi32, #tpu.memory_space<vmem>> -> memref<1x64xi32, #tpu.memory_space<vmem>>
        %dma_wait3A_128 = tpu.memref_squeeze %dma_wait3A_127 : memref<1x64xi32, #tpu.memory_space<vmem>> -> memref<64xi32, #tpu.memory_space<vmem>>
        %dma_wait3A_129 = arith.constant 0 : i32
        %dma_wait3A_130 = arith.constant 0 : i32
        %dma_wait3A_131 = tpu.memref_slice %arg6[%dma_wait3A_129, %dma_wait3A_130] : memref<10240x128xf32, #tpu.memory_space<vmem_shared>> -> memref<10240x128xf32, #tpu.memory_space<vmem_shared>>
        tpu.wait_indirect_dma semaphore(%arg21 : memref<!tpu.dma_semaphore, #tpu.memory_space<semaphore_mem>>) src(%arg11 : memref<64x128xf32, #tpu.memory_space<vmem>>) dst(%dma_wait3A_131 : memref<10240x128xf32, #tpu.memory_space<vmem_shared>>)
        %dma_wait3A_132 = arith.constant 0 : i32
        %dma_wait3A_133 = arith.constant 0 : i32
        %dma_wait3A_134 = tpu.memref_slice %arg9[%dma_wait3A_132, %dma_wait3A_133] : memref<16x64xi32, #tpu.memory_space<vmem>> -> memref<1x64xi32, #tpu.memory_space<vmem>>
        %dma_wait3A_135 = tpu.memref_squeeze %dma_wait3A_134 : memref<1x64xi32, #tpu.memory_space<vmem>> -> memref<64xi32, #tpu.memory_space<vmem>>
        %dma_wait3A_136 = arith.constant 0 : i32
        %dma_wait3A_137 = arith.constant 0 : i32
        %dma_wait3A_138 = tpu.memref_slice %arg6[%dma_wait3A_136, %dma_wait3A_137] : memref<10240x128xf32, #tpu.memory_space<vmem_shared>> -> memref<10240x128xf32, #tpu.memory_space<vmem_shared>>
        tpu.wait_indirect_dma semaphore(%arg22 : memref<!tpu.dma_semaphore, #tpu.memory_space<semaphore_mem>>) src(%arg12 : memref<64x128xf32, #tpu.memory_space<vmem>>) dst(%dma_wait3A_138 : memref<10240x128xf32, #tpu.memory_space<vmem_shared>>)
        %dma_wait3A_139 = arith.constant 0 : i32
        %dma_wait3A_140 = arith.constant 0 : i32
        %dma_wait3A_141 = tpu.memref_slice %arg9[%dma_wait3A_139, %dma_wait3A_140] : memref<16x64xi32, #tpu.memory_space<vmem>> -> memref<1x64xi32, #tpu.memory_space<vmem>>
        %dma_wait3A_142 = tpu.memref_squeeze %dma_wait3A_141 : memref<1x64xi32, #tpu.memory_space<vmem>> -> memref<64xi32, #tpu.memory_space<vmem>>
        %dma_wait3A_143 = arith.constant 0 : i32
        %dma_wait3A_144 = arith.constant 0 : i32
        %dma_wait3A_145 = tpu.memref_slice %arg6[%dma_wait3A_143, %dma_wait3A_144] : memref<10240x128xf32, #tpu.memory_space<vmem_shared>> -> memref<10240x128xf32, #tpu.memory_space<vmem_shared>>
        tpu.wait_indirect_dma semaphore(%arg23 : memref<!tpu.dma_semaphore, #tpu.memory_space<semaphore_mem>>) src(%arg13 : memref<64x128xf32, #tpu.memory_space<vmem>>) dst(%dma_wait3A_145 : memref<10240x128xf32, #tpu.memory_space<vmem_shared>>)
        %dma_wait3A_146 = arith.constant 0 : i32
        %dma_wait3A_147 = arith.constant 0 : i32
        %dma_wait3A_148 = tpu.memref_slice %arg9[%dma_wait3A_146, %dma_wait3A_147] : memref<16x64xi32, #tpu.memory_space<vmem>> -> memref<1x64xi32, #tpu.memory_space<vmem>>
        %dma_wait3A_149 = tpu.memref_squeeze %dma_wait3A_148 : memref<1x64xi32, #tpu.memory_space<vmem>> -> memref<64xi32, #tpu.memory_space<vmem>>
        %dma_wait3A_150 = arith.constant 0 : i32
        %dma_wait3A_151 = arith.constant 0 : i32
        %dma_wait3A_152 = tpu.memref_slice %arg6[%dma_wait3A_150, %dma_wait3A_151] : memref<10240x128xf32, #tpu.memory_space<vmem_shared>> -> memref<10240x128xf32, #tpu.memory_space<vmem_shared>>
        tpu.wait_indirect_dma semaphore(%arg24 : memref<!tpu.dma_semaphore, #tpu.memory_space<semaphore_mem>>) src(%arg14 : memref<64x128xf32, #tpu.memory_space<vmem>>) dst(%dma_wait3A_152 : memref<10240x128xf32, #tpu.memory_space<vmem_shared>>)
      } else {
      }
      %lt3A_112 = arith.constant 9 : i32
      %lt3A_113 = arith.cmpi slt, %add3A_94, %lt3A_112 : i32
      %convert_element_type3A_114 = arith.extui %lt3A_113 : i1 to i32
      %cond3A_115 = arith.constant 0 : i32
      %cond3A_116 = arith.cmpi ne, %convert_element_type3A_114, %cond3A_115 : i32
      scf.if %cond3A_116 {
        %add3A_125 = arith.constant 1 : i32
        %add3A_126 = arith.addi %add3A_94, %add3A_125 : i32
        %mul3A_127 = arith.constant 16 : i32
        %mul3A_128 = arith.muli %add3A_126, %mul3A_127 : i32
        %add3A_129 = arith.addi %mul3A_2, %mul3A_128 : i32
        %multiple_of3A_130 = tpu.assume_multiple %add3A_129, 8 : i32
        %dma_start3A_131 = arith.constant 0 : i32
        %dma_start3A_132 = tpu.memref_slice %arg3[%multiple_of3A_130, %dma_start3A_131] : memref<5120x64xi32, #tpu.memory_space<hbm>> -> memref<16x64xi32, #tpu.memory_space<hbm>>
        %dma_start3A_133 = arith.constant 0 : i32
        %dma_start3A_134 = tpu.memref_slice %arg3[%multiple_of3A_130, %dma_start3A_133] : memref<5120x64xi32, #tpu.memory_space<hbm>> -> memref<16x64xi32, #tpu.memory_space<hbm>>
        tpu.enqueue_dma source(%dma_start3A_134 : memref<16x64xi32, #tpu.memory_space<hbm>>) target(%arg7 : memref<16x64xi32, #tpu.memory_space<vmem>>) target_semaphore(%arg15 : memref<!tpu.dma_semaphore, #tpu.memory_space<semaphore_mem>>)
        %dma_start3A_135 = arith.constant 0 : i32
        %dma_start3A_136 = tpu.memref_slice %arg4[%multiple_of3A_130, %dma_start3A_135] : memref<5120x64xi32, #tpu.memory_space<hbm>> -> memref<16x64xi32, #tpu.memory_space<hbm>>
        %dma_start3A_137 = arith.constant 0 : i32
        %dma_start3A_138 = tpu.memref_slice %arg4[%multiple_of3A_130, %dma_start3A_137] : memref<5120x64xi32, #tpu.memory_space<hbm>> -> memref<16x64xi32, #tpu.memory_space<hbm>>
        tpu.enqueue_dma source(%dma_start3A_138 : memref<16x64xi32, #tpu.memory_space<hbm>>) target(%arg9 : memref<16x64xi32, #tpu.memory_space<vmem>>) target_semaphore(%arg15 : memref<!tpu.dma_semaphore, #tpu.memory_space<semaphore_mem>>)
      } else {
      }
      %scan3A_117 = arith.constant 0 : i32
      %scan3A_118 = arith.constant 0 : i32
      %scan3A_119 = arith.constant 4 : i32
      %scan3A_120 = arith.addi %scan3A_118, %scan3A_119 : i32
      %scan3A_121 = arith.constant 1 : i32
      %scan3A_122 = scf.for %scan3A_125 = %scan3A_118 to %scan3A_120 step %scan3A_121 iter_args(%scan3A_126 = %scan3A_117) -> (i32)  : i32 {
        %mul3A_127 = arith.constant 4 : i32
        %mul3A_128 = arith.muli %scan3A_125, %mul3A_127 : i32
        %gt3A_129 = arith.constant 0 : i32
        %gt3A_130 = arith.cmpi sgt, %scan3A_125, %gt3A_129 : i32
        %convert_element_type3A_131 = arith.extui %gt3A_130 : i1 to i32
        %cond3A_132 = arith.constant 0 : i32
        %cond3A_133 = arith.cmpi ne, %convert_element_type3A_131, %cond3A_132 : i32
        scf.if %cond3A_133 {
          %dma_wait3A_238 = arith.constant 0 : i32
          %dma_wait3A_239 = arith.constant 0 : i32
          %dma_wait3A_240 = tpu.memref_slice %arg10[%dma_wait3A_238, %dma_wait3A_239] : memref<16x64xi32, #tpu.memory_space<vmem>> -> memref<1x64xi32, #tpu.memory_space<vmem>>
          %dma_wait3A_241 = tpu.memref_squeeze %dma_wait3A_240 : memref<1x64xi32, #tpu.memory_space<vmem>> -> memref<64xi32, #tpu.memory_space<vmem>>
          %dma_wait3A_242 = arith.constant 0 : i32
          %dma_wait3A_243 = arith.constant 0 : i32
          %dma_wait3A_244 = tpu.memref_slice %arg6[%dma_wait3A_242, %dma_wait3A_243] : memref<10240x128xf32, #tpu.memory_space<vmem_shared>> -> memref<10240x128xf32, #tpu.memory_space<vmem_shared>>
          tpu.wait_indirect_dma semaphore(%arg21 : memref<!tpu.dma_semaphore, #tpu.memory_space<semaphore_mem>>) src(%arg11 : memref<64x128xf32, #tpu.memory_space<vmem>>) dst(%dma_wait3A_244 : memref<10240x128xf32, #tpu.memory_space<vmem_shared>>)
        } else {
        }
        %add3A_134 = arith.constant 0 : i32
        %add3A_135 = arith.addi %mul3A_128, %add3A_134 : i32
        %dma_start3A_136 = arith.constant 0 : i32
        %dma_start3A_137 = tpu.memref_slice %arg8[%add3A_135, %dma_start3A_136] : memref<16x64xi32, #tpu.memory_space<vmem>> -> memref<1x64xi32, #tpu.memory_space<vmem>>
        %dma_start3A_138 = tpu.memref_squeeze %dma_start3A_137 : memref<1x64xi32, #tpu.memory_space<vmem>> -> memref<64xi32, #tpu.memory_space<vmem>>
        %dma_start3A_139 = arith.constant 0 : i32
        %dma_start3A_140 = arith.constant 0 : i32
        %dma_start3A_141 = tpu.memref_slice %arg2[%dma_start3A_139, %dma_start3A_140] : memref<10240x128xf32, #tpu.memory_space<hbm>> -> memref<10240x128xf32, #tpu.memory_space<hbm>>
        tpu.enqueue_indirect_dma source(%dma_start3A_141 : memref<10240x128xf32, #tpu.memory_space<hbm>>) target(%arg11 : memref<64x128xf32, #tpu.memory_space<vmem>>) offsets(%dma_start3A_138 : memref<64xi32, #tpu.memory_space<vmem>>) semaphore(%arg17 : memref<!tpu.dma_semaphore, #tpu.memory_space<semaphore_mem>>)
        %gt3A_142 = arith.constant 0 : i32
        %gt3A_143 = arith.cmpi sgt, %scan3A_125, %gt3A_142 : i32
        %convert_element_type3A_144 = arith.extui %gt3A_143 : i1 to i32
        %cond3A_145 = arith.constant 0 : i32
        %cond3A_146 = arith.cmpi ne, %convert_element_type3A_144, %cond3A_145 : i32
        scf.if %cond3A_146 {
          %dma_wait3A_238 = arith.constant 0 : i32
          %dma_wait3A_239 = arith.constant 0 : i32
          %dma_wait3A_240 = tpu.memref_slice %arg10[%dma_wait3A_238, %dma_wait3A_239] : memref<16x64xi32, #tpu.memory_space<vmem>> -> memref<1x64xi32, #tpu.memory_space<vmem>>
          %dma_wait3A_241 = tpu.memref_squeeze %dma_wait3A_240 : memref<1x64xi32, #tpu.memory_space<vmem>> -> memref<64xi32, #tpu.memory_space<vmem>>
          %dma_wait3A_242 = arith.constant 0 : i32
          %dma_wait3A_243 = arith.constant 0 : i32
          %dma_wait3A_244 = tpu.memref_slice %arg6[%dma_wait3A_242, %dma_wait3A_243] : memref<10240x128xf32, #tpu.memory_space<vmem_shared>> -> memref<10240x128xf32, #tpu.memory_space<vmem_shared>>
          tpu.wait_indirect_dma semaphore(%arg22 : memref<!tpu.dma_semaphore, #tpu.memory_space<semaphore_mem>>) src(%arg12 : memref<64x128xf32, #tpu.memory_space<vmem>>) dst(%dma_wait3A_244 : memref<10240x128xf32, #tpu.memory_space<vmem_shared>>)
        } else {
        }
        %add3A_147 = arith.constant 1 : i32
        %add3A_148 = arith.addi %mul3A_128, %add3A_147 : i32
        %dma_start3A_149 = arith.constant 0 : i32
        %dma_start3A_150 = tpu.memref_slice %arg8[%add3A_148, %dma_start3A_149] : memref<16x64xi32, #tpu.memory_space<vmem>> -> memref<1x64xi32, #tpu.memory_space<vmem>>
        %dma_start3A_151 = tpu.memref_squeeze %dma_start3A_150 : memref<1x64xi32, #tpu.memory_space<vmem>> -> memref<64xi32, #tpu.memory_space<vmem>>
        %dma_start3A_152 = arith.constant 0 : i32
        %dma_start3A_153 = arith.constant 0 : i32
        %dma_start3A_154 = tpu.memref_slice %arg2[%dma_start3A_152, %dma_start3A_153] : memref<10240x128xf32, #tpu.memory_space<hbm>> -> memref<10240x128xf32, #tpu.memory_space<hbm>>
        tpu.enqueue_indirect_dma source(%dma_start3A_154 : memref<10240x128xf32, #tpu.memory_space<hbm>>) target(%arg12 : memref<64x128xf32, #tpu.memory_space<vmem>>) offsets(%dma_start3A_151 : memref<64xi32, #tpu.memory_space<vmem>>) semaphore(%arg18 : memref<!tpu.dma_semaphore, #tpu.memory_space<semaphore_mem>>)
        %gt3A_155 = arith.constant 0 : i32
        %gt3A_156 = arith.cmpi sgt, %scan3A_125, %gt3A_155 : i32
        %convert_element_type3A_157 = arith.extui %gt3A_156 : i1 to i32
        %cond3A_158 = arith.constant 0 : i32
        %cond3A_159 = arith.cmpi ne, %convert_element_type3A_157, %cond3A_158 : i32
        scf.if %cond3A_159 {
          %dma_wait3A_238 = arith.constant 0 : i32
          %dma_wait3A_239 = arith.constant 0 : i32
          %dma_wait3A_240 = tpu.memref_slice %arg10[%dma_wait3A_238, %dma_wait3A_239] : memref<16x64xi32, #tpu.memory_space<vmem>> -> memref<1x64xi32, #tpu.memory_space<vmem>>
          %dma_wait3A_241 = tpu.memref_squeeze %dma_wait3A_240 : memref<1x64xi32, #tpu.memory_space<vmem>> -> memref<64xi32, #tpu.memory_space<vmem>>
          %dma_wait3A_242 = arith.constant 0 : i32
          %dma_wait3A_243 = arith.constant 0 : i32
          %dma_wait3A_244 = tpu.memref_slice %arg6[%dma_wait3A_242, %dma_wait3A_243] : memref<10240x128xf32, #tpu.memory_space<vmem_shared>> -> memref<10240x128xf32, #tpu.memory_space<vmem_shared>>
          tpu.wait_indirect_dma semaphore(%arg23 : memref<!tpu.dma_semaphore, #tpu.memory_space<semaphore_mem>>) src(%arg13 : memref<64x128xf32, #tpu.memory_space<vmem>>) dst(%dma_wait3A_244 : memref<10240x128xf32, #tpu.memory_space<vmem_shared>>)
        } else {
        }
        %add3A_160 = arith.constant 2 : i32
        %add3A_161 = arith.addi %mul3A_128, %add3A_160 : i32
        %dma_start3A_162 = arith.constant 0 : i32
        %dma_start3A_163 = tpu.memref_slice %arg8[%add3A_161, %dma_start3A_162] : memref<16x64xi32, #tpu.memory_space<vmem>> -> memref<1x64xi32, #tpu.memory_space<vmem>>
        %dma_start3A_164 = tpu.memref_squeeze %dma_start3A_163 : memref<1x64xi32, #tpu.memory_space<vmem>> -> memref<64xi32, #tpu.memory_space<vmem>>
        %dma_start3A_165 = arith.constant 0 : i32
        %dma_start3A_166 = arith.constant 0 : i32
        %dma_start3A_167 = tpu.memref_slice %arg2[%dma_start3A_165, %dma_start3A_166] : memref<10240x128xf32, #tpu.memory_space<hbm>> -> memref<10240x128xf32, #tpu.memory_space<hbm>>
        tpu.enqueue_indirect_dma source(%dma_start3A_167 : memref<10240x128xf32, #tpu.memory_space<hbm>>) target(%arg13 : memref<64x128xf32, #tpu.memory_space<vmem>>) offsets(%dma_start3A_164 : memref<64xi32, #tpu.memory_space<vmem>>) semaphore(%arg19 : memref<!tpu.dma_semaphore, #tpu.memory_space<semaphore_mem>>)
        %gt3A_168 = arith.constant 0 : i32
        %gt3A_169 = arith.cmpi sgt, %scan3A_125, %gt3A_168 : i32
        %convert_element_type3A_170 = arith.extui %gt3A_169 : i1 to i32
        %cond3A_171 = arith.constant 0 : i32
        %cond3A_172 = arith.cmpi ne, %convert_element_type3A_170, %cond3A_171 : i32
        scf.if %cond3A_172 {
          %dma_wait3A_238 = arith.constant 0 : i32
          %dma_wait3A_239 = arith.constant 0 : i32
          %dma_wait3A_240 = tpu.memref_slice %arg10[%dma_wait3A_238, %dma_wait3A_239] : memref<16x64xi32, #tpu.memory_space<vmem>> -> memref<1x64xi32, #tpu.memory_space<vmem>>
          %dma_wait3A_241 = tpu.memref_squeeze %dma_wait3A_240 : memref<1x64xi32, #tpu.memory_space<vmem>> -> memref<64xi32, #tpu.memory_space<vmem>>
          %dma_wait3A_242 = arith.constant 0 : i32
          %dma_wait3A_243 = arith.constant 0 : i32
          %dma_wait3A_244 = tpu.memref_slice %arg6[%dma_wait3A_242, %dma_wait3A_243] : memref<10240x128xf32, #tpu.memory_space<vmem_shared>> -> memref<10240x128xf32, #tpu.memory_space<vmem_shared>>
          tpu.wait_indirect_dma semaphore(%arg24 : memref<!tpu.dma_semaphore, #tpu.memory_space<semaphore_mem>>) src(%arg14 : memref<64x128xf32, #tpu.memory_space<vmem>>) dst(%dma_wait3A_244 : memref<10240x128xf32, #tpu.memory_space<vmem_shared>>)
        } else {
        }
        %add3A_173 = arith.constant 3 : i32
        %add3A_174 = arith.addi %mul3A_128, %add3A_173 : i32
        %dma_start3A_175 = arith.constant 0 : i32
        %dma_start3A_176 = tpu.memref_slice %arg8[%add3A_174, %dma_start3A_175] : memref<16x64xi32, #tpu.memory_space<vmem>> -> memref<1x64xi32, #tpu.memory_space<vmem>>
        %dma_start3A_177 = tpu.memref_squeeze %dma_start3A_176 : memref<1x64xi32, #tpu.memory_space<vmem>> -> memref<64xi32, #tpu.memory_space<vmem>>
        %dma_start3A_178 = arith.constant 0 : i32
        %dma_start3A_179 = arith.constant 0 : i32
        %dma_start3A_180 = tpu.memref_slice %arg2[%dma_start3A_178, %dma_start3A_179] : memref<10240x128xf32, #tpu.memory_space<hbm>> -> memref<10240x128xf32, #tpu.memory_space<hbm>>
        tpu.enqueue_indirect_dma source(%dma_start3A_180 : memref<10240x128xf32, #tpu.memory_space<hbm>>) target(%arg14 : memref<64x128xf32, #tpu.memory_space<vmem>>) offsets(%dma_start3A_177 : memref<64xi32, #tpu.memory_space<vmem>>) semaphore(%arg20 : memref<!tpu.dma_semaphore, #tpu.memory_space<semaphore_mem>>)
        %dma_wait3A_181 = arith.constant 0 : i32
        %dma_wait3A_182 = tpu.memref_slice %arg8[%add3A_135, %dma_wait3A_181] : memref<16x64xi32, #tpu.memory_space<vmem>> -> memref<1x64xi32, #tpu.memory_space<vmem>>
        %dma_wait3A_183 = tpu.memref_squeeze %dma_wait3A_182 : memref<1x64xi32, #tpu.memory_space<vmem>> -> memref<64xi32, #tpu.memory_space<vmem>>
        %dma_wait3A_184 = arith.constant 0 : i32
        %dma_wait3A_185 = arith.constant 0 : i32
        %dma_wait3A_186 = tpu.memref_slice %arg2[%dma_wait3A_184, %dma_wait3A_185] : memref<10240x128xf32, #tpu.memory_space<hbm>> -> memref<10240x128xf32, #tpu.memory_space<hbm>>
        tpu.wait_indirect_dma semaphore(%arg17 : memref<!tpu.dma_semaphore, #tpu.memory_space<semaphore_mem>>) src(%dma_wait3A_186 : memref<10240x128xf32, #tpu.memory_space<hbm>>) dst(%arg11 : memref<64x128xf32, #tpu.memory_space<vmem>>)
        %add3A_187 = arith.constant 0 : i32
        %add3A_188 = arith.addi %mul3A_128, %add3A_187 : i32
        %dma_start3A_189 = arith.constant 0 : i32
        %dma_start3A_190 = tpu.memref_slice %arg10[%add3A_188, %dma_start3A_189] : memref<16x64xi32, #tpu.memory_space<vmem>> -> memref<1x64xi32, #tpu.memory_space<vmem>>
        %dma_start3A_191 = tpu.memref_squeeze %dma_start3A_190 : memref<1x64xi32, #tpu.memory_space<vmem>> -> memref<64xi32, #tpu.memory_space<vmem>>
        %dma_start3A_192 = arith.constant 0 : i32
        %dma_start3A_193 = arith.constant 0 : i32
        %dma_start3A_194 = tpu.memref_slice %arg6[%dma_start3A_192, %dma_start3A_193] : memref<10240x128xf32, #tpu.memory_space<vmem_shared>> -> memref<10240x128xf32, #tpu.memory_space<vmem_shared>>
        tpu.enqueue_indirect_dma source(%arg11 : memref<64x128xf32, #tpu.memory_space<vmem>>) target(%dma_start3A_194 : memref<10240x128xf32, #tpu.memory_space<vmem_shared>>) offsets(%dma_start3A_191 : memref<64xi32, #tpu.memory_space<vmem>>) semaphore(%arg21 : memref<!tpu.dma_semaphore, #tpu.memory_space<semaphore_mem>>) {add = true}
        %dma_wait3A_195 = arith.constant 0 : i32
        %dma_wait3A_196 = tpu.memref_slice %arg8[%add3A_148, %dma_wait3A_195] : memref<16x64xi32, #tpu.memory_space<vmem>> -> memref<1x64xi32, #tpu.memory_space<vmem>>
        %dma_wait3A_197 = tpu.memref_squeeze %dma_wait3A_196 : memref<1x64xi32, #tpu.memory_space<vmem>> -> memref<64xi32, #tpu.memory_space<vmem>>
        %dma_wait3A_198 = arith.constant 0 : i32
        %dma_wait3A_199 = arith.constant 0 : i32
        %dma_wait3A_200 = tpu.memref_slice %arg2[%dma_wait3A_198, %dma_wait3A_199] : memref<10240x128xf32, #tpu.memory_space<hbm>> -> memref<10240x128xf32, #tpu.memory_space<hbm>>
        tpu.wait_indirect_dma semaphore(%arg18 : memref<!tpu.dma_semaphore, #tpu.memory_space<semaphore_mem>>) src(%dma_wait3A_200 : memref<10240x128xf32, #tpu.memory_space<hbm>>) dst(%arg12 : memref<64x128xf32, #tpu.memory_space<vmem>>)
        %add3A_201 = arith.constant 1 : i32
        %add3A_202 = arith.addi %mul3A_128, %add3A_201 : i32
        %dma_start3A_203 = arith.constant 0 : i32
        %dma_start3A_204 = tpu.memref_slice %arg10[%add3A_202, %dma_start3A_203] : memref<16x64xi32, #tpu.memory_space<vmem>> -> memref<1x64xi32, #tpu.memory_space<vmem>>
        %dma_start3A_205 = tpu.memref_squeeze %dma_start3A_204 : memref<1x64xi32, #tpu.memory_space<vmem>> -> memref<64xi32, #tpu.memory_space<vmem>>
        %dma_start3A_206 = arith.constant 0 : i32
        %dma_start3A_207 = arith.constant 0 : i32
        %dma_start3A_208 = tpu.memref_slice %arg6[%dma_start3A_206, %dma_start3A_207] : memref<10240x128xf32, #tpu.memory_space<vmem_shared>> -> memref<10240x128xf32, #tpu.memory_space<vmem_shared>>
        tpu.enqueue_indirect_dma source(%arg12 : memref<64x128xf32, #tpu.memory_space<vmem>>) target(%dma_start3A_208 : memref<10240x128xf32, #tpu.memory_space<vmem_shared>>) offsets(%dma_start3A_205 : memref<64xi32, #tpu.memory_space<vmem>>) semaphore(%arg22 : memref<!tpu.dma_semaphore, #tpu.memory_space<semaphore_mem>>) {add = true}
        %dma_wait3A_209 = arith.constant 0 : i32
        %dma_wait3A_210 = tpu.memref_slice %arg8[%add3A_161, %dma_wait3A_209] : memref<16x64xi32, #tpu.memory_space<vmem>> -> memref<1x64xi32, #tpu.memory_space<vmem>>
        %dma_wait3A_211 = tpu.memref_squeeze %dma_wait3A_210 : memref<1x64xi32, #tpu.memory_space<vmem>> -> memref<64xi32, #tpu.memory_space<vmem>>
        %dma_wait3A_212 = arith.constant 0 : i32
        %dma_wait3A_213 = arith.constant 0 : i32
        %dma_wait3A_214 = tpu.memref_slice %arg2[%dma_wait3A_212, %dma_wait3A_213] : memref<10240x128xf32, #tpu.memory_space<hbm>> -> memref<10240x128xf32, #tpu.memory_space<hbm>>
        tpu.wait_indirect_dma semaphore(%arg19 : memref<!tpu.dma_semaphore, #tpu.memory_space<semaphore_mem>>) src(%dma_wait3A_214 : memref<10240x128xf32, #tpu.memory_space<hbm>>) dst(%arg13 : memref<64x128xf32, #tpu.memory_space<vmem>>)
        %add3A_215 = arith.constant 2 : i32
        %add3A_216 = arith.addi %mul3A_128, %add3A_215 : i32
        %dma_start3A_217 = arith.constant 0 : i32
        %dma_start3A_218 = tpu.memref_slice %arg10[%add3A_216, %dma_start3A_217] : memref<16x64xi32, #tpu.memory_space<vmem>> -> memref<1x64xi32, #tpu.memory_space<vmem>>
        %dma_start3A_219 = tpu.memref_squeeze %dma_start3A_218 : memref<1x64xi32, #tpu.memory_space<vmem>> -> memref<64xi32, #tpu.memory_space<vmem>>
        %dma_start3A_220 = arith.constant 0 : i32
        %dma_start3A_221 = arith.constant 0 : i32
        %dma_start3A_222 = tpu.memref_slice %arg6[%dma_start3A_220, %dma_start3A_221] : memref<10240x128xf32, #tpu.memory_space<vmem_shared>> -> memref<10240x128xf32, #tpu.memory_space<vmem_shared>>
        tpu.enqueue_indirect_dma source(%arg13 : memref<64x128xf32, #tpu.memory_space<vmem>>) target(%dma_start3A_222 : memref<10240x128xf32, #tpu.memory_space<vmem_shared>>) offsets(%dma_start3A_219 : memref<64xi32, #tpu.memory_space<vmem>>) semaphore(%arg23 : memref<!tpu.dma_semaphore, #tpu.memory_space<semaphore_mem>>) {add = true}
        %dma_wait3A_223 = arith.constant 0 : i32
        %dma_wait3A_224 = tpu.memref_slice %arg8[%add3A_174, %dma_wait3A_223] : memref<16x64xi32, #tpu.memory_space<vmem>> -> memref<1x64xi32, #tpu.memory_space<vmem>>
        %dma_wait3A_225 = tpu.memref_squeeze %dma_wait3A_224 : memref<1x64xi32, #tpu.memory_space<vmem>> -> memref<64xi32, #tpu.memory_space<vmem>>
        %dma_wait3A_226 = arith.constant 0 : i32
        %dma_wait3A_227 = arith.constant 0 : i32
        %dma_wait3A_228 = tpu.memref_slice %arg2[%dma_wait3A_226, %dma_wait3A_227] : memref<10240x128xf32, #tpu.memory_space<hbm>> -> memref<10240x128xf32, #tpu.memory_space<hbm>>
        tpu.wait_indirect_dma semaphore(%arg20 : memref<!tpu.dma_semaphore, #tpu.memory_space<semaphore_mem>>) src(%dma_wait3A_228 : memref<10240x128xf32, #tpu.memory_space<hbm>>) dst(%arg14 : memref<64x128xf32, #tpu.memory_space<vmem>>)
        %add3A_229 = arith.constant 3 : i32
        %add3A_230 = arith.addi %mul3A_128, %add3A_229 : i32
        %dma_start3A_231 = arith.constant 0 : i32
        %dma_start3A_232 = tpu.memref_slice %arg10[%add3A_230, %dma_start3A_231] : memref<16x64xi32, #tpu.memory_space<vmem>> -> memref<1x64xi32, #tpu.memory_space<vmem>>
        %dma_start3A_233 = tpu.memref_squeeze %dma_start3A_232 : memref<1x64xi32, #tpu.memory_space<vmem>> -> memref<64xi32, #tpu.memory_space<vmem>>
        %dma_start3A_234 = arith.constant 0 : i32
        %dma_start3A_235 = arith.constant 0 : i32
        %dma_start3A_236 = tpu.memref_slice %arg6[%dma_start3A_234, %dma_start3A_235] : memref<10240x128xf32, #tpu.memory_space<vmem_shared>> -> memref<10240x128xf32, #tpu.memory_space<vmem_shared>>
        tpu.enqueue_indirect_dma source(%arg14 : memref<64x128xf32, #tpu.memory_space<vmem>>) target(%dma_start3A_236 : memref<10240x128xf32, #tpu.memory_space<vmem_shared>>) offsets(%dma_start3A_233 : memref<64xi32, #tpu.memory_space<vmem>>) semaphore(%arg24 : memref<!tpu.dma_semaphore, #tpu.memory_space<semaphore_mem>>) {add = true}
        %scan3A_237 = arith.constant 0 : i32
        scf.yield %scan3A_237 : i32
      }
      %scan3A_123 = arith.constant 4 : i32
      %scan3A_124 = arith.constant 0 : i32
      scf.yield %scan3A_124 : i32
    }
    %scan3A_28 = arith.constant 5 : i32
    %dma_wait3A_29 = arith.constant 0 : i32
    %dma_wait3A_30 = arith.constant 0 : i32
    %dma_wait3A_31 = tpu.memref_slice %arg10[%dma_wait3A_29, %dma_wait3A_30] : memref<16x64xi32, #tpu.memory_space<vmem>> -> memref<1x64xi32, #tpu.memory_space<vmem>>
    %dma_wait3A_32 = tpu.memref_squeeze %dma_wait3A_31 : memref<1x64xi32, #tpu.memory_space<vmem>> -> memref<64xi32, #tpu.memory_space<vmem>>
    %dma_wait3A_33 = arith.constant 0 : i32
    %dma_wait3A_34 = arith.constant 0 : i32
    %dma_wait3A_35 = tpu.memref_slice %arg6[%dma_wait3A_33, %dma_wait3A_34] : memref<10240x128xf32, #tpu.memory_space<vmem_shared>> -> memref<10240x128xf32, #tpu.memory_space<vmem_shared>>
    tpu.wait_indirect_dma semaphore(%arg21 : memref<!tpu.dma_semaphore, #tpu.memory_space<semaphore_mem>>) src(%arg11 : memref<64x128xf32, #tpu.memory_space<vmem>>) dst(%dma_wait3A_35 : memref<10240x128xf32, #tpu.memory_space<vmem_shared>>)
    %dma_wait3A_36 = arith.constant 0 : i32
    %dma_wait3A_37 = arith.constant 0 : i32
    %dma_wait3A_38 = tpu.memref_slice %arg10[%dma_wait3A_36, %dma_wait3A_37] : memref<16x64xi32, #tpu.memory_space<vmem>> -> memref<1x64xi32, #tpu.memory_space<vmem>>
    %dma_wait3A_39 = tpu.memref_squeeze %dma_wait3A_38 : memref<1x64xi32, #tpu.memory_space<vmem>> -> memref<64xi32, #tpu.memory_space<vmem>>
    %dma_wait3A_40 = arith.constant 0 : i32
    %dma_wait3A_41 = arith.constant 0 : i32
    %dma_wait3A_42 = tpu.memref_slice %arg6[%dma_wait3A_40, %dma_wait3A_41] : memref<10240x128xf32, #tpu.memory_space<vmem_shared>> -> memref<10240x128xf32, #tpu.memory_space<vmem_shared>>
    tpu.wait_indirect_dma semaphore(%arg22 : memref<!tpu.dma_semaphore, #tpu.memory_space<semaphore_mem>>) src(%arg12 : memref<64x128xf32, #tpu.memory_space<vmem>>) dst(%dma_wait3A_42 : memref<10240x128xf32, #tpu.memory_space<vmem_shared>>)
    %dma_wait3A_43 = arith.constant 0 : i32
    %dma_wait3A_44 = arith.constant 0 : i32
    %dma_wait3A_45 = tpu.memref_slice %arg10[%dma_wait3A_43, %dma_wait3A_44] : memref<16x64xi32, #tpu.memory_space<vmem>> -> memref<1x64xi32, #tpu.memory_space<vmem>>
    %dma_wait3A_46 = tpu.memref_squeeze %dma_wait3A_45 : memref<1x64xi32, #tpu.memory_space<vmem>> -> memref<64xi32, #tpu.memory_space<vmem>>
    %dma_wait3A_47 = arith.constant 0 : i32
    %dma_wait3A_48 = arith.constant 0 : i32
    %dma_wait3A_49 = tpu.memref_slice %arg6[%dma_wait3A_47, %dma_wait3A_48] : memref<10240x128xf32, #tpu.memory_space<vmem_shared>> -> memref<10240x128xf32, #tpu.memory_space<vmem_shared>>
    tpu.wait_indirect_dma semaphore(%arg23 : memref<!tpu.dma_semaphore, #tpu.memory_space<semaphore_mem>>) src(%arg13 : memref<64x128xf32, #tpu.memory_space<vmem>>) dst(%dma_wait3A_49 : memref<10240x128xf32, #tpu.memory_space<vmem_shared>>)
    %dma_wait3A_50 = arith.constant 0 : i32
    %dma_wait3A_51 = arith.constant 0 : i32
    %dma_wait3A_52 = tpu.memref_slice %arg10[%dma_wait3A_50, %dma_wait3A_51] : memref<16x64xi32, #tpu.memory_space<vmem>> -> memref<1x64xi32, #tpu.memory_space<vmem>>
    %dma_wait3A_53 = tpu.memref_squeeze %dma_wait3A_52 : memref<1x64xi32, #tpu.memory_space<vmem>> -> memref<64xi32, #tpu.memory_space<vmem>>
    %dma_wait3A_54 = arith.constant 0 : i32
    %dma_wait3A_55 = arith.constant 0 : i32
    %dma_wait3A_56 = tpu.memref_slice %arg6[%dma_wait3A_54, %dma_wait3A_55] : memref<10240x128xf32, #tpu.memory_space<vmem_shared>> -> memref<10240x128xf32, #tpu.memory_space<vmem_shared>>
    tpu.wait_indirect_dma semaphore(%arg24 : memref<!tpu.dma_semaphore, #tpu.memory_space<semaphore_mem>>) src(%arg14 : memref<64x128xf32, #tpu.memory_space<vmem>>) dst(%dma_wait3A_56 : memref<10240x128xf32, #tpu.memory_space<vmem_shared>>)
    %barrier3A_57 = arith.constant 0 : index
    tpu.barrier barrier_id(%barrier3A_57)
    %mul3A_58 = arith.constant 640 : i32
    %mul3A_59 = arith.muli %arg1, %mul3A_58 : i32
    %mul3A_60 = arith.constant 640 : i32
    %mul3A_61 = arith.muli %arg1, %mul3A_60 : i32
    "tpu.region"() ({
      %run_scoped3A = tpu.sem_alloc : memref<!tpu.dma_semaphore, #tpu.memory_space<semaphore_mem>>
      %dma_start3A_62 = arith.constant 0 : i32
      %dma_start3A_63 = tpu.memref_slice %arg5[%arg0, %mul3A_61, %dma_start3A_62] : memref<2x10240x128xf32, #tpu.memory_space<hbm>> -> memref<1x640x128xf32, #tpu.memory_space<hbm>>
      %dma_start3A_64 = tpu.memref_squeeze %dma_start3A_63 : memref<1x640x128xf32, #tpu.memory_space<hbm>> -> memref<640x128xf32, #tpu.memory_space<hbm>>
      %dma_start3A_65 = arith.constant 0 : i32
      %dma_start3A_66 = tpu.memref_slice %arg6[%mul3A_59, %dma_start3A_65] : memref<10240x128xf32, #tpu.memory_space<vmem_shared>> -> memref<640x128xf32, #tpu.memory_space<vmem_shared>>
      tpu.enqueue_dma source(%dma_start3A_66 : memref<640x128xf32, #tpu.memory_space<vmem_shared>>) target(%dma_start3A_64 : memref<640x128xf32, #tpu.memory_space<hbm>>) target_semaphore(%run_scoped3A : memref<!tpu.dma_semaphore, #tpu.memory_space<semaphore_mem>>)
      %dma_wait3A_67 = arith.constant 0 : i32
      %dma_wait3A_68 = tpu.memref_slice %arg5[%arg0, %mul3A_61, %dma_wait3A_67] : memref<2x10240x128xf32, #tpu.memory_space<hbm>> -> memref<1x640x128xf32, #tpu.memory_space<hbm>>
      %dma_wait3A_69 = tpu.memref_squeeze %dma_wait3A_68 : memref<1x640x128xf32, #tpu.memory_space<hbm>> -> memref<640x128xf32, #tpu.memory_space<hbm>>
      %dma_wait3A_70 = arith.constant 0 : i32
      %dma_wait3A_71 = tpu.memref_slice %arg6[%mul3A_59, %dma_wait3A_70] : memref<10240x128xf32, #tpu.memory_space<vmem_shared>> -> memref<640x128xf32, #tpu.memory_space<vmem_shared>>
      tpu.wait_dma2 semaphore(%run_scoped3A : memref<!tpu.dma_semaphore, #tpu.memory_space<semaphore_mem>>) src(%dma_wait3A_71 : memref<640x128xf32, #tpu.memory_space<vmem_shared>>) dst(%dma_wait3A_69 : memref<640x128xf32, #tpu.memory_space<hbm>>)
      tpu.yield
    }) : () -> ()
    return
  }
}

#map = affine_map<(d0, d1) -> (0, 0)>
#map1 = affine_map<(d0, d1) -> (0, 0, 0)>
module attributes {stable_mosaic.version = 14 : i64} {
  func.func @_sc_aggregate(%arg0: i32, %arg1: i32, %arg2: memref<10240x128xf32, #tpu.memory_space<hbm>>, %arg3: memref<5120x64xi32, #tpu.memory_space<hbm>>, %arg4: memref<5120x64xi32, #tpu.memory_space<hbm>>, %arg5: memref<2x10240x128xf32, #tpu.memory_space<hbm>>, %arg6: memref<10240x128xf32, #tpu.memory_space<vmem_shared>>, %arg7: memref<16x64xi32, #tpu.memory_space<vmem>>, %arg8: memref<16x64xi32, #tpu.memory_space<vmem>>, %arg9: memref<16x64xi32, #tpu.memory_space<vmem>>, %arg10: memref<16x64xi32, #tpu.memory_space<vmem>>, %arg11: memref<64x128xf32, #tpu.memory_space<vmem>>, %arg12: memref<64x128xf32, #tpu.memory_space<vmem>>, %arg13: memref<64x128xf32, #tpu.memory_space<vmem>>, %arg14: memref<64x128xf32, #tpu.memory_space<vmem>>, %arg15: memref<!tpu.dma_semaphore, #tpu.memory_space<semaphore_mem>>, %arg16: memref<!tpu.dma_semaphore, #tpu.memory_space<semaphore_mem>>, %arg17: memref<!tpu.dma_semaphore, #tpu.memory_space<semaphore_mem>>, %arg18: memref<!tpu.dma_semaphore, #tpu.memory_space<semaphore_mem>>, %arg19: memref<!tpu.dma_semaphore, #tpu.memory_space<semaphore_mem>>, %arg20: memref<!tpu.dma_semaphore, #tpu.memory_space<semaphore_mem>>, %arg21: memref<!tpu.dma_semaphore, #tpu.memory_space<semaphore_mem>>, %arg22: memref<!tpu.dma_semaphore, #tpu.memory_space<semaphore_mem>>, %arg23: memref<!tpu.dma_semaphore, #tpu.memory_space<semaphore_mem>>, %arg24: memref<!tpu.dma_semaphore, #tpu.memory_space<semaphore_mem>>, %arg25: memref<!tpu.dma_semaphore, #tpu.memory_space<semaphore_mem>>) attributes {dimension_semantics = [#tpu.dimension_semantics<core_parallel>, #tpu.dimension_semantics<subcore_parallel>], iteration_bounds = array<i64: 2, 16>, scalar_prefetch = 0 : i64, scratch_operands = 20 : i64, tpu.core_type = #tpu.core_type<sc_vector_subcore>, window_params = [{transform_indices = #map}, {transform_indices = #map}, {transform_indices = #map}, {transform_indices = #map1}]} {
    %mul3A = arith.constant 16 : i32
    %mul3A_0 = arith.muli %arg0, %mul3A : i32
    %add3A = arith.addi %mul3A_0, %arg1 : i32
    %mul3A_1 = arith.constant 160 : i32
    %mul3A_2 = arith.muli %add3A, %mul3A_1 : i32
    %mul3A_3 = arith.constant 640 : i32
    %mul3A_4 = arith.muli %arg1, %mul3A_3 : i32
    %mul3A_5 = arith.constant 640 : i32
    %mul3A_6 = arith.muli %arg1, %mul3A_5 : i32
    %dma_start3A = arith.constant 0 : i32
    %dma_start3A_7 = tpu.memref_slice %arg6[%mul3A_6, %dma_start3A] : memref<10240x128xf32, #tpu.memory_space<vmem_shared>> -> memref<640x128xf32, #tpu.memory_space<vmem_shared>>
    %dma_start3A_8 = arith.constant 0 : i32
    %dma_start3A_9 = tpu.memref_slice %arg2[%mul3A_4, %dma_start3A_8] : memref<10240x128xf32, #tpu.memory_space<hbm>> -> memref<640x128xf32, #tpu.memory_space<hbm>>
    tpu.enqueue_dma source(%dma_start3A_9 : memref<640x128xf32, #tpu.memory_space<hbm>>) target(%dma_start3A_7 : memref<640x128xf32, #tpu.memory_space<vmem_shared>>) target_semaphore(%arg25 : memref<!tpu.dma_semaphore, #tpu.memory_space<semaphore_mem>>)
    %add3A_10 = arith.constant 0 : i32
    %add3A_11 = arith.addi %mul3A_2, %add3A_10 : i32
    %multiple_of3A = tpu.assume_multiple %add3A_11, 8 : i32
    %dma_start3A_12 = arith.constant 0 : i32
    %dma_start3A_13 = tpu.memref_slice %arg3[%multiple_of3A, %dma_start3A_12] : memref<5120x64xi32, #tpu.memory_space<hbm>> -> memref<16x64xi32, #tpu.memory_space<hbm>>
    %dma_start3A_14 = arith.constant 0 : i32
    %dma_start3A_15 = tpu.memref_slice %arg3[%multiple_of3A, %dma_start3A_14] : memref<5120x64xi32, #tpu.memory_space<hbm>> -> memref<16x64xi32, #tpu.memory_space<hbm>>
    tpu.enqueue_dma source(%dma_start3A_15 : memref<16x64xi32, #tpu.memory_space<hbm>>) target(%arg7 : memref<16x64xi32, #tpu.memory_space<vmem>>) target_semaphore(%arg15 : memref<!tpu.dma_semaphore, #tpu.memory_space<semaphore_mem>>)
    %dma_start3A_16 = arith.constant 0 : i32
    %dma_start3A_17 = tpu.memref_slice %arg4[%multiple_of3A, %dma_start3A_16] : memref<5120x64xi32, #tpu.memory_space<hbm>> -> memref<16x64xi32, #tpu.memory_space<hbm>>
    %dma_start3A_18 = arith.constant 0 : i32
    %dma_start3A_19 = tpu.memref_slice %arg4[%multiple_of3A, %dma_start3A_18] : memref<5120x64xi32, #tpu.memory_space<hbm>> -> memref<16x64xi32, #tpu.memory_space<hbm>>
    tpu.enqueue_dma source(%dma_start3A_19 : memref<16x64xi32, #tpu.memory_space<hbm>>) target(%arg9 : memref<16x64xi32, #tpu.memory_space<vmem>>) target_semaphore(%arg15 : memref<!tpu.dma_semaphore, #tpu.memory_space<semaphore_mem>>)
    %dma_wait3A = arith.constant 0 : i32
    %dma_wait3A_20 = tpu.memref_slice %arg6[%mul3A_6, %dma_wait3A] : memref<10240x128xf32, #tpu.memory_space<vmem_shared>> -> memref<640x128xf32, #tpu.memory_space<vmem_shared>>
    %dma_wait3A_21 = arith.constant 0 : i32
    %dma_wait3A_22 = tpu.memref_slice %arg2[%mul3A_4, %dma_wait3A_21] : memref<10240x128xf32, #tpu.memory_space<hbm>> -> memref<640x128xf32, #tpu.memory_space<hbm>>
    tpu.wait_dma2 semaphore(%arg25 : memref<!tpu.dma_semaphore, #tpu.memory_space<semaphore_mem>>) src(%dma_wait3A_22 : memref<640x128xf32, #tpu.memory_space<hbm>>) dst(%dma_wait3A_20 : memref<640x128xf32, #tpu.memory_space<vmem_shared>>)
    %barrier3A = arith.constant 0 : index
    tpu.barrier barrier_id(%barrier3A)
    %scan3A = arith.constant 0 : i32
    %scan3A_23 = arith.constant 0 : i32
    %scan3A_24 = arith.constant 5 : i32
    %scan3A_25 = arith.addi %scan3A_23, %scan3A_24 : i32
    %scan3A_26 = arith.constant 1 : i32
    %scan3A_27 = scf.for %scan3A_62 = %scan3A_23 to %scan3A_25 step %scan3A_26 iter_args(%scan3A_63 = %scan3A) -> (i32)  : i32 {
      %mul3A_64 = arith.constant 2 : i32
      %mul3A_65 = arith.muli %scan3A_62, %mul3A_64 : i32
      %dma_wait3A_66 = arith.constant 0 : i32
      %dma_wait3A_67 = arith.constant 0 : i32
      %dma_wait3A_68 = tpu.memref_slice %arg3[%dma_wait3A_66, %dma_wait3A_67] : memref<5120x64xi32, #tpu.memory_space<hbm>> -> memref<16x64xi32, #tpu.memory_space<hbm>>
      %dma_wait3A_69 = arith.constant 0 : i32
      %dma_wait3A_70 = arith.constant 0 : i32
      %dma_wait3A_71 = tpu.memref_slice %arg3[%dma_wait3A_69, %dma_wait3A_70] : memref<5120x64xi32, #tpu.memory_space<hbm>> -> memref<16x64xi32, #tpu.memory_space<hbm>>
      tpu.wait_dma2 semaphore(%arg15 : memref<!tpu.dma_semaphore, #tpu.memory_space<semaphore_mem>>) src(%dma_wait3A_71 : memref<16x64xi32, #tpu.memory_space<hbm>>) dst(%arg7 : memref<16x64xi32, #tpu.memory_space<vmem>>)
      %dma_wait3A_72 = arith.constant 0 : i32
      %dma_wait3A_73 = arith.constant 0 : i32
      %dma_wait3A_74 = tpu.memref_slice %arg4[%dma_wait3A_72, %dma_wait3A_73] : memref<5120x64xi32, #tpu.memory_space<hbm>> -> memref<16x64xi32, #tpu.memory_space<hbm>>
      %dma_wait3A_75 = arith.constant 0 : i32
      %dma_wait3A_76 = arith.constant 0 : i32
      %dma_wait3A_77 = tpu.memref_slice %arg4[%dma_wait3A_75, %dma_wait3A_76] : memref<5120x64xi32, #tpu.memory_space<hbm>> -> memref<16x64xi32, #tpu.memory_space<hbm>>
      tpu.wait_dma2 semaphore(%arg15 : memref<!tpu.dma_semaphore, #tpu.memory_space<semaphore_mem>>) src(%dma_wait3A_77 : memref<16x64xi32, #tpu.memory_space<hbm>>) dst(%arg9 : memref<16x64xi32, #tpu.memory_space<vmem>>)
      %gt3A = arith.constant 0 : i32
      %gt3A_78 = arith.cmpi sgt, %mul3A_65, %gt3A : i32
      %convert_element_type3A = arith.extui %gt3A_78 : i1 to i32
      %cond3A = arith.constant 0 : i32
      %cond3A_79 = arith.cmpi ne, %convert_element_type3A, %cond3A : i32
      scf.if %cond3A_79 {
        %dma_wait3A_125 = arith.constant 0 : i32
        %dma_wait3A_126 = arith.constant 0 : i32
        %dma_wait3A_127 = tpu.memref_slice %arg10[%dma_wait3A_125, %dma_wait3A_126] : memref<16x64xi32, #tpu.memory_space<vmem>> -> memref<1x64xi32, #tpu.memory_space<vmem>>
        %dma_wait3A_128 = tpu.memref_squeeze %dma_wait3A_127 : memref<1x64xi32, #tpu.memory_space<vmem>> -> memref<64xi32, #tpu.memory_space<vmem>>
        %dma_wait3A_129 = arith.constant 0 : i32
        %dma_wait3A_130 = arith.constant 0 : i32
        %dma_wait3A_131 = tpu.memref_slice %arg6[%dma_wait3A_129, %dma_wait3A_130] : memref<10240x128xf32, #tpu.memory_space<vmem_shared>> -> memref<10240x128xf32, #tpu.memory_space<vmem_shared>>
        tpu.wait_indirect_dma semaphore(%arg21 : memref<!tpu.dma_semaphore, #tpu.memory_space<semaphore_mem>>) src(%arg11 : memref<64x128xf32, #tpu.memory_space<vmem>>) dst(%dma_wait3A_131 : memref<10240x128xf32, #tpu.memory_space<vmem_shared>>)
        %dma_wait3A_132 = arith.constant 0 : i32
        %dma_wait3A_133 = arith.constant 0 : i32
        %dma_wait3A_134 = tpu.memref_slice %arg10[%dma_wait3A_132, %dma_wait3A_133] : memref<16x64xi32, #tpu.memory_space<vmem>> -> memref<1x64xi32, #tpu.memory_space<vmem>>
        %dma_wait3A_135 = tpu.memref_squeeze %dma_wait3A_134 : memref<1x64xi32, #tpu.memory_space<vmem>> -> memref<64xi32, #tpu.memory_space<vmem>>
        %dma_wait3A_136 = arith.constant 0 : i32
        %dma_wait3A_137 = arith.constant 0 : i32
        %dma_wait3A_138 = tpu.memref_slice %arg6[%dma_wait3A_136, %dma_wait3A_137] : memref<10240x128xf32, #tpu.memory_space<vmem_shared>> -> memref<10240x128xf32, #tpu.memory_space<vmem_shared>>
        tpu.wait_indirect_dma semaphore(%arg22 : memref<!tpu.dma_semaphore, #tpu.memory_space<semaphore_mem>>) src(%arg12 : memref<64x128xf32, #tpu.memory_space<vmem>>) dst(%dma_wait3A_138 : memref<10240x128xf32, #tpu.memory_space<vmem_shared>>)
        %dma_wait3A_139 = arith.constant 0 : i32
        %dma_wait3A_140 = arith.constant 0 : i32
        %dma_wait3A_141 = tpu.memref_slice %arg10[%dma_wait3A_139, %dma_wait3A_140] : memref<16x64xi32, #tpu.memory_space<vmem>> -> memref<1x64xi32, #tpu.memory_space<vmem>>
        %dma_wait3A_142 = tpu.memref_squeeze %dma_wait3A_141 : memref<1x64xi32, #tpu.memory_space<vmem>> -> memref<64xi32, #tpu.memory_space<vmem>>
        %dma_wait3A_143 = arith.constant 0 : i32
        %dma_wait3A_144 = arith.constant 0 : i32
        %dma_wait3A_145 = tpu.memref_slice %arg6[%dma_wait3A_143, %dma_wait3A_144] : memref<10240x128xf32, #tpu.memory_space<vmem_shared>> -> memref<10240x128xf32, #tpu.memory_space<vmem_shared>>
        tpu.wait_indirect_dma semaphore(%arg23 : memref<!tpu.dma_semaphore, #tpu.memory_space<semaphore_mem>>) src(%arg13 : memref<64x128xf32, #tpu.memory_space<vmem>>) dst(%dma_wait3A_145 : memref<10240x128xf32, #tpu.memory_space<vmem_shared>>)
        %dma_wait3A_146 = arith.constant 0 : i32
        %dma_wait3A_147 = arith.constant 0 : i32
        %dma_wait3A_148 = tpu.memref_slice %arg10[%dma_wait3A_146, %dma_wait3A_147] : memref<16x64xi32, #tpu.memory_space<vmem>> -> memref<1x64xi32, #tpu.memory_space<vmem>>
        %dma_wait3A_149 = tpu.memref_squeeze %dma_wait3A_148 : memref<1x64xi32, #tpu.memory_space<vmem>> -> memref<64xi32, #tpu.memory_space<vmem>>
        %dma_wait3A_150 = arith.constant 0 : i32
        %dma_wait3A_151 = arith.constant 0 : i32
        %dma_wait3A_152 = tpu.memref_slice %arg6[%dma_wait3A_150, %dma_wait3A_151] : memref<10240x128xf32, #tpu.memory_space<vmem_shared>> -> memref<10240x128xf32, #tpu.memory_space<vmem_shared>>
        tpu.wait_indirect_dma semaphore(%arg24 : memref<!tpu.dma_semaphore, #tpu.memory_space<semaphore_mem>>) src(%arg14 : memref<64x128xf32, #tpu.memory_space<vmem>>) dst(%dma_wait3A_152 : memref<10240x128xf32, #tpu.memory_space<vmem_shared>>)
      } else {
      }
      %lt3A = arith.constant 9 : i32
      %lt3A_80 = arith.cmpi slt, %mul3A_65, %lt3A : i32
      %convert_element_type3A_81 = arith.extui %lt3A_80 : i1 to i32
      %cond3A_82 = arith.constant 0 : i32
      %cond3A_83 = arith.cmpi ne, %convert_element_type3A_81, %cond3A_82 : i32
      scf.if %cond3A_83 {
        %add3A_125 = arith.constant 1 : i32
        %add3A_126 = arith.addi %mul3A_65, %add3A_125 : i32
        %mul3A_127 = arith.constant 16 : i32
        %mul3A_128 = arith.muli %add3A_126, %mul3A_127 : i32
        %add3A_129 = arith.addi %mul3A_2, %mul3A_128 : i32
        %multiple_of3A_130 = tpu.assume_multiple %add3A_129, 8 : i32
        %dma_start3A_131 = arith.constant 0 : i32
        %dma_start3A_132 = tpu.memref_slice %arg3[%multiple_of3A_130, %dma_start3A_131] : memref<5120x64xi32, #tpu.memory_space<hbm>> -> memref<16x64xi32, #tpu.memory_space<hbm>>
        %dma_start3A_133 = arith.constant 0 : i32
        %dma_start3A_134 = tpu.memref_slice %arg3[%multiple_of3A_130, %dma_start3A_133] : memref<5120x64xi32, #tpu.memory_space<hbm>> -> memref<16x64xi32, #tpu.memory_space<hbm>>
        tpu.enqueue_dma source(%dma_start3A_134 : memref<16x64xi32, #tpu.memory_space<hbm>>) target(%arg8 : memref<16x64xi32, #tpu.memory_space<vmem>>) target_semaphore(%arg16 : memref<!tpu.dma_semaphore, #tpu.memory_space<semaphore_mem>>)
        %dma_start3A_135 = arith.constant 0 : i32
        %dma_start3A_136 = tpu.memref_slice %arg4[%multiple_of3A_130, %dma_start3A_135] : memref<5120x64xi32, #tpu.memory_space<hbm>> -> memref<16x64xi32, #tpu.memory_space<hbm>>
        %dma_start3A_137 = arith.constant 0 : i32
        %dma_start3A_138 = tpu.memref_slice %arg4[%multiple_of3A_130, %dma_start3A_137] : memref<5120x64xi32, #tpu.memory_space<hbm>> -> memref<16x64xi32, #tpu.memory_space<hbm>>
        tpu.enqueue_dma source(%dma_start3A_138 : memref<16x64xi32, #tpu.memory_space<hbm>>) target(%arg10 : memref<16x64xi32, #tpu.memory_space<vmem>>) target_semaphore(%arg16 : memref<!tpu.dma_semaphore, #tpu.memory_space<semaphore_mem>>)
      } else {
      }
      %scan3A_84 = arith.constant 0 : i32
      %scan3A_85 = arith.constant 0 : i32
      %scan3A_86 = arith.constant 4 : i32
      %scan3A_87 = arith.addi %scan3A_85, %scan3A_86 : i32
      %scan3A_88 = arith.constant 1 : i32
      %scan3A_89 = scf.for %scan3A_125 = %scan3A_85 to %scan3A_87 step %scan3A_88 iter_args(%scan3A_126 = %scan3A_84) -> (i32)  : i32 {
        %mul3A_127 = arith.constant 4 : i32
        %mul3A_128 = arith.muli %scan3A_125, %mul3A_127 : i32
        %gt3A_129 = arith.constant 0 : i32
        %gt3A_130 = arith.cmpi sgt, %scan3A_125, %gt3A_129 : i32
        %convert_element_type3A_131 = arith.extui %gt3A_130 : i1 to i32
        %cond3A_132 = arith.constant 0 : i32
        %cond3A_133 = arith.cmpi ne, %convert_element_type3A_131, %cond3A_132 : i32
        scf.if %cond3A_133 {
          %dma_wait3A_238 = arith.constant 0 : i32
          %dma_wait3A_239 = arith.constant 0 : i32
          %dma_wait3A_240 = tpu.memref_slice %arg9[%dma_wait3A_238, %dma_wait3A_239] : memref<16x64xi32, #tpu.memory_space<vmem>> -> memref<1x64xi32, #tpu.memory_space<vmem>>
          %dma_wait3A_241 = tpu.memref_squeeze %dma_wait3A_240 : memref<1x64xi32, #tpu.memory_space<vmem>> -> memref<64xi32, #tpu.memory_space<vmem>>
          %dma_wait3A_242 = arith.constant 0 : i32
          %dma_wait3A_243 = arith.constant 0 : i32
          %dma_wait3A_244 = tpu.memref_slice %arg6[%dma_wait3A_242, %dma_wait3A_243] : memref<10240x128xf32, #tpu.memory_space<vmem_shared>> -> memref<10240x128xf32, #tpu.memory_space<vmem_shared>>
          tpu.wait_indirect_dma semaphore(%arg21 : memref<!tpu.dma_semaphore, #tpu.memory_space<semaphore_mem>>) src(%arg11 : memref<64x128xf32, #tpu.memory_space<vmem>>) dst(%dma_wait3A_244 : memref<10240x128xf32, #tpu.memory_space<vmem_shared>>)
        } else {
        }
        %add3A_134 = arith.constant 0 : i32
        %add3A_135 = arith.addi %mul3A_128, %add3A_134 : i32
        %dma_start3A_136 = arith.constant 0 : i32
        %dma_start3A_137 = tpu.memref_slice %arg7[%add3A_135, %dma_start3A_136] : memref<16x64xi32, #tpu.memory_space<vmem>> -> memref<1x64xi32, #tpu.memory_space<vmem>>
        %dma_start3A_138 = tpu.memref_squeeze %dma_start3A_137 : memref<1x64xi32, #tpu.memory_space<vmem>> -> memref<64xi32, #tpu.memory_space<vmem>>
        %dma_start3A_139 = arith.constant 0 : i32
        %dma_start3A_140 = arith.constant 0 : i32
        %dma_start3A_141 = tpu.memref_slice %arg2[%dma_start3A_139, %dma_start3A_140] : memref<10240x128xf32, #tpu.memory_space<hbm>> -> memref<10240x128xf32, #tpu.memory_space<hbm>>
        tpu.enqueue_indirect_dma source(%dma_start3A_141 : memref<10240x128xf32, #tpu.memory_space<hbm>>) target(%arg11 : memref<64x128xf32, #tpu.memory_space<vmem>>) offsets(%dma_start3A_138 : memref<64xi32, #tpu.memory_space<vmem>>) semaphore(%arg17 : memref<!tpu.dma_semaphore, #tpu.memory_space<semaphore_mem>>)
        %gt3A_142 = arith.constant 0 : i32
        %gt3A_143 = arith.cmpi sgt, %scan3A_125, %gt3A_142 : i32
        %convert_element_type3A_144 = arith.extui %gt3A_143 : i1 to i32
        %cond3A_145 = arith.constant 0 : i32
        %cond3A_146 = arith.cmpi ne, %convert_element_type3A_144, %cond3A_145 : i32
        scf.if %cond3A_146 {
          %dma_wait3A_238 = arith.constant 0 : i32
          %dma_wait3A_239 = arith.constant 0 : i32
          %dma_wait3A_240 = tpu.memref_slice %arg9[%dma_wait3A_238, %dma_wait3A_239] : memref<16x64xi32, #tpu.memory_space<vmem>> -> memref<1x64xi32, #tpu.memory_space<vmem>>
          %dma_wait3A_241 = tpu.memref_squeeze %dma_wait3A_240 : memref<1x64xi32, #tpu.memory_space<vmem>> -> memref<64xi32, #tpu.memory_space<vmem>>
          %dma_wait3A_242 = arith.constant 0 : i32
          %dma_wait3A_243 = arith.constant 0 : i32
          %dma_wait3A_244 = tpu.memref_slice %arg6[%dma_wait3A_242, %dma_wait3A_243] : memref<10240x128xf32, #tpu.memory_space<vmem_shared>> -> memref<10240x128xf32, #tpu.memory_space<vmem_shared>>
          tpu.wait_indirect_dma semaphore(%arg22 : memref<!tpu.dma_semaphore, #tpu.memory_space<semaphore_mem>>) src(%arg12 : memref<64x128xf32, #tpu.memory_space<vmem>>) dst(%dma_wait3A_244 : memref<10240x128xf32, #tpu.memory_space<vmem_shared>>)
        } else {
        }
        %add3A_147 = arith.constant 1 : i32
        %add3A_148 = arith.addi %mul3A_128, %add3A_147 : i32
        %dma_start3A_149 = arith.constant 0 : i32
        %dma_start3A_150 = tpu.memref_slice %arg7[%add3A_148, %dma_start3A_149] : memref<16x64xi32, #tpu.memory_space<vmem>> -> memref<1x64xi32, #tpu.memory_space<vmem>>
        %dma_start3A_151 = tpu.memref_squeeze %dma_start3A_150 : memref<1x64xi32, #tpu.memory_space<vmem>> -> memref<64xi32, #tpu.memory_space<vmem>>
        %dma_start3A_152 = arith.constant 0 : i32
        %dma_start3A_153 = arith.constant 0 : i32
        %dma_start3A_154 = tpu.memref_slice %arg2[%dma_start3A_152, %dma_start3A_153] : memref<10240x128xf32, #tpu.memory_space<hbm>> -> memref<10240x128xf32, #tpu.memory_space<hbm>>
        tpu.enqueue_indirect_dma source(%dma_start3A_154 : memref<10240x128xf32, #tpu.memory_space<hbm>>) target(%arg12 : memref<64x128xf32, #tpu.memory_space<vmem>>) offsets(%dma_start3A_151 : memref<64xi32, #tpu.memory_space<vmem>>) semaphore(%arg18 : memref<!tpu.dma_semaphore, #tpu.memory_space<semaphore_mem>>)
        %gt3A_155 = arith.constant 0 : i32
        %gt3A_156 = arith.cmpi sgt, %scan3A_125, %gt3A_155 : i32
        %convert_element_type3A_157 = arith.extui %gt3A_156 : i1 to i32
        %cond3A_158 = arith.constant 0 : i32
        %cond3A_159 = arith.cmpi ne, %convert_element_type3A_157, %cond3A_158 : i32
        scf.if %cond3A_159 {
          %dma_wait3A_238 = arith.constant 0 : i32
          %dma_wait3A_239 = arith.constant 0 : i32
          %dma_wait3A_240 = tpu.memref_slice %arg9[%dma_wait3A_238, %dma_wait3A_239] : memref<16x64xi32, #tpu.memory_space<vmem>> -> memref<1x64xi32, #tpu.memory_space<vmem>>
          %dma_wait3A_241 = tpu.memref_squeeze %dma_wait3A_240 : memref<1x64xi32, #tpu.memory_space<vmem>> -> memref<64xi32, #tpu.memory_space<vmem>>
          %dma_wait3A_242 = arith.constant 0 : i32
          %dma_wait3A_243 = arith.constant 0 : i32
          %dma_wait3A_244 = tpu.memref_slice %arg6[%dma_wait3A_242, %dma_wait3A_243] : memref<10240x128xf32, #tpu.memory_space<vmem_shared>> -> memref<10240x128xf32, #tpu.memory_space<vmem_shared>>
          tpu.wait_indirect_dma semaphore(%arg23 : memref<!tpu.dma_semaphore, #tpu.memory_space<semaphore_mem>>) src(%arg13 : memref<64x128xf32, #tpu.memory_space<vmem>>) dst(%dma_wait3A_244 : memref<10240x128xf32, #tpu.memory_space<vmem_shared>>)
        } else {
        }
        %add3A_160 = arith.constant 2 : i32
        %add3A_161 = arith.addi %mul3A_128, %add3A_160 : i32
        %dma_start3A_162 = arith.constant 0 : i32
        %dma_start3A_163 = tpu.memref_slice %arg7[%add3A_161, %dma_start3A_162] : memref<16x64xi32, #tpu.memory_space<vmem>> -> memref<1x64xi32, #tpu.memory_space<vmem>>
        %dma_start3A_164 = tpu.memref_squeeze %dma_start3A_163 : memref<1x64xi32, #tpu.memory_space<vmem>> -> memref<64xi32, #tpu.memory_space<vmem>>
        %dma_start3A_165 = arith.constant 0 : i32
        %dma_start3A_166 = arith.constant 0 : i32
        %dma_start3A_167 = tpu.memref_slice %arg2[%dma_start3A_165, %dma_start3A_166] : memref<10240x128xf32, #tpu.memory_space<hbm>> -> memref<10240x128xf32, #tpu.memory_space<hbm>>
        tpu.enqueue_indirect_dma source(%dma_start3A_167 : memref<10240x128xf32, #tpu.memory_space<hbm>>) target(%arg13 : memref<64x128xf32, #tpu.memory_space<vmem>>) offsets(%dma_start3A_164 : memref<64xi32, #tpu.memory_space<vmem>>) semaphore(%arg19 : memref<!tpu.dma_semaphore, #tpu.memory_space<semaphore_mem>>)
        %gt3A_168 = arith.constant 0 : i32
        %gt3A_169 = arith.cmpi sgt, %scan3A_125, %gt3A_168 : i32
        %convert_element_type3A_170 = arith.extui %gt3A_169 : i1 to i32
        %cond3A_171 = arith.constant 0 : i32
        %cond3A_172 = arith.cmpi ne, %convert_element_type3A_170, %cond3A_171 : i32
        scf.if %cond3A_172 {
          %dma_wait3A_238 = arith.constant 0 : i32
          %dma_wait3A_239 = arith.constant 0 : i32
          %dma_wait3A_240 = tpu.memref_slice %arg9[%dma_wait3A_238, %dma_wait3A_239] : memref<16x64xi32, #tpu.memory_space<vmem>> -> memref<1x64xi32, #tpu.memory_space<vmem>>
          %dma_wait3A_241 = tpu.memref_squeeze %dma_wait3A_240 : memref<1x64xi32, #tpu.memory_space<vmem>> -> memref<64xi32, #tpu.memory_space<vmem>>
          %dma_wait3A_242 = arith.constant 0 : i32
          %dma_wait3A_243 = arith.constant 0 : i32
          %dma_wait3A_244 = tpu.memref_slice %arg6[%dma_wait3A_242, %dma_wait3A_243] : memref<10240x128xf32, #tpu.memory_space<vmem_shared>> -> memref<10240x128xf32, #tpu.memory_space<vmem_shared>>
          tpu.wait_indirect_dma semaphore(%arg24 : memref<!tpu.dma_semaphore, #tpu.memory_space<semaphore_mem>>) src(%arg14 : memref<64x128xf32, #tpu.memory_space<vmem>>) dst(%dma_wait3A_244 : memref<10240x128xf32, #tpu.memory_space<vmem_shared>>)
        } else {
        }
        %add3A_173 = arith.constant 3 : i32
        %add3A_174 = arith.addi %mul3A_128, %add3A_173 : i32
        %dma_start3A_175 = arith.constant 0 : i32
        %dma_start3A_176 = tpu.memref_slice %arg7[%add3A_174, %dma_start3A_175] : memref<16x64xi32, #tpu.memory_space<vmem>> -> memref<1x64xi32, #tpu.memory_space<vmem>>
        %dma_start3A_177 = tpu.memref_squeeze %dma_start3A_176 : memref<1x64xi32, #tpu.memory_space<vmem>> -> memref<64xi32, #tpu.memory_space<vmem>>
        %dma_start3A_178 = arith.constant 0 : i32
        %dma_start3A_179 = arith.constant 0 : i32
        %dma_start3A_180 = tpu.memref_slice %arg2[%dma_start3A_178, %dma_start3A_179] : memref<10240x128xf32, #tpu.memory_space<hbm>> -> memref<10240x128xf32, #tpu.memory_space<hbm>>
        tpu.enqueue_indirect_dma source(%dma_start3A_180 : memref<10240x128xf32, #tpu.memory_space<hbm>>) target(%arg14 : memref<64x128xf32, #tpu.memory_space<vmem>>) offsets(%dma_start3A_177 : memref<64xi32, #tpu.memory_space<vmem>>) semaphore(%arg20 : memref<!tpu.dma_semaphore, #tpu.memory_space<semaphore_mem>>)
        %dma_wait3A_181 = arith.constant 0 : i32
        %dma_wait3A_182 = tpu.memref_slice %arg7[%add3A_135, %dma_wait3A_181] : memref<16x64xi32, #tpu.memory_space<vmem>> -> memref<1x64xi32, #tpu.memory_space<vmem>>
        %dma_wait3A_183 = tpu.memref_squeeze %dma_wait3A_182 : memref<1x64xi32, #tpu.memory_space<vmem>> -> memref<64xi32, #tpu.memory_space<vmem>>
        %dma_wait3A_184 = arith.constant 0 : i32
        %dma_wait3A_185 = arith.constant 0 : i32
        %dma_wait3A_186 = tpu.memref_slice %arg2[%dma_wait3A_184, %dma_wait3A_185] : memref<10240x128xf32, #tpu.memory_space<hbm>> -> memref<10240x128xf32, #tpu.memory_space<hbm>>
        tpu.wait_indirect_dma semaphore(%arg17 : memref<!tpu.dma_semaphore, #tpu.memory_space<semaphore_mem>>) src(%dma_wait3A_186 : memref<10240x128xf32, #tpu.memory_space<hbm>>) dst(%arg11 : memref<64x128xf32, #tpu.memory_space<vmem>>)
        %add3A_187 = arith.constant 0 : i32
        %add3A_188 = arith.addi %mul3A_128, %add3A_187 : i32
        %dma_start3A_189 = arith.constant 0 : i32
        %dma_start3A_190 = tpu.memref_slice %arg9[%add3A_188, %dma_start3A_189] : memref<16x64xi32, #tpu.memory_space<vmem>> -> memref<1x64xi32, #tpu.memory_space<vmem>>
        %dma_start3A_191 = tpu.memref_squeeze %dma_start3A_190 : memref<1x64xi32, #tpu.memory_space<vmem>> -> memref<64xi32, #tpu.memory_space<vmem>>
        %dma_start3A_192 = arith.constant 0 : i32
        %dma_start3A_193 = arith.constant 0 : i32
        %dma_start3A_194 = tpu.memref_slice %arg6[%dma_start3A_192, %dma_start3A_193] : memref<10240x128xf32, #tpu.memory_space<vmem_shared>> -> memref<10240x128xf32, #tpu.memory_space<vmem_shared>>
        tpu.enqueue_indirect_dma source(%arg11 : memref<64x128xf32, #tpu.memory_space<vmem>>) target(%dma_start3A_194 : memref<10240x128xf32, #tpu.memory_space<vmem_shared>>) offsets(%dma_start3A_191 : memref<64xi32, #tpu.memory_space<vmem>>) semaphore(%arg21 : memref<!tpu.dma_semaphore, #tpu.memory_space<semaphore_mem>>) {add = true}
        %dma_wait3A_195 = arith.constant 0 : i32
        %dma_wait3A_196 = tpu.memref_slice %arg7[%add3A_148, %dma_wait3A_195] : memref<16x64xi32, #tpu.memory_space<vmem>> -> memref<1x64xi32, #tpu.memory_space<vmem>>
        %dma_wait3A_197 = tpu.memref_squeeze %dma_wait3A_196 : memref<1x64xi32, #tpu.memory_space<vmem>> -> memref<64xi32, #tpu.memory_space<vmem>>
        %dma_wait3A_198 = arith.constant 0 : i32
        %dma_wait3A_199 = arith.constant 0 : i32
        %dma_wait3A_200 = tpu.memref_slice %arg2[%dma_wait3A_198, %dma_wait3A_199] : memref<10240x128xf32, #tpu.memory_space<hbm>> -> memref<10240x128xf32, #tpu.memory_space<hbm>>
        tpu.wait_indirect_dma semaphore(%arg18 : memref<!tpu.dma_semaphore, #tpu.memory_space<semaphore_mem>>) src(%dma_wait3A_200 : memref<10240x128xf32, #tpu.memory_space<hbm>>) dst(%arg12 : memref<64x128xf32, #tpu.memory_space<vmem>>)
        %add3A_201 = arith.constant 1 : i32
        %add3A_202 = arith.addi %mul3A_128, %add3A_201 : i32
        %dma_start3A_203 = arith.constant 0 : i32
        %dma_start3A_204 = tpu.memref_slice %arg9[%add3A_202, %dma_start3A_203] : memref<16x64xi32, #tpu.memory_space<vmem>> -> memref<1x64xi32, #tpu.memory_space<vmem>>
        %dma_start3A_205 = tpu.memref_squeeze %dma_start3A_204 : memref<1x64xi32, #tpu.memory_space<vmem>> -> memref<64xi32, #tpu.memory_space<vmem>>
        %dma_start3A_206 = arith.constant 0 : i32
        %dma_start3A_207 = arith.constant 0 : i32
        %dma_start3A_208 = tpu.memref_slice %arg6[%dma_start3A_206, %dma_start3A_207] : memref<10240x128xf32, #tpu.memory_space<vmem_shared>> -> memref<10240x128xf32, #tpu.memory_space<vmem_shared>>
        tpu.enqueue_indirect_dma source(%arg12 : memref<64x128xf32, #tpu.memory_space<vmem>>) target(%dma_start3A_208 : memref<10240x128xf32, #tpu.memory_space<vmem_shared>>) offsets(%dma_start3A_205 : memref<64xi32, #tpu.memory_space<vmem>>) semaphore(%arg22 : memref<!tpu.dma_semaphore, #tpu.memory_space<semaphore_mem>>) {add = true}
        %dma_wait3A_209 = arith.constant 0 : i32
        %dma_wait3A_210 = tpu.memref_slice %arg7[%add3A_161, %dma_wait3A_209] : memref<16x64xi32, #tpu.memory_space<vmem>> -> memref<1x64xi32, #tpu.memory_space<vmem>>
        %dma_wait3A_211 = tpu.memref_squeeze %dma_wait3A_210 : memref<1x64xi32, #tpu.memory_space<vmem>> -> memref<64xi32, #tpu.memory_space<vmem>>
        %dma_wait3A_212 = arith.constant 0 : i32
        %dma_wait3A_213 = arith.constant 0 : i32
        %dma_wait3A_214 = tpu.memref_slice %arg2[%dma_wait3A_212, %dma_wait3A_213] : memref<10240x128xf32, #tpu.memory_space<hbm>> -> memref<10240x128xf32, #tpu.memory_space<hbm>>
        tpu.wait_indirect_dma semaphore(%arg19 : memref<!tpu.dma_semaphore, #tpu.memory_space<semaphore_mem>>) src(%dma_wait3A_214 : memref<10240x128xf32, #tpu.memory_space<hbm>>) dst(%arg13 : memref<64x128xf32, #tpu.memory_space<vmem>>)
        %add3A_215 = arith.constant 2 : i32
        %add3A_216 = arith.addi %mul3A_128, %add3A_215 : i32
        %dma_start3A_217 = arith.constant 0 : i32
        %dma_start3A_218 = tpu.memref_slice %arg9[%add3A_216, %dma_start3A_217] : memref<16x64xi32, #tpu.memory_space<vmem>> -> memref<1x64xi32, #tpu.memory_space<vmem>>
        %dma_start3A_219 = tpu.memref_squeeze %dma_start3A_218 : memref<1x64xi32, #tpu.memory_space<vmem>> -> memref<64xi32, #tpu.memory_space<vmem>>
        %dma_start3A_220 = arith.constant 0 : i32
        %dma_start3A_221 = arith.constant 0 : i32
        %dma_start3A_222 = tpu.memref_slice %arg6[%dma_start3A_220, %dma_start3A_221] : memref<10240x128xf32, #tpu.memory_space<vmem_shared>> -> memref<10240x128xf32, #tpu.memory_space<vmem_shared>>
        tpu.enqueue_indirect_dma source(%arg13 : memref<64x128xf32, #tpu.memory_space<vmem>>) target(%dma_start3A_222 : memref<10240x128xf32, #tpu.memory_space<vmem_shared>>) offsets(%dma_start3A_219 : memref<64xi32, #tpu.memory_space<vmem>>) semaphore(%arg23 : memref<!tpu.dma_semaphore, #tpu.memory_space<semaphore_mem>>) {add = true}
        %dma_wait3A_223 = arith.constant 0 : i32
        %dma_wait3A_224 = tpu.memref_slice %arg7[%add3A_174, %dma_wait3A_223] : memref<16x64xi32, #tpu.memory_space<vmem>> -> memref<1x64xi32, #tpu.memory_space<vmem>>
        %dma_wait3A_225 = tpu.memref_squeeze %dma_wait3A_224 : memref<1x64xi32, #tpu.memory_space<vmem>> -> memref<64xi32, #tpu.memory_space<vmem>>
        %dma_wait3A_226 = arith.constant 0 : i32
        %dma_wait3A_227 = arith.constant 0 : i32
        %dma_wait3A_228 = tpu.memref_slice %arg2[%dma_wait3A_226, %dma_wait3A_227] : memref<10240x128xf32, #tpu.memory_space<hbm>> -> memref<10240x128xf32, #tpu.memory_space<hbm>>
        tpu.wait_indirect_dma semaphore(%arg20 : memref<!tpu.dma_semaphore, #tpu.memory_space<semaphore_mem>>) src(%dma_wait3A_228 : memref<10240x128xf32, #tpu.memory_space<hbm>>) dst(%arg14 : memref<64x128xf32, #tpu.memory_space<vmem>>)
        %add3A_229 = arith.constant 3 : i32
        %add3A_230 = arith.addi %mul3A_128, %add3A_229 : i32
        %dma_start3A_231 = arith.constant 0 : i32
        %dma_start3A_232 = tpu.memref_slice %arg9[%add3A_230, %dma_start3A_231] : memref<16x64xi32, #tpu.memory_space<vmem>> -> memref<1x64xi32, #tpu.memory_space<vmem>>
        %dma_start3A_233 = tpu.memref_squeeze %dma_start3A_232 : memref<1x64xi32, #tpu.memory_space<vmem>> -> memref<64xi32, #tpu.memory_space<vmem>>
        %dma_start3A_234 = arith.constant 0 : i32
        %dma_start3A_235 = arith.constant 0 : i32
        %dma_start3A_236 = tpu.memref_slice %arg6[%dma_start3A_234, %dma_start3A_235] : memref<10240x128xf32, #tpu.memory_space<vmem_shared>> -> memref<10240x128xf32, #tpu.memory_space<vmem_shared>>
        tpu.enqueue_indirect_dma source(%arg14 : memref<64x128xf32, #tpu.memory_space<vmem>>) target(%dma_start3A_236 : memref<10240x128xf32, #tpu.memory_space<vmem_shared>>) offsets(%dma_start3A_233 : memref<64xi32, #tpu.memory_space<vmem>>) semaphore(%arg24 : memref<!tpu.dma_semaphore, #tpu.memory_space<semaphore_mem>>) {add = true}
        %scan3A_237 = arith.constant 0 : i32
        scf.yield %scan3A_237 : i32
      }
      %scan3A_90 = arith.constant 4 : i32
      %mul3A_91 = arith.constant 2 : i32
      %mul3A_92 = arith.muli %scan3A_62, %mul3A_91 : i32
      %add3A_93 = arith.constant 1 : i32
      %add3A_94 = arith.addi %mul3A_92, %add3A_93 : i32
      %dma_wait3A_95 = arith.constant 0 : i32
      %dma_wait3A_96 = arith.constant 0 : i32
      %dma_wait3A_97 = tpu.memref_slice %arg3[%dma_wait3A_95, %dma_wait3A_96] : memref<5120x64xi32, #tpu.memory_space<hbm>> -> memref<16x64xi32, #tpu.memory_space<hbm>>
      %dma_wait3A_98 = arith.constant 0 : i32
      %dma_wait3A_99 = arith.constant 0 : i32
      %dma_wait3A_100 = tpu.memref_slice %arg3[%dma_wait3A_98, %dma_wait3A_99] : memref<5120x64xi32, #tpu.memory_space<hbm>> -> memref<16x64xi32, #tpu.memory_space<hbm>>
      tpu.wait_dma2 semaphore(%arg16 : memref<!tpu.dma_semaphore, #tpu.memory_space<semaphore_mem>>) src(%dma_wait3A_100 : memref<16x64xi32, #tpu.memory_space<hbm>>) dst(%arg8 : memref<16x64xi32, #tpu.memory_space<vmem>>)
      %dma_wait3A_101 = arith.constant 0 : i32
      %dma_wait3A_102 = arith.constant 0 : i32
      %dma_wait3A_103 = tpu.memref_slice %arg4[%dma_wait3A_101, %dma_wait3A_102] : memref<5120x64xi32, #tpu.memory_space<hbm>> -> memref<16x64xi32, #tpu.memory_space<hbm>>
      %dma_wait3A_104 = arith.constant 0 : i32
      %dma_wait3A_105 = arith.constant 0 : i32
      %dma_wait3A_106 = tpu.memref_slice %arg4[%dma_wait3A_104, %dma_wait3A_105] : memref<5120x64xi32, #tpu.memory_space<hbm>> -> memref<16x64xi32, #tpu.memory_space<hbm>>
      tpu.wait_dma2 semaphore(%arg16 : memref<!tpu.dma_semaphore, #tpu.memory_space<semaphore_mem>>) src(%dma_wait3A_106 : memref<16x64xi32, #tpu.memory_space<hbm>>) dst(%arg10 : memref<16x64xi32, #tpu.memory_space<vmem>>)
      %gt3A_107 = arith.constant 0 : i32
      %gt3A_108 = arith.cmpi sgt, %add3A_94, %gt3A_107 : i32
      %convert_element_type3A_109 = arith.extui %gt3A_108 : i1 to i32
      %cond3A_110 = arith.constant 0 : i32
      %cond3A_111 = arith.cmpi ne, %convert_element_type3A_109, %cond3A_110 : i32
      scf.if %cond3A_111 {
        %dma_wait3A_125 = arith.constant 0 : i32
        %dma_wait3A_126 = arith.constant 0 : i32
        %dma_wait3A_127 = tpu.memref_slice %arg9[%dma_wait3A_125, %dma_wait3A_126] : memref<16x64xi32, #tpu.memory_space<vmem>> -> memref<1x64xi32, #tpu.memory_space<vmem>>
        %dma_wait3A_128 = tpu.memref_squeeze %dma_wait3A_127 : memref<1x64xi32, #tpu.memory_space<vmem>> -> memref<64xi32, #tpu.memory_space<vmem>>
        %dma_wait3A_129 = arith.constant 0 : i32
        %dma_wait3A_130 = arith.constant 0 : i32
        %dma_wait3A_131 = tpu.memref_slice %arg6[%dma_wait3A_129, %dma_wait3A_130] : memref<10240x128xf32, #tpu.memory_space<vmem_shared>> -> memref<10240x128xf32, #tpu.memory_space<vmem_shared>>
        tpu.wait_indirect_dma semaphore(%arg21 : memref<!tpu.dma_semaphore, #tpu.memory_space<semaphore_mem>>) src(%arg11 : memref<64x128xf32, #tpu.memory_space<vmem>>) dst(%dma_wait3A_131 : memref<10240x128xf32, #tpu.memory_space<vmem_shared>>)
        %dma_wait3A_132 = arith.constant 0 : i32
        %dma_wait3A_133 = arith.constant 0 : i32
        %dma_wait3A_134 = tpu.memref_slice %arg9[%dma_wait3A_132, %dma_wait3A_133] : memref<16x64xi32, #tpu.memory_space<vmem>> -> memref<1x64xi32, #tpu.memory_space<vmem>>
        %dma_wait3A_135 = tpu.memref_squeeze %dma_wait3A_134 : memref<1x64xi32, #tpu.memory_space<vmem>> -> memref<64xi32, #tpu.memory_space<vmem>>
        %dma_wait3A_136 = arith.constant 0 : i32
        %dma_wait3A_137 = arith.constant 0 : i32
        %dma_wait3A_138 = tpu.memref_slice %arg6[%dma_wait3A_136, %dma_wait3A_137] : memref<10240x128xf32, #tpu.memory_space<vmem_shared>> -> memref<10240x128xf32, #tpu.memory_space<vmem_shared>>
        tpu.wait_indirect_dma semaphore(%arg22 : memref<!tpu.dma_semaphore, #tpu.memory_space<semaphore_mem>>) src(%arg12 : memref<64x128xf32, #tpu.memory_space<vmem>>) dst(%dma_wait3A_138 : memref<10240x128xf32, #tpu.memory_space<vmem_shared>>)
        %dma_wait3A_139 = arith.constant 0 : i32
        %dma_wait3A_140 = arith.constant 0 : i32
        %dma_wait3A_141 = tpu.memref_slice %arg9[%dma_wait3A_139, %dma_wait3A_140] : memref<16x64xi32, #tpu.memory_space<vmem>> -> memref<1x64xi32, #tpu.memory_space<vmem>>
        %dma_wait3A_142 = tpu.memref_squeeze %dma_wait3A_141 : memref<1x64xi32, #tpu.memory_space<vmem>> -> memref<64xi32, #tpu.memory_space<vmem>>
        %dma_wait3A_143 = arith.constant 0 : i32
        %dma_wait3A_144 = arith.constant 0 : i32
        %dma_wait3A_145 = tpu.memref_slice %arg6[%dma_wait3A_143, %dma_wait3A_144] : memref<10240x128xf32, #tpu.memory_space<vmem_shared>> -> memref<10240x128xf32, #tpu.memory_space<vmem_shared>>
        tpu.wait_indirect_dma semaphore(%arg23 : memref<!tpu.dma_semaphore, #tpu.memory_space<semaphore_mem>>) src(%arg13 : memref<64x128xf32, #tpu.memory_space<vmem>>) dst(%dma_wait3A_145 : memref<10240x128xf32, #tpu.memory_space<vmem_shared>>)
        %dma_wait3A_146 = arith.constant 0 : i32
        %dma_wait3A_147 = arith.constant 0 : i32
        %dma_wait3A_148 = tpu.memref_slice %arg9[%dma_wait3A_146, %dma_wait3A_147] : memref<16x64xi32, #tpu.memory_space<vmem>> -> memref<1x64xi32, #tpu.memory_space<vmem>>
        %dma_wait3A_149 = tpu.memref_squeeze %dma_wait3A_148 : memref<1x64xi32, #tpu.memory_space<vmem>> -> memref<64xi32, #tpu.memory_space<vmem>>
        %dma_wait3A_150 = arith.constant 0 : i32
        %dma_wait3A_151 = arith.constant 0 : i32
        %dma_wait3A_152 = tpu.memref_slice %arg6[%dma_wait3A_150, %dma_wait3A_151] : memref<10240x128xf32, #tpu.memory_space<vmem_shared>> -> memref<10240x128xf32, #tpu.memory_space<vmem_shared>>
        tpu.wait_indirect_dma semaphore(%arg24 : memref<!tpu.dma_semaphore, #tpu.memory_space<semaphore_mem>>) src(%arg14 : memref<64x128xf32, #tpu.memory_space<vmem>>) dst(%dma_wait3A_152 : memref<10240x128xf32, #tpu.memory_space<vmem_shared>>)
      } else {
      }
      %lt3A_112 = arith.constant 9 : i32
      %lt3A_113 = arith.cmpi slt, %add3A_94, %lt3A_112 : i32
      %convert_element_type3A_114 = arith.extui %lt3A_113 : i1 to i32
      %cond3A_115 = arith.constant 0 : i32
      %cond3A_116 = arith.cmpi ne, %convert_element_type3A_114, %cond3A_115 : i32
      scf.if %cond3A_116 {
        %add3A_125 = arith.constant 1 : i32
        %add3A_126 = arith.addi %add3A_94, %add3A_125 : i32
        %mul3A_127 = arith.constant 16 : i32
        %mul3A_128 = arith.muli %add3A_126, %mul3A_127 : i32
        %add3A_129 = arith.addi %mul3A_2, %mul3A_128 : i32
        %multiple_of3A_130 = tpu.assume_multiple %add3A_129, 8 : i32
        %dma_start3A_131 = arith.constant 0 : i32
        %dma_start3A_132 = tpu.memref_slice %arg3[%multiple_of3A_130, %dma_start3A_131] : memref<5120x64xi32, #tpu.memory_space<hbm>> -> memref<16x64xi32, #tpu.memory_space<hbm>>
        %dma_start3A_133 = arith.constant 0 : i32
        %dma_start3A_134 = tpu.memref_slice %arg3[%multiple_of3A_130, %dma_start3A_133] : memref<5120x64xi32, #tpu.memory_space<hbm>> -> memref<16x64xi32, #tpu.memory_space<hbm>>
        tpu.enqueue_dma source(%dma_start3A_134 : memref<16x64xi32, #tpu.memory_space<hbm>>) target(%arg7 : memref<16x64xi32, #tpu.memory_space<vmem>>) target_semaphore(%arg15 : memref<!tpu.dma_semaphore, #tpu.memory_space<semaphore_mem>>)
        %dma_start3A_135 = arith.constant 0 : i32
        %dma_start3A_136 = tpu.memref_slice %arg4[%multiple_of3A_130, %dma_start3A_135] : memref<5120x64xi32, #tpu.memory_space<hbm>> -> memref<16x64xi32, #tpu.memory_space<hbm>>
        %dma_start3A_137 = arith.constant 0 : i32
        %dma_start3A_138 = tpu.memref_slice %arg4[%multiple_of3A_130, %dma_start3A_137] : memref<5120x64xi32, #tpu.memory_space<hbm>> -> memref<16x64xi32, #tpu.memory_space<hbm>>
        tpu.enqueue_dma source(%dma_start3A_138 : memref<16x64xi32, #tpu.memory_space<hbm>>) target(%arg9 : memref<16x64xi32, #tpu.memory_space<vmem>>) target_semaphore(%arg15 : memref<!tpu.dma_semaphore, #tpu.memory_space<semaphore_mem>>)
      } else {
      }
      %scan3A_117 = arith.constant 0 : i32
      %scan3A_118 = arith.constant 0 : i32
      %scan3A_119 = arith.constant 4 : i32
      %scan3A_120 = arith.addi %scan3A_118, %scan3A_119 : i32
      %scan3A_121 = arith.constant 1 : i32
      %scan3A_122 = scf.for %scan3A_125 = %scan3A_118 to %scan3A_120 step %scan3A_121 iter_args(%scan3A_126 = %scan3A_117) -> (i32)  : i32 {
        %mul3A_127 = arith.constant 4 : i32
        %mul3A_128 = arith.muli %scan3A_125, %mul3A_127 : i32
        %gt3A_129 = arith.constant 0 : i32
        %gt3A_130 = arith.cmpi sgt, %scan3A_125, %gt3A_129 : i32
        %convert_element_type3A_131 = arith.extui %gt3A_130 : i1 to i32
        %cond3A_132 = arith.constant 0 : i32
        %cond3A_133 = arith.cmpi ne, %convert_element_type3A_131, %cond3A_132 : i32
        scf.if %cond3A_133 {
          %dma_wait3A_238 = arith.constant 0 : i32
          %dma_wait3A_239 = arith.constant 0 : i32
          %dma_wait3A_240 = tpu.memref_slice %arg10[%dma_wait3A_238, %dma_wait3A_239] : memref<16x64xi32, #tpu.memory_space<vmem>> -> memref<1x64xi32, #tpu.memory_space<vmem>>
          %dma_wait3A_241 = tpu.memref_squeeze %dma_wait3A_240 : memref<1x64xi32, #tpu.memory_space<vmem>> -> memref<64xi32, #tpu.memory_space<vmem>>
          %dma_wait3A_242 = arith.constant 0 : i32
          %dma_wait3A_243 = arith.constant 0 : i32
          %dma_wait3A_244 = tpu.memref_slice %arg6[%dma_wait3A_242, %dma_wait3A_243] : memref<10240x128xf32, #tpu.memory_space<vmem_shared>> -> memref<10240x128xf32, #tpu.memory_space<vmem_shared>>
          tpu.wait_indirect_dma semaphore(%arg21 : memref<!tpu.dma_semaphore, #tpu.memory_space<semaphore_mem>>) src(%arg11 : memref<64x128xf32, #tpu.memory_space<vmem>>) dst(%dma_wait3A_244 : memref<10240x128xf32, #tpu.memory_space<vmem_shared>>)
        } else {
        }
        %add3A_134 = arith.constant 0 : i32
        %add3A_135 = arith.addi %mul3A_128, %add3A_134 : i32
        %dma_start3A_136 = arith.constant 0 : i32
        %dma_start3A_137 = tpu.memref_slice %arg8[%add3A_135, %dma_start3A_136] : memref<16x64xi32, #tpu.memory_space<vmem>> -> memref<1x64xi32, #tpu.memory_space<vmem>>
        %dma_start3A_138 = tpu.memref_squeeze %dma_start3A_137 : memref<1x64xi32, #tpu.memory_space<vmem>> -> memref<64xi32, #tpu.memory_space<vmem>>
        %dma_start3A_139 = arith.constant 0 : i32
        %dma_start3A_140 = arith.constant 0 : i32
        %dma_start3A_141 = tpu.memref_slice %arg2[%dma_start3A_139, %dma_start3A_140] : memref<10240x128xf32, #tpu.memory_space<hbm>> -> memref<10240x128xf32, #tpu.memory_space<hbm>>
        tpu.enqueue_indirect_dma source(%dma_start3A_141 : memref<10240x128xf32, #tpu.memory_space<hbm>>) target(%arg11 : memref<64x128xf32, #tpu.memory_space<vmem>>) offsets(%dma_start3A_138 : memref<64xi32, #tpu.memory_space<vmem>>) semaphore(%arg17 : memref<!tpu.dma_semaphore, #tpu.memory_space<semaphore_mem>>)
        %gt3A_142 = arith.constant 0 : i32
        %gt3A_143 = arith.cmpi sgt, %scan3A_125, %gt3A_142 : i32
        %convert_element_type3A_144 = arith.extui %gt3A_143 : i1 to i32
        %cond3A_145 = arith.constant 0 : i32
        %cond3A_146 = arith.cmpi ne, %convert_element_type3A_144, %cond3A_145 : i32
        scf.if %cond3A_146 {
          %dma_wait3A_238 = arith.constant 0 : i32
          %dma_wait3A_239 = arith.constant 0 : i32
          %dma_wait3A_240 = tpu.memref_slice %arg10[%dma_wait3A_238, %dma_wait3A_239] : memref<16x64xi32, #tpu.memory_space<vmem>> -> memref<1x64xi32, #tpu.memory_space<vmem>>
          %dma_wait3A_241 = tpu.memref_squeeze %dma_wait3A_240 : memref<1x64xi32, #tpu.memory_space<vmem>> -> memref<64xi32, #tpu.memory_space<vmem>>
          %dma_wait3A_242 = arith.constant 0 : i32
          %dma_wait3A_243 = arith.constant 0 : i32
          %dma_wait3A_244 = tpu.memref_slice %arg6[%dma_wait3A_242, %dma_wait3A_243] : memref<10240x128xf32, #tpu.memory_space<vmem_shared>> -> memref<10240x128xf32, #tpu.memory_space<vmem_shared>>
          tpu.wait_indirect_dma semaphore(%arg22 : memref<!tpu.dma_semaphore, #tpu.memory_space<semaphore_mem>>) src(%arg12 : memref<64x128xf32, #tpu.memory_space<vmem>>) dst(%dma_wait3A_244 : memref<10240x128xf32, #tpu.memory_space<vmem_shared>>)
        } else {
        }
        %add3A_147 = arith.constant 1 : i32
        %add3A_148 = arith.addi %mul3A_128, %add3A_147 : i32
        %dma_start3A_149 = arith.constant 0 : i32
        %dma_start3A_150 = tpu.memref_slice %arg8[%add3A_148, %dma_start3A_149] : memref<16x64xi32, #tpu.memory_space<vmem>> -> memref<1x64xi32, #tpu.memory_space<vmem>>
        %dma_start3A_151 = tpu.memref_squeeze %dma_start3A_150 : memref<1x64xi32, #tpu.memory_space<vmem>> -> memref<64xi32, #tpu.memory_space<vmem>>
        %dma_start3A_152 = arith.constant 0 : i32
        %dma_start3A_153 = arith.constant 0 : i32
        %dma_start3A_154 = tpu.memref_slice %arg2[%dma_start3A_152, %dma_start3A_153] : memref<10240x128xf32, #tpu.memory_space<hbm>> -> memref<10240x128xf32, #tpu.memory_space<hbm>>
        tpu.enqueue_indirect_dma source(%dma_start3A_154 : memref<10240x128xf32, #tpu.memory_space<hbm>>) target(%arg12 : memref<64x128xf32, #tpu.memory_space<vmem>>) offsets(%dma_start3A_151 : memref<64xi32, #tpu.memory_space<vmem>>) semaphore(%arg18 : memref<!tpu.dma_semaphore, #tpu.memory_space<semaphore_mem>>)
        %gt3A_155 = arith.constant 0 : i32
        %gt3A_156 = arith.cmpi sgt, %scan3A_125, %gt3A_155 : i32
        %convert_element_type3A_157 = arith.extui %gt3A_156 : i1 to i32
        %cond3A_158 = arith.constant 0 : i32
        %cond3A_159 = arith.cmpi ne, %convert_element_type3A_157, %cond3A_158 : i32
        scf.if %cond3A_159 {
          %dma_wait3A_238 = arith.constant 0 : i32
          %dma_wait3A_239 = arith.constant 0 : i32
          %dma_wait3A_240 = tpu.memref_slice %arg10[%dma_wait3A_238, %dma_wait3A_239] : memref<16x64xi32, #tpu.memory_space<vmem>> -> memref<1x64xi32, #tpu.memory_space<vmem>>
          %dma_wait3A_241 = tpu.memref_squeeze %dma_wait3A_240 : memref<1x64xi32, #tpu.memory_space<vmem>> -> memref<64xi32, #tpu.memory_space<vmem>>
          %dma_wait3A_242 = arith.constant 0 : i32
          %dma_wait3A_243 = arith.constant 0 : i32
          %dma_wait3A_244 = tpu.memref_slice %arg6[%dma_wait3A_242, %dma_wait3A_243] : memref<10240x128xf32, #tpu.memory_space<vmem_shared>> -> memref<10240x128xf32, #tpu.memory_space<vmem_shared>>
          tpu.wait_indirect_dma semaphore(%arg23 : memref<!tpu.dma_semaphore, #tpu.memory_space<semaphore_mem>>) src(%arg13 : memref<64x128xf32, #tpu.memory_space<vmem>>) dst(%dma_wait3A_244 : memref<10240x128xf32, #tpu.memory_space<vmem_shared>>)
        } else {
        }
        %add3A_160 = arith.constant 2 : i32
        %add3A_161 = arith.addi %mul3A_128, %add3A_160 : i32
        %dma_start3A_162 = arith.constant 0 : i32
        %dma_start3A_163 = tpu.memref_slice %arg8[%add3A_161, %dma_start3A_162] : memref<16x64xi32, #tpu.memory_space<vmem>> -> memref<1x64xi32, #tpu.memory_space<vmem>>
        %dma_start3A_164 = tpu.memref_squeeze %dma_start3A_163 : memref<1x64xi32, #tpu.memory_space<vmem>> -> memref<64xi32, #tpu.memory_space<vmem>>
        %dma_start3A_165 = arith.constant 0 : i32
        %dma_start3A_166 = arith.constant 0 : i32
        %dma_start3A_167 = tpu.memref_slice %arg2[%dma_start3A_165, %dma_start3A_166] : memref<10240x128xf32, #tpu.memory_space<hbm>> -> memref<10240x128xf32, #tpu.memory_space<hbm>>
        tpu.enqueue_indirect_dma source(%dma_start3A_167 : memref<10240x128xf32, #tpu.memory_space<hbm>>) target(%arg13 : memref<64x128xf32, #tpu.memory_space<vmem>>) offsets(%dma_start3A_164 : memref<64xi32, #tpu.memory_space<vmem>>) semaphore(%arg19 : memref<!tpu.dma_semaphore, #tpu.memory_space<semaphore_mem>>)
        %gt3A_168 = arith.constant 0 : i32
        %gt3A_169 = arith.cmpi sgt, %scan3A_125, %gt3A_168 : i32
        %convert_element_type3A_170 = arith.extui %gt3A_169 : i1 to i32
        %cond3A_171 = arith.constant 0 : i32
        %cond3A_172 = arith.cmpi ne, %convert_element_type3A_170, %cond3A_171 : i32
        scf.if %cond3A_172 {
          %dma_wait3A_238 = arith.constant 0 : i32
          %dma_wait3A_239 = arith.constant 0 : i32
          %dma_wait3A_240 = tpu.memref_slice %arg10[%dma_wait3A_238, %dma_wait3A_239] : memref<16x64xi32, #tpu.memory_space<vmem>> -> memref<1x64xi32, #tpu.memory_space<vmem>>
          %dma_wait3A_241 = tpu.memref_squeeze %dma_wait3A_240 : memref<1x64xi32, #tpu.memory_space<vmem>> -> memref<64xi32, #tpu.memory_space<vmem>>
          %dma_wait3A_242 = arith.constant 0 : i32
          %dma_wait3A_243 = arith.constant 0 : i32
          %dma_wait3A_244 = tpu.memref_slice %arg6[%dma_wait3A_242, %dma_wait3A_243] : memref<10240x128xf32, #tpu.memory_space<vmem_shared>> -> memref<10240x128xf32, #tpu.memory_space<vmem_shared>>
          tpu.wait_indirect_dma semaphore(%arg24 : memref<!tpu.dma_semaphore, #tpu.memory_space<semaphore_mem>>) src(%arg14 : memref<64x128xf32, #tpu.memory_space<vmem>>) dst(%dma_wait3A_244 : memref<10240x128xf32, #tpu.memory_space<vmem_shared>>)
        } else {
        }
        %add3A_173 = arith.constant 3 : i32
        %add3A_174 = arith.addi %mul3A_128, %add3A_173 : i32
        %dma_start3A_175 = arith.constant 0 : i32
        %dma_start3A_176 = tpu.memref_slice %arg8[%add3A_174, %dma_start3A_175] : memref<16x64xi32, #tpu.memory_space<vmem>> -> memref<1x64xi32, #tpu.memory_space<vmem>>
        %dma_start3A_177 = tpu.memref_squeeze %dma_start3A_176 : memref<1x64xi32, #tpu.memory_space<vmem>> -> memref<64xi32, #tpu.memory_space<vmem>>
        %dma_start3A_178 = arith.constant 0 : i32
        %dma_start3A_179 = arith.constant 0 : i32
        %dma_start3A_180 = tpu.memref_slice %arg2[%dma_start3A_178, %dma_start3A_179] : memref<10240x128xf32, #tpu.memory_space<hbm>> -> memref<10240x128xf32, #tpu.memory_space<hbm>>
        tpu.enqueue_indirect_dma source(%dma_start3A_180 : memref<10240x128xf32, #tpu.memory_space<hbm>>) target(%arg14 : memref<64x128xf32, #tpu.memory_space<vmem>>) offsets(%dma_start3A_177 : memref<64xi32, #tpu.memory_space<vmem>>) semaphore(%arg20 : memref<!tpu.dma_semaphore, #tpu.memory_space<semaphore_mem>>)
        %dma_wait3A_181 = arith.constant 0 : i32
        %dma_wait3A_182 = tpu.memref_slice %arg8[%add3A_135, %dma_wait3A_181] : memref<16x64xi32, #tpu.memory_space<vmem>> -> memref<1x64xi32, #tpu.memory_space<vmem>>
        %dma_wait3A_183 = tpu.memref_squeeze %dma_wait3A_182 : memref<1x64xi32, #tpu.memory_space<vmem>> -> memref<64xi32, #tpu.memory_space<vmem>>
        %dma_wait3A_184 = arith.constant 0 : i32
        %dma_wait3A_185 = arith.constant 0 : i32
        %dma_wait3A_186 = tpu.memref_slice %arg2[%dma_wait3A_184, %dma_wait3A_185] : memref<10240x128xf32, #tpu.memory_space<hbm>> -> memref<10240x128xf32, #tpu.memory_space<hbm>>
        tpu.wait_indirect_dma semaphore(%arg17 : memref<!tpu.dma_semaphore, #tpu.memory_space<semaphore_mem>>) src(%dma_wait3A_186 : memref<10240x128xf32, #tpu.memory_space<hbm>>) dst(%arg11 : memref<64x128xf32, #tpu.memory_space<vmem>>)
        %add3A_187 = arith.constant 0 : i32
        %add3A_188 = arith.addi %mul3A_128, %add3A_187 : i32
        %dma_start3A_189 = arith.constant 0 : i32
        %dma_start3A_190 = tpu.memref_slice %arg10[%add3A_188, %dma_start3A_189] : memref<16x64xi32, #tpu.memory_space<vmem>> -> memref<1x64xi32, #tpu.memory_space<vmem>>
        %dma_start3A_191 = tpu.memref_squeeze %dma_start3A_190 : memref<1x64xi32, #tpu.memory_space<vmem>> -> memref<64xi32, #tpu.memory_space<vmem>>
        %dma_start3A_192 = arith.constant 0 : i32
        %dma_start3A_193 = arith.constant 0 : i32
        %dma_start3A_194 = tpu.memref_slice %arg6[%dma_start3A_192, %dma_start3A_193] : memref<10240x128xf32, #tpu.memory_space<vmem_shared>> -> memref<10240x128xf32, #tpu.memory_space<vmem_shared>>
        tpu.enqueue_indirect_dma source(%arg11 : memref<64x128xf32, #tpu.memory_space<vmem>>) target(%dma_start3A_194 : memref<10240x128xf32, #tpu.memory_space<vmem_shared>>) offsets(%dma_start3A_191 : memref<64xi32, #tpu.memory_space<vmem>>) semaphore(%arg21 : memref<!tpu.dma_semaphore, #tpu.memory_space<semaphore_mem>>) {add = true}
        %dma_wait3A_195 = arith.constant 0 : i32
        %dma_wait3A_196 = tpu.memref_slice %arg8[%add3A_148, %dma_wait3A_195] : memref<16x64xi32, #tpu.memory_space<vmem>> -> memref<1x64xi32, #tpu.memory_space<vmem>>
        %dma_wait3A_197 = tpu.memref_squeeze %dma_wait3A_196 : memref<1x64xi32, #tpu.memory_space<vmem>> -> memref<64xi32, #tpu.memory_space<vmem>>
        %dma_wait3A_198 = arith.constant 0 : i32
        %dma_wait3A_199 = arith.constant 0 : i32
        %dma_wait3A_200 = tpu.memref_slice %arg2[%dma_wait3A_198, %dma_wait3A_199] : memref<10240x128xf32, #tpu.memory_space<hbm>> -> memref<10240x128xf32, #tpu.memory_space<hbm>>
        tpu.wait_indirect_dma semaphore(%arg18 : memref<!tpu.dma_semaphore, #tpu.memory_space<semaphore_mem>>) src(%dma_wait3A_200 : memref<10240x128xf32, #tpu.memory_space<hbm>>) dst(%arg12 : memref<64x128xf32, #tpu.memory_space<vmem>>)
        %add3A_201 = arith.constant 1 : i32
        %add3A_202 = arith.addi %mul3A_128, %add3A_201 : i32
        %dma_start3A_203 = arith.constant 0 : i32
        %dma_start3A_204 = tpu.memref_slice %arg10[%add3A_202, %dma_start3A_203] : memref<16x64xi32, #tpu.memory_space<vmem>> -> memref<1x64xi32, #tpu.memory_space<vmem>>
        %dma_start3A_205 = tpu.memref_squeeze %dma_start3A_204 : memref<1x64xi32, #tpu.memory_space<vmem>> -> memref<64xi32, #tpu.memory_space<vmem>>
        %dma_start3A_206 = arith.constant 0 : i32
        %dma_start3A_207 = arith.constant 0 : i32
        %dma_start3A_208 = tpu.memref_slice %arg6[%dma_start3A_206, %dma_start3A_207] : memref<10240x128xf32, #tpu.memory_space<vmem_shared>> -> memref<10240x128xf32, #tpu.memory_space<vmem_shared>>
        tpu.enqueue_indirect_dma source(%arg12 : memref<64x128xf32, #tpu.memory_space<vmem>>) target(%dma_start3A_208 : memref<10240x128xf32, #tpu.memory_space<vmem_shared>>) offsets(%dma_start3A_205 : memref<64xi32, #tpu.memory_space<vmem>>) semaphore(%arg22 : memref<!tpu.dma_semaphore, #tpu.memory_space<semaphore_mem>>) {add = true}
        %dma_wait3A_209 = arith.constant 0 : i32
        %dma_wait3A_210 = tpu.memref_slice %arg8[%add3A_161, %dma_wait3A_209] : memref<16x64xi32, #tpu.memory_space<vmem>> -> memref<1x64xi32, #tpu.memory_space<vmem>>
        %dma_wait3A_211 = tpu.memref_squeeze %dma_wait3A_210 : memref<1x64xi32, #tpu.memory_space<vmem>> -> memref<64xi32, #tpu.memory_space<vmem>>
        %dma_wait3A_212 = arith.constant 0 : i32
        %dma_wait3A_213 = arith.constant 0 : i32
        %dma_wait3A_214 = tpu.memref_slice %arg2[%dma_wait3A_212, %dma_wait3A_213] : memref<10240x128xf32, #tpu.memory_space<hbm>> -> memref<10240x128xf32, #tpu.memory_space<hbm>>
        tpu.wait_indirect_dma semaphore(%arg19 : memref<!tpu.dma_semaphore, #tpu.memory_space<semaphore_mem>>) src(%dma_wait3A_214 : memref<10240x128xf32, #tpu.memory_space<hbm>>) dst(%arg13 : memref<64x128xf32, #tpu.memory_space<vmem>>)
        %add3A_215 = arith.constant 2 : i32
        %add3A_216 = arith.addi %mul3A_128, %add3A_215 : i32
        %dma_start3A_217 = arith.constant 0 : i32
        %dma_start3A_218 = tpu.memref_slice %arg10[%add3A_216, %dma_start3A_217] : memref<16x64xi32, #tpu.memory_space<vmem>> -> memref<1x64xi32, #tpu.memory_space<vmem>>
        %dma_start3A_219 = tpu.memref_squeeze %dma_start3A_218 : memref<1x64xi32, #tpu.memory_space<vmem>> -> memref<64xi32, #tpu.memory_space<vmem>>
        %dma_start3A_220 = arith.constant 0 : i32
        %dma_start3A_221 = arith.constant 0 : i32
        %dma_start3A_222 = tpu.memref_slice %arg6[%dma_start3A_220, %dma_start3A_221] : memref<10240x128xf32, #tpu.memory_space<vmem_shared>> -> memref<10240x128xf32, #tpu.memory_space<vmem_shared>>
        tpu.enqueue_indirect_dma source(%arg13 : memref<64x128xf32, #tpu.memory_space<vmem>>) target(%dma_start3A_222 : memref<10240x128xf32, #tpu.memory_space<vmem_shared>>) offsets(%dma_start3A_219 : memref<64xi32, #tpu.memory_space<vmem>>) semaphore(%arg23 : memref<!tpu.dma_semaphore, #tpu.memory_space<semaphore_mem>>) {add = true}
        %dma_wait3A_223 = arith.constant 0 : i32
        %dma_wait3A_224 = tpu.memref_slice %arg8[%add3A_174, %dma_wait3A_223] : memref<16x64xi32, #tpu.memory_space<vmem>> -> memref<1x64xi32, #tpu.memory_space<vmem>>
        %dma_wait3A_225 = tpu.memref_squeeze %dma_wait3A_224 : memref<1x64xi32, #tpu.memory_space<vmem>> -> memref<64xi32, #tpu.memory_space<vmem>>
        %dma_wait3A_226 = arith.constant 0 : i32
        %dma_wait3A_227 = arith.constant 0 : i32
        %dma_wait3A_228 = tpu.memref_slice %arg2[%dma_wait3A_226, %dma_wait3A_227] : memref<10240x128xf32, #tpu.memory_space<hbm>> -> memref<10240x128xf32, #tpu.memory_space<hbm>>
        tpu.wait_indirect_dma semaphore(%arg20 : memref<!tpu.dma_semaphore, #tpu.memory_space<semaphore_mem>>) src(%dma_wait3A_228 : memref<10240x128xf32, #tpu.memory_space<hbm>>) dst(%arg14 : memref<64x128xf32, #tpu.memory_space<vmem>>)
        %add3A_229 = arith.constant 3 : i32
        %add3A_230 = arith.addi %mul3A_128, %add3A_229 : i32
        %dma_start3A_231 = arith.constant 0 : i32
        %dma_start3A_232 = tpu.memref_slice %arg10[%add3A_230, %dma_start3A_231] : memref<16x64xi32, #tpu.memory_space<vmem>> -> memref<1x64xi32, #tpu.memory_space<vmem>>
        %dma_start3A_233 = tpu.memref_squeeze %dma_start3A_232 : memref<1x64xi32, #tpu.memory_space<vmem>> -> memref<64xi32, #tpu.memory_space<vmem>>
        %dma_start3A_234 = arith.constant 0 : i32
        %dma_start3A_235 = arith.constant 0 : i32
        %dma_start3A_236 = tpu.memref_slice %arg6[%dma_start3A_234, %dma_start3A_235] : memref<10240x128xf32, #tpu.memory_space<vmem_shared>> -> memref<10240x128xf32, #tpu.memory_space<vmem_shared>>
        tpu.enqueue_indirect_dma source(%arg14 : memref<64x128xf32, #tpu.memory_space<vmem>>) target(%dma_start3A_236 : memref<10240x128xf32, #tpu.memory_space<vmem_shared>>) offsets(%dma_start3A_233 : memref<64xi32, #tpu.memory_space<vmem>>) semaphore(%arg24 : memref<!tpu.dma_semaphore, #tpu.memory_space<semaphore_mem>>) {add = true}
        %scan3A_237 = arith.constant 0 : i32
        scf.yield %scan3A_237 : i32
      }
      %scan3A_123 = arith.constant 4 : i32
      %scan3A_124 = arith.constant 0 : i32
      scf.yield %scan3A_124 : i32
    }
    %scan3A_28 = arith.constant 5 : i32
    %dma_wait3A_29 = arith.constant 0 : i32
    %dma_wait3A_30 = arith.constant 0 : i32
    %dma_wait3A_31 = tpu.memref_slice %arg10[%dma_wait3A_29, %dma_wait3A_30] : memref<16x64xi32, #tpu.memory_space<vmem>> -> memref<1x64xi32, #tpu.memory_space<vmem>>
    %dma_wait3A_32 = tpu.memref_squeeze %dma_wait3A_31 : memref<1x64xi32, #tpu.memory_space<vmem>> -> memref<64xi32, #tpu.memory_space<vmem>>
    %dma_wait3A_33 = arith.constant 0 : i32
    %dma_wait3A_34 = arith.constant 0 : i32
    %dma_wait3A_35 = tpu.memref_slice %arg6[%dma_wait3A_33, %dma_wait3A_34] : memref<10240x128xf32, #tpu.memory_space<vmem_shared>> -> memref<10240x128xf32, #tpu.memory_space<vmem_shared>>
    tpu.wait_indirect_dma semaphore(%arg21 : memref<!tpu.dma_semaphore, #tpu.memory_space<semaphore_mem>>) src(%arg11 : memref<64x128xf32, #tpu.memory_space<vmem>>) dst(%dma_wait3A_35 : memref<10240x128xf32, #tpu.memory_space<vmem_shared>>)
    %dma_wait3A_36 = arith.constant 0 : i32
    %dma_wait3A_37 = arith.constant 0 : i32
    %dma_wait3A_38 = tpu.memref_slice %arg10[%dma_wait3A_36, %dma_wait3A_37] : memref<16x64xi32, #tpu.memory_space<vmem>> -> memref<1x64xi32, #tpu.memory_space<vmem>>
    %dma_wait3A_39 = tpu.memref_squeeze %dma_wait3A_38 : memref<1x64xi32, #tpu.memory_space<vmem>> -> memref<64xi32, #tpu.memory_space<vmem>>
    %dma_wait3A_40 = arith.constant 0 : i32
    %dma_wait3A_41 = arith.constant 0 : i32
    %dma_wait3A_42 = tpu.memref_slice %arg6[%dma_wait3A_40, %dma_wait3A_41] : memref<10240x128xf32, #tpu.memory_space<vmem_shared>> -> memref<10240x128xf32, #tpu.memory_space<vmem_shared>>
    tpu.wait_indirect_dma semaphore(%arg22 : memref<!tpu.dma_semaphore, #tpu.memory_space<semaphore_mem>>) src(%arg12 : memref<64x128xf32, #tpu.memory_space<vmem>>) dst(%dma_wait3A_42 : memref<10240x128xf32, #tpu.memory_space<vmem_shared>>)
    %dma_wait3A_43 = arith.constant 0 : i32
    %dma_wait3A_44 = arith.constant 0 : i32
    %dma_wait3A_45 = tpu.memref_slice %arg10[%dma_wait3A_43, %dma_wait3A_44] : memref<16x64xi32, #tpu.memory_space<vmem>> -> memref<1x64xi32, #tpu.memory_space<vmem>>
    %dma_wait3A_46 = tpu.memref_squeeze %dma_wait3A_45 : memref<1x64xi32, #tpu.memory_space<vmem>> -> memref<64xi32, #tpu.memory_space<vmem>>
    %dma_wait3A_47 = arith.constant 0 : i32
    %dma_wait3A_48 = arith.constant 0 : i32
    %dma_wait3A_49 = tpu.memref_slice %arg6[%dma_wait3A_47, %dma_wait3A_48] : memref<10240x128xf32, #tpu.memory_space<vmem_shared>> -> memref<10240x128xf32, #tpu.memory_space<vmem_shared>>
    tpu.wait_indirect_dma semaphore(%arg23 : memref<!tpu.dma_semaphore, #tpu.memory_space<semaphore_mem>>) src(%arg13 : memref<64x128xf32, #tpu.memory_space<vmem>>) dst(%dma_wait3A_49 : memref<10240x128xf32, #tpu.memory_space<vmem_shared>>)
    %dma_wait3A_50 = arith.constant 0 : i32
    %dma_wait3A_51 = arith.constant 0 : i32
    %dma_wait3A_52 = tpu.memref_slice %arg10[%dma_wait3A_50, %dma_wait3A_51] : memref<16x64xi32, #tpu.memory_space<vmem>> -> memref<1x64xi32, #tpu.memory_space<vmem>>
    %dma_wait3A_53 = tpu.memref_squeeze %dma_wait3A_52 : memref<1x64xi32, #tpu.memory_space<vmem>> -> memref<64xi32, #tpu.memory_space<vmem>>
    %dma_wait3A_54 = arith.constant 0 : i32
    %dma_wait3A_55 = arith.constant 0 : i32
    %dma_wait3A_56 = tpu.memref_slice %arg6[%dma_wait3A_54, %dma_wait3A_55] : memref<10240x128xf32, #tpu.memory_space<vmem_shared>> -> memref<10240x128xf32, #tpu.memory_space<vmem_shared>>
    tpu.wait_indirect_dma semaphore(%arg24 : memref<!tpu.dma_semaphore, #tpu.memory_space<semaphore_mem>>) src(%arg14 : memref<64x128xf32, #tpu.memory_space<vmem>>) dst(%dma_wait3A_56 : memref<10240x128xf32, #tpu.memory_space<vmem_shared>>)
    %barrier3A_57 = arith.constant 0 : index
    tpu.barrier barrier_id(%barrier3A_57)
    %mul3A_58 = arith.constant 640 : i32
    %mul3A_59 = arith.muli %arg1, %mul3A_58 : i32
    %mul3A_60 = arith.constant 640 : i32
    %mul3A_61 = arith.muli %arg1, %mul3A_60 : i32
    "tpu.region"() ({
      %run_scoped3A = tpu.sem_alloc : memref<!tpu.dma_semaphore, #tpu.memory_space<semaphore_mem>>
      %dma_start3A_62 = arith.constant 0 : i32
      %dma_start3A_63 = tpu.memref_slice %arg5[%arg0, %mul3A_61, %dma_start3A_62] : memref<2x10240x128xf32, #tpu.memory_space<hbm>> -> memref<1x640x128xf32, #tpu.memory_space<hbm>>
      %dma_start3A_64 = tpu.memref_squeeze %dma_start3A_63 : memref<1x640x128xf32, #tpu.memory_space<hbm>> -> memref<640x128xf32, #tpu.memory_space<hbm>>
      %dma_start3A_65 = arith.constant 0 : i32
      %dma_start3A_66 = tpu.memref_slice %arg6[%mul3A_59, %dma_start3A_65] : memref<10240x128xf32, #tpu.memory_space<vmem_shared>> -> memref<640x128xf32, #tpu.memory_space<vmem_shared>>
      tpu.enqueue_dma source(%dma_start3A_66 : memref<640x128xf32, #tpu.memory_space<vmem_shared>>) target(%dma_start3A_64 : memref<640x128xf32, #tpu.memory_space<hbm>>) target_semaphore(%run_scoped3A : memref<!tpu.dma_semaphore, #tpu.memory_space<semaphore_mem>>)
      %dma_wait3A_67 = arith.constant 0 : i32
      %dma_wait3A_68 = tpu.memref_slice %arg5[%arg0, %mul3A_61, %dma_wait3A_67] : memref<2x10240x128xf32, #tpu.memory_space<hbm>> -> memref<1x640x128xf32, #tpu.memory_space<hbm>>
      %dma_wait3A_69 = tpu.memref_squeeze %dma_wait3A_68 : memref<1x640x128xf32, #tpu.memory_space<hbm>> -> memref<640x128xf32, #tpu.memory_space<hbm>>
      %dma_wait3A_70 = arith.constant 0 : i32
      %dma_wait3A_71 = tpu.memref_slice %arg6[%mul3A_59, %dma_wait3A_70] : memref<10240x128xf32, #tpu.memory_space<vmem_shared>> -> memref<640x128xf32, #tpu.memory_space<vmem_shared>>
      tpu.wait_dma2 semaphore(%run_scoped3A : memref<!tpu.dma_semaphore, #tpu.memory_space<semaphore_mem>>) src(%dma_wait3A_71 : memref<640x128xf32, #tpu.memory_space<vmem_shared>>) dst(%dma_wait3A_69 : memref<640x128xf32, #tpu.memory_space<hbm>>)
      tpu.yield
    }) : () -> ()
    return
  }
}

module attributes {stable_mosaic.version = 14 : i64} {
  func.func @_prep_body(%arg0: i32, %arg1: memref<2x1280xf32, #tpu.memory_space<vmem>>, %arg2: memref<1280x128xf32, #tpu.memory_space<vmem>>, %arg3: memref<128x128xf32, #tpu.memory_space<vmem>>, %arg4: memref<1280x128xf32, #tpu.memory_space<vmem>>, %arg5: memref<1x1x1280xf32, #tpu.memory_space<vmem>>) attributes {dimension_semantics = [#tpu.dimension_semantics<arbitrary>], iteration_bounds = array<i64: 8>, scalar_prefetch = 0 : i64, scratch_operands = 0 : i64, tpu.core_type = #tpu.core_type<tc>, window_params = [{transform_indices = @transform_0, window_bounds = array<i64: 2, 1280>}, {transform_indices = @transform_1, window_bounds = array<i64: 1280, 128>}, {pipeline_mode = #tpu.pipeline_mode<synchronous>, transform_indices = @transform_2, window_bounds = array<i64: 128, 128>}, {transform_indices = @transform_3, window_bounds = array<i64: 1280, 128>}, {transform_indices = @transform_4, window_bounds = array<i64: 1, 1, 1280>}]} {
    %get3A = arith.constant 0 : index
    %get3A_0 = arith.constant 0 : index
    %get3A_1 = vector.load %arg1[%get3A, %get3A_0] : memref<2x1280xf32, #tpu.memory_space<vmem>>, vector<1x1280xf32>
    %get3A_2 = vector.shape_cast %get3A_1 : vector<1x1280xf32> to vector<1280xf32>
    %get3A_3 = arith.constant 1 : index
    %get3A_4 = arith.constant 0 : index
    %get3A_5 = vector.load %arg1[%get3A_3, %get3A_4] : memref<2x1280xf32, #tpu.memory_space<vmem>>, vector<1x1280xf32>
    %get3A_6 = vector.shape_cast %get3A_5 : vector<1x1280xf32> to vector<1280xf32>
    %add3A = arith.addf %get3A_2, %get3A_6 : vector<1280xf32>
    %add3A_7 = arith.constant 1.000000e+00 : f32
    %add3A_8 = vector.broadcast %add3A_7 : f32 to vector<1280xf32>
    %add3A_9 = arith.addf %add3A, %add3A_8 : vector<1280xf32>
    %rsqrt3A = math.rsqrt %add3A_9 : vector<1280xf32>
    %get3A_10 = arith.constant 0 : index
    %get3A_11 = arith.constant 0 : index
    %get3A_12 = vector.load %arg2[%get3A_10, %get3A_11] : memref<1280x128xf32, #tpu.memory_space<vmem>>, vector<1280x128xf32>
    %get3A_13 = arith.constant 0 : index
    %get3A_14 = arith.constant 0 : index
    %get3A_15 = vector.load %arg3[%get3A_13, %get3A_14] : memref<128x128xf32, #tpu.memory_space<vmem>>, vector<128x128xf32>
    %dot_general3A = arith.constant dense<0.000000e+00> : vector<1280x128xf32>
    %dot_general3A_16 = tpu.matmul %get3A_12, %get3A_15, %dot_general3A {dimension_numbers = #tpu.dot_dimension_numbers<[1], [0], [0], [1], [0, 0, 1, 1], [], []>, transpose_lhs_hint = false} : vector<1280x128xf32>, vector<128x128xf32>, vector<1280x128xf32> -> vector<1280x128xf32>
    %broadcast_in_dim3A = vector.shape_cast %rsqrt3A : vector<1280xf32> to vector<1280x1xf32>
    %mul3A = vector.broadcast %broadcast_in_dim3A : vector<1280x1xf32> to vector<1280x128xf32>
    %mul3A_17 = arith.mulf %dot_general3A_16, %mul3A : vector<1280x128xf32>
    %swap3A = arith.constant 0 : index
    %swap3A_18 = arith.constant 0 : index
    %swap3A_19 = vector.load %arg4[%swap3A, %swap3A_18] : memref<1280x128xf32, #tpu.memory_space<vmem>>, vector<1280x128xf32>
    tpu.vector_store %arg4[%swap3A, %swap3A_18], %mul3A_17 {strides = array<i32>} : memref<1280x128xf32, #tpu.memory_space<vmem>>, vector<1280x128xf32>,
    %swap3A_20 = arith.constant 0 : index
    %swap3A_21 = arith.constant 0 : index
    %swap3A_22 = arith.constant 0 : index
    %swap3A_23 = vector.load %arg5[%swap3A_20, %swap3A_21, %swap3A_22] : memref<1x1x1280xf32, #tpu.memory_space<vmem>>, vector<1x1x1280xf32>
    %swap3A_24 = vector.shape_cast %swap3A_23 : vector<1x1x1280xf32> to vector<1280xf32>
    %swap3A_25 = vector.shape_cast %rsqrt3A : vector<1280xf32> to vector<1x1x1280xf32>
    tpu.vector_store %arg5[%swap3A_20, %swap3A_21, %swap3A_22], %swap3A_25 {strides = array<i32>} : memref<1x1x1280xf32, #tpu.memory_space<vmem>>, vector<1x1x1280xf32>,
    return
  }
  func.func @transform_0(%arg0: i32) -> (i32, i32) {
    %c0_i32 = arith.constant 0 : i32
    %c0_i32_0 = arith.constant 0 : i32
    return %c0_i32, %arg0 : i32, i32
  }
  func.func @transform_1(%arg0: i32) -> (i32, i32) {
    %c0_i32 = arith.constant 0 : i32
    %c0_i32_0 = arith.constant 0 : i32
    return %arg0, %c0_i32 : i32, i32
  }
  func.func @transform_2(%arg0: i32) -> (i32, i32) {
    %c0_i32 = arith.constant 0 : i32
    %c0_i32_0 = arith.constant 0 : i32
    %c0_i32_1 = arith.constant 0 : i32
    return %c0_i32, %c0_i32_0 : i32, i32
  }
  func.func @transform_3(%arg0: i32) -> (i32, i32) {
    %c0_i32 = arith.constant 0 : i32
    %c0_i32_0 = arith.constant 0 : i32
    return %arg0, %c0_i32 : i32, i32
  }
  func.func @transform_4(%arg0: i32) -> (i32, i32, i32) {
    %c0_i32 = arith.constant 0 : i32
    %c0_i32_0 = arith.constant 0 : i32
    %c0_i32_1 = arith.constant 0 : i32
    return %arg0, %c0_i32, %c0_i32_0 : i32, i32, i32
  }
}

module attributes {stable_mosaic.version = 14 : i64} {
  func.func @_mid_body(%arg0: i32, %arg1: memref<2x1280x128xf32, #tpu.memory_space<vmem>>, %arg2: memref<1280x128xf32, #tpu.memory_space<vmem>>, %arg3: memref<1x1x1280xf32, #tpu.memory_space<vmem>>, %arg4: memref<1x128xf32, #tpu.memory_space<vmem>>, %arg5: memref<128x128xf32, #tpu.memory_space<vmem>>, %arg6: memref<1280x128xf32, #tpu.memory_space<vmem>>) attributes {dimension_semantics = [#tpu.dimension_semantics<arbitrary>], iteration_bounds = array<i64: 8>, scalar_prefetch = 0 : i64, scratch_operands = 0 : i64, tpu.core_type = #tpu.core_type<tc>, window_params = [{transform_indices = @transform_0, window_bounds = array<i64: 2, 1280, 128>}, {transform_indices = @transform_1, window_bounds = array<i64: 1280, 128>}, {transform_indices = @transform_2, window_bounds = array<i64: 1, 1, 1280>}, {pipeline_mode = #tpu.pipeline_mode<synchronous>, transform_indices = @transform_3, window_bounds = array<i64: 1, 128>}, {pipeline_mode = #tpu.pipeline_mode<synchronous>, transform_indices = @transform_4, window_bounds = array<i64: 128, 128>}, {transform_indices = @transform_5, window_bounds = array<i64: 1280, 128>}]} {
    %get3A = arith.constant 0 : index
    %get3A_0 = arith.constant 0 : index
    %get3A_1 = arith.constant 0 : index
    %get3A_2 = vector.load %arg1[%get3A, %get3A_0, %get3A_1] : memref<2x1280x128xf32, #tpu.memory_space<vmem>>, vector<1x1280x128xf32>
    %get3A_3 = vector.shape_cast %get3A_2 : vector<1x1280x128xf32> to vector<1280x128xf32>
    %get3A_4 = arith.constant 1 : index
    %get3A_5 = arith.constant 0 : index
    %get3A_6 = arith.constant 0 : index
    %get3A_7 = vector.load %arg1[%get3A_4, %get3A_5, %get3A_6] : memref<2x1280x128xf32, #tpu.memory_space<vmem>>, vector<1x1280x128xf32>
    %get3A_8 = vector.shape_cast %get3A_7 : vector<1x1280x128xf32> to vector<1280x128xf32>
    %add3A = arith.addf %get3A_3, %get3A_8 : vector<1280x128xf32>
    %get3A_9 = arith.constant 0 : index
    %get3A_10 = arith.constant 0 : index
    %get3A_11 = vector.load %arg2[%get3A_9, %get3A_10] : memref<1280x128xf32, #tpu.memory_space<vmem>>, vector<1280x128xf32>
    %sub3A = arith.subf %add3A, %get3A_11 : vector<1280x128xf32>
    %get3A_12 = arith.constant 0 : index
    %get3A_13 = arith.constant 0 : index
    %get3A_14 = arith.constant 0 : index
    %get3A_15 = vector.load %arg3[%get3A_12, %get3A_13, %get3A_14] : memref<1x1x1280xf32, #tpu.memory_space<vmem>>, vector<1x1x1280xf32>
    %get3A_16 = vector.shape_cast %get3A_15 : vector<1x1x1280xf32> to vector<1280xf32>
    %broadcast_in_dim3A = vector.shape_cast %get3A_16 : vector<1280xf32> to vector<1280x1xf32>
    %mul3A = vector.broadcast %broadcast_in_dim3A : vector<1280x1xf32> to vector<1280x128xf32>
    %mul3A_17 = arith.mulf %sub3A, %mul3A : vector<1280x128xf32>
    %get3A_18 = arith.constant 0 : index
    %get3A_19 = arith.constant 0 : index
    %get3A_20 = vector.load %arg4[%get3A_18, %get3A_19] : memref<1x128xf32, #tpu.memory_space<vmem>>, vector<1x128xf32>
    %get3A_21 = vector.shape_cast %get3A_20 : vector<1x128xf32> to vector<128xf32>
    %broadcast_in_dim3A_22 = vector.shape_cast %get3A_21 : vector<128xf32> to vector<1x128xf32>
    %add3A_23 = vector.broadcast %broadcast_in_dim3A_22 : vector<1x128xf32> to vector<1280x128xf32>
    %add3A_24 = arith.addf %mul3A_17, %add3A_23 : vector<1280x128xf32>
    %max3A = arith.constant 0.000000e+00 : f32
    %max3A_25 = vector.broadcast %max3A : f32 to vector<1280x128xf32>
    %max3A_26 = arith.maximumf %add3A_24, %max3A_25 : vector<1280x128xf32>
    %get3A_27 = arith.constant 0 : index
    %get3A_28 = arith.constant 0 : index
    %get3A_29 = vector.load %arg5[%get3A_27, %get3A_28] : memref<128x128xf32, #tpu.memory_space<vmem>>, vector<128x128xf32>
    %dot_general3A = arith.constant dense<0.000000e+00> : vector<1280x128xf32>
    %dot_general3A_30 = tpu.matmul %max3A_26, %get3A_29, %dot_general3A {dimension_numbers = #tpu.dot_dimension_numbers<[1], [0], [0], [1], [0, 0, 1, 1], [], []>, transpose_lhs_hint = false} : vector<1280x128xf32>, vector<128x128xf32>, vector<1280x128xf32> -> vector<1280x128xf32>
    %broadcast_in_dim3A_31 = vector.shape_cast %get3A_16 : vector<1280xf32> to vector<1280x1xf32>
    %mul3A_32 = vector.broadcast %broadcast_in_dim3A_31 : vector<1280x1xf32> to vector<1280x128xf32>
    %mul3A_33 = arith.mulf %dot_general3A_30, %mul3A_32 : vector<1280x128xf32>
    %swap3A = arith.constant 0 : index
    %swap3A_34 = arith.constant 0 : index
    %swap3A_35 = vector.load %arg6[%swap3A, %swap3A_34] : memref<1280x128xf32, #tpu.memory_space<vmem>>, vector<1280x128xf32>
    tpu.vector_store %arg6[%swap3A, %swap3A_34], %mul3A_33 {strides = array<i32>} : memref<1280x128xf32, #tpu.memory_space<vmem>>, vector<1280x128xf32>,
    return
  }
  func.func @transform_0(%arg0: i32) -> (i32, i32, i32) {
    %c0_i32 = arith.constant 0 : i32
    %c0_i32_0 = arith.constant 0 : i32
    %c0_i32_1 = arith.constant 0 : i32
    return %c0_i32, %arg0, %c0_i32_0 : i32, i32, i32
  }
  func.func @transform_1(%arg0: i32) -> (i32, i32) {
    %c0_i32 = arith.constant 0 : i32
    %c0_i32_0 = arith.constant 0 : i32
    return %arg0, %c0_i32 : i32, i32
  }
  func.func @transform_2(%arg0: i32) -> (i32, i32, i32) {
    %c0_i32 = arith.constant 0 : i32
    %c0_i32_0 = arith.constant 0 : i32
    %c0_i32_1 = arith.constant 0 : i32
    return %arg0, %c0_i32, %c0_i32_0 : i32, i32, i32
  }
  func.func @transform_3(%arg0: i32) -> (i32, i32) {
    %c0_i32 = arith.constant 0 : i32
    %c0_i32_0 = arith.constant 0 : i32
    %c0_i32_1 = arith.constant 0 : i32
    return %c0_i32, %c0_i32_0 : i32, i32
  }
  func.func @transform_4(%arg0: i32) -> (i32, i32) {
    %c0_i32 = arith.constant 0 : i32
    %c0_i32_0 = arith.constant 0 : i32
    %c0_i32_1 = arith.constant 0 : i32
    return %c0_i32, %c0_i32_0 : i32, i32
  }
  func.func @transform_5(%arg0: i32) -> (i32, i32) {
    %c0_i32 = arith.constant 0 : i32
    %c0_i32_0 = arith.constant 0 : i32
    return %arg0, %c0_i32 : i32, i32
  }
}

module attributes {stable_mosaic.version = 14 : i64} {
  func.func @_tail_body(%arg0: i32, %arg1: memref<2x1280x128xf32, #tpu.memory_space<vmem>>, %arg2: memref<1280x128xf32, #tpu.memory_space<vmem>>, %arg3: memref<1x1x1280xf32, #tpu.memory_space<vmem>>, %arg4: memref<1x128xf32, #tpu.memory_space<vmem>>, %arg5: memref<1x1x1280xi32, #tpu.memory_space<vmem>>, %arg6: memref<128x32xf32, #tpu.memory_space<vmem>>, %arg7: memref<1x32xf32, #tpu.memory_space<vmem>>, %arg8: memref<32x1xf32, #tpu.memory_space<vmem>>, %arg9: memref<1x1xf32, #tpu.memory_space<vmem>>, %arg10: memref<64x1xf32, #tpu.memory_space<vmem>>, %arg11: memref<64x128xf32, #tpu.memory_space<vmem>>, %arg12: memref<1x64xf32, #tpu.memory_space<vmem>>) attributes {dimension_semantics = [#tpu.dimension_semantics<arbitrary>], iteration_bounds = array<i64: 8>, scalar_prefetch = 0 : i64, scratch_operands = 2 : i64, tpu.core_type = #tpu.core_type<tc>, window_params = [{transform_indices = @transform_0, window_bounds = array<i64: 2, 1280, 128>}, {transform_indices = @transform_1, window_bounds = array<i64: 1280, 128>}, {transform_indices = @transform_2, window_bounds = array<i64: 1, 1, 1280>}, {pipeline_mode = #tpu.pipeline_mode<synchronous>, transform_indices = @transform_3, window_bounds = array<i64: 1, 128>}, {transform_indices = @transform_4, window_bounds = array<i64: 1, 1, 1280>}, {pipeline_mode = #tpu.pipeline_mode<synchronous>, transform_indices = @transform_5, window_bounds = array<i64: 128, 32>}, {pipeline_mode = #tpu.pipeline_mode<synchronous>, transform_indices = @transform_6, window_bounds = array<i64: 1, 32>}, {pipeline_mode = #tpu.pipeline_mode<synchronous>, transform_indices = @transform_7, window_bounds = array<i64: 32, 1>}, {pipeline_mode = #tpu.pipeline_mode<synchronous>, transform_indices = @transform_8, window_bounds = array<i64: 1, 1>}, {pipeline_mode = #tpu.pipeline_mode<synchronous>, transform_indices = @transform_9, window_bounds = array<i64: 64, 1>}]} {
    %get3A = arith.constant 0 : index
    %get3A_0 = arith.constant 0 : index
    %get3A_1 = arith.constant 0 : index
    %get3A_2 = vector.load %arg1[%get3A, %get3A_0, %get3A_1] : memref<2x1280x128xf32, #tpu.memory_space<vmem>>, vector<1x1280x128xf32>
    %get3A_3 = vector.shape_cast %get3A_2 : vector<1x1280x128xf32> to vector<1280x128xf32>
    %get3A_4 = arith.constant 1 : index
    %get3A_5 = arith.constant 0 : index
    %get3A_6 = arith.constant 0 : index
    %get3A_7 = vector.load %arg1[%get3A_4, %get3A_5, %get3A_6] : memref<2x1280x128xf32, #tpu.memory_space<vmem>>, vector<1x1280x128xf32>
    %get3A_8 = vector.shape_cast %get3A_7 : vector<1x1280x128xf32> to vector<1280x128xf32>
    %add3A = arith.addf %get3A_3, %get3A_8 : vector<1280x128xf32>
    %get3A_9 = arith.constant 0 : index
    %get3A_10 = arith.constant 0 : index
    %get3A_11 = vector.load %arg2[%get3A_9, %get3A_10] : memref<1280x128xf32, #tpu.memory_space<vmem>>, vector<1280x128xf32>
    %sub3A = arith.subf %add3A, %get3A_11 : vector<1280x128xf32>
    %get3A_12 = arith.constant 0 : index
    %get3A_13 = arith.constant 0 : index
    %get3A_14 = arith.constant 0 : index
    %get3A_15 = vector.load %arg3[%get3A_12, %get3A_13, %get3A_14] : memref<1x1x1280xf32, #tpu.memory_space<vmem>>, vector<1x1x1280xf32>
    %get3A_16 = vector.shape_cast %get3A_15 : vector<1x1x1280xf32> to vector<1280xf32>
    %broadcast_in_dim3A = vector.shape_cast %get3A_16 : vector<1280xf32> to vector<1280x1xf32>
    %mul3A = vector.broadcast %broadcast_in_dim3A : vector<1280x1xf32> to vector<1280x128xf32>
    %mul3A_17 = arith.mulf %sub3A, %mul3A : vector<1280x128xf32>
    %get3A_18 = arith.constant 0 : index
    %get3A_19 = arith.constant 0 : index
    %get3A_20 = vector.load %arg4[%get3A_18, %get3A_19] : memref<1x128xf32, #tpu.memory_space<vmem>>, vector<1x128xf32>
    %get3A_21 = vector.shape_cast %get3A_20 : vector<1x128xf32> to vector<128xf32>
    %broadcast_in_dim3A_22 = vector.shape_cast %get3A_21 : vector<128xf32> to vector<1x128xf32>
    %add3A_23 = vector.broadcast %broadcast_in_dim3A_22 : vector<1x128xf32> to vector<1280x128xf32>
    %add3A_24 = arith.addf %mul3A_17, %add3A_23 : vector<1280x128xf32>
    %max3A = arith.constant 0.000000e+00 : f32
    %max3A_25 = vector.broadcast %max3A : f32 to vector<1280x128xf32>
    %max3A_26 = arith.maximumf %add3A_24, %max3A_25 : vector<1280x128xf32>
    %get3A_27 = arith.constant 0 : index
    %get3A_28 = arith.constant 0 : index
    %get3A_29 = arith.constant 0 : index
    %get3A_30 = vector.load %arg5[%get3A_27, %get3A_28, %get3A_29] : memref<1x1x1280xi32, #tpu.memory_space<vmem>>, vector<1x1x1280xi32>
    %get3A_31 = vector.shape_cast %get3A_30 : vector<1x1x1280xi32> to vector<1280xi32>
    %broadcast_in_dim3A_32 = vector.shape_cast %get3A_31 : vector<1280xi32> to vector<1280x1xi32>
    %iota3A = tpu.iota {dimensions = array<i32: 1>} : vector<1280x64xi32>
    %eq3A = vector.broadcast %broadcast_in_dim3A_32 : vector<1280x1xi32> to vector<1280x64xi32>
    %eq3A_33 = arith.cmpi eq, %eq3A, %iota3A : vector<1280x64xi32>
    %convert_element_type3A = arith.extui %eq3A_33 : vector<1280x64xi1> to vector<1280x64xi32>
    %convert_element_type3A_34 = arith.sitofp %convert_element_type3A : vector<1280x64xi32> to vector<1280x64xf32>
    %dot_general3A = arith.constant dense<0.000000e+00> : vector<64x128xf32>
    %dot_general3A_35 = tpu.matmul %convert_element_type3A_34, %max3A_26, %dot_general3A {dimension_numbers = #tpu.dot_dimension_numbers<[0], [0], [1], [1], [0, 1, 1, 1], [], []>, transpose_lhs_hint = false} : vector<1280x64xf32>, vector<1280x128xf32>, vector<64x128xf32> -> vector<64x128xf32>
    %reduce_sum3A = arith.constant dense<0.000000e+00> : vector<64xf32>
    %reduce_sum3A_36 = vector.multi_reduction <add>, %convert_element_type3A_34, %reduce_sum3A [0] : vector<1280x64xf32> to vector<64xf32>
    %eq3A_37 = arith.constant 0 : i32
    %eq3A_38 = arith.cmpi eq, %arg0, %eq3A_37 : i32
    %convert_element_type3A_39 = arith.extui %eq3A_38 : i1 to i32
    %cond3A = arith.constant 0 : i32
    %cond3A_40 = arith.cmpi ne, %convert_element_type3A_39, %cond3A : i32
    scf.if %cond3A_40 {
      %broadcast_in_dim3A_62 = arith.constant 0.000000e+00 : f32
      %broadcast_in_dim3A_63 = vector.broadcast %broadcast_in_dim3A_62 : f32 to vector<64x128xf32>
      %swap3A_64 = arith.constant 0 : index
      %swap3A_65 = arith.constant 0 : index
      %swap3A_66 = vector.load %arg11[%swap3A_64, %swap3A_65] : memref<64x128xf32, #tpu.memory_space<vmem>>, vector<64x128xf32>
      tpu.vector_store %arg11[%swap3A_64, %swap3A_65], %broadcast_in_dim3A_63 {strides = array<i32>} : memref<64x128xf32, #tpu.memory_space<vmem>>, vector<64x128xf32>,
      %broadcast_in_dim3A_67 = arith.constant 0.000000e+00 : f32
      %broadcast_in_dim3A_68 = vector.broadcast %broadcast_in_dim3A_67 : f32 to vector<1x64xf32>
      %swap3A_69 = arith.constant 0 : index
      %swap3A_70 = arith.constant 0 : index
      %swap3A_71 = vector.load %arg12[%swap3A_69, %swap3A_70] : memref<1x64xf32, #tpu.memory_space<vmem>>, vector<1x64xf32>
      tpu.vector_store %arg12[%swap3A_69, %swap3A_70], %broadcast_in_dim3A_68 {strides = array<i32>} : memref<1x64xf32, #tpu.memory_space<vmem>>, vector<1x64xf32>,
    } else {
    }
    %get3A_41 = arith.constant 0 : index
    %get3A_42 = arith.constant 0 : index
    %get3A_43 = vector.load %arg11[%get3A_41, %get3A_42] : memref<64x128xf32, #tpu.memory_space<vmem>>, vector<64x128xf32>
    %add3A_44 = arith.addf %get3A_43, %dot_general3A_35 : vector<64x128xf32>
    %swap3A = arith.constant 0 : index
    %swap3A_45 = arith.constant 0 : index
    %swap3A_46 = vector.load %arg11[%swap3A, %swap3A_45] : memref<64x128xf32, #tpu.memory_space<vmem>>, vector<64x128xf32>
    tpu.vector_store %arg11[%swap3A, %swap3A_45], %add3A_44 {strides = array<i32>} : memref<64x128xf32, #tpu.memory_space<vmem>>, vector<64x128xf32>,
    %get3A_47 = arith.constant 0 : index
    %get3A_48 = arith.constant 0 : index
    %get3A_49 = vector.load %arg12[%get3A_47, %get3A_48] : memref<1x64xf32, #tpu.memory_space<vmem>>, vector<1x64xf32>
    %get3A_50 = vector.shape_cast %get3A_49 : vector<1x64xf32> to vector<64xf32>
    %add3A_51 = arith.addf %get3A_50, %reduce_sum3A_36 : vector<64xf32>
    %swap3A_52 = arith.constant 0 : index
    %swap3A_53 = arith.constant 0 : index
    %swap3A_54 = vector.load %arg12[%swap3A_52, %swap3A_53] : memref<1x64xf32, #tpu.memory_space<vmem>>, vector<1x64xf32>
    %swap3A_55 = vector.shape_cast %swap3A_54 : vector<1x64xf32> to vector<64xf32>
    %swap3A_56 = vector.shape_cast %add3A_51 : vector<64xf32> to vector<1x64xf32>
    tpu.vector_store %arg12[%swap3A_52, %swap3A_53], %swap3A_56 {strides = array<i32>} : memref<1x64xf32, #tpu.memory_space<vmem>>, vector<1x64xf32>,
    %eq3A_57 = arith.constant 7 : i32
    %eq3A_58 = arith.cmpi eq, %arg0, %eq3A_57 : i32
    %convert_element_type3A_59 = arith.extui %eq3A_58 : i1 to i32
    %cond3A_60 = arith.constant 0 : i32
    %cond3A_61 = arith.cmpi ne, %convert_element_type3A_59, %cond3A_60 : i32
    scf.if %cond3A_61 {
      %get3A_62 = arith.constant 0 : index
      %get3A_63 = arith.constant 0 : index
      %get3A_64 = vector.load %arg11[%get3A_62, %get3A_63] : memref<64x128xf32, #tpu.memory_space<vmem>>, vector<64x128xf32>
      %get3A_65 = arith.constant 0 : index
      %get3A_66 = arith.constant 0 : index
      %get3A_67 = vector.load %arg12[%get3A_65, %get3A_66] : memref<1x64xf32, #tpu.memory_space<vmem>>, vector<1x64xf32>
      %get3A_68 = vector.shape_cast %get3A_67 : vector<1x64xf32> to vector<64xf32>
      %max3A_69 = arith.constant 1.000000e+00 : f32
      %max3A_70 = vector.broadcast %max3A_69 : f32 to vector<64xf32>
      %max3A_71 = arith.maximumf %get3A_68, %max3A_70 : vector<64xf32>
      %broadcast_in_dim3A_72 = vector.shape_cast %max3A_71 : vector<64xf32> to vector<64x1xf32>
      %div3A = vector.broadcast %broadcast_in_dim3A_72 : vector<64x1xf32> to vector<64x128xf32>
      %div3A_73 = arith.divf %get3A_64, %div3A : vector<64x128xf32>
      %get3A_74 = arith.constant 0 : index
      %get3A_75 = arith.constant 0 : index
      %get3A_76 = vector.load %arg6[%get3A_74, %get3A_75] : memref<128x32xf32, #tpu.memory_space<vmem>>, vector<128x32xf32>
      %dot_general3A_77 = arith.constant dense<0.000000e+00> : vector<64x32xf32>
      %dot_general3A_78 = tpu.matmul %div3A_73, %get3A_76, %dot_general3A_77 {dimension_numbers = #tpu.dot_dimension_numbers<[1], [0], [0], [1], [0, 0, 1, 1], [], []>, transpose_lhs_hint = false} : vector<64x128xf32>, vector<128x32xf32>, vector<64x32xf32> -> vector<64x32xf32>
      %get3A_79 = arith.constant 0 : index
      %get3A_80 = arith.constant 0 : index
      %get3A_81 = vector.load %arg7[%get3A_79, %get3A_80] : memref<1x32xf32, #tpu.memory_space<vmem>>, vector<1x32xf32>
      %get3A_82 = vector.shape_cast %get3A_81 : vector<1x32xf32> to vector<32xf32>
      %broadcast_in_dim3A_83 = vector.shape_cast %get3A_82 : vector<32xf32> to vector<1x32xf32>
      %add3A_84 = vector.broadcast %broadcast_in_dim3A_83 : vector<1x32xf32> to vector<64x32xf32>
      %add3A_85 = arith.addf %dot_general3A_78, %add3A_84 : vector<64x32xf32>
      %max3A_86 = arith.constant 0.000000e+00 : f32
      %max3A_87 = vector.broadcast %max3A_86 : f32 to vector<64x32xf32>
      %max3A_88 = arith.maximumf %add3A_85, %max3A_87 : vector<64x32xf32>
      %get3A_89 = arith.constant 0 : index
      %get3A_90 = arith.constant 0 : index
      %get3A_91 = vector.load %arg8[%get3A_89, %get3A_90] : memref<32x1xf32, #tpu.memory_space<vmem>>, vector<32x1xf32>
      %dot_general3A_92 = arith.constant dense<0.000000e+00> : vector<64x1xf32>
      %dot_general3A_93 = tpu.matmul %max3A_88, %get3A_91, %dot_general3A_92 {dimension_numbers = #tpu.dot_dimension_numbers<[1], [0], [0], [1], [0, 0, 1, 1], [], []>, transpose_lhs_hint = false} : vector<64x32xf32>, vector<32x1xf32>, vector<64x1xf32> -> vector<64x1xf32>
      %get3A_94 = arith.constant 0 : index
      %get3A_95 = arith.constant 0 : index
      %get3A_96 = vector.load %arg9[%get3A_94, %get3A_95] : memref<1x1xf32, #tpu.memory_space<vmem>>, vector<1x1xf32>
      %get3A_97 = vector.shape_cast %get3A_96 : vector<1x1xf32> to vector<1xf32>
      %broadcast_in_dim3A_98 = vector.shape_cast %get3A_97 : vector<1xf32> to vector<1x1xf32>
      %add3A_99 = vector.broadcast %broadcast_in_dim3A_98 : vector<1x1xf32> to vector<64x1xf32>
      %add3A_100 = arith.addf %dot_general3A_93, %add3A_99 : vector<64x1xf32>
      %swap3A_101 = arith.constant 0 : index
      %swap3A_102 = arith.constant 0 : index
      %swap3A_103 = vector.load %arg10[%swap3A_101, %swap3A_102] : memref<64x1xf32, #tpu.memory_space<vmem>>, vector<64x1xf32>
      tpu.vector_store %arg10[%swap3A_101, %swap3A_102], %add3A_100 {strides = array<i32>} : memref<64x1xf32, #tpu.memory_space<vmem>>, vector<64x1xf32>,
    } else {
    }
    return
  }
  func.func @transform_0(%arg0: i32) -> (i32, i32, i32) {
    %c0_i32 = arith.constant 0 : i32
    %c0_i32_0 = arith.constant 0 : i32
    %c0_i32_1 = arith.constant 0 : i32
    return %c0_i32, %arg0, %c0_i32_0 : i32, i32, i32
  }
  func.func @transform_1(%arg0: i32) -> (i32, i32) {
    %c0_i32 = arith.constant 0 : i32
    %c0_i32_0 = arith.constant 0 : i32
    return %arg0, %c0_i32 : i32, i32
  }
  func.func @transform_2(%arg0: i32) -> (i32, i32, i32) {
    %c0_i32 = arith.constant 0 : i32
    %c0_i32_0 = arith.constant 0 : i32
    %c0_i32_1 = arith.constant 0 : i32
    return %arg0, %c0_i32, %c0_i32_0 : i32, i32, i32
  }
  func.func @transform_3(%arg0: i32) -> (i32, i32) {
    %c0_i32 = arith.constant 0 : i32
    %c0_i32_0 = arith.constant 0 : i32
    %c0_i32_1 = arith.constant 0 : i32
    return %c0_i32, %c0_i32_0 : i32, i32
  }
  func.func @transform_4(%arg0: i32) -> (i32, i32, i32) {
    %c0_i32 = arith.constant 0 : i32
    %c0_i32_0 = arith.constant 0 : i32
    %c0_i32_1 = arith.constant 0 : i32
    return %arg0, %c0_i32, %c0_i32_0 : i32, i32, i32
  }
  func.func @transform_5(%arg0: i32) -> (i32, i32) {
    %c0_i32 = arith.constant 0 : i32
    %c0_i32_0 = arith.constant 0 : i32
    %c0_i32_1 = arith.constant 0 : i32
    return %c0_i32, %c0_i32_0 : i32, i32
  }
  func.func @transform_6(%arg0: i32) -> (i32, i32) {
    %c0_i32 = arith.constant 0 : i32
    %c0_i32_0 = arith.constant 0 : i32
    %c0_i32_1 = arith.constant 0 : i32
    return %c0_i32, %c0_i32_0 : i32, i32
  }
  func.func @transform_7(%arg0: i32) -> (i32, i32) {
    %c0_i32 = arith.constant 0 : i32
    %c0_i32_0 = arith.constant 0 : i32
    %c0_i32_1 = arith.constant 0 : i32
    return %c0_i32, %c0_i32_0 : i32, i32
  }
  func.func @transform_8(%arg0: i32) -> (i32, i32) {
    %c0_i32 = arith.constant 0 : i32
    %c0_i32_0 = arith.constant 0 : i32
    %c0_i32_1 = arith.constant 0 : i32
    return %c0_i32, %c0_i32_0 : i32, i32
  }
  func.func @transform_9(%arg0: i32) -> (i32, i32) {
    %c0_i32 = arith.constant 0 : i32
    %c0_i32_0 = arith.constant 0 : i32
    %c0_i32_1 = arith.constant 0 : i32
    return %c0_i32, %c0_i32_0 : i32, i32
  }
}

</mosaic_0001>

<sc_bundles>
// kernel: kernel.10.cloned.1.call-start
scs
__scs_entry_jumppad:
0x0: {  	(pc) =	sbr.rel $0x88, $3  }
0x1: {  	(tag) =	ssettag $0x0;
	lr =	simm.s32 $0x1  }
0x2: {  	[smem:$0x3F94] =	sst lr;
	_ =	strace $0xD0000000  }
0x3: {  	_ = 	snop  }
0x4: {  	_ = 	snop  }
0x5: {  	_ = 	snop  }
0x6: {  	_ = 	snop  }
0x7: {  	_ = 	snop  }
__scs_overlays_trampoline_lowered:
0x8: {  	[smem:$0x3FA3] =	sst s0  }
0x9: {  	[smem:$0x3FA4] =	sst s1  }
0xa: {  	[smem:$0x3FA5] =	sst s2  }
0xb: {  	[smem:$0x3FA6] =	sst s3  }
0xc: {  	[smem:$0x3FA7] =	sst s4  }
0xd: {  	[smem:$0x3FA8] =	sst s5  }
0xe: {  	[smem:$0x3FA9] =	sst s6  }
0xf: {  	[smem:$0x3FAA] =	sst s7  }
0x10: {  	[smem:$0x3FAB] =	sst s8  }
0x11: {  	[smem:$0x3FAC] =	sst s9;
	s0 =	simm.s32 @!p0 $0x0  }
0x12: {  	s1 =	sld [smem:$0x3F92];
	s0 =	simm.s32 @p0 $0x1  }
0x13: {  	[smem:$0x3FAD] =	sst s0;
	s0 =	simm.s32 @!p1 $0x0  }
0x14: {  	s2 =	sld [smem:$0x3F91];
	s0 =	simm.s32 @p1 $0x1  }
0x15: {  	[smem:$0x3FAE] =	sst s0;
	s0 =	simm.s32 @!p2 $0x0  }
0x16: {  	s3 =	sld [smem:$0x3FDB];
	s0 =	simm.s32 @p2 $0x1  }
0x17: {  	s4 =	simm.s32 $0x1BF5;
	[smem:$0x3FB0] =	sst s0  }
0x18: {  	s0 =	sld [smem:$0x3F93];
	_ =	swait.ge [sflag:s4], $0x0  }
0x19: {  	s7 =	sld [smem:$0x3F94]  }
0x1a: {  	s8 =	sadd.s32 $0xFFFFE003, lr  }
0x1b: {  	s9 =	sadd.s32 $0xFFFFFEF7, lr;
	s5 =	simm.s32 $0xFFFFFFFF;
	p2 =	slt.u32 s8, $0xFFFFF086  }
0x1c: {  	p1 =	slt.u32 s9, $0xF7A;
	s5 =	simm.s32 @!p2 $0x0  }
0x1d: {  	s5 =	simm.s32 @p1 $0x1;
	p0 =	seq.s32 s7, s2  }
0x1e: {  	s7 =	smul.u32 @!p0 $0xF7A, s2;
	p2 =	seq.s32 @!p0 s5, $0x0  }
0x1f: {  	s9 =	smul.u32 $0xF7A, s1;
	s8 =	simm.s32 @!p0 $0x1BF5;
	p2 =	por !p2, p0  }
0x20: {  	[sflag:s8] =	ssyncset.s32 @!p0 $0xFFFFF086;
	s6 =	sadd.s32 @!p0 s3, s7;
	s7 =	simm.s32 @!p0 $0x108  }
0x21: {  	s3 =	sadd.s32 s3, s9;
	s6 =	sadd.s32 @!p0 $0x88, s6;
	s7 =	simm.s32 @p2 $0x1082  }
0x22: {  	[simem:s7], [sflag:s8] =	dma.local @!p0 [hbm:s6], $0xF7A  }
0x23: {  	s9 =	sor.u32 $0xD0000000, s2;
	s6 =	simm.s32 $0x108;
	_ =	swait.ge @!p0 [sflag:s8], $0x0  }
0x24: {  	s3 =	sadd.s32 $0x88, s3;
	s6 =	simm.s32 @!p1 $0x1082;
	[sflag:s4] =	ssyncset.s32 $0xFFFFF086  }
0x25: {  	[simem:s6], [sflag:s4] =	dma.local [hbm:s3], $0xF7A  }
0x26: {  	[smem:$0x3F94] =	sst s1;
	(tag) =	ssettag s2;
	_ =	strace s9  }
0x27: {  	s1 =	sld [smem:$0x3FA4]  }
0x28: {  	s2 =	sld [smem:$0x3FA5]  }
0x29: {  	s4 =	sld [smem:$0x3FA7]  }
0x2a: {  	p0 =	seq.s32 s5, $0x0;
	s5 =	sld [smem:$0x3FA8]  }
0x2b: {  	s6 =	sld [smem:$0x3FA9]  }
0x2c: {  	s7 =	sld [smem:$0x3FAA]  }
0x2d: {  	s3 =	simm.s32 $0x108;
	s8 =	sld [smem:$0x3FAB]  }
0x2e: {  	s3 =	simm.s32 @!p0 $0x1082;
	s9 =	sld [smem:$0x3FAC]  }
0x2f: {  	lr =	sadd.s32 s0, s3;
	s0 =	sld [smem:$0x3FA3]  }
0x30: {  	s3 =	sld [smem:$0x3FA6]  }
0x31: {  	[smem:$0x3FAF] =	sst s10  }
0x32: {  	s10 =	sld [smem:$0x3FAD];
	_ =	sdelay $0x3  }
0x33: {  	p0 =	seq.s32 s10, $0x1;
	s10 =	sld [smem:$0x3FAF];
	_ =	sdelay $0x3  }
0x34: {  	[smem:$0x3FAF] =	sst s10  }
0x35: {  	s10 =	sld [smem:$0x3FAE];
	_ =	sdelay $0x3  }
0x36: {  	p1 =	seq.s32 s10, $0x1;
	s10 =	sld [smem:$0x3FAF];
	_ =	sdelay $0x3  }
0x37: {  	[smem:$0x3FAF] =	sst s10  }
0x38: {  	s10 =	sld [smem:$0x3FB0]  }
0x39: {  	_ = 	snop;
	(pc) =	sbr.ind lr, $3  }
0x3a: {  	_ = 	snop  }
0x3b: {  	_ = 	snop  }
0x3c: {  	p2 =	seq.s32 s10, $0x1;
	s10 =	sld [smem:$0x3FAF]  }
0x3d: {  	_ =	shalt  }
0x3e: {  	_ =	shalt  }
0x3f: {  	_ =	shalt  }
0x40: {  	_ =	shalt  }
0x41: {  	_ =	shalt  }
0x42: {  	_ =	shalt  }
0x43: {  	_ =	shalt  }
0x44: {  	_ =	shalt  }
0x45: {  	_ =	shalt  }
0x46: {  	_ =	shalt  }
0x47: {  	_ =	shalt  }
0x48: {  	_ =	shalt  }
0x49: {  	_ =	shalt  }
0x4a: {  	_ =	shalt  }
0x4b: {  	_ =	shalt  }
0x4c: {  	_ =	shalt  }
0x4d: {  	_ =	shalt  }
0x4e: {  	_ =	shalt  }
0x4f: {  	_ =	shalt  }
0x50: {  	_ =	shalt  }
0x51: {  	_ =	shalt  }
0x52: {  	_ =	shalt  }
0x53: {  	_ =	shalt  }
0x54: {  	_ =	shalt  }
0x55: {  	_ =	shalt  }
0x56: {  	_ =	shalt  }
0x57: {  	_ =	shalt  }
0x58: {  	_ =	shalt  }
0x59: {  	_ =	shalt  }
0x5a: {  	_ =	shalt  }
0x5b: {  	_ =	shalt  }
0x5c: {  	_ =	shalt  }
0x5d: {  	_ =	shalt  }
0x5e: {  	_ =	shalt  }
0x5f: {  	_ =	shalt  }
0x60: {  	_ =	shalt  }
0x61: {  	_ =	shalt  }
0x62: {  	_ =	shalt  }
0x63: {  	_ =	shalt  }
0x64: {  	_ =	shalt  }
0x65: {  	_ =	shalt  }
0x66: {  	_ =	shalt  }
0x67: {  	_ =	shalt  }
0x68: {  	_ =	shalt  }
0x69: {  	_ =	shalt  }
0x6a: {  	_ =	shalt  }
0x6b: {  	_ =	shalt  }
0x6c: {  	_ =	shalt  }
0x6d: {  	_ =	shalt  }
0x6e: {  	_ =	shalt  }
0x6f: {  	_ =	shalt  }
0x70: {  	_ =	shalt  }
0x71: {  	_ =	shalt  }
0x72: {  	_ =	shalt  }
0x73: {  	_ =	shalt  }
0x74: {  	_ =	shalt  }
0x75: {  	_ =	shalt  }
0x76: {  	_ =	shalt  }
0x77: {  	_ =	shalt  }
0x78: {  	_ =	shalt  }
0x79: {  	_ =	shalt  }
0x7a: {  	_ =	shalt  }
0x7b: {  	_ =	shalt  }
0x7c: {  	_ =	shalt  }
0x7d: {  	_ =	shalt  }
0x7e: {  	_ =	shalt  }
0x7f: {  	_ =	shalt  }
0x80: {  	_ =	shalt  }
0x81: {  	_ =	shalt  }
0x82: {  	_ =	shalt  }
0x83: {  	_ =	shalt  }
0x84: {  	_ =	shalt  }
0x85: {  	_ =	shalt  }
0x86: {  	_ =	shalt  }
0x87: {  	_ =	shalt  }
.Lfunc_end0:
.L_simem_size_0:
called_computation_lowered:
.L_overlay_start_0:
0x88: {  	s2 =	sld [smem:$0x3FD9]  }
0x89: {  	s3 =	sld [smem:$0x3FFE];
	_ =	sdelay $0x1  }
0x8a: {  	s1 =	srdreg.scid  }
0x8b: {  	s0 =	sand.u32 $0x1, s1  }
0x8c: {  	s16 =	sshll.u32 s0, $0xA;
	s2 =	sadd.s32 s3, s2  }
0x8d: {  	s2 =	sadd.s32 s2, s16  }
0x8e: {  	[smem:$0x3FBB] =	sst s2  }
0x8f: {  	_ = 	snop  }
0x90: {  	(tm) =	ssettm $0x1  }
0x91: {  	s17 =	sld [smem:$0x3FFB];
	_ =	sdelay $0x3  }
0x92: {  	_ =	strace s17  }
0x93: {  	s2 =	sld [smem:$0x3FFC];
	_ =	sdelay $0x3  }
0x94: {  	_ =	strace s2  }
0x95: {  	s2 =	sld [smem:$0x3FFD];
	_ =	sdelay $0x3  }
0x96: {  	_ =	strace s2  }
0x97: {  	_ =	strace $0x8FFFFFFF  }
0x98: {  	s18 =	sld [smem:$0x3FDB];
	_ =	sdelay $0x1  }
0x99: {  	s19 =	simm.s32 $_scs_section_size  }
0x9a: {  	s4 =	simm.s32 $_size__tile_overlayer_lowered;
	s5 =	simm.s32 $_tile_overlayer_lowered  }
0x9b: {  	s22 =	simm.s32 $0x1BFF;
	s21 =	sshll.u32 s5, $0x1;
	s2 =	sadd.s32 s19, s18  }
0x9c: {  	s6 =	simm.s32 $0x0;
	s20 =	sshll.u32 s4, $0x1;
	s4 =	sadd.s32 s21, s2  }
0x9d: {  	[timem:s6], [sflag:s22] =	dma.local [hbm:s4], s20  }
0x9e: {  	_ =	swait.ge [sflag:s22], s20  }
0x9f: {  	s3 =	ssub.s32 $0x0, s20;
	[sflag:s22] =	ssyncset.done $0x0  }
0xa0: {  	[sflag:s22] =	ssyncadd.s32 s3;
	_ =	sdelay $0x1  }
0xa1: {  	s23 =	simm.s32 $0x1B8B  }
0xa2: {  	_ =	swait.ge [sflag:s23], $0x1  }
0xa3: {  	[sflag:s23] =	ssyncset.done $0x0  }
0xa4: {  	s25 =	simm.s32 $0x1B8E;
	s24 =	sld [smem:$0x3FFE];
	[sflag:s23] =	ssyncadd.s32 $0xFFFFFFFF  }
0xa5: {  	s26 =	simm.s32 $execute0_lowered;
	[smem:$0x3FD2] =	sst s25  }
0xa6: {  	s4 =	sshll.u32 s26, $0x1;
	_ =	strace $0x80000046;
	[dreg:$0x1] =	wrdreg $0xFFFFFFFF  }
0xa7: {  	s28 =	simm.s32 $_size_execute0_lowered;
	s2 =	sadd.s32 s2, s4;
	[dreg:$0x0] =	wrdreg $0x0  }
0xa8: {  	s4 =	sshll.u32 s28, $0x1;
	[dreg:$0x2] =	wrdreg s2  }
0xa9: {  	[dreg:$0x3] =	wrdreg s4  }
0xaa: {  	[dreg:$0x4] =	wrdreg $0xC0  }
0xab: {  	_ =	task [dreg:s6], $0x5FFFF  }
0xac: {  	[dreg:$0x1] =	wrdreg $0xFFFFFFFF  }
0xad: {  	[dreg:$0x0] =	wrdreg $0x60  }
0xae: {  	[dreg:$0x2] =	wrdreg s24  }
0xaf: {  	[dreg:$0x3] =	wrdreg $0x0  }
0xb0: {  	[dreg:$0x4] =	wrdreg $0x9  }
0xb1: {  	_ =	task.clear_ibuf [dreg:s6], $0x5FFFF;
	_ =	strace $0x90000046  }
0xb2: {  	s29 =	simm.s32 $0x9;
	_ =	strace $0x80000048  }
0xb3: {  	_ =	swait.ge [sflag:s29], $0x1  }
0xb4: {  	[sflag:s29] =	ssyncadd.s32 $0xFFFFFFFF  }
0xb5: {  	_ =	strace $0x90000048  }
0xb6: {  	_ =	sfence  }
0xb7: {  	s30 =	sld [smem:$0x0];
	_ =	sdelay $0x2  }
0xb8: {  	s31 =	sshll.u32 s1, $0xD;
	s1 =	sshrl.u32 s1, $0x2  }
0xb9: {  	s3 =	sand.u32 $0x4000, s31;
	s1 =	sadd.s32 s1, s30  }
0xba: {  	s0 =	sor.u32 s3, s0;
	s1 =	sshll.u32 s1, $0x11  }
0xbb: {  	s0 =	sor.u32 s1, s0  }
0xbc: {  	s0 =	sadd.s32 $0x8F2B, s0  }
0xbd: {  	[sflag:s0] =	ssyncadd.remote.s32 $0x1  }
0xbe: {  	_ =	sfence.sel $0xFFFF  }
0xbf: {  	[dreg:$0x0] =	wrdreg $0xFFFFFFFF;
	(pc) =	sbr.abs _section_cstart, $3  }
0xc0: {  	[dreg:$0x1] =	wrdreg $0xFFFFFFFF  }
0xc1: {  	_ =	task.clear_ibuf [dreg:s6], $0x2FFFF;
	_ =	strace $0x9FFFFFFF  }
0xc2: {  	(tm) =	ssettm $0x7FFFFFFF  }
0xc3: {  	_ =	shalt  }
tec
execute0_lowered:
.L_overlay_start_1:
0x0: {  	(tag) =	ssettag $0x1  }
0x1: {  	s4 =	rddreg [dreg:$0x0]  }
0x2: {  	s1 =	rddreg [dreg:$0x1]  }
0x3: {  	s2 =	srdreg.scid;
	s0 =	rddreg [dreg:$0x2];
	s3 =	simm.s32 $0x0  }
0x4: {  	s10 =	simm.s32 $0x280;
	s11 =	simm.s32 $0x80;
	s12 =	simm.s32 $0x2D00  }
0x5: {  	s15 =	simm.s32 $0x20;
	s16 =	simm.s32 $0x10;
	s17 =	simm.s32 $0x0  }
0x6: {  	s5 =	sand.u32 $0x1, s2;
	s2 =	stileid.u32;
	[smem:$0x7FF] =	sst s3  }
0x7: {  	s6 =	sshll.u32 s5, $0x4;
	s7 =	smul.u32 $0x500, s2;
	_ =	strace $0x80000047  }
0x8: {  	s8 =	sshll.u32 s5, $0x7;
	s5 =	ssub.s32 $0x2, s5;
	s30 =	smul.u32 $0xA00, s2  }
0x9: {  	s13 =	sshll.u32 s2, $0x6;
	s6 =	sor.u32 s2, s6;
	s9 =	sshrl.u32 s5, $0x1  }
0xa: {  	s13 =	sor.u32 $0x1C01, s13;
	s6 =	smul.u32 $0x500, s6;
	s7 =	sor.u32 s8, s7  }
0xb: {  	s9 =	ssub.s32 s5, s9;
	s31 =	sshrl.u32 s30, $0x2;
	s7 =	sshrl.u32 s7, $0x3  }
0xc: {  	s8 =	simm.s32 $0x2A80;
	s6 =	sadd.s32 s6, s4;
	s7 =	sadd.s32 s7, s4  }
0xd: {  	s4 =	sadd.s32 s31, s1;
	s5 =	sadd.s32 $0x4400, s6;
	s6 =	sadd.s32 $0xE400, s7  }
0xe: {  	v0 =	vimm.f32 $0.0e+00;
	v1 =	vimm.f32 $1.000000000e+00;
	s7 =	smax.u32 s9, $0x1;
	s9 =	simm.s32 $0x1;
	s14 =	sshrl.u32 s4, $0x3  }
.LBB2_1:
0xf: {  	s18 =	simm.s32 $0x10;
	[tilespmem:s8+$0x0] =	vst v0;
	s20 =	sand.u32 $0x70, s3;
	s19 =	simm.s32 $0x2A80  }
.LBB2_2:
0x10: {  	p0 =	sne.s32 s18, $0x270  }
0x11: {  	[tilespmem:s20+$0x2D00] =	vst v1;
	s19 =	sadd.s32 $0x10, s19;
	s20 =	smov.u32 s18;
	s18 =	sadd.s32 $0x10, s18  }
.Ltmp0:
0x12: {  	(pc) =	sbr.rel @p0 .LBB2_2-.Ltmp0, $2  }
0x13: {  	_ =	sdelay $0x2  }
0x14: {  	s20 =	sand.u32 $0x70, s20;
	[tilespmem:s19+$0x0] =	vst v0  }
0x15: {  	[tilespmem:s20+$0x2D00] =	vst v1  }
0x16: {  	[spmem:s4] =	stream.linear.scatter [tilespmem:s8], [sflag:$0x1], $0x280, $0x38;
	[tilespmem:$0x2D80] =	vst v63  }
0x17: {  	_ =	swait.ge [sflag:s9], $0x280  }
0x18: {  	[sflag:s9] =	ssyncset.done $0x0  }
0x19: {  	s18 =	simm.s32 $0x0;
	[sflag:s9] =	ssyncadd.s32 $0xFFFFFD80  }
0x1a: {  	[tilespmem:s10], [sflag:$0x1] =	stream.linear.gather [hbm4b:s5+s18], $0x2800, $0x38;
	[tilespmem:$0x2D80] =	vst v63  }
0x1b: {  	_ =	swait.ge [sflag:s9], $0x2800  }
0x1c: {  	[sflag:s9] =	ssyncset.done $0x0  }
0x1d: {  	[sflag:s9] =	ssyncadd.s32 $0xFFFFD800  }
0x1e: {  	s31 =	simm.s32 $0x280;
	[bflag:$0x0] =	sbarrier.arrive $0xFFFF  }
0x1f: {  	[spmem:s1] =	stream.indirect.scatter.add.f32 [tilespmem:s12], [sflag:$0x1], $0x1, s31, s11, $0xb8;
	[tilespmem:$0x2D80] =	vst v63  }
0x20: {  	s18 =	simm.s32 $0x200;
	_ =	swait.ge [sflag:s9], $0x80  }
.LBB2_4:
0x21: {  	s19 =	sshra.s32 s18, $0x2;
	[sflag:s9] =	ssyncset.done $0x0;
	p0 =	sne.s32 s18, $0x9E00  }
.Ltmp1:
0x22: {  	s19 =	sadd.s32 $0x280, s19;
	[sflag:s9] =	ssyncadd.s32 $0xFFFFFF80;
	(pc) =	sbr.rel @p0 .LBB2_4-.Ltmp1, $3  }
0x23: {  	[spmem:s1] =	stream.indirect.scatter.add.f32 [tilespmem:s12], [sflag:$0x1], $0x1, s19, s11, $0xb8;
	[tilespmem:$0x2D80] =	vst v63  }
0x24: {  	s18 =	sadd.s32 $0x200, s18;
	_ =	sdelay $0x1  }
0x25: {  	_ =	swait.ge [sflag:s9], $0x80  }
0x26: {  	[sflag:s9] =	ssyncset.done $0x0;
	s17 =	sadd.s32 $0x1, s17  }
0x27: {  	[sflag:s9] =	ssyncadd.s32 $0xFFFFFF80;
	p0 =	sne.s32 s17, s7  }
.Ltmp2:
0x28: {  	[bflag:$0x0] =	sbarrier.arrive $0xFFFF;
	(pc) =	sbr.rel @p0 .LBB2_1-.Ltmp2, $4  }
0x29: {  	[hbm:s6@s15], [sflag:s13] =	dma.strided [spmem:s14@s16], $0x50, s9, $0x10   }
0x2a: {  	_ =	swait.ge [sflag:s9], $0x50  }
0x2b: {  	[sflag:s9] =	ssyncset.done $0x0  }
0x2c: {  	[sflag:s9] =	ssyncadd.s32 $0xFFFFFFB0  }
0x2d: {  	_ =	sfence.sel $0x180000  }
0x2e: {  	[bflag:$0x0] =	sbarrier.arrive $0xFFFF  }
0x2f: {  	p0 =	sne.s32 s2, $0x0;
	_ =	strace $0x90000047  }
0x30: {  	s0 =	sadd.s32 @!p0 $0x100000, s0;
	[bflag:$0x2] =	sbarrier.arrive $0xFFFF  }
0x31: {  	[sflag:s0] =	ssyncadd.tile.s32 @!p0 $0x1;
	_ =	shalt  }
.Lfunc_end2:
_tile_overlayer_lowered:
.L_overlay_start_2:
0x32: {  	(tag) =	ssettag $0x2  }
0x33: {  	s0 =	rddreg [dreg:$0x0];
	s2 =	stileid.u32  }
0x34: {  	s1 =	rddreg [dreg:$0x1];
	p0 =	sne.s32 s2, $0x0  }
0x35: {  	s3 =	rddreg [dreg:$0x2];
	[bflag:$0x3] =	sbarrier.arrive $0xFFFF;
	s2 =	simm.s32 @!p0 $0x1C01  }
0x36: {  	[timem:s3], [sflag:s2] =	dma.local @!p0 [hbm:s0], s1  }
0x37: {  	s0 =	simm.s32 @!p0 $0x1  }
0x38: {  	_ =	swait.ge @!p0 [sflag:s0], s1  }
0x39: {  	s1 =	ssub.s32 @!p0 $0x0, s1;
	[sflag:s0] =	ssyncset.done @!p0 $0x0  }
0x3a: {  	[sflag:s0] =	ssyncadd.s32 @!p0 s1  }
0x3b: {  	[bflag:$0x3] =	sbarrier.arrive $0xFFFF  }
0x3c: {  	_ =	shalt  }

// kernel: kernel.13.cloned.1.call-start
scs
__scs_entry_jumppad:
0x0: {  	(pc) =	sbr.rel $0x88, $3  }
0x1: {  	(tag) =	ssettag $0x0;
	lr =	simm.s32 $0x1  }
0x2: {  	[smem:$0x3F94] =	sst lr;
	_ =	strace $0xD0000000  }
0x3: {  	_ = 	snop  }
0x4: {  	_ = 	snop  }
0x5: {  	_ = 	snop  }
0x6: {  	_ = 	snop  }
0x7: {  	_ = 	snop  }
__scs_overlays_trampoline_lowered:
0x8: {  	[smem:$0x3FA3] =	sst s0  }
0x9: {  	[smem:$0x3FA4] =	sst s1  }
0xa: {  	[smem:$0x3FA5] =	sst s2  }
0xb: {  	[smem:$0x3FA6] =	sst s3  }
0xc: {  	[smem:$0x3FA7] =	sst s4  }
0xd: {  	[smem:$0x3FA8] =	sst s5  }
0xe: {  	[smem:$0x3FA9] =	sst s6  }
0xf: {  	[smem:$0x3FAA] =	sst s7  }
0x10: {  	[smem:$0x3FAB] =	sst s8  }
0x11: {  	[smem:$0x3FAC] =	sst s9;
	s0 =	simm.s32 @!p0 $0x0  }
0x12: {  	s1 =	sld [smem:$0x3F92];
	s0 =	simm.s32 @p0 $0x1  }
0x13: {  	[smem:$0x3FAD] =	sst s0;
	s0 =	simm.s32 @!p1 $0x0  }
0x14: {  	s2 =	sld [smem:$0x3F91];
	s0 =	simm.s32 @p1 $0x1  }
0x15: {  	[smem:$0x3FAE] =	sst s0;
	s0 =	simm.s32 @!p2 $0x0  }
0x16: {  	s3 =	sld [smem:$0x3FDB];
	s0 =	simm.s32 @p2 $0x1  }
0x17: {  	s4 =	simm.s32 $0x1BF5;
	[smem:$0x3FB0] =	sst s0  }
0x18: {  	s0 =	sld [smem:$0x3F93];
	_ =	swait.ge [sflag:s4], $0x0  }
0x19: {  	s7 =	sld [smem:$0x3F94]  }
0x1a: {  	s8 =	sadd.s32 $0xFFFFE003, lr  }
0x1b: {  	s9 =	sadd.s32 $0xFFFFFEF7, lr;
	s5 =	simm.s32 $0xFFFFFFFF;
	p2 =	slt.u32 s8, $0xFFFFF086  }
0x1c: {  	p1 =	slt.u32 s9, $0xF7A;
	s5 =	simm.s32 @!p2 $0x0  }
0x1d: {  	s5 =	simm.s32 @p1 $0x1;
	p0 =	seq.s32 s7, s2  }
0x1e: {  	s7 =	smul.u32 @!p0 $0xF7A, s2;
	p2 =	seq.s32 @!p0 s5, $0x0  }
0x1f: {  	s9 =	smul.u32 $0xF7A, s1;
	s8 =	simm.s32 @!p0 $0x1BF5;
	p2 =	por !p2, p0  }
0x20: {  	[sflag:s8] =	ssyncset.s32 @!p0 $0xFFFFF086;
	s6 =	sadd.s32 @!p0 s3, s7;
	s7 =	simm.s32 @!p0 $0x108  }
0x21: {  	s3 =	sadd.s32 s3, s9;
	s6 =	sadd.s32 @!p0 $0x88, s6;
	s7 =	simm.s32 @p2 $0x1082  }
0x22: {  	[simem:s7], [sflag:s8] =	dma.local @!p0 [hbm:s6], $0xF7A  }
0x23: {  	s9 =	sor.u32 $0xD0000000, s2;
	s6 =	simm.s32 $0x108;
	_ =	swait.ge @!p0 [sflag:s8], $0x0  }
0x24: {  	s3 =	sadd.s32 $0x88, s3;
	s6 =	simm.s32 @!p1 $0x1082;
	[sflag:s4] =	ssyncset.s32 $0xFFFFF086  }
0x25: {  	[simem:s6], [sflag:s4] =	dma.local [hbm:s3], $0xF7A  }
0x26: {  	[smem:$0x3F94] =	sst s1;
	(tag) =	ssettag s2;
	_ =	strace s9  }
0x27: {  	s1 =	sld [smem:$0x3FA4]  }
0x28: {  	s2 =	sld [smem:$0x3FA5]  }
0x29: {  	s4 =	sld [smem:$0x3FA7]  }
0x2a: {  	p0 =	seq.s32 s5, $0x0;
	s5 =	sld [smem:$0x3FA8]  }
0x2b: {  	s6 =	sld [smem:$0x3FA9]  }
0x2c: {  	s7 =	sld [smem:$0x3FAA]  }
0x2d: {  	s3 =	simm.s32 $0x108;
	s8 =	sld [smem:$0x3FAB]  }
0x2e: {  	s3 =	simm.s32 @!p0 $0x1082;
	s9 =	sld [smem:$0x3FAC]  }
0x2f: {  	lr =	sadd.s32 s0, s3;
	s0 =	sld [smem:$0x3FA3]  }
0x30: {  	s3 =	sld [smem:$0x3FA6]  }
0x31: {  	[smem:$0x3FAF] =	sst s10  }
0x32: {  	s10 =	sld [smem:$0x3FAD];
	_ =	sdelay $0x3  }
0x33: {  	p0 =	seq.s32 s10, $0x1;
	s10 =	sld [smem:$0x3FAF];
	_ =	sdelay $0x3  }
0x34: {  	[smem:$0x3FAF] =	sst s10  }
0x35: {  	s10 =	sld [smem:$0x3FAE];
	_ =	sdelay $0x3  }
0x36: {  	p1 =	seq.s32 s10, $0x1;
	s10 =	sld [smem:$0x3FAF];
	_ =	sdelay $0x3  }
0x37: {  	[smem:$0x3FAF] =	sst s10  }
0x38: {  	s10 =	sld [smem:$0x3FB0]  }
0x39: {  	_ = 	snop;
	(pc) =	sbr.ind lr, $3  }
0x3a: {  	_ = 	snop  }
0x3b: {  	_ = 	snop  }
0x3c: {  	p2 =	seq.s32 s10, $0x1;
	s10 =	sld [smem:$0x3FAF]  }
0x3d: {  	_ =	shalt  }
0x3e: {  	_ =	shalt  }
0x3f: {  	_ =	shalt  }
0x40: {  	_ =	shalt  }
0x41: {  	_ =	shalt  }
0x42: {  	_ =	shalt  }
0x43: {  	_ =	shalt  }
0x44: {  	_ =	shalt  }
0x45: {  	_ =	shalt  }
0x46: {  	_ =	shalt  }
0x47: {  	_ =	shalt  }
0x48: {  	_ =	shalt  }
0x49: {  	_ =	shalt  }
0x4a: {  	_ =	shalt  }
0x4b: {  	_ =	shalt  }
0x4c: {  	_ =	shalt  }
0x4d: {  	_ =	shalt  }
0x4e: {  	_ =	shalt  }
0x4f: {  	_ =	shalt  }
0x50: {  	_ =	shalt  }
0x51: {  	_ =	shalt  }
0x52: {  	_ =	shalt  }
0x53: {  	_ =	shalt  }
0x54: {  	_ =	shalt  }
0x55: {  	_ =	shalt  }
0x56: {  	_ =	shalt  }
0x57: {  	_ =	shalt  }
0x58: {  	_ =	shalt  }
0x59: {  	_ =	shalt  }
0x5a: {  	_ =	shalt  }
0x5b: {  	_ =	shalt  }
0x5c: {  	_ =	shalt  }
0x5d: {  	_ =	shalt  }
0x5e: {  	_ =	shalt  }
0x5f: {  	_ =	shalt  }
0x60: {  	_ =	shalt  }
0x61: {  	_ =	shalt  }
0x62: {  	_ =	shalt  }
0x63: {  	_ =	shalt  }
0x64: {  	_ =	shalt  }
0x65: {  	_ =	shalt  }
0x66: {  	_ =	shalt  }
0x67: {  	_ =	shalt  }
0x68: {  	_ =	shalt  }
0x69: {  	_ =	shalt  }
0x6a: {  	_ =	shalt  }
0x6b: {  	_ =	shalt  }
0x6c: {  	_ =	shalt  }
0x6d: {  	_ =	shalt  }
0x6e: {  	_ =	shalt  }
0x6f: {  	_ =	shalt  }
0x70: {  	_ =	shalt  }
0x71: {  	_ =	shalt  }
0x72: {  	_ =	shalt  }
0x73: {  	_ =	shalt  }
0x74: {  	_ =	shalt  }
0x75: {  	_ =	shalt  }
0x76: {  	_ =	shalt  }
0x77: {  	_ =	shalt  }
0x78: {  	_ =	shalt  }
0x79: {  	_ =	shalt  }
0x7a: {  	_ =	shalt  }
0x7b: {  	_ =	shalt  }
0x7c: {  	_ =	shalt  }
0x7d: {  	_ =	shalt  }
0x7e: {  	_ =	shalt  }
0x7f: {  	_ =	shalt  }
0x80: {  	_ =	shalt  }
0x81: {  	_ =	shalt  }
0x82: {  	_ =	shalt  }
0x83: {  	_ =	shalt  }
0x84: {  	_ =	shalt  }
0x85: {  	_ =	shalt  }
0x86: {  	_ =	shalt  }
0x87: {  	_ =	shalt  }
.Lfunc_end0:
.L_simem_size_0:
called_computation.1_lowered:
.L_overlay_start_0:
0x88: {  	s2 =	sld [smem:$0x3FD9]  }
0x89: {  	s3 =	sld [smem:$0x3FFE];
	_ =	sdelay $0x1  }
0x8a: {  	s1 =	srdreg.scid  }
0x8b: {  	s0 =	sand.u32 $0x1, s1  }
0x8c: {  	s16 =	sshll.u32 s0, $0xA;
	s2 =	sadd.s32 s3, s2  }
0x8d: {  	s2 =	sadd.s32 s2, s16  }
0x8e: {  	[smem:$0x3FBB] =	sst s2  }
0x8f: {  	_ = 	snop  }
0x90: {  	(tm) =	ssettm $0x1  }
0x91: {  	s17 =	sld [smem:$0x3FFB];
	_ =	sdelay $0x3  }
0x92: {  	_ =	strace s17  }
0x93: {  	s2 =	sld [smem:$0x3FFC];
	_ =	sdelay $0x3  }
0x94: {  	_ =	strace s2  }
0x95: {  	s2 =	sld [smem:$0x3FFD];
	_ =	sdelay $0x3  }
0x96: {  	_ =	strace s2  }
0x97: {  	_ =	strace $0x8FFFFFFF  }
0x98: {  	s18 =	sld [smem:$0x3FDB];
	_ =	sdelay $0x1  }
0x99: {  	s19 =	simm.s32 $_scs_section_size  }
0x9a: {  	s4 =	simm.s32 $_size__tile_overlayer_lowered;
	s5 =	simm.s32 $_tile_overlayer_lowered  }
0x9b: {  	s22 =	simm.s32 $0x1BFF;
	s21 =	sshll.u32 s5, $0x1;
	s2 =	sadd.s32 s19, s18  }
0x9c: {  	s6 =	simm.s32 $0x0;
	s20 =	sshll.u32 s4, $0x1;
	s4 =	sadd.s32 s21, s2  }
0x9d: {  	[timem:s6], [sflag:s22] =	dma.local [hbm:s4], s20  }
0x9e: {  	_ =	swait.ge [sflag:s22], s20  }
0x9f: {  	s3 =	ssub.s32 $0x0, s20;
	[sflag:s22] =	ssyncset.done $0x0  }
0xa0: {  	[sflag:s22] =	ssyncadd.s32 s3;
	_ =	sdelay $0x1  }
0xa1: {  	s23 =	simm.s32 $0x1B8B  }
0xa2: {  	_ =	swait.ge [sflag:s23], $0x1  }
0xa3: {  	[sflag:s23] =	ssyncset.done $0x0  }
0xa4: {  	s25 =	simm.s32 $0x1B8E;
	s24 =	sld [smem:$0x3FFE];
	[sflag:s23] =	ssyncadd.s32 $0xFFFFFFFF  }
0xa5: {  	s26 =	simm.s32 $execute0_lowered;
	[smem:$0x3FD2] =	sst s25  }
0xa6: {  	s4 =	sshll.u32 s26, $0x1;
	_ =	strace $0x80000049;
	[dreg:$0x1] =	wrdreg $0xFFFFFFFF  }
0xa7: {  	s28 =	simm.s32 $_size_execute0_lowered;
	s2 =	sadd.s32 s2, s4;
	[dreg:$0x0] =	wrdreg $0x0  }
0xa8: {  	s4 =	sshll.u32 s28, $0x1;
	[dreg:$0x2] =	wrdreg s2  }
0xa9: {  	[dreg:$0x3] =	wrdreg s4  }
0xaa: {  	[dreg:$0x4] =	wrdreg $0xC0  }
0xab: {  	_ =	task [dreg:s6], $0x5FFFF  }
0xac: {  	[dreg:$0x1] =	wrdreg $0xFFFFFFFF  }
0xad: {  	[dreg:$0x0] =	wrdreg $0x60  }
0xae: {  	[dreg:$0x2] =	wrdreg s24  }
0xaf: {  	[dreg:$0x3] =	wrdreg $0x0  }
0xb0: {  	[dreg:$0x4] =	wrdreg $0x9  }
0xb1: {  	_ =	task.clear_ibuf [dreg:s6], $0x5FFFF;
	_ =	strace $0x90000049  }
0xb2: {  	s29 =	simm.s32 $0x9;
	_ =	strace $0x8000004B  }
0xb3: {  	_ =	swait.ge [sflag:s29], $0x1  }
0xb4: {  	[sflag:s29] =	ssyncadd.s32 $0xFFFFFFFF  }
0xb5: {  	_ =	strace $0x9000004B  }
0xb6: {  	_ =	sfence  }
0xb7: {  	s30 =	sld [smem:$0x0];
	_ =	sdelay $0x2  }
0xb8: {  	s31 =	sshll.u32 s1, $0xD;
	s1 =	sshrl.u32 s1, $0x2  }
0xb9: {  	s3 =	sand.u32 $0x4000, s31;
	s1 =	sadd.s32 s1, s30  }
0xba: {  	s0 =	sor.u32 s3, s0;
	s1 =	sshll.u32 s1, $0x11  }
0xbb: {  	s0 =	sor.u32 s1, s0  }
0xbc: {  	s0 =	sadd.s32 $0x8F2B, s0  }
0xbd: {  	[sflag:s0] =	ssyncadd.remote.s32 $0x1  }
0xbe: {  	_ =	sfence.sel $0xFFFF  }
0xbf: {  	[dreg:$0x0] =	wrdreg $0xFFFFFFFF;
	(pc) =	sbr.abs _section_cstart, $3  }
0xc0: {  	[dreg:$0x1] =	wrdreg $0xFFFFFFFF  }
0xc1: {  	_ =	task.clear_ibuf [dreg:s6], $0x2FFFF;
	_ =	strace $0x9FFFFFFF  }
0xc2: {  	(tm) =	ssettm $0x7FFFFFFF  }
0xc3: {  	_ =	shalt  }
tec
execute0_lowered:
.L_overlay_start_1:
0x0: {  	(tag) =	ssettag $0x1  }
0x1: {  	s6 =	rddreg [dreg:$0x0]  }
0x2: {  	s1 =	rddreg [dreg:$0x1];
	s2 =	simm.s32 $0x0  }
0x3: {  	s0 =	simm.s32 $0x14080;
	[smem:$0x7FF] =	sst s2  }
0x4: {  	s16 =	simm.s32 $0x14100;
	_ =	strace $0x8000004A;
	[dreg:$0x3] =	wrdreg s0  }
0x5: {  	s17 =	simm.s32 $0x14180;
	[dreg:$0x4] =	wrdreg s16  }
0x6: {  	s18 =	simm.s32 $0x15080;
	[dreg:$0x5] =	wrdreg s17  }
0x7: {  	s19 =	simm.s32 $0x15100;
	[dreg:$0x6] =	wrdreg s18  }
0x8: {  	s20 =	simm.s32 $0x15180;
	[dreg:$0x7] =	wrdreg s19  }
0x9: {  	s21 =	simm.s32 $0x14200;
	[dreg:$0x8] =	wrdreg s20  }
0xa: {  	s22 =	simm.s32 $0x14280;
	[dreg:$0x9] =	wrdreg s21  }
0xb: {  	s23 =	simm.s32 $0x14300;
	[dreg:$0xa] =	wrdreg s22  }
0xc: {  	s24 =	simm.s32 $0x14380;
	[dreg:$0xb] =	wrdreg s23  }
0xd: {  	s25 =	simm.s32 $0x15200;
	[dreg:$0xc] =	wrdreg s24  }
0xe: {  	s26 =	simm.s32 $0x15280;
	[dreg:$0xd] =	wrdreg s25  }
0xf: {  	s3 =	simm.s32 $0x15300;
	[dreg:$0xe] =	wrdreg s26  }
0x10: {  	s4 =	simm.s32 $0x15380;
	[dreg:$0xf] =	wrdreg s3  }
0x11: {  	s5 =	simm.s32 $0x14400;
	[dreg:$0x10] =	wrdreg s4  }
0x12: {  	s7 =	simm.s32 $0x14480;
	[dreg:$0x11] =	wrdreg s5  }
0x13: {  	s8 =	simm.s32 $0x14500;
	[dreg:$0x12] =	wrdreg s7  }
0x14: {  	s9 =	simm.s32 $0x15400;
	[dreg:$0x13] =	wrdreg s8  }
0x15: {  	s10 =	simm.s32 $0x15480;
	[dreg:$0x15] =	wrdreg s9  }
0x16: {  	s11 =	simm.s32 $0x15500;
	[dreg:$0x16] =	wrdreg s10  }
0x17: {  	s13 =	simm.s32 $0x15580;
	[dreg:$0x17] =	wrdreg s11  }
0x18: {  	s14 =	simm.s32 $0x14600;
	[dreg:$0x18] =	wrdreg s13  }
0x19: {  	s15 =	simm.s32 $0x14700;
	[dreg:$0x19] =	wrdreg s14  }
0x1a: {  	s4 =	simm.s32 $0x14580;
	[dreg:$0x1b] =	wrdreg s15  }
0x1b: {  	s9 =	simm.s32 $0x14680;
	[dreg:$0x14] =	wrdreg s4  }
0x1c: {  	s16 =	simm.s32 $0x14780;
	[dreg:$0x1a] =	wrdreg s9  }
0x1d: {  	s17 =	simm.s32 $0x15600;
	[dreg:$0x1c] =	wrdreg s16  }
0x1e: {  	s18 =	simm.s32 $0x15680;
	[dreg:$0x1d] =	wrdreg s17  }
0x1f: {  	s20 =	simm.s32 $0x15700;
	[dreg:$0x1e] =	wrdreg s18  }
0x20: {  	s12 =	stileid.u32;
	s21 =	simm.s32 $0x15780;
	[dreg:$0x1f] =	wrdreg s20  }
0x21: {  	s28 =	simm.s32 $0x4;
	s22 =	simm.s32 $0x14880;
	[smem:$0x7D7] =	sst s21  }
0x22: {  	s29 =	simm.s32 $0x5;
	s24 =	simm.s32 $0x14900;
	[smem:$0x7D8] =	sst s22  }
0x23: {  	s30 =	simm.s32 $0x6;
	s25 =	simm.s32 $0x14980;
	[smem:$0x7D9] =	sst s24  }
0x24: {  	s31 =	simm.s32 $0x7;
	s26 =	simm.s32 $0x15880;
	[smem:$0x7DA] =	sst s25  }
0x25: {  	s3 =	sadd.s32 $0x36E00, s6;
	s13 =	simm.s32 $0x15900;
	[smem:$0x7DB] =	sst s26  }
0x26: {  	s0 =	sadd.s32 $0x22E00, s6;
	s14 =	simm.s32 $0x15980;
	[smem:$0x7DC] =	sst s13  }
0x27: {  	s5 =	srdreg.scid;
	s15 =	simm.s32 $0x14A00;
	[smem:$0x7DD] =	sst s14  }
0x28: {  	s7 =	smul.u32 $0x14000, s12;
	[smem:$0x7DF] =	sst s15;
	s16 =	simm.s32 $0x14A80  }
0x29: {  	s11 =	smul.u32 $0x50000, s12;
	s17 =	simm.s32 $0x14B00;
	[smem:$0x7E0] =	sst s16  }
0x2a: {  	s5 =	sand.u32 $0x1, s5;
	s13 =	sshll.u32 s12, $0x6;
	[smem:$0x7E1] =	sst s17  }
0x2b: {  	s4 =	sadd.s32 $0xEE00, s6;
	s21 =	simm.s32 $0x15A00;
	[smem:$0x7E2] =	sst s13  }
0x2c: {  	s24 =	simm.s32 $0x15B00;
	s25 =	simm.s32 $0x15B80;
	[smem:$0x7E6] =	sst s21  }
0x2d: {  	s14 =	simm.s32 $0x14D80;
	s15 =	simm.s32 $0x15C00;
	[smem:$0x7EA] =	sst s24  }
0x2e: {  	s8 =	smul.u32 $0x140000, s5;
	s19 =	ssub.s32 $0x2, s5;
	[smem:$0x7EC] =	sst s25  }
0x2f: {  	s23 =	sshll.u32 s5, $0x4;
	s11 =	sshrl.u32 s11, $0x2;
	[smem:$0x7F0] =	sst s14  }
0x30: {  	s20 =	sor.u32 $0x1C0B, s13;
	s5 =	smul.u32 $0xA000, s5;
	[smem:$0x7F1] =	sst s15  }
0x31: {  	s13 =	simm.s32 $0x14D00;
	s16 =	simm.s32 $0x15C80;
	[smem:$0x7E3] =	sst s20  }
0x32: {  	s17 =	simm.s32 $0x15D00;
	s15 =	simm.s32 $0x14000;
	[smem:$0x7EF] =	sst s13  }
0x33: {  	s21 =	simm.s32 $0x14F00;
	s24 =	simm.s32 $0x15E80;
	[smem:$0x7F2] =	sst s16  }
0x34: {  	s25 =	simm.s32 $0x15F00;
	s10 =	sshrl.u32 s19, $0x1;
	[smem:$0x7F3] =	sst s17  }
0x35: {  	s11 =	sadd.s32 s11, s1;
	s16 =	simm.s32 $0x15000;
	[smem:$0x7F7] =	sst s21  }
0x36: {  	s20 =	simm.s32 $0x14E80;
	s21 =	simm.s32 $0x40;
	[smem:$0x7FA] =	sst s24  }
0x37: {  	[smem:$0x7FB] =	sst s25;
	s24 =	simm.s32 $0x1A000;
	s25 =	simm.s32 $0x1C000  }
0x38: {  	s8 =	sadd.s32 s7, s8;
	s9 =	ssub.s32 s19, s10;
	s10 =	sor.u32 s12, s23  }
0x39: {  	s7 =	sshrl.u32 s7, $0x3;
	s19 =	simm.s32 $0x14B80;
	[smem:$0x7F6] =	sst s20  }
0x3a: {  	s23 =	simm.s32 $0x15A80;
	s20 =	simm.s32 $0x15800;
	[smem:$0x7E4] =	sst s19  }
0x3b: {  	s8 =	sshrl.u32 s8, $0x3;
	s7 =	sadd.s32 s3, s7;
	[smem:$0x7E8] =	sst s23  }
0x3c: {  	s18 =	smul.u32 $0xA00, s10;
	s26 =	smax.u32 s9, $0x1;
	[smem:$0x7DE] =	sst s7  }
0x3d: {  	s9 =	simm.s32 $0x14C80;
	s10 =	smul.u32 $0xA00, s12;
	[smem:$0x7EB] =	sst s26  }
0x3e: {  	s19 =	simm.s32 $0x14E00;
	s23 =	simm.s32 $0x15E00;
	[smem:$0x7EE] =	sst s9  }
0x3f: {  	s6 =	sadd.s32 s8, s6;
	[smem:$0x7F5] =	sst s19;
	s19 =	simm.s32 $0x14800  }
0x40: {  	[smem:$0x7F9] =	sst s23;
	s26 =	simm.s32 $0x15F80;
	s23 =	simm.s32 $0x18000  }
0x41: {  	s7 =	simm.s32 $0x2;
	s9 =	simm.s32 $0x0;
	s22 =	sadd.s32 s0, s18  }
0x42: {  	s8 =	sadd.s32 s4, s18;
	s6 =	sadd.s32 $0x5EE00, s6;
	[smem:$0x7FC] =	sst s26  }
0x43: {  	s0 =	sadd.s32 s5, s0;
	s4 =	sadd.s32 s5, s4;
	[smem:$0x7E5] =	sst s22  }
0x44: {  	s18 =	simm.s32 $0x15D80;
	s26 =	simm.s32 $0x3;
	[smem:$0x7E7] =	sst s8  }
0x45: {  	s5 =	simm.s32 $0xA;
	[smem:$0x7E9] =	sst s6;
	s8 =	simm.s32 $0x14C00  }
0x46: {  	s12 =	sadd.s32 s10, s0;
	s13 =	sadd.s32 s10, s4;
	[smem:$0x7F4] =	sst s18  }
0x47: {  	s10 =	sshrl.u32 s11, $0x3;
	s22 =	simm.s32 $0x14F80;
	[smem:$0x7ED] =	sst s8  }
0x48: {  	s18 =	simm.s32 $0x1;
	s0 =	simm.s32 $0x8;
	[smem:$0x7F8] =	sst s22  }
0x49: {  	s4 =	simm.s32 $0x9;
	s22 =	simm.s32 $0x16000;
	[smem:$0x7FD] =	sst s10  }
.LBB2_1:
0x4a: {  	s6 =	sld [smem:$0x7DE]  }
0x4b: {  	s8 =	sld [smem:$0x7E3];
	_ =	sdelay $0x2  }
0x4c: {  	[spmem:s10], [sflag:s8] =	dma.local [hbm:s6], $0x2800  }
0x4d: {  	s6 =	sld [smem:$0x7E5];
	_ =	sdelay $0x1  }
0x4e: {  	s8 =	sld [smem:$0x7E7]  }
0x4f: {  	[tilespmem:s15], [sflag:$0x1] =	stream.linear.gather [hbm4b:s6+s2], $0x800, $0x38;
	[tilespmem:$0x1E000] =	vst v63  }
0x50: {  	s10 =	simm.s32 $0xB  }
0x51: {  	[tilespmem:s16], [sflag:$0x1] =	stream.linear.gather [hbm4b:s8+s2], $0x800, $0x38;
	[tilespmem:$0x1E000] =	vst v63  }
0x52: {  	_ =	swait.ge [sflag:s10], $0x2800  }
0x53: {  	[sflag:s10] =	ssyncset.done $0x0  }
0x54: {  	[sflag:s10] =	ssyncadd.s32 $0xFFFFD800  }
0x55: {  	[bflag:$0x0] =	sbarrier.arrive $0xFFFF  }
0x56: {  	_ =	swait.ge [sflag:s18], $0x800  }
0x57: {  	[sflag:s18] =	ssyncset.done $0x0  }
0x58: {  	[sflag:s18] =	ssyncadd.s32 $0xFFFFF800  }
0x59: {  	_ =	swait.ge [sflag:s18], $0x800  }
0x5a: {  	p0 =	por $0x1, $0x1;
	[sflag:s18] =	ssyncset.done $0x0  }
0x5b: {  	s6 =	simm.s32 @!p0 $0x7;
	[sflag:s18] =	ssyncadd.s32 $0xFFFFF800  }
0x5c: {  	_ =	swait.ge @!p0 [sflag:s6], $0x2000  }
0x5d: {  	[sflag:s6] =	ssyncset.done @!p0 $0x0  }
0x5e: {  	[sflag:s6] =	ssyncadd.s32 @!p0 $0xFFFFE000;
	s6 =	simm.s32 @!p0 $0x8  }
0x5f: {  	_ =	swait.ge @!p0 [sflag:s6], $0x2000  }
0x60: {  	[sflag:s6] =	ssyncset.done @!p0 $0x0  }
0x61: {  	[sflag:s6] =	ssyncadd.s32 @!p0 $0xFFFFE000;
	s6 =	simm.s32 @!p0 $0x9  }
0x62: {  	_ =	swait.ge @!p0 [sflag:s6], $0x2000  }
0x63: {  	[sflag:s6] =	ssyncset.done @!p0 $0x0  }
0x64: {  	[sflag:s6] =	ssyncadd.s32 @!p0 $0xFFFFE000;
	s6 =	simm.s32 @!p0 $0xA  }
0x65: {  	_ =	swait.ge @!p0 [sflag:s6], $0x2000  }
0x66: {  	s11 =	sadd.s32 $0x0, s12;
	[sflag:s6] =	ssyncset.done @!p0 $0x0  }
0x67: {  	s17 =	sadd.s32 $0x0, s13;
	s14 =	sadd.s32 $0x100, s11;
	[sflag:s6] =	ssyncadd.s32 @!p0 $0xFFFFE000  }
0x68: {  	[tilespmem:s19], [sflag:$0x2] =	stream.linear.gather [hbm4b:s14+s2], $0x800, $0x38;
	[tilespmem:$0x1E000] =	vst v63  }
0x69: {  	s8 =	sadd.s32 $0x100, s17  }
0x6a: {  	[tilespmem:s20], [sflag:$0x2] =	stream.linear.gather [hbm4b:s8+s2], $0x800, $0x38;
	[tilespmem:$0x1E000] =	vst v63  }
0x6b: {  	_ = 	snop  }
0x6c: {  	[tilespmem:s22], [sflag:$0x3] =	stream.indirect.gather [hbm4b:s3+s21], $0x80, s15, s21, $0xb8;
	[tilespmem:$0x1E000] =	vst v63  }
0x6d: {  	s10 =	rddreg [dreg:$0x3]  }
0x6e: {  	[tilespmem:s23], [sflag:$0x4] =	stream.indirect.gather [hbm4b:s3+s21], $0x80, s10, s21, $0xb8;
	[tilespmem:$0x1E000] =	vst v63  }
0x6f: {  	s11 =	rddreg [dreg:$0x4]  }
0x70: {  	[tilespmem:s24], [sflag:$0x5] =	stream.indirect.gather [hbm4b:s3+s21], $0x80, s11, s21, $0xb8;
	[tilespmem:$0x1E000] =	vst v63  }
0x71: {  	s14 =	rddreg [dreg:$0x5]  }
0x72: {  	[tilespmem:s25], [sflag:$0x6] =	stream.indirect.gather [hbm4b:s3+s21], $0x80, s14, s21, $0xb8;
	[tilespmem:$0x1E000] =	vst v63  }
0x73: {  	_ =	swait.ge [sflag:s26], $0x2000  }
0x74: {  	[sflag:s26] =	ssyncset.done $0x0  }
0x75: {  	[sflag:s26] =	ssyncadd.s32 $0xFFFFE000  }
0x76: {  	[spmem:s1] =	stream.indirect.scatter.add.f32 [tilespmem:s22], [sflag:$0x7], $0x80, s16, s21, $0xb8;
	[tilespmem:$0x1E000] =	vst v63  }
0x77: {  	_ =	swait.ge [sflag:s28], $0x2000  }
0x78: {  	[sflag:s28] =	ssyncset.done $0x0  }
0x79: {  	s17 =	rddreg [dreg:$0x6];
	[sflag:s28] =	ssyncadd.s32 $0xFFFFE000  }
0x7a: {  	[spmem:s1] =	stream.indirect.scatter.add.f32 [tilespmem:s23], [sflag:$0x8], $0x80, s17, s21, $0xb8;
	[tilespmem:$0x1E000] =	vst v63  }
0x7b: {  	_ =	swait.ge [sflag:s29], $0x2000  }
0x7c: {  	[sflag:s29] =	ssyncset.done $0x0  }
0x7d: {  	s8 =	rddreg [dreg:$0x7];
	[sflag:s29] =	ssyncadd.s32 $0xFFFFE000  }
0x7e: {  	[spmem:s1] =	stream.indirect.scatter.add.f32 [tilespmem:s24], [sflag:$0x9], $0x80, s8, s21, $0xb8;
	[tilespmem:$0x1E000] =	vst v63  }
0x7f: {  	_ =	swait.ge [sflag:s30], $0x2000  }
0x80: {  	[sflag:s30] =	ssyncset.done $0x0  }
0x81: {  	s10 =	rddreg [dreg:$0x8];
	[sflag:s30] =	ssyncadd.s32 $0xFFFFE000  }
0x82: {  	[spmem:s1] =	stream.indirect.scatter.add.f32 [tilespmem:s25], [sflag:$0xA], $0x80, s10, s21, $0xb8;
	[tilespmem:$0x1E000] =	vst v63  }
0x83: {  	_ =	swait.ge [sflag:s31], $0x2000  }
0x84: {  	[sflag:s31] =	ssyncset.done $0x0  }
0x85: {  	s11 =	rddreg [dreg:$0x9];
	[sflag:s31] =	ssyncadd.s32 $0xFFFFE000  }
0x86: {  	[tilespmem:s22], [sflag:$0x3] =	stream.indirect.gather [hbm4b:s3+s21], $0x80, s11, s21, $0xb8;
	[tilespmem:$0x1E000] =	vst v63  }
0x87: {  	_ =	swait.ge [sflag:s0], $0x2000  }
0x88: {  	[sflag:s0] =	ssyncset.done $0x0  }
0x89: {  	s14 =	rddreg [dreg:$0xa];
	[sflag:s0] =	ssyncadd.s32 $0xFFFFE000  }
0x8a: {  	[tilespmem:s23], [sflag:$0x4] =	stream.indirect.gather [hbm4b:s3+s21], $0x80, s14, s21, $0xb8;
	[tilespmem:$0x1E000] =	vst v63  }
0x8b: {  	_ =	swait.ge [sflag:s4], $0x2000  }
0x8c: {  	[sflag:s4] =	ssyncset.done $0x0  }
0x8d: {  	s17 =	rddreg [dreg:$0xb];
	[sflag:s4] =	ssyncadd.s32 $0xFFFFE000  }
0x8e: {  	[tilespmem:s24], [sflag:$0x5] =	stream.indirect.gather [hbm4b:s3+s21], $0x80, s17, s21, $0xb8;
	[tilespmem:$0x1E000] =	vst v63  }
0x8f: {  	_ =	swait.ge [sflag:s5], $0x2000  }
0x90: {  	[sflag:s5] =	ssyncset.done $0x0  }
0x91: {  	s8 =	rddreg [dreg:$0xc];
	[sflag:s5] =	ssyncadd.s32 $0xFFFFE000  }
0x92: {  	[tilespmem:s25], [sflag:$0x6] =	stream.indirect.gather [hbm4b:s3+s21], $0x80, s8, s21, $0xb8;
	[tilespmem:$0x1E000] =	vst v63  }
0x93: {  	_ =	swait.ge [sflag:s26], $0x2000  }
0x94: {  	[sflag:s26] =	ssyncset.done $0x0  }
0x95: {  	s10 =	rddreg [dreg:$0xd];
	[sflag:s26] =	ssyncadd.s32 $0xFFFFE000  }
0x96: {  	[spmem:s1] =	stream.indirect.scatter.add.f32 [tilespmem:s22], [sflag:$0x7], $0x80, s10, s21, $0xb8;
	[tilespmem:$0x1E000] =	vst v63  }
0x97: {  	_ =	swait.ge [sflag:s28], $0x2000  }
0x98: {  	[sflag:s28] =	ssyncset.done $0x0  }
0x99: {  	s11 =	rddreg [dreg:$0xe];
	[sflag:s28] =	ssyncadd.s32 $0xFFFFE000  }
0x9a: {  	[spmem:s1] =	stream.indirect.scatter.add.f32 [tilespmem:s23], [sflag:$0x8], $0x80, s11, s21, $0xb8;
	[tilespmem:$0x1E000] =	vst v63  }
0x9b: {  	_ =	swait.ge [sflag:s29], $0x2000  }
0x9c: {  	[sflag:s29] =	ssyncset.done $0x0  }
0x9d: {  	s14 =	rddreg [dreg:$0xf];
	[sflag:s29] =	ssyncadd.s32 $0xFFFFE000  }
0x9e: {  	[spmem:s1] =	stream.indirect.scatter.add.f32 [tilespmem:s24], [sflag:$0x9], $0x80, s14, s21, $0xb8;
	[tilespmem:$0x1E000] =	vst v63  }
0x9f: {  	_ =	swait.ge [sflag:s30], $0x2000  }
0xa0: {  	[sflag:s30] =	ssyncset.done $0x0  }
0xa1: {  	s17 =	rddreg [dreg:$0x10];
	[sflag:s30] =	ssyncadd.s32 $0xFFFFE000  }
0xa2: {  	[spmem:s1] =	stream.indirect.scatter.add.f32 [tilespmem:s25], [sflag:$0xA], $0x80, s17, s21, $0xb8;
	[tilespmem:$0x1E000] =	vst v63  }
0xa3: {  	_ =	swait.ge [sflag:s31], $0x2000  }
0xa4: {  	[sflag:s31] =	ssyncset.done $0x0  }
0xa5: {  	s8 =	rddreg [dreg:$0x11];
	[sflag:s31] =	ssyncadd.s32 $0xFFFFE000  }
0xa6: {  	[tilespmem:s22], [sflag:$0x3] =	stream.indirect.gather [hbm4b:s3+s21], $0x80, s8, s21, $0xb8;
	[tilespmem:$0x1E000] =	vst v63  }
0xa7: {  	_ =	swait.ge [sflag:s0], $0x2000  }
0xa8: {  	[sflag:s0] =	ssyncset.done $0x0  }
0xa9: {  	s10 =	rddreg [dreg:$0x12];
	[sflag:s0] =	ssyncadd.s32 $0xFFFFE000  }
0xaa: {  	[tilespmem:s23], [sflag:$0x4] =	stream.indirect.gather [hbm4b:s3+s21], $0x80, s10, s21, $0xb8;
	[tilespmem:$0x1E000] =	vst v63  }
0xab: {  	_ =	swait.ge [sflag:s4], $0x2000  }
0xac: {  	[sflag:s4] =	ssyncset.done $0x0  }
0xad: {  	s11 =	rddreg [dreg:$0x13];
	[sflag:s4] =	ssyncadd.s32 $0xFFFFE000  }
0xae: {  	[tilespmem:s24], [sflag:$0x5] =	stream.indirect.gather [hbm4b:s3+s21], $0x80, s11, s21, $0xb8;
	[tilespmem:$0x1E000] =	vst v63  }
0xaf: {  	_ =	swait.ge [sflag:s5], $0x2000  }
0xb0: {  	[sflag:s5] =	ssyncset.done $0x0  }
0xb1: {  	s14 =	rddreg [dreg:$0x14];
	[sflag:s5] =	ssyncadd.s32 $0xFFFFE000  }
0xb2: {  	[tilespmem:s25], [sflag:$0x6] =	stream.indirect.gather [hbm4b:s3+s21], $0x80, s14, s21, $0xb8;
	[tilespmem:$0x1E000] =	vst v63  }
0xb3: {  	_ =	swait.ge [sflag:s26], $0x2000  }
0xb4: {  	[sflag:s26] =	ssyncset.done $0x0  }
0xb5: {  	s17 =	rddreg [dreg:$0x15];
	[sflag:s26] =	ssyncadd.s32 $0xFFFFE000  }
0xb6: {  	[spmem:s1] =	stream.indirect.scatter.add.f32 [tilespmem:s22], [sflag:$0x7], $0x80, s17, s21, $0xb8;
	[tilespmem:$0x1E000] =	vst v63  }
0xb7: {  	_ =	swait.ge [sflag:s28], $0x2000  }
0xb8: {  	[sflag:s28] =	ssyncset.done $0x0  }
0xb9: {  	s8 =	rddreg [dreg:$0x16];
	[sflag:s28] =	ssyncadd.s32 $0xFFFFE000  }
0xba: {  	[spmem:s1] =	stream.indirect.scatter.add.f32 [tilespmem:s23], [sflag:$0x8], $0x80, s8, s21, $0xb8;
	[tilespmem:$0x1E000] =	vst v63  }
0xbb: {  	_ =	swait.ge [sflag:s29], $0x2000  }
0xbc: {  	[sflag:s29] =	ssyncset.done $0x0  }
0xbd: {  	s10 =	rddreg [dreg:$0x17];
	[sflag:s29] =	ssyncadd.s32 $0xFFFFE000  }
0xbe: {  	[spmem:s1] =	stream.indirect.scatter.add.f32 [tilespmem:s24], [sflag:$0x9], $0x80, s10, s21, $0xb8;
	[tilespmem:$0x1E000] =	vst v63  }
0xbf: {  	_ =	swait.ge [sflag:s30], $0x2000  }
0xc0: {  	[sflag:s30] =	ssyncset.done $0x0  }
0xc1: {  	s11 =	rddreg [dreg:$0x18];
	[sflag:s30] =	ssyncadd.s32 $0xFFFFE000  }
0xc2: {  	[spmem:s1] =	stream.indirect.scatter.add.f32 [tilespmem:s25], [sflag:$0xA], $0x80, s11, s21, $0xb8;
	[tilespmem:$0x1E000] =	vst v63  }
0xc3: {  	_ =	swait.ge [sflag:s31], $0x2000  }
0xc4: {  	[sflag:s31] =	ssyncset.done $0x0  }
0xc5: {  	s14 =	rddreg [dreg:$0x19];
	[sflag:s31] =	ssyncadd.s32 $0xFFFFE000  }
0xc6: {  	[tilespmem:s22], [sflag:$0x3] =	stream.indirect.gather [hbm4b:s3+s21], $0x80, s14, s21, $0xb8;
	[tilespmem:$0x1E000] =	vst v63  }
0xc7: {  	_ =	swait.ge [sflag:s0], $0x2000  }
0xc8: {  	[sflag:s0] =	ssyncset.done $0x0  }
0xc9: {  	s17 =	rddreg [dreg:$0x1a];
	[sflag:s0] =	ssyncadd.s32 $0xFFFFE000  }
0xca: {  	[tilespmem:s23], [sflag:$0x4] =	stream.indirect.gather [hbm4b:s3+s21], $0x80, s17, s21, $0xb8;
	[tilespmem:$0x1E000] =	vst v63  }
0xcb: {  	_ =	swait.ge [sflag:s4], $0x2000  }
0xcc: {  	[sflag:s4] =	ssyncset.done $0x0  }
0xcd: {  	s8 =	rddreg [dreg:$0x1b];
	[sflag:s4] =	ssyncadd.s32 $0xFFFFE000  }
0xce: {  	[tilespmem:s24], [sflag:$0x5] =	stream.indirect.gather [hbm4b:s3+s21], $0x80, s8, s21, $0xb8;
	[tilespmem:$0x1E000] =	vst v63  }
0xcf: {  	_ =	swait.ge [sflag:s5], $0x2000  }
0xd0: {  	[sflag:s5] =	ssyncset.done $0x0  }
0xd1: {  	s10 =	rddreg [dreg:$0x1c];
	[sflag:s5] =	ssyncadd.s32 $0xFFFFE000  }
0xd2: {  	[tilespmem:s25], [sflag:$0x6] =	stream.indirect.gather [hbm4b:s3+s21], $0x80, s10, s21, $0xb8;
	[tilespmem:$0x1E000] =	vst v63  }
0xd3: {  	_ =	swait.ge [sflag:s26], $0x2000  }
0xd4: {  	[sflag:s26] =	ssyncset.done $0x0  }
0xd5: {  	s11 =	rddreg [dreg:$0x1d];
	[sflag:s26] =	ssyncadd.s32 $0xFFFFE000  }
0xd6: {  	[spmem:s1] =	stream.indirect.scatter.add.f32 [tilespmem:s22], [sflag:$0x7], $0x80, s11, s21, $0xb8;
	[tilespmem:$0x1E000] =	vst v63  }
0xd7: {  	_ =	swait.ge [sflag:s28], $0x2000  }
0xd8: {  	[sflag:s28] =	ssyncset.done $0x0  }
0xd9: {  	s14 =	rddreg [dreg:$0x1e];
	[sflag:s28] =	ssyncadd.s32 $0xFFFFE000  }
0xda: {  	[spmem:s1] =	stream.indirect.scatter.add.f32 [tilespmem:s23], [sflag:$0x8], $0x80, s14, s21, $0xb8;
	[tilespmem:$0x1E000] =	vst v63  }
0xdb: {  	_ =	swait.ge [sflag:s29], $0x2000  }
0xdc: {  	[sflag:s29] =	ssyncset.done $0x0  }
0xdd: {  	s17 =	rddreg [dreg:$0x1f];
	[sflag:s29] =	ssyncadd.s32 $0xFFFFE000  }
0xde: {  	[spmem:s1] =	stream.indirect.scatter.add.f32 [tilespmem:s24], [sflag:$0x9], $0x80, s17, s21, $0xb8;
	[tilespmem:$0x1E000] =	vst v63  }
0xdf: {  	_ =	swait.ge [sflag:s30], $0x2000  }
0xe0: {  	s8 =	sld [smem:$0x7D7]  }
0xe1: {  	[sflag:s30] =	ssyncset.done $0x0  }
0xe2: {  	[sflag:s30] =	ssyncadd.s32 $0xFFFFE000  }
0xe3: {  	[spmem:s1] =	stream.indirect.scatter.add.f32 [tilespmem:s25], [sflag:$0xA], $0x80, s8, s21, $0xb8;
	[tilespmem:$0x1E000] =	vst v63  }
0xe4: {  	_ =	swait.ge [sflag:s7], $0x800  }
0xe5: {  	[sflag:s7] =	ssyncset.done $0x0  }
0xe6: {  	[sflag:s7] =	ssyncadd.s32 $0xFFFFF800  }
0xe7: {  	_ =	swait.ge [sflag:s7], $0x800  }
0xe8: {  	[sflag:s7] =	ssyncset.done $0x0  }
0xe9: {  	[sflag:s7] =	ssyncadd.s32 $0xFFFFF800  }
0xea: {  	_ =	swait.ge [sflag:s31], $0x2000  }
0xeb: {  	[sflag:s31] =	ssyncset.done $0x0  }
0xec: {  	[sflag:s31] =	ssyncadd.s32 $0xFFFFE000  }
0xed: {  	_ =	swait.ge [sflag:s0], $0x2000  }
0xee: {  	[sflag:s0] =	ssyncset.done $0x0  }
0xef: {  	[sflag:s0] =	ssyncadd.s32 $0xFFFFE000  }
0xf0: {  	_ =	swait.ge [sflag:s4], $0x2000  }
0xf1: {  	[sflag:s4] =	ssyncset.done $0x0  }
0xf2: {  	p0 =	por $0x0, $0x0;
	[sflag:s4] =	ssyncadd.s32 $0xFFFFE000  }
0xf3: {  	s6 =	sadd.s32 @!p0 $0x0, s12;
	_ =	swait.ge [sflag:s5], $0x2000  }
0xf4: {  	s6 =	sadd.s32 @!p0 $0x200, s6;
	[sflag:s5] =	ssyncset.done $0x0  }
0xf5: {  	s10 =	simm.s32 @!p0 $0x0;
	s11 =	simm.s32 @!p0 $0x14000;
	[sflag:s5] =	ssyncadd.s32 $0xFFFFE000  }
0xf6: {  	[tilespmem:s11], [sflag:$0x1] =	stream.linear.gather @!p0 [hbm4b:s6+s10], $0x800, $0x38;
	[tilespmem:$0x1E000] =	vst v63  }
0xf7: {  	s6 =	sadd.s32 @!p0 $0x0, s13  }
0xf8: {  	s11 =	simm.s32 @!p0 $0x15000;
	s6 =	sadd.s32 @!p0 $0x200, s6  }
0xf9: {  	[tilespmem:s11], [sflag:$0x1] =	stream.linear.gather @!p0 [hbm4b:s6+s10], $0x800, $0x38;
	[tilespmem:$0x1E000] =	vst v63  }
0xfa: {  	s10 =	sld [smem:$0x7D8]  }
0xfb: {  	[tilespmem:s22], [sflag:$0x3] =	stream.indirect.gather [hbm4b:s3+s21], $0x80, s19, s21, $0xb8;
	[tilespmem:$0x1E000] =	vst v63  }
0xfc: {  	s11 =	sld [smem:$0x7D9]  }
0xfd: {  	[tilespmem:s23], [sflag:$0x4] =	stream.indirect.gather [hbm4b:s3+s21], $0x80, s10, s21, $0xb8;
	[tilespmem:$0x1E000] =	vst v63  }
0xfe: {  	s14 =	sld [smem:$0x7DA]  }
0xff: {  	[tilespmem:s24], [sflag:$0x5] =	stream.indirect.gather [hbm4b:s3+s21], $0x80, s11, s21, $0xb8;
	[tilespmem:$0x1E000] =	vst v63  }
0x100: {  	_ = 	snop  }
0x101: {  	[tilespmem:s25], [sflag:$0x6] =	stream.indirect.gather [hbm4b:s3+s21], $0x80, s14, s21, $0xb8;
	[tilespmem:$0x1E000] =	vst v63  }
0x102: {  	_ =	swait.ge [sflag:s26], $0x2000  }
0x103: {  	[sflag:s26] =	ssyncset.done $0x0  }
0x104: {  	[sflag:s26] =	ssyncadd.s32 $0xFFFFE000  }
0x105: {  	[spmem:s1] =	stream.indirect.scatter.add.f32 [tilespmem:s22], [sflag:$0x7], $0x80, s20, s21, $0xb8;
	[tilespmem:$0x1E000] =	vst v63  }
0x106: {  	_ =	swait.ge [sflag:s28], $0x2000  }
0x107: {  	s17 =	sld [smem:$0x7DB]  }
0x108: {  	[sflag:s28] =	ssyncset.done $0x0  }
0x109: {  	[sflag:s28] =	ssyncadd.s32 $0xFFFFE000  }
0x10a: {  	[spmem:s1] =	stream.indirect.scatter.add.f32 [tilespmem:s23], [sflag:$0x8], $0x80, s17, s21, $0xb8;
	[tilespmem:$0x1E000] =	vst v63  }
0x10b: {  	_ =	swait.ge [sflag:s29], $0x2000  }
0x10c: {  	s8 =	sld [smem:$0x7DC]  }
0x10d: {  	[sflag:s29] =	ssyncset.done $0x0  }
0x10e: {  	[sflag:s29] =	ssyncadd.s32 $0xFFFFE000  }
0x10f: {  	[spmem:s1] =	stream.indirect.scatter.add.f32 [tilespmem:s24], [sflag:$0x9], $0x80, s8, s21, $0xb8;
	[tilespmem:$0x1E000] =	vst v63  }
0x110: {  	_ =	swait.ge [sflag:s30], $0x2000  }
0x111: {  	s10 =	sld [smem:$0x7DD]  }
0x112: {  	[sflag:s30] =	ssyncset.done $0x0  }
0x113: {  	[sflag:s30] =	ssyncadd.s32 $0xFFFFE000  }
0x114: {  	[spmem:s1] =	stream.indirect.scatter.add.f32 [tilespmem:s25], [sflag:$0xA], $0x80, s10, s21, $0xb8;
	[tilespmem:$0x1E000] =	vst v63  }
0x115: {  	_ =	swait.ge [sflag:s31], $0x2000  }
0x116: {  	s11 =	sld [smem:$0x7DF]  }
0x117: {  	[sflag:s31] =	ssyncset.done $0x0  }
0x118: {  	[sflag:s31] =	ssyncadd.s32 $0xFFFFE000  }
0x119: {  	[tilespmem:s22], [sflag:$0x3] =	stream.indirect.gather [hbm4b:s3+s21], $0x80, s11, s21, $0xb8;
	[tilespmem:$0x1E000] =	vst v63  }
0x11a: {  	_ =	swait.ge [sflag:s0], $0x2000  }
0x11b: {  	s14 =	sld [smem:$0x7E0]  }
0x11c: {  	[sflag:s0] =	ssyncset.done $0x0  }
0x11d: {  	[sflag:s0] =	ssyncadd.s32 $0xFFFFE000  }
0x11e: {  	[tilespmem:s23], [sflag:$0x4] =	stream.indirect.gather [hbm4b:s3+s21], $0x80, s14, s21, $0xb8;
	[tilespmem:$0x1E000] =	vst v63  }
0x11f: {  	_ =	swait.ge [sflag:s4], $0x2000  }
0x120: {  	s17 =	sld [smem:$0x7E1]  }
0x121: {  	[sflag:s4] =	ssyncset.done $0x0  }
0x122: {  	[sflag:s4] =	ssyncadd.s32 $0xFFFFE000  }
0x123: {  	[tilespmem:s24], [sflag:$0x5] =	stream.indirect.gather [hbm4b:s3+s21], $0x80, s17, s21, $0xb8;
	[tilespmem:$0x1E000] =	vst v63  }
0x124: {  	_ =	swait.ge [sflag:s5], $0x2000  }
0x125: {  	s8 =	sld [smem:$0x7E4]  }
0x126: {  	[sflag:s5] =	ssyncset.done $0x0  }
0x127: {  	[sflag:s5] =	ssyncadd.s32 $0xFFFFE000  }
0x128: {  	[tilespmem:s25], [sflag:$0x6] =	stream.indirect.gather [hbm4b:s3+s21], $0x80, s8, s21, $0xb8;
	[tilespmem:$0x1E000] =	vst v63  }
0x129: {  	_ =	swait.ge [sflag:s26], $0x2000  }
0x12a: {  	s10 =	sld [smem:$0x7E6]  }
0x12b: {  	[sflag:s26] =	ssyncset.done $0x0  }
0x12c: {  	[sflag:s26] =	ssyncadd.s32 $0xFFFFE000  }
0x12d: {  	[spmem:s1] =	stream.indirect.scatter.add.f32 [tilespmem:s22], [sflag:$0x7], $0x80, s10, s21, $0xb8;
	[tilespmem:$0x1E000] =	vst v63  }
0x12e: {  	_ =	swait.ge [sflag:s28], $0x2000  }
0x12f: {  	s11 =	sld [smem:$0x7E8]  }
0x130: {  	[sflag:s28] =	ssyncset.done $0x0  }
0x131: {  	[sflag:s28] =	ssyncadd.s32 $0xFFFFE000  }
0x132: {  	[spmem:s1] =	stream.indirect.scatter.add.f32 [tilespmem:s23], [sflag:$0x8], $0x80, s11, s21, $0xb8;
	[tilespmem:$0x1E000] =	vst v63  }
0x133: {  	_ =	swait.ge [sflag:s29], $0x2000  }
0x134: {  	s14 =	sld [smem:$0x7EA]  }
0x135: {  	[sflag:s29] =	ssyncset.done $0x0  }
0x136: {  	[sflag:s29] =	ssyncadd.s32 $0xFFFFE000  }
0x137: {  	[spmem:s1] =	stream.indirect.scatter.add.f32 [tilespmem:s24], [sflag:$0x9], $0x80, s14, s21, $0xb8;
	[tilespmem:$0x1E000] =	vst v63  }
0x138: {  	_ =	swait.ge [sflag:s30], $0x2000  }
0x139: {  	s17 =	sld [smem:$0x7EC]  }
0x13a: {  	[sflag:s30] =	ssyncset.done $0x0  }
0x13b: {  	[sflag:s30] =	ssyncadd.s32 $0xFFFFE000  }
0x13c: {  	[spmem:s1] =	stream.indirect.scatter.add.f32 [tilespmem:s25], [sflag:$0xA], $0x80, s17, s21, $0xb8;
	[tilespmem:$0x1E000] =	vst v63  }
0x13d: {  	_ =	swait.ge [sflag:s31], $0x2000  }
0x13e: {  	s8 =	sld [smem:$0x7ED]  }
0x13f: {  	[sflag:s31] =	ssyncset.done $0x0  }
0x140: {  	[sflag:s31] =	ssyncadd.s32 $0xFFFFE000  }
0x141: {  	[tilespmem:s22], [sflag:$0x3] =	stream.indirect.gather [hbm4b:s3+s21], $0x80, s8, s21, $0xb8;
	[tilespmem:$0x1E000] =	vst v63  }
0x142: {  	_ =	swait.ge [sflag:s0], $0x2000  }
0x143: {  	s10 =	sld [smem:$0x7EE]  }
0x144: {  	[sflag:s0] =	ssyncset.done $0x0  }
0x145: {  	[sflag:s0] =	ssyncadd.s32 $0xFFFFE000  }
0x146: {  	[tilespmem:s23], [sflag:$0x4] =	stream.indirect.gather [hbm4b:s3+s21], $0x80, s10, s21, $0xb8;
	[tilespmem:$0x1E000] =	vst v63  }
0x147: {  	_ =	swait.ge [sflag:s4], $0x2000  }
0x148: {  	s11 =	sld [smem:$0x7EF]  }
0x149: {  	[sflag:s4] =	ssyncset.done $0x0  }
0x14a: {  	[sflag:s4] =	ssyncadd.s32 $0xFFFFE000  }
0x14b: {  	[tilespmem:s24], [sflag:$0x5] =	stream.indirect.gather [hbm4b:s3+s21], $0x80, s11, s21, $0xb8;
	[tilespmem:$0x1E000] =	vst v63  }
0x14c: {  	_ =	swait.ge [sflag:s5], $0x2000  }
0x14d: {  	s14 =	sld [smem:$0x7F0]  }
0x14e: {  	[sflag:s5] =	ssyncset.done $0x0  }
0x14f: {  	[sflag:s5] =	ssyncadd.s32 $0xFFFFE000  }
0x150: {  	[tilespmem:s25], [sflag:$0x6] =	stream.indirect.gather [hbm4b:s3+s21], $0x80, s14, s21, $0xb8;
	[tilespmem:$0x1E000] =	vst v63  }
0x151: {  	_ =	swait.ge [sflag:s26], $0x2000  }
0x152: {  	s17 =	sld [smem:$0x7F1]  }
0x153: {  	[sflag:s26] =	ssyncset.done $0x0  }
0x154: {  	[sflag:s26] =	ssyncadd.s32 $0xFFFFE000  }
0x155: {  	[spmem:s1] =	stream.indirect.scatter.add.f32 [tilespmem:s22], [sflag:$0x7], $0x80, s17, s21, $0xb8;
	[tilespmem:$0x1E000] =	vst v63  }
0x156: {  	_ =	swait.ge [sflag:s28], $0x2000  }
0x157: {  	s8 =	sld [smem:$0x7F2]  }
0x158: {  	[sflag:s28] =	ssyncset.done $0x0  }
0x159: {  	[sflag:s28] =	ssyncadd.s32 $0xFFFFE000  }
0x15a: {  	[spmem:s1] =	stream.indirect.scatter.add.f32 [tilespmem:s23], [sflag:$0x8], $0x80, s8, s21, $0xb8;
	[tilespmem:$0x1E000] =	vst v63  }
0x15b: {  	_ =	swait.ge [sflag:s29], $0x2000  }
0x15c: {  	s10 =	sld [smem:$0x7F3]  }
0x15d: {  	[sflag:s29] =	ssyncset.done $0x0  }
0x15e: {  	[sflag:s29] =	ssyncadd.s32 $0xFFFFE000  }
0x15f: {  	[spmem:s1] =	stream.indirect.scatter.add.f32 [tilespmem:s24], [sflag:$0x9], $0x80, s10, s21, $0xb8;
	[tilespmem:$0x1E000] =	vst v63  }
0x160: {  	_ =	swait.ge [sflag:s30], $0x2000  }
0x161: {  	s11 =	sld [smem:$0x7F4]  }
0x162: {  	[sflag:s30] =	ssyncset.done $0x0  }
0x163: {  	[sflag:s30] =	ssyncadd.s32 $0xFFFFE000  }
0x164: {  	[spmem:s1] =	stream.indirect.scatter.add.f32 [tilespmem:s25], [sflag:$0xA], $0x80, s11, s21, $0xb8;
	[tilespmem:$0x1E000] =	vst v63  }
0x165: {  	_ =	swait.ge [sflag:s31], $0x2000  }
0x166: {  	s14 =	sld [smem:$0x7F5]  }
0x167: {  	[sflag:s31] =	ssyncset.done $0x0  }
0x168: {  	[sflag:s31] =	ssyncadd.s32 $0xFFFFE000  }
0x169: {  	[tilespmem:s22], [sflag:$0x3] =	stream.indirect.gather [hbm4b:s3+s21], $0x80, s14, s21, $0xb8;
	[tilespmem:$0x1E000] =	vst v63  }
0x16a: {  	_ =	swait.ge [sflag:s0], $0x2000  }
0x16b: {  	s17 =	sld [smem:$0x7F6]  }
0x16c: {  	[sflag:s0] =	ssyncset.done $0x0  }
0x16d: {  	[sflag:s0] =	ssyncadd.s32 $0xFFFFE000  }
0x16e: {  	[tilespmem:s23], [sflag:$0x4] =	stream.indirect.gather [hbm4b:s3+s21], $0x80, s17, s21, $0xb8;
	[tilespmem:$0x1E000] =	vst v63  }
0x16f: {  	_ =	swait.ge [sflag:s4], $0x2000  }
0x170: {  	s8 =	sld [smem:$0x7F7]  }
0x171: {  	[sflag:s4] =	ssyncset.done $0x0  }
0x172: {  	[sflag:s4] =	ssyncadd.s32 $0xFFFFE000  }
0x173: {  	[tilespmem:s24], [sflag:$0x5] =	stream.indirect.gather [hbm4b:s3+s21], $0x80, s8, s21, $0xb8;
	[tilespmem:$0x1E000] =	vst v63  }
0x174: {  	_ =	swait.ge [sflag:s5], $0x2000  }
0x175: {  	s10 =	sld [smem:$0x7F8]  }
0x176: {  	[sflag:s5] =	ssyncset.done $0x0  }
0x177: {  	[sflag:s5] =	ssyncadd.s32 $0xFFFFE000  }
0x178: {  	[tilespmem:s25], [sflag:$0x6] =	stream.indirect.gather [hbm4b:s3+s21], $0x80, s10, s21, $0xb8;
	[tilespmem:$0x1E000] =	vst v63  }
0x179: {  	_ =	swait.ge [sflag:s26], $0x2000  }
0x17a: {  	s11 =	sld [smem:$0x7F9]  }
0x17b: {  	[sflag:s26] =	ssyncset.done $0x0  }
0x17c: {  	[sflag:s26] =	ssyncadd.s32 $0xFFFFE000  }
0x17d: {  	[spmem:s1] =	stream.indirect.scatter.add.f32 [tilespmem:s22], [sflag:$0x7], $0x80, s11, s21, $0xb8;
	[tilespmem:$0x1E000] =	vst v63  }
0x17e: {  	_ =	swait.ge [sflag:s28], $0x2000  }
0x17f: {  	s14 =	sld [smem:$0x7FA]  }
0x180: {  	[sflag:s28] =	ssyncset.done $0x0  }
0x181: {  	[sflag:s28] =	ssyncadd.s32 $0xFFFFE000  }
0x182: {  	[spmem:s1] =	stream.indirect.scatter.add.f32 [tilespmem:s23], [sflag:$0x8], $0x80, s14, s21, $0xb8;
	[tilespmem:$0x1E000] =	vst v63  }
0x183: {  	_ =	swait.ge [sflag:s29], $0x2000  }
0x184: {  	s17 =	sld [smem:$0x7FB]  }
0x185: {  	[sflag:s29] =	ssyncset.done $0x0  }
0x186: {  	[sflag:s29] =	ssyncadd.s32 $0xFFFFE000  }
0x187: {  	[spmem:s1] =	stream.indirect.scatter.add.f32 [tilespmem:s24], [sflag:$0x9], $0x80, s17, s21, $0xb8;
	[tilespmem:$0x1E000] =	vst v63  }
0x188: {  	_ =	swait.ge [sflag:s30], $0x2000  }
0x189: {  	s10 =	simm.s32 $0x200;
	[sflag:s30] =	ssyncset.done $0x0  }
0x18a: {  	s11 =	simm.s32 $0x0;
	s17 =	sld [smem:$0x7FC];
	[sflag:s30] =	ssyncadd.s32 $0xFFFFE000  }
.LBB2_2:
0x18b: {  	_ =	sdelay $0x1  }
0x18c: {  	[spmem:s1] =	stream.indirect.scatter.add.f32 [tilespmem:s25], [sflag:$0xA], $0x80, s17, s21, $0xb8;
	[tilespmem:$0x1E000] =	vst v63  }
0x18d: {  	_ =	swait.ge [sflag:s18], $0x800  }
0x18e: {  	[sflag:s18] =	ssyncset.done $0x0  }
0x18f: {  	[sflag:s18] =	ssyncadd.s32 $0xFFFFF800  }
0x190: {  	s6 =	smov.u32 s10;
	_ =	swait.ge [sflag:s18], $0x800  }
0x191: {  	p1 =	seq.s32 s6, $0x0;
	[sflag:s18] =	ssyncset.done $0x0  }
0x192: {  	s17 =	simm.s32 @!p1 $0x7;
	[sflag:s18] =	ssyncadd.s32 $0xFFFFF800  }
0x193: {  	_ =	swait.ge @!p1 [sflag:s17], $0x2000  }
0x194: {  	[sflag:s17] =	ssyncset.done @!p1 $0x0  }
0x195: {  	[sflag:s17] =	ssyncadd.s32 @!p1 $0xFFFFE000;
	s17 =	simm.s32 @!p1 $0x8  }
0x196: {  	_ =	swait.ge @!p1 [sflag:s17], $0x2000  }
0x197: {  	[sflag:s17] =	ssyncset.done @!p1 $0x0  }
0x198: {  	[sflag:s17] =	ssyncadd.s32 @!p1 $0xFFFFE000;
	s17 =	simm.s32 @!p1 $0x9  }
0x199: {  	_ =	swait.ge @!p1 [sflag:s17], $0x2000  }
0x19a: {  	[sflag:s17] =	ssyncset.done @!p1 $0x0  }
0x19b: {  	[sflag:s17] =	ssyncadd.s32 @!p1 $0xFFFFE000;
	s17 =	simm.s32 @!p1 $0xA  }
0x19c: {  	_ =	swait.ge @!p1 [sflag:s17], $0x2000  }
0x19d: {  	s8 =	sadd.s32 s6, s12;
	[sflag:s17] =	ssyncset.done @!p1 $0x0  }
0x19e: {  	s14 =	sadd.s32 s6, s13;
	s8 =	sadd.s32 $0x100, s8;
	[sflag:s17] =	ssyncadd.s32 @!p1 $0xFFFFE000  }
0x19f: {  	[tilespmem:s19], [sflag:$0x2] =	stream.linear.gather [hbm4b:s8+s2], $0x800, $0x38;
	[tilespmem:$0x1E000] =	vst v63  }
0x1a0: {  	s17 =	sadd.s32 $0x100, s14  }
0x1a1: {  	[tilespmem:s20], [sflag:$0x2] =	stream.linear.gather [hbm4b:s17+s2], $0x800, $0x38;
	[tilespmem:$0x1E000] =	vst v63  }
0x1a2: {  	_ = 	snop  }
0x1a3: {  	[tilespmem:s22], [sflag:$0x3] =	stream.indirect.gather [hbm4b:s3+s21], $0x80, s15, s21, $0xb8;
	[tilespmem:$0x1E000] =	vst v63  }
0x1a4: {  	s14 =	rddreg [dreg:$0x3]  }
0x1a5: {  	[tilespmem:s23], [sflag:$0x4] =	stream.indirect.gather [hbm4b:s3+s21], $0x80, s14, s21, $0xb8;
	[tilespmem:$0x1E000] =	vst v63  }
0x1a6: {  	s17 =	rddreg [dreg:$0x4]  }
0x1a7: {  	[tilespmem:s24], [sflag:$0x5] =	stream.indirect.gather [hbm4b:s3+s21], $0x80, s17, s21, $0xb8;
	[tilespmem:$0x1E000] =	vst v63  }
0x1a8: {  	s14 =	rddreg [dreg:$0x5]  }
0x1a9: {  	[tilespmem:s25], [sflag:$0x6] =	stream.indirect.gather [hbm4b:s3+s21], $0x80, s14, s21, $0xb8;
	[tilespmem:$0x1E000] =	vst v63  }
0x1aa: {  	_ =	swait.ge [sflag:s26], $0x2000  }
0x1ab: {  	[sflag:s26] =	ssyncset.done $0x0  }
0x1ac: {  	[sflag:s26] =	ssyncadd.s32 $0xFFFFE000  }
0x1ad: {  	[spmem:s1] =	stream.indirect.scatter.add.f32 [tilespmem:s22], [sflag:$0x7], $0x80, s16, s21, $0xb8;
	[tilespmem:$0x1E000] =	vst v63  }
0x1ae: {  	_ =	swait.ge [sflag:s28], $0x2000  }
0x1af: {  	[sflag:s28] =	ssyncset.done $0x0  }
0x1b0: {  	s17 =	rddreg [dreg:$0x6];
	[sflag:s28] =	ssyncadd.s32 $0xFFFFE000  }
0x1b1: {  	[spmem:s1] =	stream.indirect.scatter.add.f32 [tilespmem:s23], [sflag:$0x8], $0x80, s17, s21, $0xb8;
	[tilespmem:$0x1E000] =	vst v63  }
0x1b2: {  	_ =	swait.ge [sflag:s29], $0x2000  }
0x1b3: {  	[sflag:s29] =	ssyncset.done $0x0  }
0x1b4: {  	s14 =	rddreg [dreg:$0x7];
	[sflag:s29] =	ssyncadd.s32 $0xFFFFE000  }
0x1b5: {  	[spmem:s1] =	stream.indirect.scatter.add.f32 [tilespmem:s24], [sflag:$0x9], $0x80, s14, s21, $0xb8;
	[tilespmem:$0x1E000] =	vst v63  }
0x1b6: {  	_ =	swait.ge [sflag:s30], $0x2000  }
0x1b7: {  	[sflag:s30] =	ssyncset.done $0x0  }
0x1b8: {  	s17 =	rddreg [dreg:$0x8];
	[sflag:s30] =	ssyncadd.s32 $0xFFFFE000  }
0x1b9: {  	[spmem:s1] =	stream.indirect.scatter.add.f32 [tilespmem:s25], [sflag:$0xA], $0x80, s17, s21, $0xb8;
	[tilespmem:$0x1E000] =	vst v63  }
0x1ba: {  	_ =	swait.ge [sflag:s31], $0x2000  }
0x1bb: {  	[sflag:s31] =	ssyncset.done $0x0  }
0x1bc: {  	s14 =	rddreg [dreg:$0x9];
	[sflag:s31] =	ssyncadd.s32 $0xFFFFE000  }
0x1bd: {  	[tilespmem:s22], [sflag:$0x3] =	stream.indirect.gather [hbm4b:s3+s21], $0x80, s14, s21, $0xb8;
	[tilespmem:$0x1E000] =	vst v63  }
0x1be: {  	_ =	swait.ge [sflag:s0], $0x2000  }
0x1bf: {  	[sflag:s0] =	ssyncset.done $0x0  }
0x1c0: {  	s17 =	rddreg [dreg:$0xa];
	[sflag:s0] =	ssyncadd.s32 $0xFFFFE000  }
0x1c1: {  	[tilespmem:s23], [sflag:$0x4] =	stream.indirect.gather [hbm4b:s3+s21], $0x80, s17, s21, $0xb8;
	[tilespmem:$0x1E000] =	vst v63  }
0x1c2: {  	_ =	swait.ge [sflag:s4], $0x2000  }
0x1c3: {  	[sflag:s4] =	ssyncset.done $0x0  }
0x1c4: {  	s14 =	rddreg [dreg:$0xb];
	[sflag:s4] =	ssyncadd.s32 $0xFFFFE000  }
0x1c5: {  	[tilespmem:s24], [sflag:$0x5] =	stream.indirect.gather [hbm4b:s3+s21], $0x80, s14, s21, $0xb8;
	[tilespmem:$0x1E000] =	vst v63  }
0x1c6: {  	_ =	swait.ge [sflag:s5], $0x2000  }
0x1c7: {  	[sflag:s5] =	ssyncset.done $0x0  }
0x1c8: {  	s17 =	rddreg [dreg:$0xc];
	[sflag:s5] =	ssyncadd.s32 $0xFFFFE000  }
0x1c9: {  	[tilespmem:s25], [sflag:$0x6] =	stream.indirect.gather [hbm4b:s3+s21], $0x80, s17, s21, $0xb8;
	[tilespmem:$0x1E000] =	vst v63  }
0x1ca: {  	_ =	swait.ge [sflag:s26], $0x2000  }
0x1cb: {  	[sflag:s26] =	ssyncset.done $0x0  }
0x1cc: {  	s14 =	rddreg [dreg:$0xd];
	[sflag:s26] =	ssyncadd.s32 $0xFFFFE000  }
0x1cd: {  	[spmem:s1] =	stream.indirect.scatter.add.f32 [tilespmem:s22], [sflag:$0x7], $0x80, s14, s21, $0xb8;
	[tilespmem:$0x1E000] =	vst v63  }
0x1ce: {  	_ =	swait.ge [sflag:s28], $0x2000  }
0x1cf: {  	[sflag:s28] =	ssyncset.done $0x0  }
0x1d0: {  	s17 =	rddreg [dreg:$0xe];
	[sflag:s28] =	ssyncadd.s32 $0xFFFFE000  }
0x1d1: {  	[spmem:s1] =	stream.indirect.scatter.add.f32 [tilespmem:s23], [sflag:$0x8], $0x80, s17, s21, $0xb8;
	[tilespmem:$0x1E000] =	vst v63  }
0x1d2: {  	_ =	swait.ge [sflag:s29], $0x2000  }
0x1d3: {  	[sflag:s29] =	ssyncset.done $0x0  }
0x1d4: {  	s14 =	rddreg [dreg:$0xf];
	[sflag:s29] =	ssyncadd.s32 $0xFFFFE000  }
0x1d5: {  	[spmem:s1] =	stream.indirect.scatter.add.f32 [tilespmem:s24], [sflag:$0x9], $0x80, s14, s21, $0xb8;
	[tilespmem:$0x1E000] =	vst v63  }
0x1d6: {  	_ =	swait.ge [sflag:s30], $0x2000  }
0x1d7: {  	[sflag:s30] =	ssyncset.done $0x0  }
0x1d8: {  	s17 =	rddreg [dreg:$0x10];
	[sflag:s30] =	ssyncadd.s32 $0xFFFFE000  }
0x1d9: {  	[spmem:s1] =	stream.indirect.scatter.add.f32 [tilespmem:s25], [sflag:$0xA], $0x80, s17, s21, $0xb8;
	[tilespmem:$0x1E000] =	vst v63  }
0x1da: {  	_ =	swait.ge [sflag:s31], $0x2000  }
0x1db: {  	[sflag:s31] =	ssyncset.done $0x0  }
0x1dc: {  	s14 =	rddreg [dreg:$0x11];
	[sflag:s31] =	ssyncadd.s32 $0xFFFFE000  }
0x1dd: {  	[tilespmem:s22], [sflag:$0x3] =	stream.indirect.gather [hbm4b:s3+s21], $0x80, s14, s21, $0xb8;
	[tilespmem:$0x1E000] =	vst v63  }
0x1de: {  	_ =	swait.ge [sflag:s0], $0x2000  }
0x1df: {  	[sflag:s0] =	ssyncset.done $0x0  }
0x1e0: {  	s17 =	rddreg [dreg:$0x12];
	[sflag:s0] =	ssyncadd.s32 $0xFFFFE000  }
0x1e1: {  	[tilespmem:s23], [sflag:$0x4] =	stream.indirect.gather [hbm4b:s3+s21], $0x80, s17, s21, $0xb8;
	[tilespmem:$0x1E000] =	vst v63  }
0x1e2: {  	_ =	swait.ge [sflag:s4], $0x2000  }
0x1e3: {  	[sflag:s4] =	ssyncset.done $0x0  }
0x1e4: {  	s14 =	rddreg [dreg:$0x13];
	[sflag:s4] =	ssyncadd.s32 $0xFFFFE000  }
0x1e5: {  	[tilespmem:s24], [sflag:$0x5] =	stream.indirect.gather [hbm4b:s3+s21], $0x80, s14, s21, $0xb8;
	[tilespmem:$0x1E000] =	vst v63  }
0x1e6: {  	_ =	swait.ge [sflag:s5], $0x2000  }
0x1e7: {  	[sflag:s5] =	ssyncset.done $0x0  }
0x1e8: {  	s17 =	rddreg [dreg:$0x14];
	[sflag:s5] =	ssyncadd.s32 $0xFFFFE000  }
0x1e9: {  	[tilespmem:s25], [sflag:$0x6] =	stream.indirect.gather [hbm4b:s3+s21], $0x80, s17, s21, $0xb8;
	[tilespmem:$0x1E000] =	vst v63  }
0x1ea: {  	_ =	swait.ge [sflag:s26], $0x2000  }
0x1eb: {  	[sflag:s26] =	ssyncset.done $0x0  }
0x1ec: {  	s14 =	rddreg [dreg:$0x15];
	[sflag:s26] =	ssyncadd.s32 $0xFFFFE000  }
0x1ed: {  	[spmem:s1] =	stream.indirect.scatter.add.f32 [tilespmem:s22], [sflag:$0x7], $0x80, s14, s21, $0xb8;
	[tilespmem:$0x1E000] =	vst v63  }
0x1ee: {  	_ =	swait.ge [sflag:s28], $0x2000  }
0x1ef: {  	[sflag:s28] =	ssyncset.done $0x0  }
0x1f0: {  	s17 =	rddreg [dreg:$0x16];
	[sflag:s28] =	ssyncadd.s32 $0xFFFFE000  }
0x1f1: {  	[spmem:s1] =	stream.indirect.scatter.add.f32 [tilespmem:s23], [sflag:$0x8], $0x80, s17, s21, $0xb8;
	[tilespmem:$0x1E000] =	vst v63  }
0x1f2: {  	_ =	swait.ge [sflag:s29], $0x2000  }
0x1f3: {  	[sflag:s29] =	ssyncset.done $0x0  }
0x1f4: {  	s14 =	rddreg [dreg:$0x17];
	[sflag:s29] =	ssyncadd.s32 $0xFFFFE000  }
0x1f5: {  	[spmem:s1] =	stream.indirect.scatter.add.f32 [tilespmem:s24], [sflag:$0x9], $0x80, s14, s21, $0xb8;
	[tilespmem:$0x1E000] =	vst v63  }
0x1f6: {  	_ =	swait.ge [sflag:s30], $0x2000  }
0x1f7: {  	[sflag:s30] =	ssyncset.done $0x0  }
0x1f8: {  	s17 =	rddreg [dreg:$0x18];
	[sflag:s30] =	ssyncadd.s32 $0xFFFFE000  }
0x1f9: {  	[spmem:s1] =	stream.indirect.scatter.add.f32 [tilespmem:s25], [sflag:$0xA], $0x80, s17, s21, $0xb8;
	[tilespmem:$0x1E000] =	vst v63  }
0x1fa: {  	_ =	swait.ge [sflag:s31], $0x2000  }
0x1fb: {  	[sflag:s31] =	ssyncset.done $0x0  }
0x1fc: {  	s14 =	rddreg [dreg:$0x19];
	[sflag:s31] =	ssyncadd.s32 $0xFFFFE000  }
0x1fd: {  	[tilespmem:s22], [sflag:$0x3] =	stream.indirect.gather [hbm4b:s3+s21], $0x80, s14, s21, $0xb8;
	[tilespmem:$0x1E000] =	vst v63  }
0x1fe: {  	_ =	swait.ge [sflag:s0], $0x2000  }
0x1ff: {  	[sflag:s0] =	ssyncset.done $0x0  }
0x200: {  	s17 =	rddreg [dreg:$0x1a];
	[sflag:s0] =	ssyncadd.s32 $0xFFFFE000  }
0x201: {  	[tilespmem:s23], [sflag:$0x4] =	stream.indirect.gather [hbm4b:s3+s21], $0x80, s17, s21, $0xb8;
	[tilespmem:$0x1E000] =	vst v63  }
0x202: {  	_ =	swait.ge [sflag:s4], $0x2000  }
0x203: {  	[sflag:s4] =	ssyncset.done $0x0  }
0x204: {  	s14 =	rddreg [dreg:$0x1b];
	[sflag:s4] =	ssyncadd.s32 $0xFFFFE000  }
0x205: {  	[tilespmem:s24], [sflag:$0x5] =	stream.indirect.gather [hbm4b:s3+s21], $0x80, s14, s21, $0xb8;
	[tilespmem:$0x1E000] =	vst v63  }
0x206: {  	_ =	swait.ge [sflag:s5], $0x2000  }
0x207: {  	[sflag:s5] =	ssyncset.done $0x0  }
0x208: {  	s17 =	rddreg [dreg:$0x1c];
	[sflag:s5] =	ssyncadd.s32 $0xFFFFE000  }
0x209: {  	[tilespmem:s25], [sflag:$0x6] =	stream.indirect.gather [hbm4b:s3+s21], $0x80, s17, s21, $0xb8;
	[tilespmem:$0x1E000] =	vst v63  }
0x20a: {  	_ =	swait.ge [sflag:s26], $0x2000  }
0x20b: {  	[sflag:s26] =	ssyncset.done $0x0  }
0x20c: {  	s14 =	rddreg [dreg:$0x1d];
	[sflag:s26] =	ssyncadd.s32 $0xFFFFE000  }
0x20d: {  	[spmem:s1] =	stream.indirect.scatter.add.f32 [tilespmem:s22], [sflag:$0x7], $0x80, s14, s21, $0xb8;
	[tilespmem:$0x1E000] =	vst v63  }
0x20e: {  	_ =	swait.ge [sflag:s28], $0x2000  }
0x20f: {  	[sflag:s28] =	ssyncset.done $0x0  }
0x210: {  	s17 =	rddreg [dreg:$0x1e];
	[sflag:s28] =	ssyncadd.s32 $0xFFFFE000  }
0x211: {  	[spmem:s1] =	stream.indirect.scatter.add.f32 [tilespmem:s23], [sflag:$0x8], $0x80, s17, s21, $0xb8;
	[tilespmem:$0x1E000] =	vst v63  }
0x212: {  	_ =	swait.ge [sflag:s29], $0x2000  }
0x213: {  	[sflag:s29] =	ssyncset.done $0x0  }
0x214: {  	s14 =	rddreg [dreg:$0x1f];
	[sflag:s29] =	ssyncadd.s32 $0xFFFFE000  }
0x215: {  	[spmem:s1] =	stream.indirect.scatter.add.f32 [tilespmem:s24], [sflag:$0x9], $0x80, s14, s21, $0xb8;
	[tilespmem:$0x1E000] =	vst v63  }
0x216: {  	_ =	swait.ge [sflag:s30], $0x2000  }
0x217: {  	s17 =	sld [smem:$0x7D7]  }
0x218: {  	[sflag:s30] =	ssyncset.done $0x0  }
0x219: {  	[sflag:s30] =	ssyncadd.s32 $0xFFFFE000  }
0x21a: {  	[spmem:s1] =	stream.indirect.scatter.add.f32 [tilespmem:s25], [sflag:$0xA], $0x80, s17, s21, $0xb8;
	[tilespmem:$0x1E000] =	vst v63  }
0x21b: {  	_ =	swait.ge [sflag:s7], $0x800  }
0x21c: {  	[sflag:s7] =	ssyncset.done $0x0  }
0x21d: {  	[sflag:s7] =	ssyncadd.s32 $0xFFFFF800  }
0x21e: {  	_ =	swait.ge [sflag:s7], $0x800  }
0x21f: {  	[sflag:s7] =	ssyncset.done $0x0  }
0x220: {  	[sflag:s7] =	ssyncadd.s32 $0xFFFFF800  }
0x221: {  	_ =	swait.ge [sflag:s31], $0x2000  }
0x222: {  	[sflag:s31] =	ssyncset.done $0x0  }
0x223: {  	[sflag:s31] =	ssyncadd.s32 $0xFFFFE000  }
0x224: {  	_ =	swait.ge [sflag:s0], $0x2000  }
0x225: {  	[sflag:s0] =	ssyncset.done $0x0  }
0x226: {  	[sflag:s0] =	ssyncadd.s32 $0xFFFFE000  }
0x227: {  	_ =	swait.ge [sflag:s4], $0x2000  }
0x228: {  	s11 =	sadd.s32 $0x1, s11;
	[sflag:s4] =	ssyncset.done $0x0  }
0x229: {  	p1 =	sgt.u32 s11, $0x3;
	[sflag:s4] =	ssyncadd.s32 $0xFFFFE000  }
0x22a: {  	s8 =	sadd.s32 @!p1 s6, s12;
	_ =	swait.ge [sflag:s5], $0x2000  }
0x22b: {  	s6 =	sadd.s32 @!p1 s6, s13;
	s8 =	sadd.s32 @!p1 $0x200, s8;
	[sflag:s5] =	ssyncset.done $0x0  }
0x22c: {  	s14 =	simm.s32 @!p1 $0x14000;
	s17 =	simm.s32 @!p1 $0x0;
	[sflag:s5] =	ssyncadd.s32 $0xFFFFE000  }
0x22d: {  	[tilespmem:s14], [sflag:$0x1] =	stream.linear.gather @!p1 [hbm4b:s8+s17], $0x800, $0x38;
	[tilespmem:$0x1E000] =	vst v63  }
0x22e: {  	s6 =	sadd.s32 @!p1 $0x200, s6;
	s8 =	simm.s32 @!p1 $0x15000  }
0x22f: {  	[tilespmem:s8], [sflag:$0x1] =	stream.linear.gather @!p1 [hbm4b:s6+s17], $0x800, $0x38;
	[tilespmem:$0x1E000] =	vst v63  }
0x230: {  	s8 =	sld [smem:$0x7D8]  }
0x231: {  	[tilespmem:s22], [sflag:$0x3] =	stream.indirect.gather [hbm4b:s3+s21], $0x80, s19, s21, $0xb8;
	[tilespmem:$0x1E000] =	vst v63  }
0x232: {  	s14 =	sld [smem:$0x7D9]  }
0x233: {  	[tilespmem:s23], [sflag:$0x4] =	stream.indirect.gather [hbm4b:s3+s21], $0x80, s8, s21, $0xb8;
	[tilespmem:$0x1E000] =	vst v63  }
0x234: {  	s17 =	sld [smem:$0x7DA]  }
0x235: {  	[tilespmem:s24], [sflag:$0x5] =	stream.indirect.gather [hbm4b:s3+s21], $0x80, s14, s21, $0xb8;
	[tilespmem:$0x1E000] =	vst v63  }
0x236: {  	_ = 	snop  }
0x237: {  	[tilespmem:s25], [sflag:$0x6] =	stream.indirect.gather [hbm4b:s3+s21], $0x80, s17, s21, $0xb8;
	[tilespmem:$0x1E000] =	vst v63  }
0x238: {  	_ =	swait.ge [sflag:s26], $0x2000  }
0x239: {  	[sflag:s26] =	ssyncset.done $0x0  }
0x23a: {  	[sflag:s26] =	ssyncadd.s32 $0xFFFFE000  }
0x23b: {  	[spmem:s1] =	stream.indirect.scatter.add.f32 [tilespmem:s22], [sflag:$0x7], $0x80, s20, s21, $0xb8;
	[tilespmem:$0x1E000] =	vst v63  }
0x23c: {  	_ =	swait.ge [sflag:s28], $0x2000  }
0x23d: {  	s14 =	sld [smem:$0x7DB]  }
0x23e: {  	[sflag:s28] =	ssyncset.done $0x0  }
0x23f: {  	[sflag:s28] =	ssyncadd.s32 $0xFFFFE000  }
0x240: {  	[spmem:s1] =	stream.indirect.scatter.add.f32 [tilespmem:s23], [sflag:$0x8], $0x80, s14, s21, $0xb8;
	[tilespmem:$0x1E000] =	vst v63  }
0x241: {  	_ =	swait.ge [sflag:s29], $0x2000  }
0x242: {  	s17 =	sld [smem:$0x7DC]  }
0x243: {  	[sflag:s29] =	ssyncset.done $0x0  }
0x244: {  	[sflag:s29] =	ssyncadd.s32 $0xFFFFE000  }
0x245: {  	[spmem:s1] =	stream.indirect.scatter.add.f32 [tilespmem:s24], [sflag:$0x9], $0x80, s17, s21, $0xb8;
	[tilespmem:$0x1E000] =	vst v63  }
0x246: {  	_ =	swait.ge [sflag:s30], $0x2000  }
0x247: {  	s8 =	sld [smem:$0x7DD]  }
0x248: {  	[sflag:s30] =	ssyncset.done $0x0  }
0x249: {  	[sflag:s30] =	ssyncadd.s32 $0xFFFFE000  }
0x24a: {  	[spmem:s1] =	stream.indirect.scatter.add.f32 [tilespmem:s25], [sflag:$0xA], $0x80, s8, s21, $0xb8;
	[tilespmem:$0x1E000] =	vst v63  }
0x24b: {  	_ =	swait.ge [sflag:s31], $0x2000  }
0x24c: {  	s14 =	sld [smem:$0x7DF]  }
0x24d: {  	[sflag:s31] =	ssyncset.done $0x0  }
0x24e: {  	[sflag:s31] =	ssyncadd.s32 $0xFFFFE000  }
0x24f: {  	[tilespmem:s22], [sflag:$0x3] =	stream.indirect.gather [hbm4b:s3+s21], $0x80, s14, s21, $0xb8;
	[tilespmem:$0x1E000] =	vst v63  }
0x250: {  	_ =	swait.ge [sflag:s0], $0x2000  }
0x251: {  	s17 =	sld [smem:$0x7E0]  }
0x252: {  	[sflag:s0] =	ssyncset.done $0x0  }
0x253: {  	[sflag:s0] =	ssyncadd.s32 $0xFFFFE000  }
0x254: {  	[tilespmem:s23], [sflag:$0x4] =	stream.indirect.gather [hbm4b:s3+s21], $0x80, s17, s21, $0xb8;
	[tilespmem:$0x1E000] =	vst v63  }
0x255: {  	_ =	swait.ge [sflag:s4], $0x2000  }
0x256: {  	s8 =	sld [smem:$0x7E1]  }
0x257: {  	[sflag:s4] =	ssyncset.done $0x0  }
0x258: {  	[sflag:s4] =	ssyncadd.s32 $0xFFFFE000  }
0x259: {  	[tilespmem:s24], [sflag:$0x5] =	stream.indirect.gather [hbm4b:s3+s21], $0x80, s8, s21, $0xb8;
	[tilespmem:$0x1E000] =	vst v63  }
0x25a: {  	_ =	swait.ge [sflag:s5], $0x2000  }
0x25b: {  	s14 =	sld [smem:$0x7E4]  }
0x25c: {  	[sflag:s5] =	ssyncset.done $0x0  }
0x25d: {  	[sflag:s5] =	ssyncadd.s32 $0xFFFFE000  }
0x25e: {  	[tilespmem:s25], [sflag:$0x6] =	stream.indirect.gather [hbm4b:s3+s21], $0x80, s14, s21, $0xb8;
	[tilespmem:$0x1E000] =	vst v63  }
0x25f: {  	_ =	swait.ge [sflag:s26], $0x2000  }
0x260: {  	s17 =	sld [smem:$0x7E6]  }
0x261: {  	[sflag:s26] =	ssyncset.done $0x0  }
0x262: {  	[sflag:s26] =	ssyncadd.s32 $0xFFFFE000  }
0x263: {  	[spmem:s1] =	stream.indirect.scatter.add.f32 [tilespmem:s22], [sflag:$0x7], $0x80, s17, s21, $0xb8;
	[tilespmem:$0x1E000] =	vst v63  }
0x264: {  	_ =	swait.ge [sflag:s28], $0x2000  }
0x265: {  	s8 =	sld [smem:$0x7E8]  }
0x266: {  	[sflag:s28] =	ssyncset.done $0x0  }
0x267: {  	[sflag:s28] =	ssyncadd.s32 $0xFFFFE000  }
0x268: {  	[spmem:s1] =	stream.indirect.scatter.add.f32 [tilespmem:s23], [sflag:$0x8], $0x80, s8, s21, $0xb8;
	[tilespmem:$0x1E000] =	vst v63  }
0x269: {  	_ =	swait.ge [sflag:s29], $0x2000  }
0x26a: {  	s14 =	sld [smem:$0x7EA]  }
0x26b: {  	[sflag:s29] =	ssyncset.done $0x0  }
0x26c: {  	[sflag:s29] =	ssyncadd.s32 $0xFFFFE000  }
0x26d: {  	[spmem:s1] =	stream.indirect.scatter.add.f32 [tilespmem:s24], [sflag:$0x9], $0x80, s14, s21, $0xb8;
	[tilespmem:$0x1E000] =	vst v63  }
0x26e: {  	_ =	swait.ge [sflag:s30], $0x2000  }
0x26f: {  	s17 =	sld [smem:$0x7EC]  }
0x270: {  	[sflag:s30] =	ssyncset.done $0x0  }
0x271: {  	[sflag:s30] =	ssyncadd.s32 $0xFFFFE000  }
0x272: {  	[spmem:s1] =	stream.indirect.scatter.add.f32 [tilespmem:s25], [sflag:$0xA], $0x80, s17, s21, $0xb8;
	[tilespmem:$0x1E000] =	vst v63  }
0x273: {  	_ =	swait.ge [sflag:s31], $0x2000  }
0x274: {  	s8 =	sld [smem:$0x7ED]  }
0x275: {  	[sflag:s31] =	ssyncset.done $0x0  }
0x276: {  	[sflag:s31] =	ssyncadd.s32 $0xFFFFE000  }
0x277: {  	[tilespmem:s22], [sflag:$0x3] =	stream.indirect.gather [hbm4b:s3+s21], $0x80, s8, s21, $0xb8;
	[tilespmem:$0x1E000] =	vst v63  }
0x278: {  	_ =	swait.ge [sflag:s0], $0x2000  }
0x279: {  	s14 =	sld [smem:$0x7EE]  }
0x27a: {  	[sflag:s0] =	ssyncset.done $0x0  }
0x27b: {  	[sflag:s0] =	ssyncadd.s32 $0xFFFFE000  }
0x27c: {  	[tilespmem:s23], [sflag:$0x4] =	stream.indirect.gather [hbm4b:s3+s21], $0x80, s14, s21, $0xb8;
	[tilespmem:$0x1E000] =	vst v63  }
0x27d: {  	_ =	swait.ge [sflag:s4], $0x2000  }
0x27e: {  	s17 =	sld [smem:$0x7EF]  }
0x27f: {  	[sflag:s4] =	ssyncset.done $0x0  }
0x280: {  	[sflag:s4] =	ssyncadd.s32 $0xFFFFE000  }
0x281: {  	[tilespmem:s24], [sflag:$0x5] =	stream.indirect.gather [hbm4b:s3+s21], $0x80, s17, s21, $0xb8;
	[tilespmem:$0x1E000] =	vst v63  }
0x282: {  	_ =	swait.ge [sflag:s5], $0x2000  }
0x283: {  	s8 =	sld [smem:$0x7F0]  }
0x284: {  	[sflag:s5] =	ssyncset.done $0x0  }
0x285: {  	[sflag:s5] =	ssyncadd.s32 $0xFFFFE000  }
0x286: {  	[tilespmem:s25], [sflag:$0x6] =	stream.indirect.gather [hbm4b:s3+s21], $0x80, s8, s21, $0xb8;
	[tilespmem:$0x1E000] =	vst v63  }
0x287: {  	_ =	swait.ge [sflag:s26], $0x2000  }
0x288: {  	s14 =	sld [smem:$0x7F1]  }
0x289: {  	[sflag:s26] =	ssyncset.done $0x0  }
0x28a: {  	[sflag:s26] =	ssyncadd.s32 $0xFFFFE000  }
0x28b: {  	[spmem:s1] =	stream.indirect.scatter.add.f32 [tilespmem:s22], [sflag:$0x7], $0x80, s14, s21, $0xb8;
	[tilespmem:$0x1E000] =	vst v63  }
0x28c: {  	_ =	swait.ge [sflag:s28], $0x2000  }
0x28d: {  	s17 =	sld [smem:$0x7F2]  }
0x28e: {  	[sflag:s28] =	ssyncset.done $0x0  }
0x28f: {  	[sflag:s28] =	ssyncadd.s32 $0xFFFFE000  }
0x290: {  	[spmem:s1] =	stream.indirect.scatter.add.f32 [tilespmem:s23], [sflag:$0x8], $0x80, s17, s21, $0xb8;
	[tilespmem:$0x1E000] =	vst v63  }
0x291: {  	_ =	swait.ge [sflag:s29], $0x2000  }
0x292: {  	s8 =	sld [smem:$0x7F3]  }
0x293: {  	[sflag:s29] =	ssyncset.done $0x0  }
0x294: {  	[sflag:s29] =	ssyncadd.s32 $0xFFFFE000  }
0x295: {  	[spmem:s1] =	stream.indirect.scatter.add.f32 [tilespmem:s24], [sflag:$0x9], $0x80, s8, s21, $0xb8;
	[tilespmem:$0x1E000] =	vst v63  }
0x296: {  	_ =	swait.ge [sflag:s30], $0x2000  }
0x297: {  	s14 =	sld [smem:$0x7F4]  }
0x298: {  	[sflag:s30] =	ssyncset.done $0x0  }
0x299: {  	[sflag:s30] =	ssyncadd.s32 $0xFFFFE000  }
0x29a: {  	[spmem:s1] =	stream.indirect.scatter.add.f32 [tilespmem:s25], [sflag:$0xA], $0x80, s14, s21, $0xb8;
	[tilespmem:$0x1E000] =	vst v63  }
0x29b: {  	_ =	swait.ge [sflag:s31], $0x2000  }
0x29c: {  	s17 =	sld [smem:$0x7F5]  }
0x29d: {  	[sflag:s31] =	ssyncset.done $0x0  }
0x29e: {  	[sflag:s31] =	ssyncadd.s32 $0xFFFFE000  }
0x29f: {  	[tilespmem:s22], [sflag:$0x3] =	stream.indirect.gather [hbm4b:s3+s21], $0x80, s17, s21, $0xb8;
	[tilespmem:$0x1E000] =	vst v63  }
0x2a0: {  	_ =	swait.ge [sflag:s0], $0x2000  }
0x2a1: {  	s8 =	sld [smem:$0x7F6]  }
0x2a2: {  	[sflag:s0] =	ssyncset.done $0x0  }
0x2a3: {  	[sflag:s0] =	ssyncadd.s32 $0xFFFFE000  }
0x2a4: {  	[tilespmem:s23], [sflag:$0x4] =	stream.indirect.gather [hbm4b:s3+s21], $0x80, s8, s21, $0xb8;
	[tilespmem:$0x1E000] =	vst v63  }
0x2a5: {  	_ =	swait.ge [sflag:s4], $0x2000  }
0x2a6: {  	s14 =	sld [smem:$0x7F7]  }
0x2a7: {  	[sflag:s4] =	ssyncset.done $0x0  }
0x2a8: {  	[sflag:s4] =	ssyncadd.s32 $0xFFFFE000  }
0x2a9: {  	[tilespmem:s24], [sflag:$0x5] =	stream.indirect.gather [hbm4b:s3+s21], $0x80, s14, s21, $0xb8;
	[tilespmem:$0x1E000] =	vst v63  }
0x2aa: {  	_ =	swait.ge [sflag:s5], $0x2000  }
0x2ab: {  	s17 =	sld [smem:$0x7F8]  }
0x2ac: {  	[sflag:s5] =	ssyncset.done $0x0  }
0x2ad: {  	[sflag:s5] =	ssyncadd.s32 $0xFFFFE000  }
0x2ae: {  	[tilespmem:s25], [sflag:$0x6] =	stream.indirect.gather [hbm4b:s3+s21], $0x80, s17, s21, $0xb8;
	[tilespmem:$0x1E000] =	vst v63  }
0x2af: {  	_ =	swait.ge [sflag:s26], $0x2000  }
0x2b0: {  	s8 =	sld [smem:$0x7F9]  }
0x2b1: {  	[sflag:s26] =	ssyncset.done $0x0  }
0x2b2: {  	[sflag:s26] =	ssyncadd.s32 $0xFFFFE000  }
0x2b3: {  	[spmem:s1] =	stream.indirect.scatter.add.f32 [tilespmem:s22], [sflag:$0x7], $0x80, s8, s21, $0xb8;
	[tilespmem:$0x1E000] =	vst v63  }
0x2b4: {  	_ =	swait.ge [sflag:s28], $0x2000  }
0x2b5: {  	s14 =	sld [smem:$0x7FA]  }
0x2b6: {  	[sflag:s28] =	ssyncset.done $0x0  }
0x2b7: {  	[sflag:s28] =	ssyncadd.s32 $0xFFFFE000  }
0x2b8: {  	[spmem:s1] =	stream.indirect.scatter.add.f32 [tilespmem:s23], [sflag:$0x8], $0x80, s14, s21, $0xb8;
	[tilespmem:$0x1E000] =	vst v63  }
0x2b9: {  	_ =	swait.ge [sflag:s29], $0x2000  }
0x2ba: {  	s10 =	sadd.s32 $0x200, s10;
	s17 =	sld [smem:$0x7FB]  }
0x2bb: {  	p0 =	sne.s32 s10, $0xA00;
	[sflag:s29] =	ssyncset.done $0x0  }
.Ltmp0:
0x2bc: {  	[sflag:s29] =	ssyncadd.s32 $0xFFFFE000;
	(pc) =	sbr.rel @p0 .LBB2_2-.Ltmp0, $4  }
0x2bd: {  	[spmem:s1] =	stream.indirect.scatter.add.f32 [tilespmem:s24], [sflag:$0x9], $0x80, s17, s21, $0xb8;
	[tilespmem:$0x1E000] =	vst v63  }
0x2be: {  	_ =	swait.ge [sflag:s30], $0x2000  }
0x2bf: {  	[sflag:s30] =	ssyncset.done $0x0  }
0x2c0: {  	s17 =	sld [smem:$0x7FC];
	[sflag:s30] =	ssyncadd.s32 $0xFFFFE000  }
0x2c1: {  	_ =	sdelay $0x1  }
0x2c2: {  	[spmem:s1] =	stream.indirect.scatter.add.f32 [tilespmem:s25], [sflag:$0xA], $0x80, s17, s21, $0xb8;
	[tilespmem:$0x1E000] =	vst v63  }
0x2c3: {  	_ =	swait.ge [sflag:s31], $0x2000  }
0x2c4: {  	[sflag:s31] =	ssyncset.done $0x0  }
0x2c5: {  	[sflag:s31] =	ssyncadd.s32 $0xFFFFE000  }
0x2c6: {  	_ =	swait.ge [sflag:s0], $0x2000  }
0x2c7: {  	[sflag:s0] =	ssyncset.done $0x0  }
0x2c8: {  	[sflag:s0] =	ssyncadd.s32 $0xFFFFE000  }
0x2c9: {  	_ =	swait.ge [sflag:s4], $0x2000  }
0x2ca: {  	[sflag:s4] =	ssyncset.done $0x0  }
0x2cb: {  	[sflag:s4] =	ssyncadd.s32 $0xFFFFE000  }
0x2cc: {  	_ =	swait.ge [sflag:s5], $0x2000  }
0x2cd: {  	[sflag:s5] =	ssyncset.done $0x0  }
0x2ce: {  	[sflag:s5] =	ssyncadd.s32 $0xFFFFE000  }
0x2cf: {  	[bflag:$0x0] =	sbarrier.arrive $0xFFFF  }
0x2d0: {  	s6 =	sld [smem:$0x7E2]  }
0x2d1: {  	s8 =	sld [smem:$0x7E9]  }
0x2d2: {  	s10 =	sld [smem:$0x7FD];
	_ =	sdelay $0x1  }
0x2d3: {  	s14 =	simm.s32 $0xC;
	s6 =	sor.u32 $0x1C0C, s6  }
0x2d4: {  	[hbm:s8], [sflag:s6] =	dma.local [spmem:s10], $0x2800  }
0x2d5: {  	_ =	swait.ge [sflag:s14], $0x2800  }
0x2d6: {  	s17 =	sld [smem:$0x7EB];
	_ =	sdelay $0x1  }
0x2d7: {  	s9 =	sadd.s32 $0x1, s9  }
0x2d8: {  	p0 =	sne.s32 s9, s17  }
.Ltmp1:
0x2d9: {  	_ = 	snop;
	(pc) =	sbr.rel @p0 .LBB2_1-.Ltmp1, $3  }
0x2da: {  	_ =	sdelay $0x1  }
0x2db: {  	[sflag:s14] =	ssyncset.done $0x0  }
0x2dc: {  	[sflag:s14] =	ssyncadd.s32 $0xFFFFD800  }
0x2dd: {  	_ =	sfence.sel $0x180000  }
0x2de: {  	[bflag:$0x0] =	sbarrier.arrive $0xFFFF  }
0x2df: {  	_ =	strace $0x9000004A  }
0x2e0: {  	s0 =	stileid.u32;
	[bflag:$0x2] =	sbarrier.arrive $0xFFFF  }
0x2e1: {  	p0 =	sne.s32 s0, $0x0;
	s0 =	rddreg [dreg:$0x2]  }
0x2e2: {  	s0 =	sadd.s32 @!p0 $0x100000, s0  }
0x2e3: {  	[sflag:s0] =	ssyncadd.tile.s32 @!p0 $0x1;
	_ =	shalt  }
.Lfunc_end2:
_tile_overlayer_lowered:
.L_overlay_start_2:
0x2e4: {  	(tag) =	ssettag $0x2  }
0x2e5: {  	s0 =	rddreg [dreg:$0x0];
	s2 =	stileid.u32  }
0x2e6: {  	s1 =	rddreg [dreg:$0x1];
	p0 =	sne.s32 s2, $0x0  }
0x2e7: {  	s3 =	rddreg [dreg:$0x2];
	[bflag:$0x3] =	sbarrier.arrive $0xFFFF;
	s2 =	simm.s32 @!p0 $0x1C0C  }
0x2e8: {  	[timem:s3], [sflag:s2] =	dma.local @!p0 [hbm:s0], s1  }
0x2e9: {  	s0 =	simm.s32 @!p0 $0xC  }
0x2ea: {  	_ =	swait.ge @!p0 [sflag:s0], s1  }
0x2eb: {  	s1 =	ssub.s32 @!p0 $0x0, s1;
	[sflag:s0] =	ssyncset.done @!p0 $0x0  }
0x2ec: {  	[sflag:s0] =	ssyncadd.s32 @!p0 s1  }
0x2ed: {  	[bflag:$0x3] =	sbarrier.arrive $0xFFFF  }
0x2ee: {  	_ =	shalt  }

// kernel: kernel.16.cloned.1.call-start
scs
__scs_entry_jumppad:
0x0: {  	(pc) =	sbr.rel $0x88, $3  }
0x1: {  	(tag) =	ssettag $0x0;
	lr =	simm.s32 $0x1  }
0x2: {  	[smem:$0x3F94] =	sst lr;
	_ =	strace $0xD0000000  }
0x3: {  	_ = 	snop  }
0x4: {  	_ = 	snop  }
0x5: {  	_ = 	snop  }
0x6: {  	_ = 	snop  }
0x7: {  	_ = 	snop  }
__scs_overlays_trampoline_lowered:
0x8: {  	[smem:$0x3FA3] =	sst s0  }
0x9: {  	[smem:$0x3FA4] =	sst s1  }
0xa: {  	[smem:$0x3FA5] =	sst s2  }
0xb: {  	[smem:$0x3FA6] =	sst s3  }
0xc: {  	[smem:$0x3FA7] =	sst s4  }
0xd: {  	[smem:$0x3FA8] =	sst s5  }
0xe: {  	[smem:$0x3FA9] =	sst s6  }
0xf: {  	[smem:$0x3FAA] =	sst s7  }
0x10: {  	[smem:$0x3FAB] =	sst s8  }
0x11: {  	[smem:$0x3FAC] =	sst s9;
	s0 =	simm.s32 @!p0 $0x0  }
0x12: {  	s1 =	sld [smem:$0x3F92];
	s0 =	simm.s32 @p0 $0x1  }
0x13: {  	[smem:$0x3FAD] =	sst s0;
	s0 =	simm.s32 @!p1 $0x0  }
0x14: {  	s2 =	sld [smem:$0x3F91];
	s0 =	simm.s32 @p1 $0x1  }
0x15: {  	[smem:$0x3FAE] =	sst s0;
	s0 =	simm.s32 @!p2 $0x0  }
0x16: {  	s3 =	sld [smem:$0x3FDB];
	s0 =	simm.s32 @p2 $0x1  }
0x17: {  	s4 =	simm.s32 $0x1BF5;
	[smem:$0x3FB0] =	sst s0  }
0x18: {  	s0 =	sld [smem:$0x3F93];
	_ =	swait.ge [sflag:s4], $0x0  }
0x19: {  	s7 =	sld [smem:$0x3F94]  }
0x1a: {  	s8 =	sadd.s32 $0xFFFFE003, lr  }
0x1b: {  	s9 =	sadd.s32 $0xFFFFFEF7, lr;
	s5 =	simm.s32 $0xFFFFFFFF;
	p2 =	slt.u32 s8, $0xFFFFF086  }
0x1c: {  	p1 =	slt.u32 s9, $0xF7A;
	s5 =	simm.s32 @!p2 $0x0  }
0x1d: {  	s5 =	simm.s32 @p1 $0x1;
	p0 =	seq.s32 s7, s2  }
0x1e: {  	s7 =	smul.u32 @!p0 $0xF7A, s2;
	p2 =	seq.s32 @!p0 s5, $0x0  }
0x1f: {  	s9 =	smul.u32 $0xF7A, s1;
	s8 =	simm.s32 @!p0 $0x1BF5;
	p2 =	por !p2, p0  }
0x20: {  	[sflag:s8] =	ssyncset.s32 @!p0 $0xFFFFF086;
	s6 =	sadd.s32 @!p0 s3, s7;
	s7 =	simm.s32 @!p0 $0x108  }
0x21: {  	s3 =	sadd.s32 s3, s9;
	s6 =	sadd.s32 @!p0 $0x88, s6;
	s7 =	simm.s32 @p2 $0x1082  }
0x22: {  	[simem:s7], [sflag:s8] =	dma.local @!p0 [hbm:s6], $0xF7A  }
0x23: {  	s9 =	sor.u32 $0xD0000000, s2;
	s6 =	simm.s32 $0x108;
	_ =	swait.ge @!p0 [sflag:s8], $0x0  }
0x24: {  	s3 =	sadd.s32 $0x88, s3;
	s6 =	simm.s32 @!p1 $0x1082;
	[sflag:s4] =	ssyncset.s32 $0xFFFFF086  }
0x25: {  	[simem:s6], [sflag:s4] =	dma.local [hbm:s3], $0xF7A  }
0x26: {  	[smem:$0x3F94] =	sst s1;
	(tag) =	ssettag s2;
	_ =	strace s9  }
0x27: {  	s1 =	sld [smem:$0x3FA4]  }
0x28: {  	s2 =	sld [smem:$0x3FA5]  }
0x29: {  	s4 =	sld [smem:$0x3FA7]  }
0x2a: {  	p0 =	seq.s32 s5, $0x0;
	s5 =	sld [smem:$0x3FA8]  }
0x2b: {  	s6 =	sld [smem:$0x3FA9]  }
0x2c: {  	s7 =	sld [smem:$0x3FAA]  }
0x2d: {  	s3 =	simm.s32 $0x108;
	s8 =	sld [smem:$0x3FAB]  }
0x2e: {  	s3 =	simm.s32 @!p0 $0x1082;
	s9 =	sld [smem:$0x3FAC]  }
0x2f: {  	lr =	sadd.s32 s0, s3;
	s0 =	sld [smem:$0x3FA3]  }
0x30: {  	s3 =	sld [smem:$0x3FA6]  }
0x31: {  	[smem:$0x3FAF] =	sst s10  }
0x32: {  	s10 =	sld [smem:$0x3FAD];
	_ =	sdelay $0x3  }
0x33: {  	p0 =	seq.s32 s10, $0x1;
	s10 =	sld [smem:$0x3FAF];
	_ =	sdelay $0x3  }
0x34: {  	[smem:$0x3FAF] =	sst s10  }
0x35: {  	s10 =	sld [smem:$0x3FAE];
	_ =	sdelay $0x3  }
0x36: {  	p1 =	seq.s32 s10, $0x1;
	s10 =	sld [smem:$0x3FAF];
	_ =	sdelay $0x3  }
0x37: {  	[smem:$0x3FAF] =	sst s10  }
0x38: {  	s10 =	sld [smem:$0x3FB0]  }
0x39: {  	_ = 	snop;
	(pc) =	sbr.ind lr, $3  }
0x3a: {  	_ = 	snop  }
0x3b: {  	_ = 	snop  }
0x3c: {  	p2 =	seq.s32 s10, $0x1;
	s10 =	sld [smem:$0x3FAF]  }
0x3d: {  	_ =	shalt  }
0x3e: {  	_ =	shalt  }
0x3f: {  	_ =	shalt  }
0x40: {  	_ =	shalt  }
0x41: {  	_ =	shalt  }
0x42: {  	_ =	shalt  }
0x43: {  	_ =	shalt  }
0x44: {  	_ =	shalt  }
0x45: {  	_ =	shalt  }
0x46: {  	_ =	shalt  }
0x47: {  	_ =	shalt  }
0x48: {  	_ =	shalt  }
0x49: {  	_ =	shalt  }
0x4a: {  	_ =	shalt  }
0x4b: {  	_ =	shalt  }
0x4c: {  	_ =	shalt  }
0x4d: {  	_ =	shalt  }
0x4e: {  	_ =	shalt  }
0x4f: {  	_ =	shalt  }
0x50: {  	_ =	shalt  }
0x51: {  	_ =	shalt  }
0x52: {  	_ =	shalt  }
0x53: {  	_ =	shalt  }
0x54: {  	_ =	shalt  }
0x55: {  	_ =	shalt  }
0x56: {  	_ =	shalt  }
0x57: {  	_ =	shalt  }
0x58: {  	_ =	shalt  }
0x59: {  	_ =	shalt  }
0x5a: {  	_ =	shalt  }
0x5b: {  	_ =	shalt  }
0x5c: {  	_ =	shalt  }
0x5d: {  	_ =	shalt  }
0x5e: {  	_ =	shalt  }
0x5f: {  	_ =	shalt  }
0x60: {  	_ =	shalt  }
0x61: {  	_ =	shalt  }
0x62: {  	_ =	shalt  }
0x63: {  	_ =	shalt  }
0x64: {  	_ =	shalt  }
0x65: {  	_ =	shalt  }
0x66: {  	_ =	shalt  }
0x67: {  	_ =	shalt  }
0x68: {  	_ =	shalt  }
0x69: {  	_ =	shalt  }
0x6a: {  	_ =	shalt  }
0x6b: {  	_ =	shalt  }
0x6c: {  	_ =	shalt  }
0x6d: {  	_ =	shalt  }
0x6e: {  	_ =	shalt  }
0x6f: {  	_ =	shalt  }
0x70: {  	_ =	shalt  }
0x71: {  	_ =	shalt  }
0x72: {  	_ =	shalt  }
0x73: {  	_ =	shalt  }
0x74: {  	_ =	shalt  }
0x75: {  	_ =	shalt  }
0x76: {  	_ =	shalt  }
0x77: {  	_ =	shalt  }
0x78: {  	_ =	shalt  }
0x79: {  	_ =	shalt  }
0x7a: {  	_ =	shalt  }
0x7b: {  	_ =	shalt  }
0x7c: {  	_ =	shalt  }
0x7d: {  	_ =	shalt  }
0x7e: {  	_ =	shalt  }
0x7f: {  	_ =	shalt  }
0x80: {  	_ =	shalt  }
0x81: {  	_ =	shalt  }
0x82: {  	_ =	shalt  }
0x83: {  	_ =	shalt  }
0x84: {  	_ =	shalt  }
0x85: {  	_ =	shalt  }
0x86: {  	_ =	shalt  }
0x87: {  	_ =	shalt  }
.Lfunc_end0:
.L_simem_size_0:
called_computation.2_lowered:
.L_overlay_start_0:
0x88: {  	s2 =	sld [smem:$0x3FD9]  }
0x89: {  	s3 =	sld [smem:$0x3FFE];
	_ =	sdelay $0x1  }
0x8a: {  	s1 =	srdreg.scid  }
0x8b: {  	s0 =	sand.u32 $0x1, s1  }
0x8c: {  	s16 =	sshll.u32 s0, $0xA;
	s2 =	sadd.s32 s3, s2  }
0x8d: {  	s2 =	sadd.s32 s2, s16  }
0x8e: {  	[smem:$0x3FBB] =	sst s2  }
0x8f: {  	_ = 	snop  }
0x90: {  	(tm) =	ssettm $0x1  }
0x91: {  	s17 =	sld [smem:$0x3FFB];
	_ =	sdelay $0x3  }
0x92: {  	_ =	strace s17  }
0x93: {  	s2 =	sld [smem:$0x3FFC];
	_ =	sdelay $0x3  }
0x94: {  	_ =	strace s2  }
0x95: {  	s2 =	sld [smem:$0x3FFD];
	_ =	sdelay $0x3  }
0x96: {  	_ =	strace s2  }
0x97: {  	_ =	strace $0x8FFFFFFF  }
0x98: {  	s18 =	sld [smem:$0x3FDB];
	_ =	sdelay $0x1  }
0x99: {  	s19 =	simm.s32 $_scs_section_size  }
0x9a: {  	s4 =	simm.s32 $_size__tile_overlayer_lowered;
	s5 =	simm.s32 $_tile_overlayer_lowered  }
0x9b: {  	s22 =	simm.s32 $0x1BFF;
	s21 =	sshll.u32 s5, $0x1;
	s2 =	sadd.s32 s19, s18  }
0x9c: {  	s6 =	simm.s32 $0x0;
	s20 =	sshll.u32 s4, $0x1;
	s4 =	sadd.s32 s21, s2  }
0x9d: {  	[timem:s6], [sflag:s22] =	dma.local [hbm:s4], s20  }
0x9e: {  	_ =	swait.ge [sflag:s22], s20  }
0x9f: {  	s3 =	ssub.s32 $0x0, s20;
	[sflag:s22] =	ssyncset.done $0x0  }
0xa0: {  	[sflag:s22] =	ssyncadd.s32 s3;
	_ =	sdelay $0x1  }
0xa1: {  	s23 =	simm.s32 $0x1B8B  }
0xa2: {  	_ =	swait.ge [sflag:s23], $0x1  }
0xa3: {  	[sflag:s23] =	ssyncset.done $0x0  }
0xa4: {  	s25 =	simm.s32 $0x1B8E;
	s24 =	sld [smem:$0x3FFE];
	[sflag:s23] =	ssyncadd.s32 $0xFFFFFFFF  }
0xa5: {  	s26 =	simm.s32 $execute0_lowered;
	[smem:$0x3FD2] =	sst s25  }
0xa6: {  	s4 =	sshll.u32 s26, $0x1;
	_ =	strace $0x8000004C;
	[dreg:$0x1] =	wrdreg $0xFFFFFFFF  }
0xa7: {  	s28 =	simm.s32 $_size_execute0_lowered;
	s2 =	sadd.s32 s2, s4;
	[dreg:$0x0] =	wrdreg $0x0  }
0xa8: {  	s4 =	sshll.u32 s28, $0x1;
	[dreg:$0x2] =	wrdreg s2  }
0xa9: {  	[dreg:$0x3] =	wrdreg s4  }
0xaa: {  	[dreg:$0x4] =	wrdreg $0xC0  }
0xab: {  	_ =	task [dreg:s6], $0x5FFFF  }
0xac: {  	[dreg:$0x1] =	wrdreg $0xFFFFFFFF  }
0xad: {  	[dreg:$0x0] =	wrdreg $0x60  }
0xae: {  	[dreg:$0x2] =	wrdreg s24  }
0xaf: {  	[dreg:$0x3] =	wrdreg $0x0  }
0xb0: {  	[dreg:$0x4] =	wrdreg $0x9  }
0xb1: {  	_ =	task.clear_ibuf [dreg:s6], $0x5FFFF;
	_ =	strace $0x9000004C  }
0xb2: {  	s29 =	simm.s32 $0x9;
	_ =	strace $0x8000004E  }
0xb3: {  	_ =	swait.ge [sflag:s29], $0x1  }
0xb4: {  	[sflag:s29] =	ssyncadd.s32 $0xFFFFFFFF  }
0xb5: {  	_ =	strace $0x9000004E  }
0xb6: {  	_ =	sfence  }
0xb7: {  	s30 =	sld [smem:$0x0];
	_ =	sdelay $0x2  }
0xb8: {  	s31 =	sshll.u32 s1, $0xD;
	s1 =	sshrl.u32 s1, $0x2  }
0xb9: {  	s3 =	sand.u32 $0x4000, s31;
	s1 =	sadd.s32 s1, s30  }
0xba: {  	s0 =	sor.u32 s3, s0;
	s1 =	sshll.u32 s1, $0x11  }
0xbb: {  	s0 =	sor.u32 s1, s0  }
0xbc: {  	s0 =	sadd.s32 $0x8F2B, s0  }
0xbd: {  	[sflag:s0] =	ssyncadd.remote.s32 $0x1  }
0xbe: {  	_ =	sfence.sel $0xFFFF  }
0xbf: {  	[dreg:$0x0] =	wrdreg $0xFFFFFFFF;
	(pc) =	sbr.abs _section_cstart, $3  }
0xc0: {  	[dreg:$0x1] =	wrdreg $0xFFFFFFFF  }
0xc1: {  	_ =	task.clear_ibuf [dreg:s6], $0x2FFFF;
	_ =	strace $0x9FFFFFFF  }
0xc2: {  	(tm) =	ssettm $0x7FFFFFFF  }
0xc3: {  	_ =	shalt  }
tec
execute0_lowered:
.L_overlay_start_1:
0x0: {  	(tag) =	ssettag $0x1  }
0x1: {  	s6 =	rddreg [dreg:$0x0]  }
0x2: {  	s1 =	rddreg [dreg:$0x1];
	s2 =	simm.s32 $0x0  }
0x3: {  	s0 =	simm.s32 $0x14080;
	[smem:$0x7FF] =	sst s2  }
0x4: {  	s16 =	simm.s32 $0x14100;
	_ =	strace $0x8000004D;
	[dreg:$0x3] =	wrdreg s0  }
0x5: {  	s17 =	simm.s32 $0x14180;
	[dreg:$0x4] =	wrdreg s16  }
0x6: {  	s18 =	simm.s32 $0x15080;
	[dreg:$0x5] =	wrdreg s17  }
0x7: {  	s19 =	simm.s32 $0x15100;
	[dreg:$0x6] =	wrdreg s18  }
0x8: {  	s20 =	simm.s32 $0x15180;
	[dreg:$0x7] =	wrdreg s19  }
0x9: {  	s21 =	simm.s32 $0x14200;
	[dreg:$0x8] =	wrdreg s20  }
0xa: {  	s22 =	simm.s32 $0x14280;
	[dreg:$0x9] =	wrdreg s21  }
0xb: {  	s23 =	simm.s32 $0x14300;
	[dreg:$0xa] =	wrdreg s22  }
0xc: {  	s24 =	simm.s32 $0x14380;
	[dreg:$0xb] =	wrdreg s23  }
0xd: {  	s25 =	simm.s32 $0x15200;
	[dreg:$0xc] =	wrdreg s24  }
0xe: {  	s26 =	simm.s32 $0x15280;
	[dreg:$0xd] =	wrdreg s25  }
0xf: {  	s3 =	simm.s32 $0x15300;
	[dreg:$0xe] =	wrdreg s26  }
0x10: {  	s4 =	simm.s32 $0x15380;
	[dreg:$0xf] =	wrdreg s3  }
0x11: {  	s5 =	simm.s32 $0x14400;
	[dreg:$0x10] =	wrdreg s4  }
0x12: {  	s7 =	simm.s32 $0x14480;
	[dreg:$0x11] =	wrdreg s5  }
0x13: {  	s8 =	simm.s32 $0x14500;
	[dreg:$0x12] =	wrdreg s7  }
0x14: {  	s9 =	simm.s32 $0x15400;
	[dreg:$0x13] =	wrdreg s8  }
0x15: {  	s10 =	simm.s32 $0x15480;
	[dreg:$0x15] =	wrdreg s9  }
0x16: {  	s11 =	simm.s32 $0x15500;
	[dreg:$0x16] =	wrdreg s10  }
0x17: {  	s13 =	simm.s32 $0x15580;
	[dreg:$0x17] =	wrdreg s11  }
0x18: {  	s14 =	simm.s32 $0x14600;
	[dreg:$0x18] =	wrdreg s13  }
0x19: {  	s15 =	simm.s32 $0x14700;
	[dreg:$0x19] =	wrdreg s14  }
0x1a: {  	s4 =	simm.s32 $0x14580;
	[dreg:$0x1b] =	wrdreg s15  }
0x1b: {  	s9 =	simm.s32 $0x14680;
	[dreg:$0x14] =	wrdreg s4  }
0x1c: {  	s16 =	simm.s32 $0x14780;
	[dreg:$0x1a] =	wrdreg s9  }
0x1d: {  	s17 =	simm.s32 $0x15600;
	[dreg:$0x1c] =	wrdreg s16  }
0x1e: {  	s18 =	simm.s32 $0x15680;
	[dreg:$0x1d] =	wrdreg s17  }
0x1f: {  	s20 =	simm.s32 $0x15700;
	[dreg:$0x1e] =	wrdreg s18  }
0x20: {  	s12 =	stileid.u32;
	s21 =	simm.s32 $0x15780;
	[dreg:$0x1f] =	wrdreg s20  }
0x21: {  	s28 =	simm.s32 $0x4;
	s22 =	simm.s32 $0x14880;
	[smem:$0x7D7] =	sst s21  }
0x22: {  	s29 =	simm.s32 $0x5;
	s24 =	simm.s32 $0x14900;
	[smem:$0x7D8] =	sst s22  }
0x23: {  	s30 =	simm.s32 $0x6;
	s25 =	simm.s32 $0x14980;
	[smem:$0x7D9] =	sst s24  }
0x24: {  	s31 =	simm.s32 $0x7;
	s26 =	simm.s32 $0x15880;
	[smem:$0x7DA] =	sst s25  }
0x25: {  	s3 =	sadd.s32 $0x36E00, s6;
	s13 =	simm.s32 $0x15900;
	[smem:$0x7DB] =	sst s26  }
0x26: {  	s0 =	sadd.s32 $0x22E00, s6;
	s14 =	simm.s32 $0x15980;
	[smem:$0x7DC] =	sst s13  }
0x27: {  	s5 =	srdreg.scid;
	s15 =	simm.s32 $0x14A00;
	[smem:$0x7DD] =	sst s14  }
0x28: {  	s7 =	smul.u32 $0x14000, s12;
	[smem:$0x7DF] =	sst s15;
	s16 =	simm.s32 $0x14A80  }
0x29: {  	s11 =	smul.u32 $0x50000, s12;
	s17 =	simm.s32 $0x14B00;
	[smem:$0x7E0] =	sst s16  }
0x2a: {  	s5 =	sand.u32 $0x1, s5;
	s13 =	sshll.u32 s12, $0x6;
	[smem:$0x7E1] =	sst s17  }
0x2b: {  	s4 =	sadd.s32 $0xEE00, s6;
	s21 =	simm.s32 $0x15A00;
	[smem:$0x7E2] =	sst s13  }
0x2c: {  	s24 =	simm.s32 $0x15B00;
	s25 =	simm.s32 $0x15B80;
	[smem:$0x7E6] =	sst s21  }
0x2d: {  	s14 =	simm.s32 $0x14D80;
	s15 =	simm.s32 $0x15C00;
	[smem:$0x7EA] =	sst s24  }
0x2e: {  	s8 =	smul.u32 $0x140000, s5;
	s19 =	ssub.s32 $0x2, s5;
	[smem:$0x7EC] =	sst s25  }
0x2f: {  	s23 =	sshll.u32 s5, $0x4;
	s11 =	sshrl.u32 s11, $0x2;
	[smem:$0x7F0] =	sst s14  }
0x30: {  	s20 =	sor.u32 $0x1C0B, s13;
	s5 =	smul.u32 $0xA000, s5;
	[smem:$0x7F1] =	sst s15  }
0x31: {  	s13 =	simm.s32 $0x14D00;
	s16 =	simm.s32 $0x15C80;
	[smem:$0x7E3] =	sst s20  }
0x32: {  	s17 =	simm.s32 $0x15D00;
	s15 =	simm.s32 $0x14000;
	[smem:$0x7EF] =	sst s13  }
0x33: {  	s21 =	simm.s32 $0x14F00;
	s24 =	simm.s32 $0x15E80;
	[smem:$0x7F2] =	sst s16  }
0x34: {  	s25 =	simm.s32 $0x15F00;
	s10 =	sshrl.u32 s19, $0x1;
	[smem:$0x7F3] =	sst s17  }
0x35: {  	s11 =	sadd.s32 s11, s1;
	s16 =	simm.s32 $0x15000;
	[smem:$0x7F7] =	sst s21  }
0x36: {  	s20 =	simm.s32 $0x14E80;
	s21 =	simm.s32 $0x40;
	[smem:$0x7FA] =	sst s24  }
0x37: {  	[smem:$0x7FB] =	sst s25;
	s24 =	simm.s32 $0x1A000;
	s25 =	simm.s32 $0x1C000  }
0x38: {  	s8 =	sadd.s32 s7, s8;
	s9 =	ssub.s32 s19, s10;
	s10 =	sor.u32 s12, s23  }
0x39: {  	s7 =	sshrl.u32 s7, $0x3;
	s19 =	simm.s32 $0x14B80;
	[smem:$0x7F6] =	sst s20  }
0x3a: {  	s23 =	simm.s32 $0x15A80;
	s20 =	simm.s32 $0x15800;
	[smem:$0x7E4] =	sst s19  }
0x3b: {  	s8 =	sshrl.u32 s8, $0x3;
	s7 =	sadd.s32 s3, s7;
	[smem:$0x7E8] =	sst s23  }
0x3c: {  	s18 =	smul.u32 $0xA00, s10;
	s26 =	smax.u32 s9, $0x1;
	[smem:$0x7DE] =	sst s7  }
0x3d: {  	s9 =	simm.s32 $0x14C80;
	s10 =	smul.u32 $0xA00, s12;
	[smem:$0x7EB] =	sst s26  }
0x3e: {  	s19 =	simm.s32 $0x14E00;
	s23 =	simm.s32 $0x15E00;
	[smem:$0x7EE] =	sst s9  }
0x3f: {  	s6 =	sadd.s32 s8, s6;
	[smem:$0x7F5] =	sst s19;
	s19 =	simm.s32 $0x14800  }
0x40: {  	[smem:$0x7F9] =	sst s23;
	s26 =	simm.s32 $0x15F80;
	s23 =	simm.s32 $0x18000  }
0x41: {  	s7 =	simm.s32 $0x2;
	s9 =	simm.s32 $0x0;
	s22 =	sadd.s32 s0, s18  }
0x42: {  	s8 =	sadd.s32 s4, s18;
	s6 =	sadd.s32 $0x5EE00, s6;
	[smem:$0x7FC] =	sst s26  }
0x43: {  	s0 =	sadd.s32 s5, s0;
	s4 =	sadd.s32 s5, s4;
	[smem:$0x7E5] =	sst s22  }
0x44: {  	s18 =	simm.s32 $0x15D80;
	s26 =	simm.s32 $0x3;
	[smem:$0x7E7] =	sst s8  }
0x45: {  	s5 =	simm.s32 $0xA;
	[smem:$0x7E9] =	sst s6;
	s8 =	simm.s32 $0x14C00  }
0x46: {  	s12 =	sadd.s32 s10, s0;
	s13 =	sadd.s32 s10, s4;
	[smem:$0x7F4] =	sst s18  }
0x47: {  	s10 =	sshrl.u32 s11, $0x3;
	s22 =	simm.s32 $0x14F80;
	[smem:$0x7ED] =	sst s8  }
0x48: {  	s18 =	simm.s32 $0x1;
	s0 =	simm.s32 $0x8;
	[smem:$0x7F8] =	sst s22  }
0x49: {  	s4 =	simm.s32 $0x9;
	s22 =	simm.s32 $0x16000;
	[smem:$0x7FD] =	sst s10  }
.LBB2_1:
0x4a: {  	s6 =	sld [smem:$0x7DE]  }
0x4b: {  	s8 =	sld [smem:$0x7E3];
	_ =	sdelay $0x2  }
0x4c: {  	[spmem:s10], [sflag:s8] =	dma.local [hbm:s6], $0x2800  }
0x4d: {  	s6 =	sld [smem:$0x7E5];
	_ =	sdelay $0x1  }
0x4e: {  	s8 =	sld [smem:$0x7E7]  }
0x4f: {  	[tilespmem:s15], [sflag:$0x1] =	stream.linear.gather [hbm4b:s6+s2], $0x800, $0x38;
	[tilespmem:$0x1E000] =	vst v63  }
0x50: {  	s10 =	simm.s32 $0xB  }
0x51: {  	[tilespmem:s16], [sflag:$0x1] =	stream.linear.gather [hbm4b:s8+s2], $0x800, $0x38;
	[tilespmem:$0x1E000] =	vst v63  }
0x52: {  	_ =	swait.ge [sflag:s10], $0x2800  }
0x53: {  	[sflag:s10] =	ssyncset.done $0x0  }
0x54: {  	[sflag:s10] =	ssyncadd.s32 $0xFFFFD800  }
0x55: {  	[bflag:$0x0] =	sbarrier.arrive $0xFFFF  }
0x56: {  	_ =	swait.ge [sflag:s18], $0x800  }
0x57: {  	[sflag:s18] =	ssyncset.done $0x0  }
0x58: {  	[sflag:s18] =	ssyncadd.s32 $0xFFFFF800  }
0x59: {  	_ =	swait.ge [sflag:s18], $0x800  }
0x5a: {  	p0 =	por $0x1, $0x1;
	[sflag:s18] =	ssyncset.done $0x0  }
0x5b: {  	s6 =	simm.s32 @!p0 $0x7;
	[sflag:s18] =	ssyncadd.s32 $0xFFFFF800  }
0x5c: {  	_ =	swait.ge @!p0 [sflag:s6], $0x2000  }
0x5d: {  	[sflag:s6] =	ssyncset.done @!p0 $0x0  }
0x5e: {  	[sflag:s6] =	ssyncadd.s32 @!p0 $0xFFFFE000;
	s6 =	simm.s32 @!p0 $0x8  }
0x5f: {  	_ =	swait.ge @!p0 [sflag:s6], $0x2000  }
0x60: {  	[sflag:s6] =	ssyncset.done @!p0 $0x0  }
0x61: {  	[sflag:s6] =	ssyncadd.s32 @!p0 $0xFFFFE000;
	s6 =	simm.s32 @!p0 $0x9  }
0x62: {  	_ =	swait.ge @!p0 [sflag:s6], $0x2000  }
0x63: {  	[sflag:s6] =	ssyncset.done @!p0 $0x0  }
0x64: {  	[sflag:s6] =	ssyncadd.s32 @!p0 $0xFFFFE000;
	s6 =	simm.s32 @!p0 $0xA  }
0x65: {  	_ =	swait.ge @!p0 [sflag:s6], $0x2000  }
0x66: {  	s11 =	sadd.s32 $0x0, s12;
	[sflag:s6] =	ssyncset.done @!p0 $0x0  }
0x67: {  	s17 =	sadd.s32 $0x0, s13;
	s14 =	sadd.s32 $0x100, s11;
	[sflag:s6] =	ssyncadd.s32 @!p0 $0xFFFFE000  }
0x68: {  	[tilespmem:s19], [sflag:$0x2] =	stream.linear.gather [hbm4b:s14+s2], $0x800, $0x38;
	[tilespmem:$0x1E000] =	vst v63  }
0x69: {  	s8 =	sadd.s32 $0x100, s17  }
0x6a: {  	[tilespmem:s20], [sflag:$0x2] =	stream.linear.gather [hbm4b:s8+s2], $0x800, $0x38;
	[tilespmem:$0x1E000] =	vst v63  }
0x6b: {  	_ = 	snop  }
0x6c: {  	[tilespmem:s22], [sflag:$0x3] =	stream.indirect.gather [hbm4b:s3+s21], $0x80, s15, s21, $0xb8;
	[tilespmem:$0x1E000] =	vst v63  }
0x6d: {  	s10 =	rddreg [dreg:$0x3]  }
0x6e: {  	[tilespmem:s23], [sflag:$0x4] =	stream.indirect.gather [hbm4b:s3+s21], $0x80, s10, s21, $0xb8;
	[tilespmem:$0x1E000] =	vst v63  }
0x6f: {  	s11 =	rddreg [dreg:$0x4]  }
0x70: {  	[tilespmem:s24], [sflag:$0x5] =	stream.indirect.gather [hbm4b:s3+s21], $0x80, s11, s21, $0xb8;
	[tilespmem:$0x1E000] =	vst v63  }
0x71: {  	s14 =	rddreg [dreg:$0x5]  }
0x72: {  	[tilespmem:s25], [sflag:$0x6] =	stream.indirect.gather [hbm4b:s3+s21], $0x80, s14, s21, $0xb8;
	[tilespmem:$0x1E000] =	vst v63  }
0x73: {  	_ =	swait.ge [sflag:s26], $0x2000  }
0x74: {  	[sflag:s26] =	ssyncset.done $0x0  }
0x75: {  	[sflag:s26] =	ssyncadd.s32 $0xFFFFE000  }
0x76: {  	[spmem:s1] =	stream.indirect.scatter.add.f32 [tilespmem:s22], [sflag:$0x7], $0x80, s16, s21, $0xb8;
	[tilespmem:$0x1E000] =	vst v63  }
0x77: {  	_ =	swait.ge [sflag:s28], $0x2000  }
0x78: {  	[sflag:s28] =	ssyncset.done $0x0  }
0x79: {  	s17 =	rddreg [dreg:$0x6];
	[sflag:s28] =	ssyncadd.s32 $0xFFFFE000  }
0x7a: {  	[spmem:s1] =	stream.indirect.scatter.add.f32 [tilespmem:s23], [sflag:$0x8], $0x80, s17, s21, $0xb8;
	[tilespmem:$0x1E000] =	vst v63  }
0x7b: {  	_ =	swait.ge [sflag:s29], $0x2000  }
0x7c: {  	[sflag:s29] =	ssyncset.done $0x0  }
0x7d: {  	s8 =	rddreg [dreg:$0x7];
	[sflag:s29] =	ssyncadd.s32 $0xFFFFE000  }
0x7e: {  	[spmem:s1] =	stream.indirect.scatter.add.f32 [tilespmem:s24], [sflag:$0x9], $0x80, s8, s21, $0xb8;
	[tilespmem:$0x1E000] =	vst v63  }
0x7f: {  	_ =	swait.ge [sflag:s30], $0x2000  }
0x80: {  	[sflag:s30] =	ssyncset.done $0x0  }
0x81: {  	s10 =	rddreg [dreg:$0x8];
	[sflag:s30] =	ssyncadd.s32 $0xFFFFE000  }
0x82: {  	[spmem:s1] =	stream.indirect.scatter.add.f32 [tilespmem:s25], [sflag:$0xA], $0x80, s10, s21, $0xb8;
	[tilespmem:$0x1E000] =	vst v63  }
0x83: {  	_ =	swait.ge [sflag:s31], $0x2000  }
0x84: {  	[sflag:s31] =	ssyncset.done $0x0  }
0x85: {  	s11 =	rddreg [dreg:$0x9];
	[sflag:s31] =	ssyncadd.s32 $0xFFFFE000  }
0x86: {  	[tilespmem:s22], [sflag:$0x3] =	stream.indirect.gather [hbm4b:s3+s21], $0x80, s11, s21, $0xb8;
	[tilespmem:$0x1E000] =	vst v63  }
0x87: {  	_ =	swait.ge [sflag:s0], $0x2000  }
0x88: {  	[sflag:s0] =	ssyncset.done $0x0  }
0x89: {  	s14 =	rddreg [dreg:$0xa];
	[sflag:s0] =	ssyncadd.s32 $0xFFFFE000  }
0x8a: {  	[tilespmem:s23], [sflag:$0x4] =	stream.indirect.gather [hbm4b:s3+s21], $0x80, s14, s21, $0xb8;
	[tilespmem:$0x1E000] =	vst v63  }
0x8b: {  	_ =	swait.ge [sflag:s4], $0x2000  }
0x8c: {  	[sflag:s4] =	ssyncset.done $0x0  }
0x8d: {  	s17 =	rddreg [dreg:$0xb];
	[sflag:s4] =	ssyncadd.s32 $0xFFFFE000  }
0x8e: {  	[tilespmem:s24], [sflag:$0x5] =	stream.indirect.gather [hbm4b:s3+s21], $0x80, s17, s21, $0xb8;
	[tilespmem:$0x1E000] =	vst v63  }
0x8f: {  	_ =	swait.ge [sflag:s5], $0x2000  }
0x90: {  	[sflag:s5] =	ssyncset.done $0x0  }
0x91: {  	s8 =	rddreg [dreg:$0xc];
	[sflag:s5] =	ssyncadd.s32 $0xFFFFE000  }
0x92: {  	[tilespmem:s25], [sflag:$0x6] =	stream.indirect.gather [hbm4b:s3+s21], $0x80, s8, s21, $0xb8;
	[tilespmem:$0x1E000] =	vst v63  }
0x93: {  	_ =	swait.ge [sflag:s26], $0x2000  }
0x94: {  	[sflag:s26] =	ssyncset.done $0x0  }
0x95: {  	s10 =	rddreg [dreg:$0xd];
	[sflag:s26] =	ssyncadd.s32 $0xFFFFE000  }
0x96: {  	[spmem:s1] =	stream.indirect.scatter.add.f32 [tilespmem:s22], [sflag:$0x7], $0x80, s10, s21, $0xb8;
	[tilespmem:$0x1E000] =	vst v63  }
0x97: {  	_ =	swait.ge [sflag:s28], $0x2000  }
0x98: {  	[sflag:s28] =	ssyncset.done $0x0  }
0x99: {  	s11 =	rddreg [dreg:$0xe];
	[sflag:s28] =	ssyncadd.s32 $0xFFFFE000  }
0x9a: {  	[spmem:s1] =	stream.indirect.scatter.add.f32 [tilespmem:s23], [sflag:$0x8], $0x80, s11, s21, $0xb8;
	[tilespmem:$0x1E000] =	vst v63  }
0x9b: {  	_ =	swait.ge [sflag:s29], $0x2000  }
0x9c: {  	[sflag:s29] =	ssyncset.done $0x0  }
0x9d: {  	s14 =	rddreg [dreg:$0xf];
	[sflag:s29] =	ssyncadd.s32 $0xFFFFE000  }
0x9e: {  	[spmem:s1] =	stream.indirect.scatter.add.f32 [tilespmem:s24], [sflag:$0x9], $0x80, s14, s21, $0xb8;
	[tilespmem:$0x1E000] =	vst v63  }
0x9f: {  	_ =	swait.ge [sflag:s30], $0x2000  }
0xa0: {  	[sflag:s30] =	ssyncset.done $0x0  }
0xa1: {  	s17 =	rddreg [dreg:$0x10];
	[sflag:s30] =	ssyncadd.s32 $0xFFFFE000  }
0xa2: {  	[spmem:s1] =	stream.indirect.scatter.add.f32 [tilespmem:s25], [sflag:$0xA], $0x80, s17, s21, $0xb8;
	[tilespmem:$0x1E000] =	vst v63  }
0xa3: {  	_ =	swait.ge [sflag:s31], $0x2000  }
0xa4: {  	[sflag:s31] =	ssyncset.done $0x0  }
0xa5: {  	s8 =	rddreg [dreg:$0x11];
	[sflag:s31] =	ssyncadd.s32 $0xFFFFE000  }
0xa6: {  	[tilespmem:s22], [sflag:$0x3] =	stream.indirect.gather [hbm4b:s3+s21], $0x80, s8, s21, $0xb8;
	[tilespmem:$0x1E000] =	vst v63  }
0xa7: {  	_ =	swait.ge [sflag:s0], $0x2000  }
0xa8: {  	[sflag:s0] =	ssyncset.done $0x0  }
0xa9: {  	s10 =	rddreg [dreg:$0x12];
	[sflag:s0] =	ssyncadd.s32 $0xFFFFE000  }
0xaa: {  	[tilespmem:s23], [sflag:$0x4] =	stream.indirect.gather [hbm4b:s3+s21], $0x80, s10, s21, $0xb8;
	[tilespmem:$0x1E000] =	vst v63  }
0xab: {  	_ =	swait.ge [sflag:s4], $0x2000  }
0xac: {  	[sflag:s4] =	ssyncset.done $0x0  }
0xad: {  	s11 =	rddreg [dreg:$0x13];
	[sflag:s4] =	ssyncadd.s32 $0xFFFFE000  }
0xae: {  	[tilespmem:s24], [sflag:$0x5] =	stream.indirect.gather [hbm4b:s3+s21], $0x80, s11, s21, $0xb8;
	[tilespmem:$0x1E000] =	vst v63  }
0xaf: {  	_ =	swait.ge [sflag:s5], $0x2000  }
0xb0: {  	[sflag:s5] =	ssyncset.done $0x0  }
0xb1: {  	s14 =	rddreg [dreg:$0x14];
	[sflag:s5] =	ssyncadd.s32 $0xFFFFE000  }
0xb2: {  	[tilespmem:s25], [sflag:$0x6] =	stream.indirect.gather [hbm4b:s3+s21], $0x80, s14, s21, $0xb8;
	[tilespmem:$0x1E000] =	vst v63  }
0xb3: {  	_ =	swait.ge [sflag:s26], $0x2000  }
0xb4: {  	[sflag:s26] =	ssyncset.done $0x0  }
0xb5: {  	s17 =	rddreg [dreg:$0x15];
	[sflag:s26] =	ssyncadd.s32 $0xFFFFE000  }
0xb6: {  	[spmem:s1] =	stream.indirect.scatter.add.f32 [tilespmem:s22], [sflag:$0x7], $0x80, s17, s21, $0xb8;
	[tilespmem:$0x1E000] =	vst v63  }
0xb7: {  	_ =	swait.ge [sflag:s28], $0x2000  }
0xb8: {  	[sflag:s28] =	ssyncset.done $0x0  }
0xb9: {  	s8 =	rddreg [dreg:$0x16];
	[sflag:s28] =	ssyncadd.s32 $0xFFFFE000  }
0xba: {  	[spmem:s1] =	stream.indirect.scatter.add.f32 [tilespmem:s23], [sflag:$0x8], $0x80, s8, s21, $0xb8;
	[tilespmem:$0x1E000] =	vst v63  }
0xbb: {  	_ =	swait.ge [sflag:s29], $0x2000  }
0xbc: {  	[sflag:s29] =	ssyncset.done $0x0  }
0xbd: {  	s10 =	rddreg [dreg:$0x17];
	[sflag:s29] =	ssyncadd.s32 $0xFFFFE000  }
0xbe: {  	[spmem:s1] =	stream.indirect.scatter.add.f32 [tilespmem:s24], [sflag:$0x9], $0x80, s10, s21, $0xb8;
	[tilespmem:$0x1E000] =	vst v63  }
0xbf: {  	_ =	swait.ge [sflag:s30], $0x2000  }
0xc0: {  	[sflag:s30] =	ssyncset.done $0x0  }
0xc1: {  	s11 =	rddreg [dreg:$0x18];
	[sflag:s30] =	ssyncadd.s32 $0xFFFFE000  }
0xc2: {  	[spmem:s1] =	stream.indirect.scatter.add.f32 [tilespmem:s25], [sflag:$0xA], $0x80, s11, s21, $0xb8;
	[tilespmem:$0x1E000] =	vst v63  }
0xc3: {  	_ =	swait.ge [sflag:s31], $0x2000  }
0xc4: {  	[sflag:s31] =	ssyncset.done $0x0  }
0xc5: {  	s14 =	rddreg [dreg:$0x19];
	[sflag:s31] =	ssyncadd.s32 $0xFFFFE000  }
0xc6: {  	[tilespmem:s22], [sflag:$0x3] =	stream.indirect.gather [hbm4b:s3+s21], $0x80, s14, s21, $0xb8;
	[tilespmem:$0x1E000] =	vst v63  }
0xc7: {  	_ =	swait.ge [sflag:s0], $0x2000  }
0xc8: {  	[sflag:s0] =	ssyncset.done $0x0  }
0xc9: {  	s17 =	rddreg [dreg:$0x1a];
	[sflag:s0] =	ssyncadd.s32 $0xFFFFE000  }
0xca: {  	[tilespmem:s23], [sflag:$0x4] =	stream.indirect.gather [hbm4b:s3+s21], $0x80, s17, s21, $0xb8;
	[tilespmem:$0x1E000] =	vst v63  }
0xcb: {  	_ =	swait.ge [sflag:s4], $0x2000  }
0xcc: {  	[sflag:s4] =	ssyncset.done $0x0  }
0xcd: {  	s8 =	rddreg [dreg:$0x1b];
	[sflag:s4] =	ssyncadd.s32 $0xFFFFE000  }
0xce: {  	[tilespmem:s24], [sflag:$0x5] =	stream.indirect.gather [hbm4b:s3+s21], $0x80, s8, s21, $0xb8;
	[tilespmem:$0x1E000] =	vst v63  }
0xcf: {  	_ =	swait.ge [sflag:s5], $0x2000  }
0xd0: {  	[sflag:s5] =	ssyncset.done $0x0  }
0xd1: {  	s10 =	rddreg [dreg:$0x1c];
	[sflag:s5] =	ssyncadd.s32 $0xFFFFE000  }
0xd2: {  	[tilespmem:s25], [sflag:$0x6] =	stream.indirect.gather [hbm4b:s3+s21], $0x80, s10, s21, $0xb8;
	[tilespmem:$0x1E000] =	vst v63  }
0xd3: {  	_ =	swait.ge [sflag:s26], $0x2000  }
0xd4: {  	[sflag:s26] =	ssyncset.done $0x0  }
0xd5: {  	s11 =	rddreg [dreg:$0x1d];
	[sflag:s26] =	ssyncadd.s32 $0xFFFFE000  }
0xd6: {  	[spmem:s1] =	stream.indirect.scatter.add.f32 [tilespmem:s22], [sflag:$0x7], $0x80, s11, s21, $0xb8;
	[tilespmem:$0x1E000] =	vst v63  }
0xd7: {  	_ =	swait.ge [sflag:s28], $0x2000  }
0xd8: {  	[sflag:s28] =	ssyncset.done $0x0  }
0xd9: {  	s14 =	rddreg [dreg:$0x1e];
	[sflag:s28] =	ssyncadd.s32 $0xFFFFE000  }
0xda: {  	[spmem:s1] =	stream.indirect.scatter.add.f32 [tilespmem:s23], [sflag:$0x8], $0x80, s14, s21, $0xb8;
	[tilespmem:$0x1E000] =	vst v63  }
0xdb: {  	_ =	swait.ge [sflag:s29], $0x2000  }
0xdc: {  	[sflag:s29] =	ssyncset.done $0x0  }
0xdd: {  	s17 =	rddreg [dreg:$0x1f];
	[sflag:s29] =	ssyncadd.s32 $0xFFFFE000  }
0xde: {  	[spmem:s1] =	stream.indirect.scatter.add.f32 [tilespmem:s24], [sflag:$0x9], $0x80, s17, s21, $0xb8;
	[tilespmem:$0x1E000] =	vst v63  }
0xdf: {  	_ =	swait.ge [sflag:s30], $0x2000  }
0xe0: {  	s8 =	sld [smem:$0x7D7]  }
0xe1: {  	[sflag:s30] =	ssyncset.done $0x0  }
0xe2: {  	[sflag:s30] =	ssyncadd.s32 $0xFFFFE000  }
0xe3: {  	[spmem:s1] =	stream.indirect.scatter.add.f32 [tilespmem:s25], [sflag:$0xA], $0x80, s8, s21, $0xb8;
	[tilespmem:$0x1E000] =	vst v63  }
0xe4: {  	_ =	swait.ge [sflag:s7], $0x800  }
0xe5: {  	[sflag:s7] =	ssyncset.done $0x0  }
0xe6: {  	[sflag:s7] =	ssyncadd.s32 $0xFFFFF800  }
0xe7: {  	_ =	swait.ge [sflag:s7], $0x800  }
0xe8: {  	[sflag:s7] =	ssyncset.done $0x0  }
0xe9: {  	[sflag:s7] =	ssyncadd.s32 $0xFFFFF800  }
0xea: {  	_ =	swait.ge [sflag:s31], $0x2000  }
0xeb: {  	[sflag:s31] =	ssyncset.done $0x0  }
0xec: {  	[sflag:s31] =	ssyncadd.s32 $0xFFFFE000  }
0xed: {  	_ =	swait.ge [sflag:s0], $0x2000  }
0xee: {  	[sflag:s0] =	ssyncset.done $0x0  }
0xef: {  	[sflag:s0] =	ssyncadd.s32 $0xFFFFE000  }
0xf0: {  	_ =	swait.ge [sflag:s4], $0x2000  }
0xf1: {  	[sflag:s4] =	ssyncset.done $0x0  }
0xf2: {  	p0 =	por $0x0, $0x0;
	[sflag:s4] =	ssyncadd.s32 $0xFFFFE000  }
0xf3: {  	s6 =	sadd.s32 @!p0 $0x0, s12;
	_ =	swait.ge [sflag:s5], $0x2000  }
0xf4: {  	s6 =	sadd.s32 @!p0 $0x200, s6;
	[sflag:s5] =	ssyncset.done $0x0  }
0xf5: {  	s10 =	simm.s32 @!p0 $0x0;
	s11 =	simm.s32 @!p0 $0x14000;
	[sflag:s5] =	ssyncadd.s32 $0xFFFFE000  }
0xf6: {  	[tilespmem:s11], [sflag:$0x1] =	stream.linear.gather @!p0 [hbm4b:s6+s10], $0x800, $0x38;
	[tilespmem:$0x1E000] =	vst v63  }
0xf7: {  	s6 =	sadd.s32 @!p0 $0x0, s13  }
0xf8: {  	s11 =	simm.s32 @!p0 $0x15000;
	s6 =	sadd.s32 @!p0 $0x200, s6  }
0xf9: {  	[tilespmem:s11], [sflag:$0x1] =	stream.linear.gather @!p0 [hbm4b:s6+s10], $0x800, $0x38;
	[tilespmem:$0x1E000] =	vst v63  }
0xfa: {  	s10 =	sld [smem:$0x7D8]  }
0xfb: {  	[tilespmem:s22], [sflag:$0x3] =	stream.indirect.gather [hbm4b:s3+s21], $0x80, s19, s21, $0xb8;
	[tilespmem:$0x1E000] =	vst v63  }
0xfc: {  	s11 =	sld [smem:$0x7D9]  }
0xfd: {  	[tilespmem:s23], [sflag:$0x4] =	stream.indirect.gather [hbm4b:s3+s21], $0x80, s10, s21, $0xb8;
	[tilespmem:$0x1E000] =	vst v63  }
0xfe: {  	s14 =	sld [smem:$0x7DA]  }
0xff: {  	[tilespmem:s24], [sflag:$0x5] =	stream.indirect.gather [hbm4b:s3+s21], $0x80, s11, s21, $0xb8;
	[tilespmem:$0x1E000] =	vst v63  }
0x100: {  	_ = 	snop  }
0x101: {  	[tilespmem:s25], [sflag:$0x6] =	stream.indirect.gather [hbm4b:s3+s21], $0x80, s14, s21, $0xb8;
	[tilespmem:$0x1E000] =	vst v63  }
0x102: {  	_ =	swait.ge [sflag:s26], $0x2000  }
0x103: {  	[sflag:s26] =	ssyncset.done $0x0  }
0x104: {  	[sflag:s26] =	ssyncadd.s32 $0xFFFFE000  }
0x105: {  	[spmem:s1] =	stream.indirect.scatter.add.f32 [tilespmem:s22], [sflag:$0x7], $0x80, s20, s21, $0xb8;
	[tilespmem:$0x1E000] =	vst v63  }
0x106: {  	_ =	swait.ge [sflag:s28], $0x2000  }
0x107: {  	s17 =	sld [smem:$0x7DB]  }
0x108: {  	[sflag:s28] =	ssyncset.done $0x0  }
0x109: {  	[sflag:s28] =	ssyncadd.s32 $0xFFFFE000  }
0x10a: {  	[spmem:s1] =	stream.indirect.scatter.add.f32 [tilespmem:s23], [sflag:$0x8], $0x80, s17, s21, $0xb8;
	[tilespmem:$0x1E000] =	vst v63  }
0x10b: {  	_ =	swait.ge [sflag:s29], $0x2000  }
0x10c: {  	s8 =	sld [smem:$0x7DC]  }
0x10d: {  	[sflag:s29] =	ssyncset.done $0x0  }
0x10e: {  	[sflag:s29] =	ssyncadd.s32 $0xFFFFE000  }
0x10f: {  	[spmem:s1] =	stream.indirect.scatter.add.f32 [tilespmem:s24], [sflag:$0x9], $0x80, s8, s21, $0xb8;
	[tilespmem:$0x1E000] =	vst v63  }
0x110: {  	_ =	swait.ge [sflag:s30], $0x2000  }
0x111: {  	s10 =	sld [smem:$0x7DD]  }
0x112: {  	[sflag:s30] =	ssyncset.done $0x0  }
0x113: {  	[sflag:s30] =	ssyncadd.s32 $0xFFFFE000  }
0x114: {  	[spmem:s1] =	stream.indirect.scatter.add.f32 [tilespmem:s25], [sflag:$0xA], $0x80, s10, s21, $0xb8;
	[tilespmem:$0x1E000] =	vst v63  }
0x115: {  	_ =	swait.ge [sflag:s31], $0x2000  }
0x116: {  	s11 =	sld [smem:$0x7DF]  }
0x117: {  	[sflag:s31] =	ssyncset.done $0x0  }
0x118: {  	[sflag:s31] =	ssyncadd.s32 $0xFFFFE000  }
0x119: {  	[tilespmem:s22], [sflag:$0x3] =	stream.indirect.gather [hbm4b:s3+s21], $0x80, s11, s21, $0xb8;
	[tilespmem:$0x1E000] =	vst v63  }
0x11a: {  	_ =	swait.ge [sflag:s0], $0x2000  }
0x11b: {  	s14 =	sld [smem:$0x7E0]  }
0x11c: {  	[sflag:s0] =	ssyncset.done $0x0  }
0x11d: {  	[sflag:s0] =	ssyncadd.s32 $0xFFFFE000  }
0x11e: {  	[tilespmem:s23], [sflag:$0x4] =	stream.indirect.gather [hbm4b:s3+s21], $0x80, s14, s21, $0xb8;
	[tilespmem:$0x1E000] =	vst v63  }
0x11f: {  	_ =	swait.ge [sflag:s4], $0x2000  }
0x120: {  	s17 =	sld [smem:$0x7E1]  }
0x121: {  	[sflag:s4] =	ssyncset.done $0x0  }
0x122: {  	[sflag:s4] =	ssyncadd.s32 $0xFFFFE000  }
0x123: {  	[tilespmem:s24], [sflag:$0x5] =	stream.indirect.gather [hbm4b:s3+s21], $0x80, s17, s21, $0xb8;
	[tilespmem:$0x1E000] =	vst v63  }
0x124: {  	_ =	swait.ge [sflag:s5], $0x2000  }
0x125: {  	s8 =	sld [smem:$0x7E4]  }
0x126: {  	[sflag:s5] =	ssyncset.done $0x0  }
0x127: {  	[sflag:s5] =	ssyncadd.s32 $0xFFFFE000  }
0x128: {  	[tilespmem:s25], [sflag:$0x6] =	stream.indirect.gather [hbm4b:s3+s21], $0x80, s8, s21, $0xb8;
	[tilespmem:$0x1E000] =	vst v63  }
0x129: {  	_ =	swait.ge [sflag:s26], $0x2000  }
0x12a: {  	s10 =	sld [smem:$0x7E6]  }
0x12b: {  	[sflag:s26] =	ssyncset.done $0x0  }
0x12c: {  	[sflag:s26] =	ssyncadd.s32 $0xFFFFE000  }
0x12d: {  	[spmem:s1] =	stream.indirect.scatter.add.f32 [tilespmem:s22], [sflag:$0x7], $0x80, s10, s21, $0xb8;
	[tilespmem:$0x1E000] =	vst v63  }
0x12e: {  	_ =	swait.ge [sflag:s28], $0x2000  }
0x12f: {  	s11 =	sld [smem:$0x7E8]  }
0x130: {  	[sflag:s28] =	ssyncset.done $0x0  }
0x131: {  	[sflag:s28] =	ssyncadd.s32 $0xFFFFE000  }
0x132: {  	[spmem:s1] =	stream.indirect.scatter.add.f32 [tilespmem:s23], [sflag:$0x8], $0x80, s11, s21, $0xb8;
	[tilespmem:$0x1E000] =	vst v63  }
0x133: {  	_ =	swait.ge [sflag:s29], $0x2000  }
0x134: {  	s14 =	sld [smem:$0x7EA]  }
0x135: {  	[sflag:s29] =	ssyncset.done $0x0  }
0x136: {  	[sflag:s29] =	ssyncadd.s32 $0xFFFFE000  }
0x137: {  	[spmem:s1] =	stream.indirect.scatter.add.f32 [tilespmem:s24], [sflag:$0x9], $0x80, s14, s21, $0xb8;
	[tilespmem:$0x1E000] =	vst v63  }
0x138: {  	_ =	swait.ge [sflag:s30], $0x2000  }
0x139: {  	s17 =	sld [smem:$0x7EC]  }
0x13a: {  	[sflag:s30] =	ssyncset.done $0x0  }
0x13b: {  	[sflag:s30] =	ssyncadd.s32 $0xFFFFE000  }
0x13c: {  	[spmem:s1] =	stream.indirect.scatter.add.f32 [tilespmem:s25], [sflag:$0xA], $0x80, s17, s21, $0xb8;
	[tilespmem:$0x1E000] =	vst v63  }
0x13d: {  	_ =	swait.ge [sflag:s31], $0x2000  }
0x13e: {  	s8 =	sld [smem:$0x7ED]  }
0x13f: {  	[sflag:s31] =	ssyncset.done $0x0  }
0x140: {  	[sflag:s31] =	ssyncadd.s32 $0xFFFFE000  }
0x141: {  	[tilespmem:s22], [sflag:$0x3] =	stream.indirect.gather [hbm4b:s3+s21], $0x80, s8, s21, $0xb8;
	[tilespmem:$0x1E000] =	vst v63  }
0x142: {  	_ =	swait.ge [sflag:s0], $0x2000  }
0x143: {  	s10 =	sld [smem:$0x7EE]  }
0x144: {  	[sflag:s0] =	ssyncset.done $0x0  }
0x145: {  	[sflag:s0] =	ssyncadd.s32 $0xFFFFE000  }
0x146: {  	[tilespmem:s23], [sflag:$0x4] =	stream.indirect.gather [hbm4b:s3+s21], $0x80, s10, s21, $0xb8;
	[tilespmem:$0x1E000] =	vst v63  }
0x147: {  	_ =	swait.ge [sflag:s4], $0x2000  }
0x148: {  	s11 =	sld [smem:$0x7EF]  }
0x149: {  	[sflag:s4] =	ssyncset.done $0x0  }
0x14a: {  	[sflag:s4] =	ssyncadd.s32 $0xFFFFE000  }
0x14b: {  	[tilespmem:s24], [sflag:$0x5] =	stream.indirect.gather [hbm4b:s3+s21], $0x80, s11, s21, $0xb8;
	[tilespmem:$0x1E000] =	vst v63  }
0x14c: {  	_ =	swait.ge [sflag:s5], $0x2000  }
0x14d: {  	s14 =	sld [smem:$0x7F0]  }
0x14e: {  	[sflag:s5] =	ssyncset.done $0x0  }
0x14f: {  	[sflag:s5] =	ssyncadd.s32 $0xFFFFE000  }
0x150: {  	[tilespmem:s25], [sflag:$0x6] =	stream.indirect.gather [hbm4b:s3+s21], $0x80, s14, s21, $0xb8;
	[tilespmem:$0x1E000] =	vst v63  }
0x151: {  	_ =	swait.ge [sflag:s26], $0x2000  }
0x152: {  	s17 =	sld [smem:$0x7F1]  }
0x153: {  	[sflag:s26] =	ssyncset.done $0x0  }
0x154: {  	[sflag:s26] =	ssyncadd.s32 $0xFFFFE000  }
0x155: {  	[spmem:s1] =	stream.indirect.scatter.add.f32 [tilespmem:s22], [sflag:$0x7], $0x80, s17, s21, $0xb8;
	[tilespmem:$0x1E000] =	vst v63  }
0x156: {  	_ =	swait.ge [sflag:s28], $0x2000  }
0x157: {  	s8 =	sld [smem:$0x7F2]  }
0x158: {  	[sflag:s28] =	ssyncset.done $0x0  }
0x159: {  	[sflag:s28] =	ssyncadd.s32 $0xFFFFE000  }
0x15a: {  	[spmem:s1] =	stream.indirect.scatter.add.f32 [tilespmem:s23], [sflag:$0x8], $0x80, s8, s21, $0xb8;
	[tilespmem:$0x1E000] =	vst v63  }
0x15b: {  	_ =	swait.ge [sflag:s29], $0x2000  }
0x15c: {  	s10 =	sld [smem:$0x7F3]  }
0x15d: {  	[sflag:s29] =	ssyncset.done $0x0  }
0x15e: {  	[sflag:s29] =	ssyncadd.s32 $0xFFFFE000  }
0x15f: {  	[spmem:s1] =	stream.indirect.scatter.add.f32 [tilespmem:s24], [sflag:$0x9], $0x80, s10, s21, $0xb8;
	[tilespmem:$0x1E000] =	vst v63  }
0x160: {  	_ =	swait.ge [sflag:s30], $0x2000  }
0x161: {  	s11 =	sld [smem:$0x7F4]  }
0x162: {  	[sflag:s30] =	ssyncset.done $0x0  }
0x163: {  	[sflag:s30] =	ssyncadd.s32 $0xFFFFE000  }
0x164: {  	[spmem:s1] =	stream.indirect.scatter.add.f32 [tilespmem:s25], [sflag:$0xA], $0x80, s11, s21, $0xb8;
	[tilespmem:$0x1E000] =	vst v63  }
0x165: {  	_ =	swait.ge [sflag:s31], $0x2000  }
0x166: {  	s14 =	sld [smem:$0x7F5]  }
0x167: {  	[sflag:s31] =	ssyncset.done $0x0  }
0x168: {  	[sflag:s31] =	ssyncadd.s32 $0xFFFFE000  }
0x169: {  	[tilespmem:s22], [sflag:$0x3] =	stream.indirect.gather [hbm4b:s3+s21], $0x80, s14, s21, $0xb8;
	[tilespmem:$0x1E000] =	vst v63  }
0x16a: {  	_ =	swait.ge [sflag:s0], $0x2000  }
0x16b: {  	s17 =	sld [smem:$0x7F6]  }
0x16c: {  	[sflag:s0] =	ssyncset.done $0x0  }
0x16d: {  	[sflag:s0] =	ssyncadd.s32 $0xFFFFE000  }
0x16e: {  	[tilespmem:s23], [sflag:$0x4] =	stream.indirect.gather [hbm4b:s3+s21], $0x80, s17, s21, $0xb8;
	[tilespmem:$0x1E000] =	vst v63  }
0x16f: {  	_ =	swait.ge [sflag:s4], $0x2000  }
0x170: {  	s8 =	sld [smem:$0x7F7]  }
0x171: {  	[sflag:s4] =	ssyncset.done $0x0  }
0x172: {  	[sflag:s4] =	ssyncadd.s32 $0xFFFFE000  }
0x173: {  	[tilespmem:s24], [sflag:$0x5] =	stream.indirect.gather [hbm4b:s3+s21], $0x80, s8, s21, $0xb8;
	[tilespmem:$0x1E000] =	vst v63  }
0x174: {  	_ =	swait.ge [sflag:s5], $0x2000  }
0x175: {  	s10 =	sld [smem:$0x7F8]  }
0x176: {  	[sflag:s5] =	ssyncset.done $0x0  }
0x177: {  	[sflag:s5] =	ssyncadd.s32 $0xFFFFE000  }
0x178: {  	[tilespmem:s25], [sflag:$0x6] =	stream.indirect.gather [hbm4b:s3+s21], $0x80, s10, s21, $0xb8;
	[tilespmem:$0x1E000] =	vst v63  }
0x179: {  	_ =	swait.ge [sflag:s26], $0x2000  }
0x17a: {  	s11 =	sld [smem:$0x7F9]  }
0x17b: {  	[sflag:s26] =	ssyncset.done $0x0  }
0x17c: {  	[sflag:s26] =	ssyncadd.s32 $0xFFFFE000  }
0x17d: {  	[spmem:s1] =	stream.indirect.scatter.add.f32 [tilespmem:s22], [sflag:$0x7], $0x80, s11, s21, $0xb8;
	[tilespmem:$0x1E000] =	vst v63  }
0x17e: {  	_ =	swait.ge [sflag:s28], $0x2000  }
0x17f: {  	s14 =	sld [smem:$0x7FA]  }
0x180: {  	[sflag:s28] =	ssyncset.done $0x0  }
0x181: {  	[sflag:s28] =	ssyncadd.s32 $0xFFFFE000  }
0x182: {  	[spmem:s1] =	stream.indirect.scatter.add.f32 [tilespmem:s23], [sflag:$0x8], $0x80, s14, s21, $0xb8;
	[tilespmem:$0x1E000] =	vst v63  }
0x183: {  	_ =	swait.ge [sflag:s29], $0x2000  }
0x184: {  	s17 =	sld [smem:$0x7FB]  }
0x185: {  	[sflag:s29] =	ssyncset.done $0x0  }
0x186: {  	[sflag:s29] =	ssyncadd.s32 $0xFFFFE000  }
0x187: {  	[spmem:s1] =	stream.indirect.scatter.add.f32 [tilespmem:s24], [sflag:$0x9], $0x80, s17, s21, $0xb8;
	[tilespmem:$0x1E000] =	vst v63  }
0x188: {  	_ =	swait.ge [sflag:s30], $0x2000  }
0x189: {  	s10 =	simm.s32 $0x200;
	[sflag:s30] =	ssyncset.done $0x0  }
0x18a: {  	s11 =	simm.s32 $0x0;
	s17 =	sld [smem:$0x7FC];
	[sflag:s30] =	ssyncadd.s32 $0xFFFFE000  }
.LBB2_2:
0x18b: {  	_ =	sdelay $0x1  }
0x18c: {  	[spmem:s1] =	stream.indirect.scatter.add.f32 [tilespmem:s25], [sflag:$0xA], $0x80, s17, s21, $0xb8;
	[tilespmem:$0x1E000] =	vst v63  }
0x18d: {  	_ =	swait.ge [sflag:s18], $0x800  }
0x18e: {  	[sflag:s18] =	ssyncset.done $0x0  }
0x18f: {  	[sflag:s18] =	ssyncadd.s32 $0xFFFFF800  }
0x190: {  	s6 =	smov.u32 s10;
	_ =	swait.ge [sflag:s18], $0x800  }
0x191: {  	p1 =	seq.s32 s6, $0x0;
	[sflag:s18] =	ssyncset.done $0x0  }
0x192: {  	s17 =	simm.s32 @!p1 $0x7;
	[sflag:s18] =	ssyncadd.s32 $0xFFFFF800  }
0x193: {  	_ =	swait.ge @!p1 [sflag:s17], $0x2000  }
0x194: {  	[sflag:s17] =	ssyncset.done @!p1 $0x0  }
0x195: {  	[sflag:s17] =	ssyncadd.s32 @!p1 $0xFFFFE000;
	s17 =	simm.s32 @!p1 $0x8  }
0x196: {  	_ =	swait.ge @!p1 [sflag:s17], $0x2000  }
0x197: {  	[sflag:s17] =	ssyncset.done @!p1 $0x0  }
0x198: {  	[sflag:s17] =	ssyncadd.s32 @!p1 $0xFFFFE000;
	s17 =	simm.s32 @!p1 $0x9  }
0x199: {  	_ =	swait.ge @!p1 [sflag:s17], $0x2000  }
0x19a: {  	[sflag:s17] =	ssyncset.done @!p1 $0x0  }
0x19b: {  	[sflag:s17] =	ssyncadd.s32 @!p1 $0xFFFFE000;
	s17 =	simm.s32 @!p1 $0xA  }
0x19c: {  	_ =	swait.ge @!p1 [sflag:s17], $0x2000  }
0x19d: {  	s8 =	sadd.s32 s6, s12;
	[sflag:s17] =	ssyncset.done @!p1 $0x0  }
0x19e: {  	s14 =	sadd.s32 s6, s13;
	s8 =	sadd.s32 $0x100, s8;
	[sflag:s17] =	ssyncadd.s32 @!p1 $0xFFFFE000  }
0x19f: {  	[tilespmem:s19], [sflag:$0x2] =	stream.linear.gather [hbm4b:s8+s2], $0x800, $0x38;
	[tilespmem:$0x1E000] =	vst v63  }
0x1a0: {  	s17 =	sadd.s32 $0x100, s14  }
0x1a1: {  	[tilespmem:s20], [sflag:$0x2] =	stream.linear.gather [hbm4b:s17+s2], $0x800, $0x38;
	[tilespmem:$0x1E000] =	vst v63  }
0x1a2: {  	_ = 	snop  }
0x1a3: {  	[tilespmem:s22], [sflag:$0x3] =	stream.indirect.gather [hbm4b:s3+s21], $0x80, s15, s21, $0xb8;
	[tilespmem:$0x1E000] =	vst v63  }
0x1a4: {  	s14 =	rddreg [dreg:$0x3]  }
0x1a5: {  	[tilespmem:s23], [sflag:$0x4] =	stream.indirect.gather [hbm4b:s3+s21], $0x80, s14, s21, $0xb8;
	[tilespmem:$0x1E000] =	vst v63  }
0x1a6: {  	s17 =	rddreg [dreg:$0x4]  }
0x1a7: {  	[tilespmem:s24], [sflag:$0x5] =	stream.indirect.gather [hbm4b:s3+s21], $0x80, s17, s21, $0xb8;
	[tilespmem:$0x1E000] =	vst v63  }
0x1a8: {  	s14 =	rddreg [dreg:$0x5]  }
0x1a9: {  	[tilespmem:s25], [sflag:$0x6] =	stream.indirect.gather [hbm4b:s3+s21], $0x80, s14, s21, $0xb8;
	[tilespmem:$0x1E000] =	vst v63  }
0x1aa: {  	_ =	swait.ge [sflag:s26], $0x2000  }
0x1ab: {  	[sflag:s26] =	ssyncset.done $0x0  }
0x1ac: {  	[sflag:s26] =	ssyncadd.s32 $0xFFFFE000  }
0x1ad: {  	[spmem:s1] =	stream.indirect.scatter.add.f32 [tilespmem:s22], [sflag:$0x7], $0x80, s16, s21, $0xb8;
	[tilespmem:$0x1E000] =	vst v63  }
0x1ae: {  	_ =	swait.ge [sflag:s28], $0x2000  }
0x1af: {  	[sflag:s28] =	ssyncset.done $0x0  }
0x1b0: {  	s17 =	rddreg [dreg:$0x6];
	[sflag:s28] =	ssyncadd.s32 $0xFFFFE000  }
0x1b1: {  	[spmem:s1] =	stream.indirect.scatter.add.f32 [tilespmem:s23], [sflag:$0x8], $0x80, s17, s21, $0xb8;
	[tilespmem:$0x1E000] =	vst v63  }
0x1b2: {  	_ =	swait.ge [sflag:s29], $0x2000  }
0x1b3: {  	[sflag:s29] =	ssyncset.done $0x0  }
0x1b4: {  	s14 =	rddreg [dreg:$0x7];
	[sflag:s29] =	ssyncadd.s32 $0xFFFFE000  }
0x1b5: {  	[spmem:s1] =	stream.indirect.scatter.add.f32 [tilespmem:s24], [sflag:$0x9], $0x80, s14, s21, $0xb8;
	[tilespmem:$0x1E000] =	vst v63  }
0x1b6: {  	_ =	swait.ge [sflag:s30], $0x2000  }
0x1b7: {  	[sflag:s30] =	ssyncset.done $0x0  }
0x1b8: {  	s17 =	rddreg [dreg:$0x8];
	[sflag:s30] =	ssyncadd.s32 $0xFFFFE000  }
0x1b9: {  	[spmem:s1] =	stream.indirect.scatter.add.f32 [tilespmem:s25], [sflag:$0xA], $0x80, s17, s21, $0xb8;
	[tilespmem:$0x1E000] =	vst v63  }
0x1ba: {  	_ =	swait.ge [sflag:s31], $0x2000  }
0x1bb: {  	[sflag:s31] =	ssyncset.done $0x0  }
0x1bc: {  	s14 =	rddreg [dreg:$0x9];
	[sflag:s31] =	ssyncadd.s32 $0xFFFFE000  }
0x1bd: {  	[tilespmem:s22], [sflag:$0x3] =	stream.indirect.gather [hbm4b:s3+s21], $0x80, s14, s21, $0xb8;
	[tilespmem:$0x1E000] =	vst v63  }
0x1be: {  	_ =	swait.ge [sflag:s0], $0x2000  }
0x1bf: {  	[sflag:s0] =	ssyncset.done $0x0  }
0x1c0: {  	s17 =	rddreg [dreg:$0xa];
	[sflag:s0] =	ssyncadd.s32 $0xFFFFE000  }
0x1c1: {  	[tilespmem:s23], [sflag:$0x4] =	stream.indirect.gather [hbm4b:s3+s21], $0x80, s17, s21, $0xb8;
	[tilespmem:$0x1E000] =	vst v63  }
0x1c2: {  	_ =	swait.ge [sflag:s4], $0x2000  }
0x1c3: {  	[sflag:s4] =	ssyncset.done $0x0  }
0x1c4: {  	s14 =	rddreg [dreg:$0xb];
	[sflag:s4] =	ssyncadd.s32 $0xFFFFE000  }
0x1c5: {  	[tilespmem:s24], [sflag:$0x5] =	stream.indirect.gather [hbm4b:s3+s21], $0x80, s14, s21, $0xb8;
	[tilespmem:$0x1E000] =	vst v63  }
0x1c6: {  	_ =	swait.ge [sflag:s5], $0x2000  }
0x1c7: {  	[sflag:s5] =	ssyncset.done $0x0  }
0x1c8: {  	s17 =	rddreg [dreg:$0xc];
	[sflag:s5] =	ssyncadd.s32 $0xFFFFE000  }
0x1c9: {  	[tilespmem:s25], [sflag:$0x6] =	stream.indirect.gather [hbm4b:s3+s21], $0x80, s17, s21, $0xb8;
	[tilespmem:$0x1E000] =	vst v63  }
0x1ca: {  	_ =	swait.ge [sflag:s26], $0x2000  }
0x1cb: {  	[sflag:s26] =	ssyncset.done $0x0  }
0x1cc: {  	s14 =	rddreg [dreg:$0xd];
	[sflag:s26] =	ssyncadd.s32 $0xFFFFE000  }
0x1cd: {  	[spmem:s1] =	stream.indirect.scatter.add.f32 [tilespmem:s22], [sflag:$0x7], $0x80, s14, s21, $0xb8;
	[tilespmem:$0x1E000] =	vst v63  }
0x1ce: {  	_ =	swait.ge [sflag:s28], $0x2000  }
0x1cf: {  	[sflag:s28] =	ssyncset.done $0x0  }
0x1d0: {  	s17 =	rddreg [dreg:$0xe];
	[sflag:s28] =	ssyncadd.s32 $0xFFFFE000  }
0x1d1: {  	[spmem:s1] =	stream.indirect.scatter.add.f32 [tilespmem:s23], [sflag:$0x8], $0x80, s17, s21, $0xb8;
	[tilespmem:$0x1E000] =	vst v63  }
0x1d2: {  	_ =	swait.ge [sflag:s29], $0x2000  }
0x1d3: {  	[sflag:s29] =	ssyncset.done $0x0  }
0x1d4: {  	s14 =	rddreg [dreg:$0xf];
	[sflag:s29] =	ssyncadd.s32 $0xFFFFE000  }
0x1d5: {  	[spmem:s1] =	stream.indirect.scatter.add.f32 [tilespmem:s24], [sflag:$0x9], $0x80, s14, s21, $0xb8;
	[tilespmem:$0x1E000] =	vst v63  }
0x1d6: {  	_ =	swait.ge [sflag:s30], $0x2000  }
0x1d7: {  	[sflag:s30] =	ssyncset.done $0x0  }
0x1d8: {  	s17 =	rddreg [dreg:$0x10];
	[sflag:s30] =	ssyncadd.s32 $0xFFFFE000  }
0x1d9: {  	[spmem:s1] =	stream.indirect.scatter.add.f32 [tilespmem:s25], [sflag:$0xA], $0x80, s17, s21, $0xb8;
	[tilespmem:$0x1E000] =	vst v63  }
0x1da: {  	_ =	swait.ge [sflag:s31], $0x2000  }
0x1db: {  	[sflag:s31] =	ssyncset.done $0x0  }
0x1dc: {  	s14 =	rddreg [dreg:$0x11];
	[sflag:s31] =	ssyncadd.s32 $0xFFFFE000  }
0x1dd: {  	[tilespmem:s22], [sflag:$0x3] =	stream.indirect.gather [hbm4b:s3+s21], $0x80, s14, s21, $0xb8;
	[tilespmem:$0x1E000] =	vst v63  }
0x1de: {  	_ =	swait.ge [sflag:s0], $0x2000  }
0x1df: {  	[sflag:s0] =	ssyncset.done $0x0  }
0x1e0: {  	s17 =	rddreg [dreg:$0x12];
	[sflag:s0] =	ssyncadd.s32 $0xFFFFE000  }
0x1e1: {  	[tilespmem:s23], [sflag:$0x4] =	stream.indirect.gather [hbm4b:s3+s21], $0x80, s17, s21, $0xb8;
	[tilespmem:$0x1E000] =	vst v63  }
0x1e2: {  	_ =	swait.ge [sflag:s4], $0x2000  }
0x1e3: {  	[sflag:s4] =	ssyncset.done $0x0  }
0x1e4: {  	s14 =	rddreg [dreg:$0x13];
	[sflag:s4] =	ssyncadd.s32 $0xFFFFE000  }
0x1e5: {  	[tilespmem:s24], [sflag:$0x5] =	stream.indirect.gather [hbm4b:s3+s21], $0x80, s14, s21, $0xb8;
	[tilespmem:$0x1E000] =	vst v63  }
0x1e6: {  	_ =	swait.ge [sflag:s5], $0x2000  }
0x1e7: {  	[sflag:s5] =	ssyncset.done $0x0  }
0x1e8: {  	s17 =	rddreg [dreg:$0x14];
	[sflag:s5] =	ssyncadd.s32 $0xFFFFE000  }
0x1e9: {  	[tilespmem:s25], [sflag:$0x6] =	stream.indirect.gather [hbm4b:s3+s21], $0x80, s17, s21, $0xb8;
	[tilespmem:$0x1E000] =	vst v63  }
0x1ea: {  	_ =	swait.ge [sflag:s26], $0x2000  }
0x1eb: {  	[sflag:s26] =	ssyncset.done $0x0  }
0x1ec: {  	s14 =	rddreg [dreg:$0x15];
	[sflag:s26] =	ssyncadd.s32 $0xFFFFE000  }
0x1ed: {  	[spmem:s1] =	stream.indirect.scatter.add.f32 [tilespmem:s22], [sflag:$0x7], $0x80, s14, s21, $0xb8;
	[tilespmem:$0x1E000] =	vst v63  }
0x1ee: {  	_ =	swait.ge [sflag:s28], $0x2000  }
0x1ef: {  	[sflag:s28] =	ssyncset.done $0x0  }
0x1f0: {  	s17 =	rddreg [dreg:$0x16];
	[sflag:s28] =	ssyncadd.s32 $0xFFFFE000  }
0x1f1: {  	[spmem:s1] =	stream.indirect.scatter.add.f32 [tilespmem:s23], [sflag:$0x8], $0x80, s17, s21, $0xb8;
	[tilespmem:$0x1E000] =	vst v63  }
0x1f2: {  	_ =	swait.ge [sflag:s29], $0x2000  }
0x1f3: {  	[sflag:s29] =	ssyncset.done $0x0  }
0x1f4: {  	s14 =	rddreg [dreg:$0x17];
	[sflag:s29] =	ssyncadd.s32 $0xFFFFE000  }
0x1f5: {  	[spmem:s1] =	stream.indirect.scatter.add.f32 [tilespmem:s24], [sflag:$0x9], $0x80, s14, s21, $0xb8;
	[tilespmem:$0x1E000] =	vst v63  }
0x1f6: {  	_ =	swait.ge [sflag:s30], $0x2000  }
0x1f7: {  	[sflag:s30] =	ssyncset.done $0x0  }
0x1f8: {  	s17 =	rddreg [dreg:$0x18];
	[sflag:s30] =	ssyncadd.s32 $0xFFFFE000  }
0x1f9: {  	[spmem:s1] =	stream.indirect.scatter.add.f32 [tilespmem:s25], [sflag:$0xA], $0x80, s17, s21, $0xb8;
	[tilespmem:$0x1E000] =	vst v63  }
0x1fa: {  	_ =	swait.ge [sflag:s31], $0x2000  }
0x1fb: {  	[sflag:s31] =	ssyncset.done $0x0  }
0x1fc: {  	s14 =	rddreg [dreg:$0x19];
	[sflag:s31] =	ssyncadd.s32 $0xFFFFE000  }
0x1fd: {  	[tilespmem:s22], [sflag:$0x3] =	stream.indirect.gather [hbm4b:s3+s21], $0x80, s14, s21, $0xb8;
	[tilespmem:$0x1E000] =	vst v63  }
0x1fe: {  	_ =	swait.ge [sflag:s0], $0x2000  }
0x1ff: {  	[sflag:s0] =	ssyncset.done $0x0  }
0x200: {  	s17 =	rddreg [dreg:$0x1a];
	[sflag:s0] =	ssyncadd.s32 $0xFFFFE000  }
0x201: {  	[tilespmem:s23], [sflag:$0x4] =	stream.indirect.gather [hbm4b:s3+s21], $0x80, s17, s21, $0xb8;
	[tilespmem:$0x1E000] =	vst v63  }
0x202: {  	_ =	swait.ge [sflag:s4], $0x2000  }
0x203: {  	[sflag:s4] =	ssyncset.done $0x0  }
0x204: {  	s14 =	rddreg [dreg:$0x1b];
	[sflag:s4] =	ssyncadd.s32 $0xFFFFE000  }
0x205: {  	[tilespmem:s24], [sflag:$0x5] =	stream.indirect.gather [hbm4b:s3+s21], $0x80, s14, s21, $0xb8;
	[tilespmem:$0x1E000] =	vst v63  }
0x206: {  	_ =	swait.ge [sflag:s5], $0x2000  }
0x207: {  	[sflag:s5] =	ssyncset.done $0x0  }
0x208: {  	s17 =	rddreg [dreg:$0x1c];
	[sflag:s5] =	ssyncadd.s32 $0xFFFFE000  }
0x209: {  	[tilespmem:s25], [sflag:$0x6] =	stream.indirect.gather [hbm4b:s3+s21], $0x80, s17, s21, $0xb8;
	[tilespmem:$0x1E000] =	vst v63  }
0x20a: {  	_ =	swait.ge [sflag:s26], $0x2000  }
0x20b: {  	[sflag:s26] =	ssyncset.done $0x0  }
0x20c: {  	s14 =	rddreg [dreg:$0x1d];
	[sflag:s26] =	ssyncadd.s32 $0xFFFFE000  }
0x20d: {  	[spmem:s1] =	stream.indirect.scatter.add.f32 [tilespmem:s22], [sflag:$0x7], $0x80, s14, s21, $0xb8;
	[tilespmem:$0x1E000] =	vst v63  }
0x20e: {  	_ =	swait.ge [sflag:s28], $0x2000  }
0x20f: {  	[sflag:s28] =	ssyncset.done $0x0  }
0x210: {  	s17 =	rddreg [dreg:$0x1e];
	[sflag:s28] =	ssyncadd.s32 $0xFFFFE000  }
0x211: {  	[spmem:s1] =	stream.indirect.scatter.add.f32 [tilespmem:s23], [sflag:$0x8], $0x80, s17, s21, $0xb8;
	[tilespmem:$0x1E000] =	vst v63  }
0x212: {  	_ =	swait.ge [sflag:s29], $0x2000  }
0x213: {  	[sflag:s29] =	ssyncset.done $0x0  }
0x214: {  	s14 =	rddreg [dreg:$0x1f];
	[sflag:s29] =	ssyncadd.s32 $0xFFFFE000  }
0x215: {  	[spmem:s1] =	stream.indirect.scatter.add.f32 [tilespmem:s24], [sflag:$0x9], $0x80, s14, s21, $0xb8;
	[tilespmem:$0x1E000] =	vst v63  }
0x216: {  	_ =	swait.ge [sflag:s30], $0x2000  }
0x217: {  	s17 =	sld [smem:$0x7D7]  }
0x218: {  	[sflag:s30] =	ssyncset.done $0x0  }
0x219: {  	[sflag:s30] =	ssyncadd.s32 $0xFFFFE000  }
0x21a: {  	[spmem:s1] =	stream.indirect.scatter.add.f32 [tilespmem:s25], [sflag:$0xA], $0x80, s17, s21, $0xb8;
	[tilespmem:$0x1E000] =	vst v63  }
0x21b: {  	_ =	swait.ge [sflag:s7], $0x800  }
0x21c: {  	[sflag:s7] =	ssyncset.done $0x0  }
0x21d: {  	[sflag:s7] =	ssyncadd.s32 $0xFFFFF800  }
0x21e: {  	_ =	swait.ge [sflag:s7], $0x800  }
0x21f: {  	[sflag:s7] =	ssyncset.done $0x0  }
0x220: {  	[sflag:s7] =	ssyncadd.s32 $0xFFFFF800  }
0x221: {  	_ =	swait.ge [sflag:s31], $0x2000  }
0x222: {  	[sflag:s31] =	ssyncset.done $0x0  }
0x223: {  	[sflag:s31] =	ssyncadd.s32 $0xFFFFE000  }
0x224: {  	_ =	swait.ge [sflag:s0], $0x2000  }
0x225: {  	[sflag:s0] =	ssyncset.done $0x0  }
0x226: {  	[sflag:s0] =	ssyncadd.s32 $0xFFFFE000  }
0x227: {  	_ =	swait.ge [sflag:s4], $0x2000  }
0x228: {  	s11 =	sadd.s32 $0x1, s11;
	[sflag:s4] =	ssyncset.done $0x0  }
0x229: {  	p1 =	sgt.u32 s11, $0x3;
	[sflag:s4] =	ssyncadd.s32 $0xFFFFE000  }
0x22a: {  	s8 =	sadd.s32 @!p1 s6, s12;
	_ =	swait.ge [sflag:s5], $0x2000  }
0x22b: {  	s6 =	sadd.s32 @!p1 s6, s13;
	s8 =	sadd.s32 @!p1 $0x200, s8;
	[sflag:s5] =	ssyncset.done $0x0  }
0x22c: {  	s14 =	simm.s32 @!p1 $0x14000;
	s17 =	simm.s32 @!p1 $0x0;
	[sflag:s5] =	ssyncadd.s32 $0xFFFFE000  }
0x22d: {  	[tilespmem:s14], [sflag:$0x1] =	stream.linear.gather @!p1 [hbm4b:s8+s17], $0x800, $0x38;
	[tilespmem:$0x1E000] =	vst v63  }
0x22e: {  	s6 =	sadd.s32 @!p1 $0x200, s6;
	s8 =	simm.s32 @!p1 $0x15000  }
0x22f: {  	[tilespmem:s8], [sflag:$0x1] =	stream.linear.gather @!p1 [hbm4b:s6+s17], $0x800, $0x38;
	[tilespmem:$0x1E000] =	vst v63  }
0x230: {  	s8 =	sld [smem:$0x7D8]  }
0x231: {  	[tilespmem:s22], [sflag:$0x3] =	stream.indirect.gather [hbm4b:s3+s21], $0x80, s19, s21, $0xb8;
	[tilespmem:$0x1E000] =	vst v63  }
0x232: {  	s14 =	sld [smem:$0x7D9]  }
0x233: {  	[tilespmem:s23], [sflag:$0x4] =	stream.indirect.gather [hbm4b:s3+s21], $0x80, s8, s21, $0xb8;
	[tilespmem:$0x1E000] =	vst v63  }
0x234: {  	s17 =	sld [smem:$0x7DA]  }
0x235: {  	[tilespmem:s24], [sflag:$0x5] =	stream.indirect.gather [hbm4b:s3+s21], $0x80, s14, s21, $0xb8;
	[tilespmem:$0x1E000] =	vst v63  }
0x236: {  	_ = 	snop  }
0x237: {  	[tilespmem:s25], [sflag:$0x6] =	stream.indirect.gather [hbm4b:s3+s21], $0x80, s17, s21, $0xb8;
	[tilespmem:$0x1E000] =	vst v63  }
0x238: {  	_ =	swait.ge [sflag:s26], $0x2000  }
0x239: {  	[sflag:s26] =	ssyncset.done $0x0  }
0x23a: {  	[sflag:s26] =	ssyncadd.s32 $0xFFFFE000  }
0x23b: {  	[spmem:s1] =	stream.indirect.scatter.add.f32 [tilespmem:s22], [sflag:$0x7], $0x80, s20, s21, $0xb8;
	[tilespmem:$0x1E000] =	vst v63  }
0x23c: {  	_ =	swait.ge [sflag:s28], $0x2000  }
0x23d: {  	s14 =	sld [smem:$0x7DB]  }
0x23e: {  	[sflag:s28] =	ssyncset.done $0x0  }
0x23f: {  	[sflag:s28] =	ssyncadd.s32 $0xFFFFE000  }
0x240: {  	[spmem:s1] =	stream.indirect.scatter.add.f32 [tilespmem:s23], [sflag:$0x8], $0x80, s14, s21, $0xb8;
	[tilespmem:$0x1E000] =	vst v63  }
0x241: {  	_ =	swait.ge [sflag:s29], $0x2000  }
0x242: {  	s17 =	sld [smem:$0x7DC]  }
0x243: {  	[sflag:s29] =	ssyncset.done $0x0  }
0x244: {  	[sflag:s29] =	ssyncadd.s32 $0xFFFFE000  }
0x245: {  	[spmem:s1] =	stream.indirect.scatter.add.f32 [tilespmem:s24], [sflag:$0x9], $0x80, s17, s21, $0xb8;
	[tilespmem:$0x1E000] =	vst v63  }
0x246: {  	_ =	swait.ge [sflag:s30], $0x2000  }
0x247: {  	s8 =	sld [smem:$0x7DD]  }
0x248: {  	[sflag:s30] =	ssyncset.done $0x0  }
0x249: {  	[sflag:s30] =	ssyncadd.s32 $0xFFFFE000  }
0x24a: {  	[spmem:s1] =	stream.indirect.scatter.add.f32 [tilespmem:s25], [sflag:$0xA], $0x80, s8, s21, $0xb8;
	[tilespmem:$0x1E000] =	vst v63  }
0x24b: {  	_ =	swait.ge [sflag:s31], $0x2000  }
0x24c: {  	s14 =	sld [smem:$0x7DF]  }
0x24d: {  	[sflag:s31] =	ssyncset.done $0x0  }
0x24e: {  	[sflag:s31] =	ssyncadd.s32 $0xFFFFE000  }
0x24f: {  	[tilespmem:s22], [sflag:$0x3] =	stream.indirect.gather [hbm4b:s3+s21], $0x80, s14, s21, $0xb8;
	[tilespmem:$0x1E000] =	vst v63  }
0x250: {  	_ =	swait.ge [sflag:s0], $0x2000  }
0x251: {  	s17 =	sld [smem:$0x7E0]  }
0x252: {  	[sflag:s0] =	ssyncset.done $0x0  }
0x253: {  	[sflag:s0] =	ssyncadd.s32 $0xFFFFE000  }
0x254: {  	[tilespmem:s23], [sflag:$0x4] =	stream.indirect.gather [hbm4b:s3+s21], $0x80, s17, s21, $0xb8;
	[tilespmem:$0x1E000] =	vst v63  }
0x255: {  	_ =	swait.ge [sflag:s4], $0x2000  }
0x256: {  	s8 =	sld [smem:$0x7E1]  }
0x257: {  	[sflag:s4] =	ssyncset.done $0x0  }
0x258: {  	[sflag:s4] =	ssyncadd.s32 $0xFFFFE000  }
0x259: {  	[tilespmem:s24], [sflag:$0x5] =	stream.indirect.gather [hbm4b:s3+s21], $0x80, s8, s21, $0xb8;
	[tilespmem:$0x1E000] =	vst v63  }
0x25a: {  	_ =	swait.ge [sflag:s5], $0x2000  }
0x25b: {  	s14 =	sld [smem:$0x7E4]  }
0x25c: {  	[sflag:s5] =	ssyncset.done $0x0  }
0x25d: {  	[sflag:s5] =	ssyncadd.s32 $0xFFFFE000  }
0x25e: {  	[tilespmem:s25], [sflag:$0x6] =	stream.indirect.gather [hbm4b:s3+s21], $0x80, s14, s21, $0xb8;
	[tilespmem:$0x1E000] =	vst v63  }
0x25f: {  	_ =	swait.ge [sflag:s26], $0x2000  }
0x260: {  	s17 =	sld [smem:$0x7E6]  }
0x261: {  	[sflag:s26] =	ssyncset.done $0x0  }
0x262: {  	[sflag:s26] =	ssyncadd.s32 $0xFFFFE000  }
0x263: {  	[spmem:s1] =	stream.indirect.scatter.add.f32 [tilespmem:s22], [sflag:$0x7], $0x80, s17, s21, $0xb8;
	[tilespmem:$0x1E000] =	vst v63  }
0x264: {  	_ =	swait.ge [sflag:s28], $0x2000  }
0x265: {  	s8 =	sld [smem:$0x7E8]  }
0x266: {  	[sflag:s28] =	ssyncset.done $0x0  }
0x267: {  	[sflag:s28] =	ssyncadd.s32 $0xFFFFE000  }
0x268: {  	[spmem:s1] =	stream.indirect.scatter.add.f32 [tilespmem:s23], [sflag:$0x8], $0x80, s8, s21, $0xb8;
	[tilespmem:$0x1E000] =	vst v63  }
0x269: {  	_ =	swait.ge [sflag:s29], $0x2000  }
0x26a: {  	s14 =	sld [smem:$0x7EA]  }
0x26b: {  	[sflag:s29] =	ssyncset.done $0x0  }
0x26c: {  	[sflag:s29] =	ssyncadd.s32 $0xFFFFE000  }
0x26d: {  	[spmem:s1] =	stream.indirect.scatter.add.f32 [tilespmem:s24], [sflag:$0x9], $0x80, s14, s21, $0xb8;
	[tilespmem:$0x1E000] =	vst v63  }
0x26e: {  	_ =	swait.ge [sflag:s30], $0x2000  }
0x26f: {  	s17 =	sld [smem:$0x7EC]  }
0x270: {  	[sflag:s30] =	ssyncset.done $0x0  }
0x271: {  	[sflag:s30] =	ssyncadd.s32 $0xFFFFE000  }
0x272: {  	[spmem:s1] =	stream.indirect.scatter.add.f32 [tilespmem:s25], [sflag:$0xA], $0x80, s17, s21, $0xb8;
	[tilespmem:$0x1E000] =	vst v63  }
0x273: {  	_ =	swait.ge [sflag:s31], $0x2000  }
0x274: {  	s8 =	sld [smem:$0x7ED]  }
0x275: {  	[sflag:s31] =	ssyncset.done $0x0  }
0x276: {  	[sflag:s31] =	ssyncadd.s32 $0xFFFFE000  }
0x277: {  	[tilespmem:s22], [sflag:$0x3] =	stream.indirect.gather [hbm4b:s3+s21], $0x80, s8, s21, $0xb8;
	[tilespmem:$0x1E000] =	vst v63  }
0x278: {  	_ =	swait.ge [sflag:s0], $0x2000  }
0x279: {  	s14 =	sld [smem:$0x7EE]  }
0x27a: {  	[sflag:s0] =	ssyncset.done $0x0  }
0x27b: {  	[sflag:s0] =	ssyncadd.s32 $0xFFFFE000  }
0x27c: {  	[tilespmem:s23], [sflag:$0x4] =	stream.indirect.gather [hbm4b:s3+s21], $0x80, s14, s21, $0xb8;
	[tilespmem:$0x1E000] =	vst v63  }
0x27d: {  	_ =	swait.ge [sflag:s4], $0x2000  }
0x27e: {  	s17 =	sld [smem:$0x7EF]  }
0x27f: {  	[sflag:s4] =	ssyncset.done $0x0  }
0x280: {  	[sflag:s4] =	ssyncadd.s32 $0xFFFFE000  }
0x281: {  	[tilespmem:s24], [sflag:$0x5] =	stream.indirect.gather [hbm4b:s3+s21], $0x80, s17, s21, $0xb8;
	[tilespmem:$0x1E000] =	vst v63  }
0x282: {  	_ =	swait.ge [sflag:s5], $0x2000  }
0x283: {  	s8 =	sld [smem:$0x7F0]  }
0x284: {  	[sflag:s5] =	ssyncset.done $0x0  }
0x285: {  	[sflag:s5] =	ssyncadd.s32 $0xFFFFE000  }
0x286: {  	[tilespmem:s25], [sflag:$0x6] =	stream.indirect.gather [hbm4b:s3+s21], $0x80, s8, s21, $0xb8;
	[tilespmem:$0x1E000] =	vst v63  }
0x287: {  	_ =	swait.ge [sflag:s26], $0x2000  }
0x288: {  	s14 =	sld [smem:$0x7F1]  }
0x289: {  	[sflag:s26] =	ssyncset.done $0x0  }
0x28a: {  	[sflag:s26] =	ssyncadd.s32 $0xFFFFE000  }
0x28b: {  	[spmem:s1] =	stream.indirect.scatter.add.f32 [tilespmem:s22], [sflag:$0x7], $0x80, s14, s21, $0xb8;
	[tilespmem:$0x1E000] =	vst v63  }
0x28c: {  	_ =	swait.ge [sflag:s28], $0x2000  }
0x28d: {  	s17 =	sld [smem:$0x7F2]  }
0x28e: {  	[sflag:s28] =	ssyncset.done $0x0  }
0x28f: {  	[sflag:s28] =	ssyncadd.s32 $0xFFFFE000  }
0x290: {  	[spmem:s1] =	stream.indirect.scatter.add.f32 [tilespmem:s23], [sflag:$0x8], $0x80, s17, s21, $0xb8;
	[tilespmem:$0x1E000] =	vst v63  }
0x291: {  	_ =	swait.ge [sflag:s29], $0x2000  }
0x292: {  	s8 =	sld [smem:$0x7F3]  }
0x293: {  	[sflag:s29] =	ssyncset.done $0x0  }
0x294: {  	[sflag:s29] =	ssyncadd.s32 $0xFFFFE000  }
0x295: {  	[spmem:s1] =	stream.indirect.scatter.add.f32 [tilespmem:s24], [sflag:$0x9], $0x80, s8, s21, $0xb8;
	[tilespmem:$0x1E000] =	vst v63  }
0x296: {  	_ =	swait.ge [sflag:s30], $0x2000  }
0x297: {  	s14 =	sld [smem:$0x7F4]  }
0x298: {  	[sflag:s30] =	ssyncset.done $0x0  }
0x299: {  	[sflag:s30] =	ssyncadd.s32 $0xFFFFE000  }
0x29a: {  	[spmem:s1] =	stream.indirect.scatter.add.f32 [tilespmem:s25], [sflag:$0xA], $0x80, s14, s21, $0xb8;
	[tilespmem:$0x1E000] =	vst v63  }
0x29b: {  	_ =	swait.ge [sflag:s31], $0x2000  }
0x29c: {  	s17 =	sld [smem:$0x7F5]  }
0x29d: {  	[sflag:s31] =	ssyncset.done $0x0  }
0x29e: {  	[sflag:s31] =	ssyncadd.s32 $0xFFFFE000  }
0x29f: {  	[tilespmem:s22], [sflag:$0x3] =	stream.indirect.gather [hbm4b:s3+s21], $0x80, s17, s21, $0xb8;
	[tilespmem:$0x1E000] =	vst v63  }
0x2a0: {  	_ =	swait.ge [sflag:s0], $0x2000  }
0x2a1: {  	s8 =	sld [smem:$0x7F6]  }
0x2a2: {  	[sflag:s0] =	ssyncset.done $0x0  }
0x2a3: {  	[sflag:s0] =	ssyncadd.s32 $0xFFFFE000  }
0x2a4: {  	[tilespmem:s23], [sflag:$0x4] =	stream.indirect.gather [hbm4b:s3+s21], $0x80, s8, s21, $0xb8;
	[tilespmem:$0x1E000] =	vst v63  }
0x2a5: {  	_ =	swait.ge [sflag:s4], $0x2000  }
0x2a6: {  	s14 =	sld [smem:$0x7F7]  }
0x2a7: {  	[sflag:s4] =	ssyncset.done $0x0  }
0x2a8: {  	[sflag:s4] =	ssyncadd.s32 $0xFFFFE000  }
0x2a9: {  	[tilespmem:s24], [sflag:$0x5] =	stream.indirect.gather [hbm4b:s3+s21], $0x80, s14, s21, $0xb8;
	[tilespmem:$0x1E000] =	vst v63  }
0x2aa: {  	_ =	swait.ge [sflag:s5], $0x2000  }
0x2ab: {  	s17 =	sld [smem:$0x7F8]  }
0x2ac: {  	[sflag:s5] =	ssyncset.done $0x0  }
0x2ad: {  	[sflag:s5] =	ssyncadd.s32 $0xFFFFE000  }
0x2ae: {  	[tilespmem:s25], [sflag:$0x6] =	stream.indirect.gather [hbm4b:s3+s21], $0x80, s17, s21, $0xb8;
	[tilespmem:$0x1E000] =	vst v63  }
0x2af: {  	_ =	swait.ge [sflag:s26], $0x2000  }
0x2b0: {  	s8 =	sld [smem:$0x7F9]  }
0x2b1: {  	[sflag:s26] =	ssyncset.done $0x0  }
0x2b2: {  	[sflag:s26] =	ssyncadd.s32 $0xFFFFE000  }
0x2b3: {  	[spmem:s1] =	stream.indirect.scatter.add.f32 [tilespmem:s22], [sflag:$0x7], $0x80, s8, s21, $0xb8;
	[tilespmem:$0x1E000] =	vst v63  }
0x2b4: {  	_ =	swait.ge [sflag:s28], $0x2000  }
0x2b5: {  	s14 =	sld [smem:$0x7FA]  }
0x2b6: {  	[sflag:s28] =	ssyncset.done $0x0  }
0x2b7: {  	[sflag:s28] =	ssyncadd.s32 $0xFFFFE000  }
0x2b8: {  	[spmem:s1] =	stream.indirect.scatter.add.f32 [tilespmem:s23], [sflag:$0x8], $0x80, s14, s21, $0xb8;
	[tilespmem:$0x1E000] =	vst v63  }
0x2b9: {  	_ =	swait.ge [sflag:s29], $0x2000  }
0x2ba: {  	s10 =	sadd.s32 $0x200, s10;
	s17 =	sld [smem:$0x7FB]  }
0x2bb: {  	p0 =	sne.s32 s10, $0xA00;
	[sflag:s29] =	ssyncset.done $0x0  }
.Ltmp0:
0x2bc: {  	[sflag:s29] =	ssyncadd.s32 $0xFFFFE000;
	(pc) =	sbr.rel @p0 .LBB2_2-.Ltmp0, $4  }
0x2bd: {  	[spmem:s1] =	stream.indirect.scatter.add.f32 [tilespmem:s24], [sflag:$0x9], $0x80, s17, s21, $0xb8;
	[tilespmem:$0x1E000] =	vst v63  }
0x2be: {  	_ =	swait.ge [sflag:s30], $0x2000  }
0x2bf: {  	[sflag:s30] =	ssyncset.done $0x0  }
0x2c0: {  	s17 =	sld [smem:$0x7FC];
	[sflag:s30] =	ssyncadd.s32 $0xFFFFE000  }
0x2c1: {  	_ =	sdelay $0x1  }
0x2c2: {  	[spmem:s1] =	stream.indirect.scatter.add.f32 [tilespmem:s25], [sflag:$0xA], $0x80, s17, s21, $0xb8;
	[tilespmem:$0x1E000] =	vst v63  }
0x2c3: {  	_ =	swait.ge [sflag:s31], $0x2000  }
0x2c4: {  	[sflag:s31] =	ssyncset.done $0x0  }
0x2c5: {  	[sflag:s31] =	ssyncadd.s32 $0xFFFFE000  }
0x2c6: {  	_ =	swait.ge [sflag:s0], $0x2000  }
0x2c7: {  	[sflag:s0] =	ssyncset.done $0x0  }
0x2c8: {  	[sflag:s0] =	ssyncadd.s32 $0xFFFFE000  }
0x2c9: {  	_ =	swait.ge [sflag:s4], $0x2000  }
0x2ca: {  	[sflag:s4] =	ssyncset.done $0x0  }
0x2cb: {  	[sflag:s4] =	ssyncadd.s32 $0xFFFFE000  }
0x2cc: {  	_ =	swait.ge [sflag:s5], $0x2000  }
0x2cd: {  	[sflag:s5] =	ssyncset.done $0x0  }
0x2ce: {  	[sflag:s5] =	ssyncadd.s32 $0xFFFFE000  }
0x2cf: {  	[bflag:$0x0] =	sbarrier.arrive $0xFFFF  }
0x2d0: {  	s6 =	sld [smem:$0x7E2]  }
0x2d1: {  	s8 =	sld [smem:$0x7E9]  }
0x2d2: {  	s10 =	sld [smem:$0x7FD];
	_ =	sdelay $0x1  }
0x2d3: {  	s14 =	simm.s32 $0xC;
	s6 =	sor.u32 $0x1C0C, s6  }
0x2d4: {  	[hbm:s8], [sflag:s6] =	dma.local [spmem:s10], $0x2800  }
0x2d5: {  	_ =	swait.ge [sflag:s14], $0x2800  }
0x2d6: {  	s17 =	sld [smem:$0x7EB];
	_ =	sdelay $0x1  }
0x2d7: {  	s9 =	sadd.s32 $0x1, s9  }
0x2d8: {  	p0 =	sne.s32 s9, s17  }
.Ltmp1:
0x2d9: {  	_ = 	snop;
	(pc) =	sbr.rel @p0 .LBB2_1-.Ltmp1, $3  }
0x2da: {  	_ =	sdelay $0x1  }
0x2db: {  	[sflag:s14] =	ssyncset.done $0x0  }
0x2dc: {  	[sflag:s14] =	ssyncadd.s32 $0xFFFFD800  }
0x2dd: {  	_ =	sfence.sel $0x180000  }
0x2de: {  	[bflag:$0x0] =	sbarrier.arrive $0xFFFF  }
0x2df: {  	_ =	strace $0x9000004D  }
0x2e0: {  	s0 =	stileid.u32;
	[bflag:$0x2] =	sbarrier.arrive $0xFFFF  }
0x2e1: {  	p0 =	sne.s32 s0, $0x0;
	s0 =	rddreg [dreg:$0x2]  }
0x2e2: {  	s0 =	sadd.s32 @!p0 $0x100000, s0  }
0x2e3: {  	[sflag:s0] =	ssyncadd.tile.s32 @!p0 $0x1;
	_ =	shalt  }
.Lfunc_end2:
_tile_overlayer_lowered:
.L_overlay_start_2:
0x2e4: {  	(tag) =	ssettag $0x2  }
0x2e5: {  	s0 =	rddreg [dreg:$0x0];
	s2 =	stileid.u32  }
0x2e6: {  	s1 =	rddreg [dreg:$0x1];
	p0 =	sne.s32 s2, $0x0  }
0x2e7: {  	s3 =	rddreg [dreg:$0x2];
	[bflag:$0x3] =	sbarrier.arrive $0xFFFF;
	s2 =	simm.s32 @!p0 $0x1C0C  }
0x2e8: {  	[timem:s3], [sflag:s2] =	dma.local @!p0 [hbm:s0], s1  }
0x2e9: {  	s0 =	simm.s32 @!p0 $0xC  }
0x2ea: {  	_ =	swait.ge @!p0 [sflag:s0], s1  }
0x2eb: {  	s1 =	ssub.s32 @!p0 $0x0, s1;
	[sflag:s0] =	ssyncset.done @!p0 $0x0  }
0x2ec: {  	[sflag:s0] =	ssyncadd.s32 @!p0 s1  }
0x2ed: {  	[bflag:$0x3] =	sbarrier.arrive $0xFFFF  }
0x2ee: {  	_ =	shalt  }

// kernel: kernel.19.cloned.1.call-start
scs
__scs_entry_jumppad:
0x0: {  	(pc) =	sbr.rel $0x88, $3  }
0x1: {  	(tag) =	ssettag $0x0;
	lr =	simm.s32 $0x1  }
0x2: {  	[smem:$0x3F94] =	sst lr;
	_ =	strace $0xD0000000  }
0x3: {  	_ = 	snop  }
0x4: {  	_ = 	snop  }
0x5: {  	_ = 	snop  }
0x6: {  	_ = 	snop  }
0x7: {  	_ = 	snop  }
__scs_overlays_trampoline_lowered:
0x8: {  	[smem:$0x3FA3] =	sst s0  }
0x9: {  	[smem:$0x3FA4] =	sst s1  }
0xa: {  	[smem:$0x3FA5] =	sst s2  }
0xb: {  	[smem:$0x3FA6] =	sst s3  }
0xc: {  	[smem:$0x3FA7] =	sst s4  }
0xd: {  	[smem:$0x3FA8] =	sst s5  }
0xe: {  	[smem:$0x3FA9] =	sst s6  }
0xf: {  	[smem:$0x3FAA] =	sst s7  }
0x10: {  	[smem:$0x3FAB] =	sst s8  }
0x11: {  	[smem:$0x3FAC] =	sst s9;
	s0 =	simm.s32 @!p0 $0x0  }
0x12: {  	s1 =	sld [smem:$0x3F92];
	s0 =	simm.s32 @p0 $0x1  }
0x13: {  	[smem:$0x3FAD] =	sst s0;
	s0 =	simm.s32 @!p1 $0x0  }
0x14: {  	s2 =	sld [smem:$0x3F91];
	s0 =	simm.s32 @p1 $0x1  }
0x15: {  	[smem:$0x3FAE] =	sst s0;
	s0 =	simm.s32 @!p2 $0x0  }
0x16: {  	s3 =	sld [smem:$0x3FDB];
	s0 =	simm.s32 @p2 $0x1  }
0x17: {  	s4 =	simm.s32 $0x1BF5;
	[smem:$0x3FB0] =	sst s0  }
0x18: {  	s0 =	sld [smem:$0x3F93];
	_ =	swait.ge [sflag:s4], $0x0  }
0x19: {  	s7 =	sld [smem:$0x3F94]  }
0x1a: {  	s8 =	sadd.s32 $0xFFFFE003, lr  }
0x1b: {  	s9 =	sadd.s32 $0xFFFFFEF7, lr;
	s5 =	simm.s32 $0xFFFFFFFF;
	p2 =	slt.u32 s8, $0xFFFFF086  }
0x1c: {  	p1 =	slt.u32 s9, $0xF7A;
	s5 =	simm.s32 @!p2 $0x0  }
0x1d: {  	s5 =	simm.s32 @p1 $0x1;
	p0 =	seq.s32 s7, s2  }
0x1e: {  	s7 =	smul.u32 @!p0 $0xF7A, s2;
	p2 =	seq.s32 @!p0 s5, $0x0  }
0x1f: {  	s9 =	smul.u32 $0xF7A, s1;
	s8 =	simm.s32 @!p0 $0x1BF5;
	p2 =	por !p2, p0  }
0x20: {  	[sflag:s8] =	ssyncset.s32 @!p0 $0xFFFFF086;
	s6 =	sadd.s32 @!p0 s3, s7;
	s7 =	simm.s32 @!p0 $0x108  }
0x21: {  	s3 =	sadd.s32 s3, s9;
	s6 =	sadd.s32 @!p0 $0x88, s6;
	s7 =	simm.s32 @p2 $0x1082  }
0x22: {  	[simem:s7], [sflag:s8] =	dma.local @!p0 [hbm:s6], $0xF7A  }
0x23: {  	s9 =	sor.u32 $0xD0000000, s2;
	s6 =	simm.s32 $0x108;
	_ =	swait.ge @!p0 [sflag:s8], $0x0  }
0x24: {  	s3 =	sadd.s32 $0x88, s3;
	s6 =	simm.s32 @!p1 $0x1082;
	[sflag:s4] =	ssyncset.s32 $0xFFFFF086  }
0x25: {  	[simem:s6], [sflag:s4] =	dma.local [hbm:s3], $0xF7A  }
0x26: {  	[smem:$0x3F94] =	sst s1;
	(tag) =	ssettag s2;
	_ =	strace s9  }
0x27: {  	s1 =	sld [smem:$0x3FA4]  }
0x28: {  	s2 =	sld [smem:$0x3FA5]  }
0x29: {  	s4 =	sld [smem:$0x3FA7]  }
0x2a: {  	p0 =	seq.s32 s5, $0x0;
	s5 =	sld [smem:$0x3FA8]  }
0x2b: {  	s6 =	sld [smem:$0x3FA9]  }
0x2c: {  	s7 =	sld [smem:$0x3FAA]  }
0x2d: {  	s3 =	simm.s32 $0x108;
	s8 =	sld [smem:$0x3FAB]  }
0x2e: {  	s3 =	simm.s32 @!p0 $0x1082;
	s9 =	sld [smem:$0x3FAC]  }
0x2f: {  	lr =	sadd.s32 s0, s3;
	s0 =	sld [smem:$0x3FA3]  }
0x30: {  	s3 =	sld [smem:$0x3FA6]  }
0x31: {  	[smem:$0x3FAF] =	sst s10  }
0x32: {  	s10 =	sld [smem:$0x3FAD];
	_ =	sdelay $0x3  }
0x33: {  	p0 =	seq.s32 s10, $0x1;
	s10 =	sld [smem:$0x3FAF];
	_ =	sdelay $0x3  }
0x34: {  	[smem:$0x3FAF] =	sst s10  }
0x35: {  	s10 =	sld [smem:$0x3FAE];
	_ =	sdelay $0x3  }
0x36: {  	p1 =	seq.s32 s10, $0x1;
	s10 =	sld [smem:$0x3FAF];
	_ =	sdelay $0x3  }
0x37: {  	[smem:$0x3FAF] =	sst s10  }
0x38: {  	s10 =	sld [smem:$0x3FB0]  }
0x39: {  	_ = 	snop;
	(pc) =	sbr.ind lr, $3  }
0x3a: {  	_ = 	snop  }
0x3b: {  	_ = 	snop  }
0x3c: {  	p2 =	seq.s32 s10, $0x1;
	s10 =	sld [smem:$0x3FAF]  }
0x3d: {  	_ =	shalt  }
0x3e: {  	_ =	shalt  }
0x3f: {  	_ =	shalt  }
0x40: {  	_ =	shalt  }
0x41: {  	_ =	shalt  }
0x42: {  	_ =	shalt  }
0x43: {  	_ =	shalt  }
0x44: {  	_ =	shalt  }
0x45: {  	_ =	shalt  }
0x46: {  	_ =	shalt  }
0x47: {  	_ =	shalt  }
0x48: {  	_ =	shalt  }
0x49: {  	_ =	shalt  }
0x4a: {  	_ =	shalt  }
0x4b: {  	_ =	shalt  }
0x4c: {  	_ =	shalt  }
0x4d: {  	_ =	shalt  }
0x4e: {  	_ =	shalt  }
0x4f: {  	_ =	shalt  }
0x50: {  	_ =	shalt  }
0x51: {  	_ =	shalt  }
0x52: {  	_ =	shalt  }
0x53: {  	_ =	shalt  }
0x54: {  	_ =	shalt  }
0x55: {  	_ =	shalt  }
0x56: {  	_ =	shalt  }
0x57: {  	_ =	shalt  }
0x58: {  	_ =	shalt  }
0x59: {  	_ =	shalt  }
0x5a: {  	_ =	shalt  }
0x5b: {  	_ =	shalt  }
0x5c: {  	_ =	shalt  }
0x5d: {  	_ =	shalt  }
0x5e: {  	_ =	shalt  }
0x5f: {  	_ =	shalt  }
0x60: {  	_ =	shalt  }
0x61: {  	_ =	shalt  }
0x62: {  	_ =	shalt  }
0x63: {  	_ =	shalt  }
0x64: {  	_ =	shalt  }
0x65: {  	_ =	shalt  }
0x66: {  	_ =	shalt  }
0x67: {  	_ =	shalt  }
0x68: {  	_ =	shalt  }
0x69: {  	_ =	shalt  }
0x6a: {  	_ =	shalt  }
0x6b: {  	_ =	shalt  }
0x6c: {  	_ =	shalt  }
0x6d: {  	_ =	shalt  }
0x6e: {  	_ =	shalt  }
0x6f: {  	_ =	shalt  }
0x70: {  	_ =	shalt  }
0x71: {  	_ =	shalt  }
0x72: {  	_ =	shalt  }
0x73: {  	_ =	shalt  }
0x74: {  	_ =	shalt  }
0x75: {  	_ =	shalt  }
0x76: {  	_ =	shalt  }
0x77: {  	_ =	shalt  }
0x78: {  	_ =	shalt  }
0x79: {  	_ =	shalt  }
0x7a: {  	_ =	shalt  }
0x7b: {  	_ =	shalt  }
0x7c: {  	_ =	shalt  }
0x7d: {  	_ =	shalt  }
0x7e: {  	_ =	shalt  }
0x7f: {  	_ =	shalt  }
0x80: {  	_ =	shalt  }
0x81: {  	_ =	shalt  }
0x82: {  	_ =	shalt  }
0x83: {  	_ =	shalt  }
0x84: {  	_ =	shalt  }
0x85: {  	_ =	shalt  }
0x86: {  	_ =	shalt  }
0x87: {  	_ =	shalt  }
.Lfunc_end0:
.L_simem_size_0:
called_computation.3_lowered:
.L_overlay_start_0:
0x88: {  	s2 =	sld [smem:$0x3FD9]  }
0x89: {  	s3 =	sld [smem:$0x3FFE];
	_ =	sdelay $0x1  }
0x8a: {  	s1 =	srdreg.scid  }
0x8b: {  	s0 =	sand.u32 $0x1, s1  }
0x8c: {  	s16 =	sshll.u32 s0, $0xA;
	s2 =	sadd.s32 s3, s2  }
0x8d: {  	s2 =	sadd.s32 s2, s16  }
0x8e: {  	[smem:$0x3FBB] =	sst s2  }
0x8f: {  	_ = 	snop  }
0x90: {  	(tm) =	ssettm $0x1  }
0x91: {  	s17 =	sld [smem:$0x3FFB];
	_ =	sdelay $0x3  }
0x92: {  	_ =	strace s17  }
0x93: {  	s2 =	sld [smem:$0x3FFC];
	_ =	sdelay $0x3  }
0x94: {  	_ =	strace s2  }
0x95: {  	s2 =	sld [smem:$0x3FFD];
	_ =	sdelay $0x3  }
0x96: {  	_ =	strace s2  }
0x97: {  	_ =	strace $0x8FFFFFFF  }
0x98: {  	s18 =	sld [smem:$0x3FDB];
	_ =	sdelay $0x1  }
0x99: {  	s19 =	simm.s32 $_scs_section_size  }
0x9a: {  	s4 =	simm.s32 $_size__tile_overlayer_lowered;
	s5 =	simm.s32 $_tile_overlayer_lowered  }
0x9b: {  	s22 =	simm.s32 $0x1BFF;
	s21 =	sshll.u32 s5, $0x1;
	s2 =	sadd.s32 s19, s18  }
0x9c: {  	s6 =	simm.s32 $0x0;
	s20 =	sshll.u32 s4, $0x1;
	s4 =	sadd.s32 s21, s2  }
0x9d: {  	[timem:s6], [sflag:s22] =	dma.local [hbm:s4], s20  }
0x9e: {  	_ =	swait.ge [sflag:s22], s20  }
0x9f: {  	s3 =	ssub.s32 $0x0, s20;
	[sflag:s22] =	ssyncset.done $0x0  }
0xa0: {  	[sflag:s22] =	ssyncadd.s32 s3;
	_ =	sdelay $0x1  }
0xa1: {  	s23 =	simm.s32 $0x1B8B  }
0xa2: {  	_ =	swait.ge [sflag:s23], $0x1  }
0xa3: {  	[sflag:s23] =	ssyncset.done $0x0  }
0xa4: {  	s25 =	simm.s32 $0x1B8E;
	s24 =	sld [smem:$0x3FFE];
	[sflag:s23] =	ssyncadd.s32 $0xFFFFFFFF  }
0xa5: {  	s26 =	simm.s32 $execute0_lowered;
	[smem:$0x3FD2] =	sst s25  }
0xa6: {  	s4 =	sshll.u32 s26, $0x1;
	_ =	strace $0x8000004F;
	[dreg:$0x1] =	wrdreg $0xFFFFFFFF  }
0xa7: {  	s28 =	simm.s32 $_size_execute0_lowered;
	s2 =	sadd.s32 s2, s4;
	[dreg:$0x0] =	wrdreg $0x0  }
0xa8: {  	s4 =	sshll.u32 s28, $0x1;
	[dreg:$0x2] =	wrdreg s2  }
0xa9: {  	[dreg:$0x3] =	wrdreg s4  }
0xaa: {  	[dreg:$0x4] =	wrdreg $0xC0  }
0xab: {  	_ =	task [dreg:s6], $0x5FFFF  }
0xac: {  	[dreg:$0x1] =	wrdreg $0xFFFFFFFF  }
0xad: {  	[dreg:$0x0] =	wrdreg $0x60  }
0xae: {  	[dreg:$0x2] =	wrdreg s24  }
0xaf: {  	[dreg:$0x3] =	wrdreg $0x0  }
0xb0: {  	[dreg:$0x4] =	wrdreg $0x9  }
0xb1: {  	_ =	task.clear_ibuf [dreg:s6], $0x5FFFF;
	_ =	strace $0x9000004F  }
0xb2: {  	s29 =	simm.s32 $0x9;
	_ =	strace $0x80000051  }
0xb3: {  	_ =	swait.ge [sflag:s29], $0x1  }
0xb4: {  	[sflag:s29] =	ssyncadd.s32 $0xFFFFFFFF  }
0xb5: {  	_ =	strace $0x90000051  }
0xb6: {  	_ =	sfence  }
0xb7: {  	s30 =	sld [smem:$0x0];
	_ =	sdelay $0x2  }
0xb8: {  	s31 =	sshll.u32 s1, $0xD;
	s1 =	sshrl.u32 s1, $0x2  }
0xb9: {  	s3 =	sand.u32 $0x4000, s31;
	s1 =	sadd.s32 s1, s30  }
0xba: {  	s0 =	sor.u32 s3, s0;
	s1 =	sshll.u32 s1, $0x11  }
0xbb: {  	s0 =	sor.u32 s1, s0  }
0xbc: {  	s0 =	sadd.s32 $0x8F2B, s0  }
0xbd: {  	[sflag:s0] =	ssyncadd.remote.s32 $0x1  }
0xbe: {  	_ =	sfence.sel $0xFFFF  }
0xbf: {  	[dreg:$0x0] =	wrdreg $0xFFFFFFFF;
	(pc) =	sbr.abs _section_cstart, $3  }
0xc0: {  	[dreg:$0x1] =	wrdreg $0xFFFFFFFF  }
0xc1: {  	_ =	task.clear_ibuf [dreg:s6], $0x2FFFF;
	_ =	strace $0x9FFFFFFF  }
0xc2: {  	(tm) =	ssettm $0x7FFFFFFF  }
0xc3: {  	_ =	shalt  }
tec
execute0_lowered:
.L_overlay_start_1:
0x0: {  	(tag) =	ssettag $0x1  }
0x1: {  	s6 =	rddreg [dreg:$0x0]  }
0x2: {  	s1 =	rddreg [dreg:$0x1];
	s2 =	simm.s32 $0x0  }
0x3: {  	s0 =	simm.s32 $0x14080;
	[smem:$0x7FF] =	sst s2  }
0x4: {  	s16 =	simm.s32 $0x14100;
	_ =	strace $0x80000050;
	[dreg:$0x3] =	wrdreg s0  }
0x5: {  	s17 =	simm.s32 $0x14180;
	[dreg:$0x4] =	wrdreg s16  }
0x6: {  	s18 =	simm.s32 $0x15080;
	[dreg:$0x5] =	wrdreg s17  }
0x7: {  	s19 =	simm.s32 $0x15100;
	[dreg:$0x6] =	wrdreg s18  }
0x8: {  	s20 =	simm.s32 $0x15180;
	[dreg:$0x7] =	wrdreg s19  }
0x9: {  	s21 =	simm.s32 $0x14200;
	[dreg:$0x8] =	wrdreg s20  }
0xa: {  	s22 =	simm.s32 $0x14280;
	[dreg:$0x9] =	wrdreg s21  }
0xb: {  	s23 =	simm.s32 $0x14300;
	[dreg:$0xa] =	wrdreg s22  }
0xc: {  	s24 =	simm.s32 $0x14380;
	[dreg:$0xb] =	wrdreg s23  }
0xd: {  	s25 =	simm.s32 $0x15200;
	[dreg:$0xc] =	wrdreg s24  }
0xe: {  	s26 =	simm.s32 $0x15280;
	[dreg:$0xd] =	wrdreg s25  }
0xf: {  	s3 =	simm.s32 $0x15300;
	[dreg:$0xe] =	wrdreg s26  }
0x10: {  	s4 =	simm.s32 $0x15380;
	[dreg:$0xf] =	wrdreg s3  }
0x11: {  	s5 =	simm.s32 $0x14400;
	[dreg:$0x10] =	wrdreg s4  }
0x12: {  	s7 =	simm.s32 $0x14480;
	[dreg:$0x11] =	wrdreg s5  }
0x13: {  	s8 =	simm.s32 $0x14500;
	[dreg:$0x12] =	wrdreg s7  }
0x14: {  	s9 =	simm.s32 $0x15400;
	[dreg:$0x13] =	wrdreg s8  }
0x15: {  	s10 =	simm.s32 $0x15480;
	[dreg:$0x15] =	wrdreg s9  }
0x16: {  	s11 =	simm.s32 $0x15500;
	[dreg:$0x16] =	wrdreg s10  }
0x17: {  	s13 =	simm.s32 $0x15580;
	[dreg:$0x17] =	wrdreg s11  }
0x18: {  	s14 =	simm.s32 $0x14600;
	[dreg:$0x18] =	wrdreg s13  }
0x19: {  	s15 =	simm.s32 $0x14700;
	[dreg:$0x19] =	wrdreg s14  }
0x1a: {  	s4 =	simm.s32 $0x14580;
	[dreg:$0x1b] =	wrdreg s15  }
0x1b: {  	s9 =	simm.s32 $0x14680;
	[dreg:$0x14] =	wrdreg s4  }
0x1c: {  	s16 =	simm.s32 $0x14780;
	[dreg:$0x1a] =	wrdreg s9  }
0x1d: {  	s17 =	simm.s32 $0x15600;
	[dreg:$0x1c] =	wrdreg s16  }
0x1e: {  	s18 =	simm.s32 $0x15680;
	[dreg:$0x1d] =	wrdreg s17  }
0x1f: {  	s20 =	simm.s32 $0x15700;
	[dreg:$0x1e] =	wrdreg s18  }
0x20: {  	s12 =	stileid.u32;
	s21 =	simm.s32 $0x15780;
	[dreg:$0x1f] =	wrdreg s20  }
0x21: {  	s28 =	simm.s32 $0x4;
	s22 =	simm.s32 $0x14880;
	[smem:$0x7D7] =	sst s21  }
0x22: {  	s29 =	simm.s32 $0x5;
	s24 =	simm.s32 $0x14900;
	[smem:$0x7D8] =	sst s22  }
0x23: {  	s30 =	simm.s32 $0x6;
	s25 =	simm.s32 $0x14980;
	[smem:$0x7D9] =	sst s24  }
0x24: {  	s31 =	simm.s32 $0x7;
	s26 =	simm.s32 $0x15880;
	[smem:$0x7DA] =	sst s25  }
0x25: {  	s3 =	sadd.s32 $0x36E00, s6;
	s13 =	simm.s32 $0x15900;
	[smem:$0x7DB] =	sst s26  }
0x26: {  	s0 =	sadd.s32 $0x22E00, s6;
	s14 =	simm.s32 $0x15980;
	[smem:$0x7DC] =	sst s13  }
0x27: {  	s5 =	srdreg.scid;
	s15 =	simm.s32 $0x14A00;
	[smem:$0x7DD] =	sst s14  }
0x28: {  	s7 =	smul.u32 $0x14000, s12;
	[smem:$0x7DF] =	sst s15;
	s16 =	simm.s32 $0x14A80  }
0x29: {  	s11 =	smul.u32 $0x50000, s12;
	s17 =	simm.s32 $0x14B00;
	[smem:$0x7E0] =	sst s16  }
0x2a: {  	s5 =	sand.u32 $0x1, s5;
	s13 =	sshll.u32 s12, $0x6;
	[smem:$0x7E1] =	sst s17  }
0x2b: {  	s4 =	sadd.s32 $0xEE00, s6;
	s21 =	simm.s32 $0x15A00;
	[smem:$0x7E2] =	sst s13  }
0x2c: {  	s24 =	simm.s32 $0x15B00;
	s25 =	simm.s32 $0x15B80;
	[smem:$0x7E6] =	sst s21  }
0x2d: {  	s14 =	simm.s32 $0x14D80;
	s15 =	simm.s32 $0x15C00;
	[smem:$0x7EA] =	sst s24  }
0x2e: {  	s8 =	smul.u32 $0x140000, s5;
	s19 =	ssub.s32 $0x2, s5;
	[smem:$0x7EC] =	sst s25  }
0x2f: {  	s23 =	sshll.u32 s5, $0x4;
	s11 =	sshrl.u32 s11, $0x2;
	[smem:$0x7F0] =	sst s14  }
0x30: {  	s20 =	sor.u32 $0x1C0B, s13;
	s5 =	smul.u32 $0xA000, s5;
	[smem:$0x7F1] =	sst s15  }
0x31: {  	s13 =	simm.s32 $0x14D00;
	s16 =	simm.s32 $0x15C80;
	[smem:$0x7E3] =	sst s20  }
0x32: {  	s17 =	simm.s32 $0x15D00;
	s15 =	simm.s32 $0x14000;
	[smem:$0x7EF] =	sst s13  }
0x33: {  	s21 =	simm.s32 $0x14F00;
	s24 =	simm.s32 $0x15E80;
	[smem:$0x7F2] =	sst s16  }
0x34: {  	s25 =	simm.s32 $0x15F00;
	s10 =	sshrl.u32 s19, $0x1;
	[smem:$0x7F3] =	sst s17  }
0x35: {  	s11 =	sadd.s32 s11, s1;
	s16 =	simm.s32 $0x15000;
	[smem:$0x7F7] =	sst s21  }
0x36: {  	s20 =	simm.s32 $0x14E80;
	s21 =	simm.s32 $0x40;
	[smem:$0x7FA] =	sst s24  }
0x37: {  	[smem:$0x7FB] =	sst s25;
	s24 =	simm.s32 $0x1A000;
	s25 =	simm.s32 $0x1C000  }
0x38: {  	s8 =	sadd.s32 s7, s8;
	s9 =	ssub.s32 s19, s10;
	s10 =	sor.u32 s12, s23  }
0x39: {  	s7 =	sshrl.u32 s7, $0x3;
	s19 =	simm.s32 $0x14B80;
	[smem:$0x7F6] =	sst s20  }
0x3a: {  	s23 =	simm.s32 $0x15A80;
	s20 =	simm.s32 $0x15800;
	[smem:$0x7E4] =	sst s19  }
0x3b: {  	s8 =	sshrl.u32 s8, $0x3;
	s7 =	sadd.s32 s3, s7;
	[smem:$0x7E8] =	sst s23  }
0x3c: {  	s18 =	smul.u32 $0xA00, s10;
	s26 =	smax.u32 s9, $0x1;
	[smem:$0x7DE] =	sst s7  }
0x3d: {  	s9 =	simm.s32 $0x14C80;
	s10 =	smul.u32 $0xA00, s12;
	[smem:$0x7EB] =	sst s26  }
0x3e: {  	s19 =	simm.s32 $0x14E00;
	s23 =	simm.s32 $0x15E00;
	[smem:$0x7EE] =	sst s9  }
0x3f: {  	s6 =	sadd.s32 s8, s6;
	[smem:$0x7F5] =	sst s19;
	s19 =	simm.s32 $0x14800  }
0x40: {  	[smem:$0x7F9] =	sst s23;
	s26 =	simm.s32 $0x15F80;
	s23 =	simm.s32 $0x18000  }
0x41: {  	s7 =	simm.s32 $0x2;
	s9 =	simm.s32 $0x0;
	s22 =	sadd.s32 s0, s18  }
0x42: {  	s8 =	sadd.s32 s4, s18;
	s6 =	sadd.s32 $0x5EE00, s6;
	[smem:$0x7FC] =	sst s26  }
0x43: {  	s0 =	sadd.s32 s5, s0;
	s4 =	sadd.s32 s5, s4;
	[smem:$0x7E5] =	sst s22  }
0x44: {  	s18 =	simm.s32 $0x15D80;
	s26 =	simm.s32 $0x3;
	[smem:$0x7E7] =	sst s8  }
0x45: {  	s5 =	simm.s32 $0xA;
	[smem:$0x7E9] =	sst s6;
	s8 =	simm.s32 $0x14C00  }
0x46: {  	s12 =	sadd.s32 s10, s0;
	s13 =	sadd.s32 s10, s4;
	[smem:$0x7F4] =	sst s18  }
0x47: {  	s10 =	sshrl.u32 s11, $0x3;
	s22 =	simm.s32 $0x14F80;
	[smem:$0x7ED] =	sst s8  }
0x48: {  	s18 =	simm.s32 $0x1;
	s0 =	simm.s32 $0x8;
	[smem:$0x7F8] =	sst s22  }
0x49: {  	s4 =	simm.s32 $0x9;
	s22 =	simm.s32 $0x16000;
	[smem:$0x7FD] =	sst s10  }
.LBB2_1:
0x4a: {  	s6 =	sld [smem:$0x7DE]  }
0x4b: {  	s8 =	sld [smem:$0x7E3];
	_ =	sdelay $0x2  }
0x4c: {  	[spmem:s10], [sflag:s8] =	dma.local [hbm:s6], $0x2800  }
0x4d: {  	s6 =	sld [smem:$0x7E5];
	_ =	sdelay $0x1  }
0x4e: {  	s8 =	sld [smem:$0x7E7]  }
0x4f: {  	[tilespmem:s15], [sflag:$0x1] =	stream.linear.gather [hbm4b:s6+s2], $0x800, $0x38;
	[tilespmem:$0x1E000] =	vst v63  }
0x50: {  	s10 =	simm.s32 $0xB  }
0x51: {  	[tilespmem:s16], [sflag:$0x1] =	stream.linear.gather [hbm4b:s8+s2], $0x800, $0x38;
	[tilespmem:$0x1E000] =	vst v63  }
0x52: {  	_ =	swait.ge [sflag:s10], $0x2800  }
0x53: {  	[sflag:s10] =	ssyncset.done $0x0  }
0x54: {  	[sflag:s10] =	ssyncadd.s32 $0xFFFFD800  }
0x55: {  	[bflag:$0x0] =	sbarrier.arrive $0xFFFF  }
0x56: {  	_ =	swait.ge [sflag:s18], $0x800  }
0x57: {  	[sflag:s18] =	ssyncset.done $0x0  }
0x58: {  	[sflag:s18] =	ssyncadd.s32 $0xFFFFF800  }
0x59: {  	_ =	swait.ge [sflag:s18], $0x800  }
0x5a: {  	p0 =	por $0x1, $0x1;
	[sflag:s18] =	ssyncset.done $0x0  }
0x5b: {  	s6 =	simm.s32 @!p0 $0x7;
	[sflag:s18] =	ssyncadd.s32 $0xFFFFF800  }
0x5c: {  	_ =	swait.ge @!p0 [sflag:s6], $0x2000  }
0x5d: {  	[sflag:s6] =	ssyncset.done @!p0 $0x0  }
0x5e: {  	[sflag:s6] =	ssyncadd.s32 @!p0 $0xFFFFE000;
	s6 =	simm.s32 @!p0 $0x8  }
0x5f: {  	_ =	swait.ge @!p0 [sflag:s6], $0x2000  }
0x60: {  	[sflag:s6] =	ssyncset.done @!p0 $0x0  }
0x61: {  	[sflag:s6] =	ssyncadd.s32 @!p0 $0xFFFFE000;
	s6 =	simm.s32 @!p0 $0x9  }
0x62: {  	_ =	swait.ge @!p0 [sflag:s6], $0x2000  }
0x63: {  	[sflag:s6] =	ssyncset.done @!p0 $0x0  }
0x64: {  	[sflag:s6] =	ssyncadd.s32 @!p0 $0xFFFFE000;
	s6 =	simm.s32 @!p0 $0xA  }
0x65: {  	_ =	swait.ge @!p0 [sflag:s6], $0x2000  }
0x66: {  	s11 =	sadd.s32 $0x0, s12;
	[sflag:s6] =	ssyncset.done @!p0 $0x0  }
0x67: {  	s17 =	sadd.s32 $0x0, s13;
	s14 =	sadd.s32 $0x100, s11;
	[sflag:s6] =	ssyncadd.s32 @!p0 $0xFFFFE000  }
0x68: {  	[tilespmem:s19], [sflag:$0x2] =	stream.linear.gather [hbm4b:s14+s2], $0x800, $0x38;
	[tilespmem:$0x1E000] =	vst v63  }
0x69: {  	s8 =	sadd.s32 $0x100, s17  }
0x6a: {  	[tilespmem:s20], [sflag:$0x2] =	stream.linear.gather [hbm4b:s8+s2], $0x800, $0x38;
	[tilespmem:$0x1E000] =	vst v63  }
0x6b: {  	_ = 	snop  }
0x6c: {  	[tilespmem:s22], [sflag:$0x3] =	stream.indirect.gather [hbm4b:s3+s21], $0x80, s15, s21, $0xb8;
	[tilespmem:$0x1E000] =	vst v63  }
0x6d: {  	s10 =	rddreg [dreg:$0x3]  }
0x6e: {  	[tilespmem:s23], [sflag:$0x4] =	stream.indirect.gather [hbm4b:s3+s21], $0x80, s10, s21, $0xb8;
	[tilespmem:$0x1E000] =	vst v63  }
0x6f: {  	s11 =	rddreg [dreg:$0x4]  }
0x70: {  	[tilespmem:s24], [sflag:$0x5] =	stream.indirect.gather [hbm4b:s3+s21], $0x80, s11, s21, $0xb8;
	[tilespmem:$0x1E000] =	vst v63  }
0x71: {  	s14 =	rddreg [dreg:$0x5]  }
0x72: {  	[tilespmem:s25], [sflag:$0x6] =	stream.indirect.gather [hbm4b:s3+s21], $0x80, s14, s21, $0xb8;
	[tilespmem:$0x1E000] =	vst v63  }
0x73: {  	_ =	swait.ge [sflag:s26], $0x2000  }
0x74: {  	[sflag:s26] =	ssyncset.done $0x0  }
0x75: {  	[sflag:s26] =	ssyncadd.s32 $0xFFFFE000  }
0x76: {  	[spmem:s1] =	stream.indirect.scatter.add.f32 [tilespmem:s22], [sflag:$0x7], $0x80, s16, s21, $0xb8;
	[tilespmem:$0x1E000] =	vst v63  }
0x77: {  	_ =	swait.ge [sflag:s28], $0x2000  }
0x78: {  	[sflag:s28] =	ssyncset.done $0x0  }
0x79: {  	s17 =	rddreg [dreg:$0x6];
	[sflag:s28] =	ssyncadd.s32 $0xFFFFE000  }
0x7a: {  	[spmem:s1] =	stream.indirect.scatter.add.f32 [tilespmem:s23], [sflag:$0x8], $0x80, s17, s21, $0xb8;
	[tilespmem:$0x1E000] =	vst v63  }
0x7b: {  	_ =	swait.ge [sflag:s29], $0x2000  }
0x7c: {  	[sflag:s29] =	ssyncset.done $0x0  }
0x7d: {  	s8 =	rddreg [dreg:$0x7];
	[sflag:s29] =	ssyncadd.s32 $0xFFFFE000  }
0x7e: {  	[spmem:s1] =	stream.indirect.scatter.add.f32 [tilespmem:s24], [sflag:$0x9], $0x80, s8, s21, $0xb8;
	[tilespmem:$0x1E000] =	vst v63  }
0x7f: {  	_ =	swait.ge [sflag:s30], $0x2000  }
0x80: {  	[sflag:s30] =	ssyncset.done $0x0  }
0x81: {  	s10 =	rddreg [dreg:$0x8];
	[sflag:s30] =	ssyncadd.s32 $0xFFFFE000  }
0x82: {  	[spmem:s1] =	stream.indirect.scatter.add.f32 [tilespmem:s25], [sflag:$0xA], $0x80, s10, s21, $0xb8;
	[tilespmem:$0x1E000] =	vst v63  }
0x83: {  	_ =	swait.ge [sflag:s31], $0x2000  }
0x84: {  	[sflag:s31] =	ssyncset.done $0x0  }
0x85: {  	s11 =	rddreg [dreg:$0x9];
	[sflag:s31] =	ssyncadd.s32 $0xFFFFE000  }
0x86: {  	[tilespmem:s22], [sflag:$0x3] =	stream.indirect.gather [hbm4b:s3+s21], $0x80, s11, s21, $0xb8;
	[tilespmem:$0x1E000] =	vst v63  }
0x87: {  	_ =	swait.ge [sflag:s0], $0x2000  }
0x88: {  	[sflag:s0] =	ssyncset.done $0x0  }
0x89: {  	s14 =	rddreg [dreg:$0xa];
	[sflag:s0] =	ssyncadd.s32 $0xFFFFE000  }
0x8a: {  	[tilespmem:s23], [sflag:$0x4] =	stream.indirect.gather [hbm4b:s3+s21], $0x80, s14, s21, $0xb8;
	[tilespmem:$0x1E000] =	vst v63  }
0x8b: {  	_ =	swait.ge [sflag:s4], $0x2000  }
0x8c: {  	[sflag:s4] =	ssyncset.done $0x0  }
0x8d: {  	s17 =	rddreg [dreg:$0xb];
	[sflag:s4] =	ssyncadd.s32 $0xFFFFE000  }
0x8e: {  	[tilespmem:s24], [sflag:$0x5] =	stream.indirect.gather [hbm4b:s3+s21], $0x80, s17, s21, $0xb8;
	[tilespmem:$0x1E000] =	vst v63  }
0x8f: {  	_ =	swait.ge [sflag:s5], $0x2000  }
0x90: {  	[sflag:s5] =	ssyncset.done $0x0  }
0x91: {  	s8 =	rddreg [dreg:$0xc];
	[sflag:s5] =	ssyncadd.s32 $0xFFFFE000  }
0x92: {  	[tilespmem:s25], [sflag:$0x6] =	stream.indirect.gather [hbm4b:s3+s21], $0x80, s8, s21, $0xb8;
	[tilespmem:$0x1E000] =	vst v63  }
0x93: {  	_ =	swait.ge [sflag:s26], $0x2000  }
0x94: {  	[sflag:s26] =	ssyncset.done $0x0  }
0x95: {  	s10 =	rddreg [dreg:$0xd];
	[sflag:s26] =	ssyncadd.s32 $0xFFFFE000  }
0x96: {  	[spmem:s1] =	stream.indirect.scatter.add.f32 [tilespmem:s22], [sflag:$0x7], $0x80, s10, s21, $0xb8;
	[tilespmem:$0x1E000] =	vst v63  }
0x97: {  	_ =	swait.ge [sflag:s28], $0x2000  }
0x98: {  	[sflag:s28] =	ssyncset.done $0x0  }
0x99: {  	s11 =	rddreg [dreg:$0xe];
	[sflag:s28] =	ssyncadd.s32 $0xFFFFE000  }
0x9a: {  	[spmem:s1] =	stream.indirect.scatter.add.f32 [tilespmem:s23], [sflag:$0x8], $0x80, s11, s21, $0xb8;
	[tilespmem:$0x1E000] =	vst v63  }
0x9b: {  	_ =	swait.ge [sflag:s29], $0x2000  }
0x9c: {  	[sflag:s29] =	ssyncset.done $0x0  }
0x9d: {  	s14 =	rddreg [dreg:$0xf];
	[sflag:s29] =	ssyncadd.s32 $0xFFFFE000  }
0x9e: {  	[spmem:s1] =	stream.indirect.scatter.add.f32 [tilespmem:s24], [sflag:$0x9], $0x80, s14, s21, $0xb8;
	[tilespmem:$0x1E000] =	vst v63  }
0x9f: {  	_ =	swait.ge [sflag:s30], $0x2000  }
0xa0: {  	[sflag:s30] =	ssyncset.done $0x0  }
0xa1: {  	s17 =	rddreg [dreg:$0x10];
	[sflag:s30] =	ssyncadd.s32 $0xFFFFE000  }
0xa2: {  	[spmem:s1] =	stream.indirect.scatter.add.f32 [tilespmem:s25], [sflag:$0xA], $0x80, s17, s21, $0xb8;
	[tilespmem:$0x1E000] =	vst v63  }
0xa3: {  	_ =	swait.ge [sflag:s31], $0x2000  }
0xa4: {  	[sflag:s31] =	ssyncset.done $0x0  }
0xa5: {  	s8 =	rddreg [dreg:$0x11];
	[sflag:s31] =	ssyncadd.s32 $0xFFFFE000  }
0xa6: {  	[tilespmem:s22], [sflag:$0x3] =	stream.indirect.gather [hbm4b:s3+s21], $0x80, s8, s21, $0xb8;
	[tilespmem:$0x1E000] =	vst v63  }
0xa7: {  	_ =	swait.ge [sflag:s0], $0x2000  }
0xa8: {  	[sflag:s0] =	ssyncset.done $0x0  }
0xa9: {  	s10 =	rddreg [dreg:$0x12];
	[sflag:s0] =	ssyncadd.s32 $0xFFFFE000  }
0xaa: {  	[tilespmem:s23], [sflag:$0x4] =	stream.indirect.gather [hbm4b:s3+s21], $0x80, s10, s21, $0xb8;
	[tilespmem:$0x1E000] =	vst v63  }
0xab: {  	_ =	swait.ge [sflag:s4], $0x2000  }
0xac: {  	[sflag:s4] =	ssyncset.done $0x0  }
0xad: {  	s11 =	rddreg [dreg:$0x13];
	[sflag:s4] =	ssyncadd.s32 $0xFFFFE000  }
0xae: {  	[tilespmem:s24], [sflag:$0x5] =	stream.indirect.gather [hbm4b:s3+s21], $0x80, s11, s21, $0xb8;
	[tilespmem:$0x1E000] =	vst v63  }
0xaf: {  	_ =	swait.ge [sflag:s5], $0x2000  }
0xb0: {  	[sflag:s5] =	ssyncset.done $0x0  }
0xb1: {  	s14 =	rddreg [dreg:$0x14];
	[sflag:s5] =	ssyncadd.s32 $0xFFFFE000  }
0xb2: {  	[tilespmem:s25], [sflag:$0x6] =	stream.indirect.gather [hbm4b:s3+s21], $0x80, s14, s21, $0xb8;
	[tilespmem:$0x1E000] =	vst v63  }
0xb3: {  	_ =	swait.ge [sflag:s26], $0x2000  }
0xb4: {  	[sflag:s26] =	ssyncset.done $0x0  }
0xb5: {  	s17 =	rddreg [dreg:$0x15];
	[sflag:s26] =	ssyncadd.s32 $0xFFFFE000  }
0xb6: {  	[spmem:s1] =	stream.indirect.scatter.add.f32 [tilespmem:s22], [sflag:$0x7], $0x80, s17, s21, $0xb8;
	[tilespmem:$0x1E000] =	vst v63  }
0xb7: {  	_ =	swait.ge [sflag:s28], $0x2000  }
0xb8: {  	[sflag:s28] =	ssyncset.done $0x0  }
0xb9: {  	s8 =	rddreg [dreg:$0x16];
	[sflag:s28] =	ssyncadd.s32 $0xFFFFE000  }
0xba: {  	[spmem:s1] =	stream.indirect.scatter.add.f32 [tilespmem:s23], [sflag:$0x8], $0x80, s8, s21, $0xb8;
	[tilespmem:$0x1E000] =	vst v63  }
0xbb: {  	_ =	swait.ge [sflag:s29], $0x2000  }
0xbc: {  	[sflag:s29] =	ssyncset.done $0x0  }
0xbd: {  	s10 =	rddreg [dreg:$0x17];
	[sflag:s29] =	ssyncadd.s32 $0xFFFFE000  }
0xbe: {  	[spmem:s1] =	stream.indirect.scatter.add.f32 [tilespmem:s24], [sflag:$0x9], $0x80, s10, s21, $0xb8;
	[tilespmem:$0x1E000] =	vst v63  }
0xbf: {  	_ =	swait.ge [sflag:s30], $0x2000  }
0xc0: {  	[sflag:s30] =	ssyncset.done $0x0  }
0xc1: {  	s11 =	rddreg [dreg:$0x18];
	[sflag:s30] =	ssyncadd.s32 $0xFFFFE000  }
0xc2: {  	[spmem:s1] =	stream.indirect.scatter.add.f32 [tilespmem:s25], [sflag:$0xA], $0x80, s11, s21, $0xb8;
	[tilespmem:$0x1E000] =	vst v63  }
0xc3: {  	_ =	swait.ge [sflag:s31], $0x2000  }
0xc4: {  	[sflag:s31] =	ssyncset.done $0x0  }
0xc5: {  	s14 =	rddreg [dreg:$0x19];
	[sflag:s31] =	ssyncadd.s32 $0xFFFFE000  }
0xc6: {  	[tilespmem:s22], [sflag:$0x3] =	stream.indirect.gather [hbm4b:s3+s21], $0x80, s14, s21, $0xb8;
	[tilespmem:$0x1E000] =	vst v63  }
0xc7: {  	_ =	swait.ge [sflag:s0], $0x2000  }
0xc8: {  	[sflag:s0] =	ssyncset.done $0x0  }
0xc9: {  	s17 =	rddreg [dreg:$0x1a];
	[sflag:s0] =	ssyncadd.s32 $0xFFFFE000  }
0xca: {  	[tilespmem:s23], [sflag:$0x4] =	stream.indirect.gather [hbm4b:s3+s21], $0x80, s17, s21, $0xb8;
	[tilespmem:$0x1E000] =	vst v63  }
0xcb: {  	_ =	swait.ge [sflag:s4], $0x2000  }
0xcc: {  	[sflag:s4] =	ssyncset.done $0x0  }
0xcd: {  	s8 =	rddreg [dreg:$0x1b];
	[sflag:s4] =	ssyncadd.s32 $0xFFFFE000  }
0xce: {  	[tilespmem:s24], [sflag:$0x5] =	stream.indirect.gather [hbm4b:s3+s21], $0x80, s8, s21, $0xb8;
	[tilespmem:$0x1E000] =	vst v63  }
0xcf: {  	_ =	swait.ge [sflag:s5], $0x2000  }
0xd0: {  	[sflag:s5] =	ssyncset.done $0x0  }
0xd1: {  	s10 =	rddreg [dreg:$0x1c];
	[sflag:s5] =	ssyncadd.s32 $0xFFFFE000  }
0xd2: {  	[tilespmem:s25], [sflag:$0x6] =	stream.indirect.gather [hbm4b:s3+s21], $0x80, s10, s21, $0xb8;
	[tilespmem:$0x1E000] =	vst v63  }
0xd3: {  	_ =	swait.ge [sflag:s26], $0x2000  }
0xd4: {  	[sflag:s26] =	ssyncset.done $0x0  }
0xd5: {  	s11 =	rddreg [dreg:$0x1d];
	[sflag:s26] =	ssyncadd.s32 $0xFFFFE000  }
0xd6: {  	[spmem:s1] =	stream.indirect.scatter.add.f32 [tilespmem:s22], [sflag:$0x7], $0x80, s11, s21, $0xb8;
	[tilespmem:$0x1E000] =	vst v63  }
0xd7: {  	_ =	swait.ge [sflag:s28], $0x2000  }
0xd8: {  	[sflag:s28] =	ssyncset.done $0x0  }
0xd9: {  	s14 =	rddreg [dreg:$0x1e];
	[sflag:s28] =	ssyncadd.s32 $0xFFFFE000  }
0xda: {  	[spmem:s1] =	stream.indirect.scatter.add.f32 [tilespmem:s23], [sflag:$0x8], $0x80, s14, s21, $0xb8;
	[tilespmem:$0x1E000] =	vst v63  }
0xdb: {  	_ =	swait.ge [sflag:s29], $0x2000  }
0xdc: {  	[sflag:s29] =	ssyncset.done $0x0  }
0xdd: {  	s17 =	rddreg [dreg:$0x1f];
	[sflag:s29] =	ssyncadd.s32 $0xFFFFE000  }
0xde: {  	[spmem:s1] =	stream.indirect.scatter.add.f32 [tilespmem:s24], [sflag:$0x9], $0x80, s17, s21, $0xb8;
	[tilespmem:$0x1E000] =	vst v63  }
0xdf: {  	_ =	swait.ge [sflag:s30], $0x2000  }
0xe0: {  	s8 =	sld [smem:$0x7D7]  }
0xe1: {  	[sflag:s30] =	ssyncset.done $0x0  }
0xe2: {  	[sflag:s30] =	ssyncadd.s32 $0xFFFFE000  }
0xe3: {  	[spmem:s1] =	stream.indirect.scatter.add.f32 [tilespmem:s25], [sflag:$0xA], $0x80, s8, s21, $0xb8;
	[tilespmem:$0x1E000] =	vst v63  }
0xe4: {  	_ =	swait.ge [sflag:s7], $0x800  }
0xe5: {  	[sflag:s7] =	ssyncset.done $0x0  }
0xe6: {  	[sflag:s7] =	ssyncadd.s32 $0xFFFFF800  }
0xe7: {  	_ =	swait.ge [sflag:s7], $0x800  }
0xe8: {  	[sflag:s7] =	ssyncset.done $0x0  }
0xe9: {  	[sflag:s7] =	ssyncadd.s32 $0xFFFFF800  }
0xea: {  	_ =	swait.ge [sflag:s31], $0x2000  }
0xeb: {  	[sflag:s31] =	ssyncset.done $0x0  }
0xec: {  	[sflag:s31] =	ssyncadd.s32 $0xFFFFE000  }
0xed: {  	_ =	swait.ge [sflag:s0], $0x2000  }
0xee: {  	[sflag:s0] =	ssyncset.done $0x0  }
0xef: {  	[sflag:s0] =	ssyncadd.s32 $0xFFFFE000  }
0xf0: {  	_ =	swait.ge [sflag:s4], $0x2000  }
0xf1: {  	[sflag:s4] =	ssyncset.done $0x0  }
0xf2: {  	p0 =	por $0x0, $0x0;
	[sflag:s4] =	ssyncadd.s32 $0xFFFFE000  }
0xf3: {  	s6 =	sadd.s32 @!p0 $0x0, s12;
	_ =	swait.ge [sflag:s5], $0x2000  }
0xf4: {  	s6 =	sadd.s32 @!p0 $0x200, s6;
	[sflag:s5] =	ssyncset.done $0x0  }
0xf5: {  	s10 =	simm.s32 @!p0 $0x0;
	s11 =	simm.s32 @!p0 $0x14000;
	[sflag:s5] =	ssyncadd.s32 $0xFFFFE000  }
0xf6: {  	[tilespmem:s11], [sflag:$0x1] =	stream.linear.gather @!p0 [hbm4b:s6+s10], $0x800, $0x38;
	[tilespmem:$0x1E000] =	vst v63  }
0xf7: {  	s6 =	sadd.s32 @!p0 $0x0, s13  }
0xf8: {  	s11 =	simm.s32 @!p0 $0x15000;
	s6 =	sadd.s32 @!p0 $0x200, s6  }
0xf9: {  	[tilespmem:s11], [sflag:$0x1] =	stream.linear.gather @!p0 [hbm4b:s6+s10], $0x800, $0x38;
	[tilespmem:$0x1E000] =	vst v63  }
0xfa: {  	s10 =	sld [smem:$0x7D8]  }
0xfb: {  	[tilespmem:s22], [sflag:$0x3] =	stream.indirect.gather [hbm4b:s3+s21], $0x80, s19, s21, $0xb8;
	[tilespmem:$0x1E000] =	vst v63  }
0xfc: {  	s11 =	sld [smem:$0x7D9]  }
0xfd: {  	[tilespmem:s23], [sflag:$0x4] =	stream.indirect.gather [hbm4b:s3+s21], $0x80, s10, s21, $0xb8;
	[tilespmem:$0x1E000] =	vst v63  }
0xfe: {  	s14 =	sld [smem:$0x7DA]  }
0xff: {  	[tilespmem:s24], [sflag:$0x5] =	stream.indirect.gather [hbm4b:s3+s21], $0x80, s11, s21, $0xb8;
	[tilespmem:$0x1E000] =	vst v63  }
0x100: {  	_ = 	snop  }
0x101: {  	[tilespmem:s25], [sflag:$0x6] =	stream.indirect.gather [hbm4b:s3+s21], $0x80, s14, s21, $0xb8;
	[tilespmem:$0x1E000] =	vst v63  }
0x102: {  	_ =	swait.ge [sflag:s26], $0x2000  }
0x103: {  	[sflag:s26] =	ssyncset.done $0x0  }
0x104: {  	[sflag:s26] =	ssyncadd.s32 $0xFFFFE000  }
0x105: {  	[spmem:s1] =	stream.indirect.scatter.add.f32 [tilespmem:s22], [sflag:$0x7], $0x80, s20, s21, $0xb8;
	[tilespmem:$0x1E000] =	vst v63  }
0x106: {  	_ =	swait.ge [sflag:s28], $0x2000  }
0x107: {  	s17 =	sld [smem:$0x7DB]  }
0x108: {  	[sflag:s28] =	ssyncset.done $0x0  }
0x109: {  	[sflag:s28] =	ssyncadd.s32 $0xFFFFE000  }
0x10a: {  	[spmem:s1] =	stream.indirect.scatter.add.f32 [tilespmem:s23], [sflag:$0x8], $0x80, s17, s21, $0xb8;
	[tilespmem:$0x1E000] =	vst v63  }
0x10b: {  	_ =	swait.ge [sflag:s29], $0x2000  }
0x10c: {  	s8 =	sld [smem:$0x7DC]  }
0x10d: {  	[sflag:s29] =	ssyncset.done $0x0  }
0x10e: {  	[sflag:s29] =	ssyncadd.s32 $0xFFFFE000  }
0x10f: {  	[spmem:s1] =	stream.indirect.scatter.add.f32 [tilespmem:s24], [sflag:$0x9], $0x80, s8, s21, $0xb8;
	[tilespmem:$0x1E000] =	vst v63  }
0x110: {  	_ =	swait.ge [sflag:s30], $0x2000  }
0x111: {  	s10 =	sld [smem:$0x7DD]  }
0x112: {  	[sflag:s30] =	ssyncset.done $0x0  }
0x113: {  	[sflag:s30] =	ssyncadd.s32 $0xFFFFE000  }
0x114: {  	[spmem:s1] =	stream.indirect.scatter.add.f32 [tilespmem:s25], [sflag:$0xA], $0x80, s10, s21, $0xb8;
	[tilespmem:$0x1E000] =	vst v63  }
0x115: {  	_ =	swait.ge [sflag:s31], $0x2000  }
0x116: {  	s11 =	sld [smem:$0x7DF]  }
0x117: {  	[sflag:s31] =	ssyncset.done $0x0  }
0x118: {  	[sflag:s31] =	ssyncadd.s32 $0xFFFFE000  }
0x119: {  	[tilespmem:s22], [sflag:$0x3] =	stream.indirect.gather [hbm4b:s3+s21], $0x80, s11, s21, $0xb8;
	[tilespmem:$0x1E000] =	vst v63  }
0x11a: {  	_ =	swait.ge [sflag:s0], $0x2000  }
0x11b: {  	s14 =	sld [smem:$0x7E0]  }
0x11c: {  	[sflag:s0] =	ssyncset.done $0x0  }
0x11d: {  	[sflag:s0] =	ssyncadd.s32 $0xFFFFE000  }
0x11e: {  	[tilespmem:s23], [sflag:$0x4] =	stream.indirect.gather [hbm4b:s3+s21], $0x80, s14, s21, $0xb8;
	[tilespmem:$0x1E000] =	vst v63  }
0x11f: {  	_ =	swait.ge [sflag:s4], $0x2000  }
0x120: {  	s17 =	sld [smem:$0x7E1]  }
0x121: {  	[sflag:s4] =	ssyncset.done $0x0  }
0x122: {  	[sflag:s4] =	ssyncadd.s32 $0xFFFFE000  }
0x123: {  	[tilespmem:s24], [sflag:$0x5] =	stream.indirect.gather [hbm4b:s3+s21], $0x80, s17, s21, $0xb8;
	[tilespmem:$0x1E000] =	vst v63  }
0x124: {  	_ =	swait.ge [sflag:s5], $0x2000  }
0x125: {  	s8 =	sld [smem:$0x7E4]  }
0x126: {  	[sflag:s5] =	ssyncset.done $0x0  }
0x127: {  	[sflag:s5] =	ssyncadd.s32 $0xFFFFE000  }
0x128: {  	[tilespmem:s25], [sflag:$0x6] =	stream.indirect.gather [hbm4b:s3+s21], $0x80, s8, s21, $0xb8;
	[tilespmem:$0x1E000] =	vst v63  }
0x129: {  	_ =	swait.ge [sflag:s26], $0x2000  }
0x12a: {  	s10 =	sld [smem:$0x7E6]  }
0x12b: {  	[sflag:s26] =	ssyncset.done $0x0  }
0x12c: {  	[sflag:s26] =	ssyncadd.s32 $0xFFFFE000  }
0x12d: {  	[spmem:s1] =	stream.indirect.scatter.add.f32 [tilespmem:s22], [sflag:$0x7], $0x80, s10, s21, $0xb8;
	[tilespmem:$0x1E000] =	vst v63  }
0x12e: {  	_ =	swait.ge [sflag:s28], $0x2000  }
0x12f: {  	s11 =	sld [smem:$0x7E8]  }
0x130: {  	[sflag:s28] =	ssyncset.done $0x0  }
0x131: {  	[sflag:s28] =	ssyncadd.s32 $0xFFFFE000  }
0x132: {  	[spmem:s1] =	stream.indirect.scatter.add.f32 [tilespmem:s23], [sflag:$0x8], $0x80, s11, s21, $0xb8;
	[tilespmem:$0x1E000] =	vst v63  }
0x133: {  	_ =	swait.ge [sflag:s29], $0x2000  }
0x134: {  	s14 =	sld [smem:$0x7EA]  }
0x135: {  	[sflag:s29] =	ssyncset.done $0x0  }
0x136: {  	[sflag:s29] =	ssyncadd.s32 $0xFFFFE000  }
0x137: {  	[spmem:s1] =	stream.indirect.scatter.add.f32 [tilespmem:s24], [sflag:$0x9], $0x80, s14, s21, $0xb8;
	[tilespmem:$0x1E000] =	vst v63  }
0x138: {  	_ =	swait.ge [sflag:s30], $0x2000  }
0x139: {  	s17 =	sld [smem:$0x7EC]  }
0x13a: {  	[sflag:s30] =	ssyncset.done $0x0  }
0x13b: {  	[sflag:s30] =	ssyncadd.s32 $0xFFFFE000  }
0x13c: {  	[spmem:s1] =	stream.indirect.scatter.add.f32 [tilespmem:s25], [sflag:$0xA], $0x80, s17, s21, $0xb8;
	[tilespmem:$0x1E000] =	vst v63  }
0x13d: {  	_ =	swait.ge [sflag:s31], $0x2000  }
0x13e: {  	s8 =	sld [smem:$0x7ED]  }
0x13f: {  	[sflag:s31] =	ssyncset.done $0x0  }
0x140: {  	[sflag:s31] =	ssyncadd.s32 $0xFFFFE000  }
0x141: {  	[tilespmem:s22], [sflag:$0x3] =	stream.indirect.gather [hbm4b:s3+s21], $0x80, s8, s21, $0xb8;
	[tilespmem:$0x1E000] =	vst v63  }
0x142: {  	_ =	swait.ge [sflag:s0], $0x2000  }
0x143: {  	s10 =	sld [smem:$0x7EE]  }
0x144: {  	[sflag:s0] =	ssyncset.done $0x0  }
0x145: {  	[sflag:s0] =	ssyncadd.s32 $0xFFFFE000  }
0x146: {  	[tilespmem:s23], [sflag:$0x4] =	stream.indirect.gather [hbm4b:s3+s21], $0x80, s10, s21, $0xb8;
	[tilespmem:$0x1E000] =	vst v63  }
0x147: {  	_ =	swait.ge [sflag:s4], $0x2000  }
0x148: {  	s11 =	sld [smem:$0x7EF]  }
0x149: {  	[sflag:s4] =	ssyncset.done $0x0  }
0x14a: {  	[sflag:s4] =	ssyncadd.s32 $0xFFFFE000  }
0x14b: {  	[tilespmem:s24], [sflag:$0x5] =	stream.indirect.gather [hbm4b:s3+s21], $0x80, s11, s21, $0xb8;
	[tilespmem:$0x1E000] =	vst v63  }
0x14c: {  	_ =	swait.ge [sflag:s5], $0x2000  }
0x14d: {  	s14 =	sld [smem:$0x7F0]  }
0x14e: {  	[sflag:s5] =	ssyncset.done $0x0  }
0x14f: {  	[sflag:s5] =	ssyncadd.s32 $0xFFFFE000  }
0x150: {  	[tilespmem:s25], [sflag:$0x6] =	stream.indirect.gather [hbm4b:s3+s21], $0x80, s14, s21, $0xb8;
	[tilespmem:$0x1E000] =	vst v63  }
0x151: {  	_ =	swait.ge [sflag:s26], $0x2000  }
0x152: {  	s17 =	sld [smem:$0x7F1]  }
0x153: {  	[sflag:s26] =	ssyncset.done $0x0  }
0x154: {  	[sflag:s26] =	ssyncadd.s32 $0xFFFFE000  }
0x155: {  	[spmem:s1] =	stream.indirect.scatter.add.f32 [tilespmem:s22], [sflag:$0x7], $0x80, s17, s21, $0xb8;
	[tilespmem:$0x1E000] =	vst v63  }
0x156: {  	_ =	swait.ge [sflag:s28], $0x2000  }
0x157: {  	s8 =	sld [smem:$0x7F2]  }
0x158: {  	[sflag:s28] =	ssyncset.done $0x0  }
0x159: {  	[sflag:s28] =	ssyncadd.s32 $0xFFFFE000  }
0x15a: {  	[spmem:s1] =	stream.indirect.scatter.add.f32 [tilespmem:s23], [sflag:$0x8], $0x80, s8, s21, $0xb8;
	[tilespmem:$0x1E000] =	vst v63  }
0x15b: {  	_ =	swait.ge [sflag:s29], $0x2000  }
0x15c: {  	s10 =	sld [smem:$0x7F3]  }
0x15d: {  	[sflag:s29] =	ssyncset.done $0x0  }
0x15e: {  	[sflag:s29] =	ssyncadd.s32 $0xFFFFE000  }
0x15f: {  	[spmem:s1] =	stream.indirect.scatter.add.f32 [tilespmem:s24], [sflag:$0x9], $0x80, s10, s21, $0xb8;
	[tilespmem:$0x1E000] =	vst v63  }
0x160: {  	_ =	swait.ge [sflag:s30], $0x2000  }
0x161: {  	s11 =	sld [smem:$0x7F4]  }
0x162: {  	[sflag:s30] =	ssyncset.done $0x0  }
0x163: {  	[sflag:s30] =	ssyncadd.s32 $0xFFFFE000  }
0x164: {  	[spmem:s1] =	stream.indirect.scatter.add.f32 [tilespmem:s25], [sflag:$0xA], $0x80, s11, s21, $0xb8;
	[tilespmem:$0x1E000] =	vst v63  }
0x165: {  	_ =	swait.ge [sflag:s31], $0x2000  }
0x166: {  	s14 =	sld [smem:$0x7F5]  }
0x167: {  	[sflag:s31] =	ssyncset.done $0x0  }
0x168: {  	[sflag:s31] =	ssyncadd.s32 $0xFFFFE000  }
0x169: {  	[tilespmem:s22], [sflag:$0x3] =	stream.indirect.gather [hbm4b:s3+s21], $0x80, s14, s21, $0xb8;
	[tilespmem:$0x1E000] =	vst v63  }
0x16a: {  	_ =	swait.ge [sflag:s0], $0x2000  }
0x16b: {  	s17 =	sld [smem:$0x7F6]  }
0x16c: {  	[sflag:s0] =	ssyncset.done $0x0  }
0x16d: {  	[sflag:s0] =	ssyncadd.s32 $0xFFFFE000  }
0x16e: {  	[tilespmem:s23], [sflag:$0x4] =	stream.indirect.gather [hbm4b:s3+s21], $0x80, s17, s21, $0xb8;
	[tilespmem:$0x1E000] =	vst v63  }
0x16f: {  	_ =	swait.ge [sflag:s4], $0x2000  }
0x170: {  	s8 =	sld [smem:$0x7F7]  }
0x171: {  	[sflag:s4] =	ssyncset.done $0x0  }
0x172: {  	[sflag:s4] =	ssyncadd.s32 $0xFFFFE000  }
0x173: {  	[tilespmem:s24], [sflag:$0x5] =	stream.indirect.gather [hbm4b:s3+s21], $0x80, s8, s21, $0xb8;
	[tilespmem:$0x1E000] =	vst v63  }
0x174: {  	_ =	swait.ge [sflag:s5], $0x2000  }
0x175: {  	s10 =	sld [smem:$0x7F8]  }
0x176: {  	[sflag:s5] =	ssyncset.done $0x0  }
0x177: {  	[sflag:s5] =	ssyncadd.s32 $0xFFFFE000  }
0x178: {  	[tilespmem:s25], [sflag:$0x6] =	stream.indirect.gather [hbm4b:s3+s21], $0x80, s10, s21, $0xb8;
	[tilespmem:$0x1E000] =	vst v63  }
0x179: {  	_ =	swait.ge [sflag:s26], $0x2000  }
0x17a: {  	s11 =	sld [smem:$0x7F9]  }
0x17b: {  	[sflag:s26] =	ssyncset.done $0x0  }
0x17c: {  	[sflag:s26] =	ssyncadd.s32 $0xFFFFE000  }
0x17d: {  	[spmem:s1] =	stream.indirect.scatter.add.f32 [tilespmem:s22], [sflag:$0x7], $0x80, s11, s21, $0xb8;
	[tilespmem:$0x1E000] =	vst v63  }
0x17e: {  	_ =	swait.ge [sflag:s28], $0x2000  }
0x17f: {  	s14 =	sld [smem:$0x7FA]  }
0x180: {  	[sflag:s28] =	ssyncset.done $0x0  }
0x181: {  	[sflag:s28] =	ssyncadd.s32 $0xFFFFE000  }
0x182: {  	[spmem:s1] =	stream.indirect.scatter.add.f32 [tilespmem:s23], [sflag:$0x8], $0x80, s14, s21, $0xb8;
	[tilespmem:$0x1E000] =	vst v63  }
0x183: {  	_ =	swait.ge [sflag:s29], $0x2000  }
0x184: {  	s17 =	sld [smem:$0x7FB]  }
0x185: {  	[sflag:s29] =	ssyncset.done $0x0  }
0x186: {  	[sflag:s29] =	ssyncadd.s32 $0xFFFFE000  }
0x187: {  	[spmem:s1] =	stream.indirect.scatter.add.f32 [tilespmem:s24], [sflag:$0x9], $0x80, s17, s21, $0xb8;
	[tilespmem:$0x1E000] =	vst v63  }
0x188: {  	_ =	swait.ge [sflag:s30], $0x2000  }
0x189: {  	s10 =	simm.s32 $0x200;
	[sflag:s30] =	ssyncset.done $0x0  }
0x18a: {  	s11 =	simm.s32 $0x0;
	s17 =	sld [smem:$0x7FC];
	[sflag:s30] =	ssyncadd.s32 $0xFFFFE000  }
.LBB2_2:
0x18b: {  	_ =	sdelay $0x1  }
0x18c: {  	[spmem:s1] =	stream.indirect.scatter.add.f32 [tilespmem:s25], [sflag:$0xA], $0x80, s17, s21, $0xb8;
	[tilespmem:$0x1E000] =	vst v63  }
0x18d: {  	_ =	swait.ge [sflag:s18], $0x800  }
0x18e: {  	[sflag:s18] =	ssyncset.done $0x0  }
0x18f: {  	[sflag:s18] =	ssyncadd.s32 $0xFFFFF800  }
0x190: {  	s6 =	smov.u32 s10;
	_ =	swait.ge [sflag:s18], $0x800  }
0x191: {  	p1 =	seq.s32 s6, $0x0;
	[sflag:s18] =	ssyncset.done $0x0  }
0x192: {  	s17 =	simm.s32 @!p1 $0x7;
	[sflag:s18] =	ssyncadd.s32 $0xFFFFF800  }
0x193: {  	_ =	swait.ge @!p1 [sflag:s17], $0x2000  }
0x194: {  	[sflag:s17] =	ssyncset.done @!p1 $0x0  }
0x195: {  	[sflag:s17] =	ssyncadd.s32 @!p1 $0xFFFFE000;
	s17 =	simm.s32 @!p1 $0x8  }
0x196: {  	_ =	swait.ge @!p1 [sflag:s17], $0x2000  }
0x197: {  	[sflag:s17] =	ssyncset.done @!p1 $0x0  }
0x198: {  	[sflag:s17] =	ssyncadd.s32 @!p1 $0xFFFFE000;
	s17 =	simm.s32 @!p1 $0x9  }
0x199: {  	_ =	swait.ge @!p1 [sflag:s17], $0x2000  }
0x19a: {  	[sflag:s17] =	ssyncset.done @!p1 $0x0  }
0x19b: {  	[sflag:s17] =	ssyncadd.s32 @!p1 $0xFFFFE000;
	s17 =	simm.s32 @!p1 $0xA  }
0x19c: {  	_ =	swait.ge @!p1 [sflag:s17], $0x2000  }
0x19d: {  	s8 =	sadd.s32 s6, s12;
	[sflag:s17] =	ssyncset.done @!p1 $0x0  }
0x19e: {  	s14 =	sadd.s32 s6, s13;
	s8 =	sadd.s32 $0x100, s8;
	[sflag:s17] =	ssyncadd.s32 @!p1 $0xFFFFE000  }
0x19f: {  	[tilespmem:s19], [sflag:$0x2] =	stream.linear.gather [hbm4b:s8+s2], $0x800, $0x38;
	[tilespmem:$0x1E000] =	vst v63  }
0x1a0: {  	s17 =	sadd.s32 $0x100, s14  }
0x1a1: {  	[tilespmem:s20], [sflag:$0x2] =	stream.linear.gather [hbm4b:s17+s2], $0x800, $0x38;
	[tilespmem:$0x1E000] =	vst v63  }
0x1a2: {  	_ = 	snop  }
0x1a3: {  	[tilespmem:s22], [sflag:$0x3] =	stream.indirect.gather [hbm4b:s3+s21], $0x80, s15, s21, $0xb8;
	[tilespmem:$0x1E000] =	vst v63  }
0x1a4: {  	s14 =	rddreg [dreg:$0x3]  }
0x1a5: {  	[tilespmem:s23], [sflag:$0x4] =	stream.indirect.gather [hbm4b:s3+s21], $0x80, s14, s21, $0xb8;
	[tilespmem:$0x1E000] =	vst v63  }
0x1a6: {  	s17 =	rddreg [dreg:$0x4]  }
0x1a7: {  	[tilespmem:s24], [sflag:$0x5] =	stream.indirect.gather [hbm4b:s3+s21], $0x80, s17, s21, $0xb8;
	[tilespmem:$0x1E000] =	vst v63  }
0x1a8: {  	s14 =	rddreg [dreg:$0x5]  }
0x1a9: {  	[tilespmem:s25], [sflag:$0x6] =	stream.indirect.gather [hbm4b:s3+s21], $0x80, s14, s21, $0xb8;
	[tilespmem:$0x1E000] =	vst v63  }
0x1aa: {  	_ =	swait.ge [sflag:s26], $0x2000  }
0x1ab: {  	[sflag:s26] =	ssyncset.done $0x0  }
0x1ac: {  	[sflag:s26] =	ssyncadd.s32 $0xFFFFE000  }
0x1ad: {  	[spmem:s1] =	stream.indirect.scatter.add.f32 [tilespmem:s22], [sflag:$0x7], $0x80, s16, s21, $0xb8;
	[tilespmem:$0x1E000] =	vst v63  }
0x1ae: {  	_ =	swait.ge [sflag:s28], $0x2000  }
0x1af: {  	[sflag:s28] =	ssyncset.done $0x0  }
0x1b0: {  	s17 =	rddreg [dreg:$0x6];
	[sflag:s28] =	ssyncadd.s32 $0xFFFFE000  }
0x1b1: {  	[spmem:s1] =	stream.indirect.scatter.add.f32 [tilespmem:s23], [sflag:$0x8], $0x80, s17, s21, $0xb8;
	[tilespmem:$0x1E000] =	vst v63  }
0x1b2: {  	_ =	swait.ge [sflag:s29], $0x2000  }
0x1b3: {  	[sflag:s29] =	ssyncset.done $0x0  }
0x1b4: {  	s14 =	rddreg [dreg:$0x7];
	[sflag:s29] =	ssyncadd.s32 $0xFFFFE000  }
0x1b5: {  	[spmem:s1] =	stream.indirect.scatter.add.f32 [tilespmem:s24], [sflag:$0x9], $0x80, s14, s21, $0xb8;
	[tilespmem:$0x1E000] =	vst v63  }
0x1b6: {  	_ =	swait.ge [sflag:s30], $0x2000  }
0x1b7: {  	[sflag:s30] =	ssyncset.done $0x0  }
0x1b8: {  	s17 =	rddreg [dreg:$0x8];
	[sflag:s30] =	ssyncadd.s32 $0xFFFFE000  }
0x1b9: {  	[spmem:s1] =	stream.indirect.scatter.add.f32 [tilespmem:s25], [sflag:$0xA], $0x80, s17, s21, $0xb8;
	[tilespmem:$0x1E000] =	vst v63  }
0x1ba: {  	_ =	swait.ge [sflag:s31], $0x2000  }
0x1bb: {  	[sflag:s31] =	ssyncset.done $0x0  }
0x1bc: {  	s14 =	rddreg [dreg:$0x9];
	[sflag:s31] =	ssyncadd.s32 $0xFFFFE000  }
0x1bd: {  	[tilespmem:s22], [sflag:$0x3] =	stream.indirect.gather [hbm4b:s3+s21], $0x80, s14, s21, $0xb8;
	[tilespmem:$0x1E000] =	vst v63  }
0x1be: {  	_ =	swait.ge [sflag:s0], $0x2000  }
0x1bf: {  	[sflag:s0] =	ssyncset.done $0x0  }
0x1c0: {  	s17 =	rddreg [dreg:$0xa];
	[sflag:s0] =	ssyncadd.s32 $0xFFFFE000  }
0x1c1: {  	[tilespmem:s23], [sflag:$0x4] =	stream.indirect.gather [hbm4b:s3+s21], $0x80, s17, s21, $0xb8;
	[tilespmem:$0x1E000] =	vst v63  }
0x1c2: {  	_ =	swait.ge [sflag:s4], $0x2000  }
0x1c3: {  	[sflag:s4] =	ssyncset.done $0x0  }
0x1c4: {  	s14 =	rddreg [dreg:$0xb];
	[sflag:s4] =	ssyncadd.s32 $0xFFFFE000  }
0x1c5: {  	[tilespmem:s24], [sflag:$0x5] =	stream.indirect.gather [hbm4b:s3+s21], $0x80, s14, s21, $0xb8;
	[tilespmem:$0x1E000] =	vst v63  }
0x1c6: {  	_ =	swait.ge [sflag:s5], $0x2000  }
0x1c7: {  	[sflag:s5] =	ssyncset.done $0x0  }
0x1c8: {  	s17 =	rddreg [dreg:$0xc];
	[sflag:s5] =	ssyncadd.s32 $0xFFFFE000  }
0x1c9: {  	[tilespmem:s25], [sflag:$0x6] =	stream.indirect.gather [hbm4b:s3+s21], $0x80, s17, s21, $0xb8;
	[tilespmem:$0x1E000] =	vst v63  }
0x1ca: {  	_ =	swait.ge [sflag:s26], $0x2000  }
0x1cb: {  	[sflag:s26] =	ssyncset.done $0x0  }
0x1cc: {  	s14 =	rddreg [dreg:$0xd];
	[sflag:s26] =	ssyncadd.s32 $0xFFFFE000  }
0x1cd: {  	[spmem:s1] =	stream.indirect.scatter.add.f32 [tilespmem:s22], [sflag:$0x7], $0x80, s14, s21, $0xb8;
	[tilespmem:$0x1E000] =	vst v63  }
0x1ce: {  	_ =	swait.ge [sflag:s28], $0x2000  }
0x1cf: {  	[sflag:s28] =	ssyncset.done $0x0  }
0x1d0: {  	s17 =	rddreg [dreg:$0xe];
	[sflag:s28] =	ssyncadd.s32 $0xFFFFE000  }
0x1d1: {  	[spmem:s1] =	stream.indirect.scatter.add.f32 [tilespmem:s23], [sflag:$0x8], $0x80, s17, s21, $0xb8;
	[tilespmem:$0x1E000] =	vst v63  }
0x1d2: {  	_ =	swait.ge [sflag:s29], $0x2000  }
0x1d3: {  	[sflag:s29] =	ssyncset.done $0x0  }
0x1d4: {  	s14 =	rddreg [dreg:$0xf];
	[sflag:s29] =	ssyncadd.s32 $0xFFFFE000  }
0x1d5: {  	[spmem:s1] =	stream.indirect.scatter.add.f32 [tilespmem:s24], [sflag:$0x9], $0x80, s14, s21, $0xb8;
	[tilespmem:$0x1E000] =	vst v63  }
0x1d6: {  	_ =	swait.ge [sflag:s30], $0x2000  }
0x1d7: {  	[sflag:s30] =	ssyncset.done $0x0  }
0x1d8: {  	s17 =	rddreg [dreg:$0x10];
	[sflag:s30] =	ssyncadd.s32 $0xFFFFE000  }
0x1d9: {  	[spmem:s1] =	stream.indirect.scatter.add.f32 [tilespmem:s25], [sflag:$0xA], $0x80, s17, s21, $0xb8;
	[tilespmem:$0x1E000] =	vst v63  }
0x1da: {  	_ =	swait.ge [sflag:s31], $0x2000  }
0x1db: {  	[sflag:s31] =	ssyncset.done $0x0  }
0x1dc: {  	s14 =	rddreg [dreg:$0x11];
	[sflag:s31] =	ssyncadd.s32 $0xFFFFE000  }
0x1dd: {  	[tilespmem:s22], [sflag:$0x3] =	stream.indirect.gather [hbm4b:s3+s21], $0x80, s14, s21, $0xb8;
	[tilespmem:$0x1E000] =	vst v63  }
0x1de: {  	_ =	swait.ge [sflag:s0], $0x2000  }
0x1df: {  	[sflag:s0] =	ssyncset.done $0x0  }
0x1e0: {  	s17 =	rddreg [dreg:$0x12];
	[sflag:s0] =	ssyncadd.s32 $0xFFFFE000  }
0x1e1: {  	[tilespmem:s23], [sflag:$0x4] =	stream.indirect.gather [hbm4b:s3+s21], $0x80, s17, s21, $0xb8;
	[tilespmem:$0x1E000] =	vst v63  }
0x1e2: {  	_ =	swait.ge [sflag:s4], $0x2000  }
0x1e3: {  	[sflag:s4] =	ssyncset.done $0x0  }
0x1e4: {  	s14 =	rddreg [dreg:$0x13];
	[sflag:s4] =	ssyncadd.s32 $0xFFFFE000  }
0x1e5: {  	[tilespmem:s24], [sflag:$0x5] =	stream.indirect.gather [hbm4b:s3+s21], $0x80, s14, s21, $0xb8;
	[tilespmem:$0x1E000] =	vst v63  }
0x1e6: {  	_ =	swait.ge [sflag:s5], $0x2000  }
0x1e7: {  	[sflag:s5] =	ssyncset.done $0x0  }
0x1e8: {  	s17 =	rddreg [dreg:$0x14];
	[sflag:s5] =	ssyncadd.s32 $0xFFFFE000  }
0x1e9: {  	[tilespmem:s25], [sflag:$0x6] =	stream.indirect.gather [hbm4b:s3+s21], $0x80, s17, s21, $0xb8;
	[tilespmem:$0x1E000] =	vst v63  }
0x1ea: {  	_ =	swait.ge [sflag:s26], $0x2000  }
0x1eb: {  	[sflag:s26] =	ssyncset.done $0x0  }
0x1ec: {  	s14 =	rddreg [dreg:$0x15];
	[sflag:s26] =	ssyncadd.s32 $0xFFFFE000  }
0x1ed: {  	[spmem:s1] =	stream.indirect.scatter.add.f32 [tilespmem:s22], [sflag:$0x7], $0x80, s14, s21, $0xb8;
	[tilespmem:$0x1E000] =	vst v63  }
0x1ee: {  	_ =	swait.ge [sflag:s28], $0x2000  }
0x1ef: {  	[sflag:s28] =	ssyncset.done $0x0  }
0x1f0: {  	s17 =	rddreg [dreg:$0x16];
	[sflag:s28] =	ssyncadd.s32 $0xFFFFE000  }
0x1f1: {  	[spmem:s1] =	stream.indirect.scatter.add.f32 [tilespmem:s23], [sflag:$0x8], $0x80, s17, s21, $0xb8;
	[tilespmem:$0x1E000] =	vst v63  }
0x1f2: {  	_ =	swait.ge [sflag:s29], $0x2000  }
0x1f3: {  	[sflag:s29] =	ssyncset.done $0x0  }
0x1f4: {  	s14 =	rddreg [dreg:$0x17];
	[sflag:s29] =	ssyncadd.s32 $0xFFFFE000  }
0x1f5: {  	[spmem:s1] =	stream.indirect.scatter.add.f32 [tilespmem:s24], [sflag:$0x9], $0x80, s14, s21, $0xb8;
	[tilespmem:$0x1E000] =	vst v63  }
0x1f6: {  	_ =	swait.ge [sflag:s30], $0x2000  }
0x1f7: {  	[sflag:s30] =	ssyncset.done $0x0  }
0x1f8: {  	s17 =	rddreg [dreg:$0x18];
	[sflag:s30] =	ssyncadd.s32 $0xFFFFE000  }
0x1f9: {  	[spmem:s1] =	stream.indirect.scatter.add.f32 [tilespmem:s25], [sflag:$0xA], $0x80, s17, s21, $0xb8;
	[tilespmem:$0x1E000] =	vst v63  }
0x1fa: {  	_ =	swait.ge [sflag:s31], $0x2000  }
0x1fb: {  	[sflag:s31] =	ssyncset.done $0x0  }
0x1fc: {  	s14 =	rddreg [dreg:$0x19];
	[sflag:s31] =	ssyncadd.s32 $0xFFFFE000  }
0x1fd: {  	[tilespmem:s22], [sflag:$0x3] =	stream.indirect.gather [hbm4b:s3+s21], $0x80, s14, s21, $0xb8;
	[tilespmem:$0x1E000] =	vst v63  }
0x1fe: {  	_ =	swait.ge [sflag:s0], $0x2000  }
0x1ff: {  	[sflag:s0] =	ssyncset.done $0x0  }
0x200: {  	s17 =	rddreg [dreg:$0x1a];
	[sflag:s0] =	ssyncadd.s32 $0xFFFFE000  }
0x201: {  	[tilespmem:s23], [sflag:$0x4] =	stream.indirect.gather [hbm4b:s3+s21], $0x80, s17, s21, $0xb8;
	[tilespmem:$0x1E000] =	vst v63  }
0x202: {  	_ =	swait.ge [sflag:s4], $0x2000  }
0x203: {  	[sflag:s4] =	ssyncset.done $0x0  }
0x204: {  	s14 =	rddreg [dreg:$0x1b];
	[sflag:s4] =	ssyncadd.s32 $0xFFFFE000  }
0x205: {  	[tilespmem:s24], [sflag:$0x5] =	stream.indirect.gather [hbm4b:s3+s21], $0x80, s14, s21, $0xb8;
	[tilespmem:$0x1E000] =	vst v63  }
0x206: {  	_ =	swait.ge [sflag:s5], $0x2000  }
0x207: {  	[sflag:s5] =	ssyncset.done $0x0  }
0x208: {  	s17 =	rddreg [dreg:$0x1c];
	[sflag:s5] =	ssyncadd.s32 $0xFFFFE000  }
0x209: {  	[tilespmem:s25], [sflag:$0x6] =	stream.indirect.gather [hbm4b:s3+s21], $0x80, s17, s21, $0xb8;
	[tilespmem:$0x1E000] =	vst v63  }
0x20a: {  	_ =	swait.ge [sflag:s26], $0x2000  }
0x20b: {  	[sflag:s26] =	ssyncset.done $0x0  }
0x20c: {  	s14 =	rddreg [dreg:$0x1d];
	[sflag:s26] =	ssyncadd.s32 $0xFFFFE000  }
0x20d: {  	[spmem:s1] =	stream.indirect.scatter.add.f32 [tilespmem:s22], [sflag:$0x7], $0x80, s14, s21, $0xb8;
	[tilespmem:$0x1E000] =	vst v63  }
0x20e: {  	_ =	swait.ge [sflag:s28], $0x2000  }
0x20f: {  	[sflag:s28] =	ssyncset.done $0x0  }
0x210: {  	s17 =	rddreg [dreg:$0x1e];
	[sflag:s28] =	ssyncadd.s32 $0xFFFFE000  }
0x211: {  	[spmem:s1] =	stream.indirect.scatter.add.f32 [tilespmem:s23], [sflag:$0x8], $0x80, s17, s21, $0xb8;
	[tilespmem:$0x1E000] =	vst v63  }
0x212: {  	_ =	swait.ge [sflag:s29], $0x2000  }
0x213: {  	[sflag:s29] =	ssyncset.done $0x0  }
0x214: {  	s14 =	rddreg [dreg:$0x1f];
	[sflag:s29] =	ssyncadd.s32 $0xFFFFE000  }
0x215: {  	[spmem:s1] =	stream.indirect.scatter.add.f32 [tilespmem:s24], [sflag:$0x9], $0x80, s14, s21, $0xb8;
	[tilespmem:$0x1E000] =	vst v63  }
0x216: {  	_ =	swait.ge [sflag:s30], $0x2000  }
0x217: {  	s17 =	sld [smem:$0x7D7]  }
0x218: {  	[sflag:s30] =	ssyncset.done $0x0  }
0x219: {  	[sflag:s30] =	ssyncadd.s32 $0xFFFFE000  }
0x21a: {  	[spmem:s1] =	stream.indirect.scatter.add.f32 [tilespmem:s25], [sflag:$0xA], $0x80, s17, s21, $0xb8;
	[tilespmem:$0x1E000] =	vst v63  }
0x21b: {  	_ =	swait.ge [sflag:s7], $0x800  }
0x21c: {  	[sflag:s7] =	ssyncset.done $0x0  }
0x21d: {  	[sflag:s7] =	ssyncadd.s32 $0xFFFFF800  }
0x21e: {  	_ =	swait.ge [sflag:s7], $0x800  }
0x21f: {  	[sflag:s7] =	ssyncset.done $0x0  }
0x220: {  	[sflag:s7] =	ssyncadd.s32 $0xFFFFF800  }
0x221: {  	_ =	swait.ge [sflag:s31], $0x2000  }
0x222: {  	[sflag:s31] =	ssyncset.done $0x0  }
0x223: {  	[sflag:s31] =	ssyncadd.s32 $0xFFFFE000  }
0x224: {  	_ =	swait.ge [sflag:s0], $0x2000  }
0x225: {  	[sflag:s0] =	ssyncset.done $0x0  }
0x226: {  	[sflag:s0] =	ssyncadd.s32 $0xFFFFE000  }
0x227: {  	_ =	swait.ge [sflag:s4], $0x2000  }
0x228: {  	s11 =	sadd.s32 $0x1, s11;
	[sflag:s4] =	ssyncset.done $0x0  }
0x229: {  	p1 =	sgt.u32 s11, $0x3;
	[sflag:s4] =	ssyncadd.s32 $0xFFFFE000  }
0x22a: {  	s8 =	sadd.s32 @!p1 s6, s12;
	_ =	swait.ge [sflag:s5], $0x2000  }
0x22b: {  	s6 =	sadd.s32 @!p1 s6, s13;
	s8 =	sadd.s32 @!p1 $0x200, s8;
	[sflag:s5] =	ssyncset.done $0x0  }
0x22c: {  	s14 =	simm.s32 @!p1 $0x14000;
	s17 =	simm.s32 @!p1 $0x0;
	[sflag:s5] =	ssyncadd.s32 $0xFFFFE000  }
0x22d: {  	[tilespmem:s14], [sflag:$0x1] =	stream.linear.gather @!p1 [hbm4b:s8+s17], $0x800, $0x38;
	[tilespmem:$0x1E000] =	vst v63  }
0x22e: {  	s6 =	sadd.s32 @!p1 $0x200, s6;
	s8 =	simm.s32 @!p1 $0x15000  }
0x22f: {  	[tilespmem:s8], [sflag:$0x1] =	stream.linear.gather @!p1 [hbm4b:s6+s17], $0x800, $0x38;
	[tilespmem:$0x1E000] =	vst v63  }
0x230: {  	s8 =	sld [smem:$0x7D8]  }
0x231: {  	[tilespmem:s22], [sflag:$0x3] =	stream.indirect.gather [hbm4b:s3+s21], $0x80, s19, s21, $0xb8;
	[tilespmem:$0x1E000] =	vst v63  }
0x232: {  	s14 =	sld [smem:$0x7D9]  }
0x233: {  	[tilespmem:s23], [sflag:$0x4] =	stream.indirect.gather [hbm4b:s3+s21], $0x80, s8, s21, $0xb8;
	[tilespmem:$0x1E000] =	vst v63  }
0x234: {  	s17 =	sld [smem:$0x7DA]  }
0x235: {  	[tilespmem:s24], [sflag:$0x5] =	stream.indirect.gather [hbm4b:s3+s21], $0x80, s14, s21, $0xb8;
	[tilespmem:$0x1E000] =	vst v63  }
0x236: {  	_ = 	snop  }
0x237: {  	[tilespmem:s25], [sflag:$0x6] =	stream.indirect.gather [hbm4b:s3+s21], $0x80, s17, s21, $0xb8;
	[tilespmem:$0x1E000] =	vst v63  }
0x238: {  	_ =	swait.ge [sflag:s26], $0x2000  }
0x239: {  	[sflag:s26] =	ssyncset.done $0x0  }
0x23a: {  	[sflag:s26] =	ssyncadd.s32 $0xFFFFE000  }
0x23b: {  	[spmem:s1] =	stream.indirect.scatter.add.f32 [tilespmem:s22], [sflag:$0x7], $0x80, s20, s21, $0xb8;
	[tilespmem:$0x1E000] =	vst v63  }
0x23c: {  	_ =	swait.ge [sflag:s28], $0x2000  }
0x23d: {  	s14 =	sld [smem:$0x7DB]  }
0x23e: {  	[sflag:s28] =	ssyncset.done $0x0  }
0x23f: {  	[sflag:s28] =	ssyncadd.s32 $0xFFFFE000  }
0x240: {  	[spmem:s1] =	stream.indirect.scatter.add.f32 [tilespmem:s23], [sflag:$0x8], $0x80, s14, s21, $0xb8;
	[tilespmem:$0x1E000] =	vst v63  }
0x241: {  	_ =	swait.ge [sflag:s29], $0x2000  }
0x242: {  	s17 =	sld [smem:$0x7DC]  }
0x243: {  	[sflag:s29] =	ssyncset.done $0x0  }
0x244: {  	[sflag:s29] =	ssyncadd.s32 $0xFFFFE000  }
0x245: {  	[spmem:s1] =	stream.indirect.scatter.add.f32 [tilespmem:s24], [sflag:$0x9], $0x80, s17, s21, $0xb8;
	[tilespmem:$0x1E000] =	vst v63  }
0x246: {  	_ =	swait.ge [sflag:s30], $0x2000  }
0x247: {  	s8 =	sld [smem:$0x7DD]  }
0x248: {  	[sflag:s30] =	ssyncset.done $0x0  }
0x249: {  	[sflag:s30] =	ssyncadd.s32 $0xFFFFE000  }
0x24a: {  	[spmem:s1] =	stream.indirect.scatter.add.f32 [tilespmem:s25], [sflag:$0xA], $0x80, s8, s21, $0xb8;
	[tilespmem:$0x1E000] =	vst v63  }
0x24b: {  	_ =	swait.ge [sflag:s31], $0x2000  }
0x24c: {  	s14 =	sld [smem:$0x7DF]  }
0x24d: {  	[sflag:s31] =	ssyncset.done $0x0  }
0x24e: {  	[sflag:s31] =	ssyncadd.s32 $0xFFFFE000  }
0x24f: {  	[tilespmem:s22], [sflag:$0x3] =	stream.indirect.gather [hbm4b:s3+s21], $0x80, s14, s21, $0xb8;
	[tilespmem:$0x1E000] =	vst v63  }
0x250: {  	_ =	swait.ge [sflag:s0], $0x2000  }
0x251: {  	s17 =	sld [smem:$0x7E0]  }
0x252: {  	[sflag:s0] =	ssyncset.done $0x0  }
0x253: {  	[sflag:s0] =	ssyncadd.s32 $0xFFFFE000  }
0x254: {  	[tilespmem:s23], [sflag:$0x4] =	stream.indirect.gather [hbm4b:s3+s21], $0x80, s17, s21, $0xb8;
	[tilespmem:$0x1E000] =	vst v63  }
0x255: {  	_ =	swait.ge [sflag:s4], $0x2000  }
0x256: {  	s8 =	sld [smem:$0x7E1]  }
0x257: {  	[sflag:s4] =	ssyncset.done $0x0  }
0x258: {  	[sflag:s4] =	ssyncadd.s32 $0xFFFFE000  }
0x259: {  	[tilespmem:s24], [sflag:$0x5] =	stream.indirect.gather [hbm4b:s3+s21], $0x80, s8, s21, $0xb8;
	[tilespmem:$0x1E000] =	vst v63  }
0x25a: {  	_ =	swait.ge [sflag:s5], $0x2000  }
0x25b: {  	s14 =	sld [smem:$0x7E4]  }
0x25c: {  	[sflag:s5] =	ssyncset.done $0x0  }
0x25d: {  	[sflag:s5] =	ssyncadd.s32 $0xFFFFE000  }
0x25e: {  	[tilespmem:s25], [sflag:$0x6] =	stream.indirect.gather [hbm4b:s3+s21], $0x80, s14, s21, $0xb8;
	[tilespmem:$0x1E000] =	vst v63  }
0x25f: {  	_ =	swait.ge [sflag:s26], $0x2000  }
0x260: {  	s17 =	sld [smem:$0x7E6]  }
0x261: {  	[sflag:s26] =	ssyncset.done $0x0  }
0x262: {  	[sflag:s26] =	ssyncadd.s32 $0xFFFFE000  }
0x263: {  	[spmem:s1] =	stream.indirect.scatter.add.f32 [tilespmem:s22], [sflag:$0x7], $0x80, s17, s21, $0xb8;
	[tilespmem:$0x1E000] =	vst v63  }
0x264: {  	_ =	swait.ge [sflag:s28], $0x2000  }
0x265: {  	s8 =	sld [smem:$0x7E8]  }
0x266: {  	[sflag:s28] =	ssyncset.done $0x0  }
0x267: {  	[sflag:s28] =	ssyncadd.s32 $0xFFFFE000  }
0x268: {  	[spmem:s1] =	stream.indirect.scatter.add.f32 [tilespmem:s23], [sflag:$0x8], $0x80, s8, s21, $0xb8;
	[tilespmem:$0x1E000] =	vst v63  }
0x269: {  	_ =	swait.ge [sflag:s29], $0x2000  }
0x26a: {  	s14 =	sld [smem:$0x7EA]  }
0x26b: {  	[sflag:s29] =	ssyncset.done $0x0  }
0x26c: {  	[sflag:s29] =	ssyncadd.s32 $0xFFFFE000  }
0x26d: {  	[spmem:s1] =	stream.indirect.scatter.add.f32 [tilespmem:s24], [sflag:$0x9], $0x80, s14, s21, $0xb8;
	[tilespmem:$0x1E000] =	vst v63  }
0x26e: {  	_ =	swait.ge [sflag:s30], $0x2000  }
0x26f: {  	s17 =	sld [smem:$0x7EC]  }
0x270: {  	[sflag:s30] =	ssyncset.done $0x0  }
0x271: {  	[sflag:s30] =	ssyncadd.s32 $0xFFFFE000  }
0x272: {  	[spmem:s1] =	stream.indirect.scatter.add.f32 [tilespmem:s25], [sflag:$0xA], $0x80, s17, s21, $0xb8;
	[tilespmem:$0x1E000] =	vst v63  }
0x273: {  	_ =	swait.ge [sflag:s31], $0x2000  }
0x274: {  	s8 =	sld [smem:$0x7ED]  }
0x275: {  	[sflag:s31] =	ssyncset.done $0x0  }
0x276: {  	[sflag:s31] =	ssyncadd.s32 $0xFFFFE000  }
0x277: {  	[tilespmem:s22], [sflag:$0x3] =	stream.indirect.gather [hbm4b:s3+s21], $0x80, s8, s21, $0xb8;
	[tilespmem:$0x1E000] =	vst v63  }
0x278: {  	_ =	swait.ge [sflag:s0], $0x2000  }
0x279: {  	s14 =	sld [smem:$0x7EE]  }
0x27a: {  	[sflag:s0] =	ssyncset.done $0x0  }
0x27b: {  	[sflag:s0] =	ssyncadd.s32 $0xFFFFE000  }
0x27c: {  	[tilespmem:s23], [sflag:$0x4] =	stream.indirect.gather [hbm4b:s3+s21], $0x80, s14, s21, $0xb8;
	[tilespmem:$0x1E000] =	vst v63  }
0x27d: {  	_ =	swait.ge [sflag:s4], $0x2000  }
0x27e: {  	s17 =	sld [smem:$0x7EF]  }
0x27f: {  	[sflag:s4] =	ssyncset.done $0x0  }
0x280: {  	[sflag:s4] =	ssyncadd.s32 $0xFFFFE000  }
0x281: {  	[tilespmem:s24], [sflag:$0x5] =	stream.indirect.gather [hbm4b:s3+s21], $0x80, s17, s21, $0xb8;
	[tilespmem:$0x1E000] =	vst v63  }
0x282: {  	_ =	swait.ge [sflag:s5], $0x2000  }
0x283: {  	s8 =	sld [smem:$0x7F0]  }
0x284: {  	[sflag:s5] =	ssyncset.done $0x0  }
0x285: {  	[sflag:s5] =	ssyncadd.s32 $0xFFFFE000  }
0x286: {  	[tilespmem:s25], [sflag:$0x6] =	stream.indirect.gather [hbm4b:s3+s21], $0x80, s8, s21, $0xb8;
	[tilespmem:$0x1E000] =	vst v63  }
0x287: {  	_ =	swait.ge [sflag:s26], $0x2000  }
0x288: {  	s14 =	sld [smem:$0x7F1]  }
0x289: {  	[sflag:s26] =	ssyncset.done $0x0  }
0x28a: {  	[sflag:s26] =	ssyncadd.s32 $0xFFFFE000  }
0x28b: {  	[spmem:s1] =	stream.indirect.scatter.add.f32 [tilespmem:s22], [sflag:$0x7], $0x80, s14, s21, $0xb8;
	[tilespmem:$0x1E000] =	vst v63  }
0x28c: {  	_ =	swait.ge [sflag:s28], $0x2000  }
0x28d: {  	s17 =	sld [smem:$0x7F2]  }
0x28e: {  	[sflag:s28] =	ssyncset.done $0x0  }
0x28f: {  	[sflag:s28] =	ssyncadd.s32 $0xFFFFE000  }
0x290: {  	[spmem:s1] =	stream.indirect.scatter.add.f32 [tilespmem:s23], [sflag:$0x8], $0x80, s17, s21, $0xb8;
	[tilespmem:$0x1E000] =	vst v63  }
0x291: {  	_ =	swait.ge [sflag:s29], $0x2000  }
0x292: {  	s8 =	sld [smem:$0x7F3]  }
0x293: {  	[sflag:s29] =	ssyncset.done $0x0  }
0x294: {  	[sflag:s29] =	ssyncadd.s32 $0xFFFFE000  }
0x295: {  	[spmem:s1] =	stream.indirect.scatter.add.f32 [tilespmem:s24], [sflag:$0x9], $0x80, s8, s21, $0xb8;
	[tilespmem:$0x1E000] =	vst v63  }
0x296: {  	_ =	swait.ge [sflag:s30], $0x2000  }
0x297: {  	s14 =	sld [smem:$0x7F4]  }
0x298: {  	[sflag:s30] =	ssyncset.done $0x0  }
0x299: {  	[sflag:s30] =	ssyncadd.s32 $0xFFFFE000  }
0x29a: {  	[spmem:s1] =	stream.indirect.scatter.add.f32 [tilespmem:s25], [sflag:$0xA], $0x80, s14, s21, $0xb8;
	[tilespmem:$0x1E000] =	vst v63  }
0x29b: {  	_ =	swait.ge [sflag:s31], $0x2000  }
0x29c: {  	s17 =	sld [smem:$0x7F5]  }
0x29d: {  	[sflag:s31] =	ssyncset.done $0x0  }
0x29e: {  	[sflag:s31] =	ssyncadd.s32 $0xFFFFE000  }
0x29f: {  	[tilespmem:s22], [sflag:$0x3] =	stream.indirect.gather [hbm4b:s3+s21], $0x80, s17, s21, $0xb8;
	[tilespmem:$0x1E000] =	vst v63  }
0x2a0: {  	_ =	swait.ge [sflag:s0], $0x2000  }
0x2a1: {  	s8 =	sld [smem:$0x7F6]  }
0x2a2: {  	[sflag:s0] =	ssyncset.done $0x0  }
0x2a3: {  	[sflag:s0] =	ssyncadd.s32 $0xFFFFE000  }
0x2a4: {  	[tilespmem:s23], [sflag:$0x4] =	stream.indirect.gather [hbm4b:s3+s21], $0x80, s8, s21, $0xb8;
	[tilespmem:$0x1E000] =	vst v63  }
0x2a5: {  	_ =	swait.ge [sflag:s4], $0x2000  }
0x2a6: {  	s14 =	sld [smem:$0x7F7]  }
0x2a7: {  	[sflag:s4] =	ssyncset.done $0x0  }
0x2a8: {  	[sflag:s4] =	ssyncadd.s32 $0xFFFFE000  }
0x2a9: {  	[tilespmem:s24], [sflag:$0x5] =	stream.indirect.gather [hbm4b:s3+s21], $0x80, s14, s21, $0xb8;
	[tilespmem:$0x1E000] =	vst v63  }
0x2aa: {  	_ =	swait.ge [sflag:s5], $0x2000  }
0x2ab: {  	s17 =	sld [smem:$0x7F8]  }
0x2ac: {  	[sflag:s5] =	ssyncset.done $0x0  }
0x2ad: {  	[sflag:s5] =	ssyncadd.s32 $0xFFFFE000  }
0x2ae: {  	[tilespmem:s25], [sflag:$0x6] =	stream.indirect.gather [hbm4b:s3+s21], $0x80, s17, s21, $0xb8;
	[tilespmem:$0x1E000] =	vst v63  }
0x2af: {  	_ =	swait.ge [sflag:s26], $0x2000  }
0x2b0: {  	s8 =	sld [smem:$0x7F9]  }
0x2b1: {  	[sflag:s26] =	ssyncset.done $0x0  }
0x2b2: {  	[sflag:s26] =	ssyncadd.s32 $0xFFFFE000  }
0x2b3: {  	[spmem:s1] =	stream.indirect.scatter.add.f32 [tilespmem:s22], [sflag:$0x7], $0x80, s8, s21, $0xb8;
	[tilespmem:$0x1E000] =	vst v63  }
0x2b4: {  	_ =	swait.ge [sflag:s28], $0x2000  }
0x2b5: {  	s14 =	sld [smem:$0x7FA]  }
0x2b6: {  	[sflag:s28] =	ssyncset.done $0x0  }
0x2b7: {  	[sflag:s28] =	ssyncadd.s32 $0xFFFFE000  }
0x2b8: {  	[spmem:s1] =	stream.indirect.scatter.add.f32 [tilespmem:s23], [sflag:$0x8], $0x80, s14, s21, $0xb8;
	[tilespmem:$0x1E000] =	vst v63  }
0x2b9: {  	_ =	swait.ge [sflag:s29], $0x2000  }
0x2ba: {  	s10 =	sadd.s32 $0x200, s10;
	s17 =	sld [smem:$0x7FB]  }
0x2bb: {  	p0 =	sne.s32 s10, $0xA00;
	[sflag:s29] =	ssyncset.done $0x0  }
.Ltmp0:
0x2bc: {  	[sflag:s29] =	ssyncadd.s32 $0xFFFFE000;
	(pc) =	sbr.rel @p0 .LBB2_2-.Ltmp0, $4  }
0x2bd: {  	[spmem:s1] =	stream.indirect.scatter.add.f32 [tilespmem:s24], [sflag:$0x9], $0x80, s17, s21, $0xb8;
	[tilespmem:$0x1E000] =	vst v63  }
0x2be: {  	_ =	swait.ge [sflag:s30], $0x2000  }
0x2bf: {  	[sflag:s30] =	ssyncset.done $0x0  }
0x2c0: {  	s17 =	sld [smem:$0x7FC];
	[sflag:s30] =	ssyncadd.s32 $0xFFFFE000  }
0x2c1: {  	_ =	sdelay $0x1  }
0x2c2: {  	[spmem:s1] =	stream.indirect.scatter.add.f32 [tilespmem:s25], [sflag:$0xA], $0x80, s17, s21, $0xb8;
	[tilespmem:$0x1E000] =	vst v63  }
0x2c3: {  	_ =	swait.ge [sflag:s31], $0x2000  }
0x2c4: {  	[sflag:s31] =	ssyncset.done $0x0  }
0x2c5: {  	[sflag:s31] =	ssyncadd.s32 $0xFFFFE000  }
0x2c6: {  	_ =	swait.ge [sflag:s0], $0x2000  }
0x2c7: {  	[sflag:s0] =	ssyncset.done $0x0  }
0x2c8: {  	[sflag:s0] =	ssyncadd.s32 $0xFFFFE000  }
0x2c9: {  	_ =	swait.ge [sflag:s4], $0x2000  }
0x2ca: {  	[sflag:s4] =	ssyncset.done $0x0  }
0x2cb: {  	[sflag:s4] =	ssyncadd.s32 $0xFFFFE000  }
0x2cc: {  	_ =	swait.ge [sflag:s5], $0x2000  }
0x2cd: {  	[sflag:s5] =	ssyncset.done $0x0  }
0x2ce: {  	[sflag:s5] =	ssyncadd.s32 $0xFFFFE000  }
0x2cf: {  	[bflag:$0x0] =	sbarrier.arrive $0xFFFF  }
0x2d0: {  	s6 =	sld [smem:$0x7E2]  }
0x2d1: {  	s8 =	sld [smem:$0x7E9]  }
0x2d2: {  	s10 =	sld [smem:$0x7FD];
	_ =	sdelay $0x1  }
0x2d3: {  	s14 =	simm.s32 $0xC;
	s6 =	sor.u32 $0x1C0C, s6  }
0x2d4: {  	[hbm:s8], [sflag:s6] =	dma.local [spmem:s10], $0x2800  }
0x2d5: {  	_ =	swait.ge [sflag:s14], $0x2800  }
0x2d6: {  	s17 =	sld [smem:$0x7EB];
	_ =	sdelay $0x1  }
0x2d7: {  	s9 =	sadd.s32 $0x1, s9  }
0x2d8: {  	p0 =	sne.s32 s9, s17  }
.Ltmp1:
0x2d9: {  	_ = 	snop;
	(pc) =	sbr.rel @p0 .LBB2_1-.Ltmp1, $3  }
0x2da: {  	_ =	sdelay $0x1  }
0x2db: {  	[sflag:s14] =	ssyncset.done $0x0  }
0x2dc: {  	[sflag:s14] =	ssyncadd.s32 $0xFFFFD800  }
0x2dd: {  	_ =	sfence.sel $0x180000  }
0x2de: {  	[bflag:$0x0] =	sbarrier.arrive $0xFFFF  }
0x2df: {  	_ =	strace $0x90000050  }
0x2e0: {  	s0 =	stileid.u32;
	[bflag:$0x2] =	sbarrier.arrive $0xFFFF  }
0x2e1: {  	p0 =	sne.s32 s0, $0x0;
	s0 =	rddreg [dreg:$0x2]  }
0x2e2: {  	s0 =	sadd.s32 @!p0 $0x100000, s0  }
0x2e3: {  	[sflag:s0] =	ssyncadd.tile.s32 @!p0 $0x1;
	_ =	shalt  }
.Lfunc_end2:
_tile_overlayer_lowered:
.L_overlay_start_2:
0x2e4: {  	(tag) =	ssettag $0x2  }
0x2e5: {  	s0 =	rddreg [dreg:$0x0];
	s2 =	stileid.u32  }
0x2e6: {  	s1 =	rddreg [dreg:$0x1];
	p0 =	sne.s32 s2, $0x0  }
0x2e7: {  	s3 =	rddreg [dreg:$0x2];
	[bflag:$0x3] =	sbarrier.arrive $0xFFFF;
	s2 =	simm.s32 @!p0 $0x1C0C  }
0x2e8: {  	[timem:s3], [sflag:s2] =	dma.local @!p0 [hbm:s0], s1  }
0x2e9: {  	s0 =	simm.s32 @!p0 $0xC  }
0x2ea: {  	_ =	swait.ge @!p0 [sflag:s0], s1  }
0x2eb: {  	s1 =	ssub.s32 @!p0 $0x0, s1;
	[sflag:s0] =	ssyncset.done @!p0 $0x0  }
0x2ec: {  	[sflag:s0] =	ssyncadd.s32 @!p0 s1  }
0x2ed: {  	[bflag:$0x3] =	sbarrier.arrive $0xFFFF  }
0x2ee: {  	_ =	shalt  }

</sc_bundles>
